<compile_context>
chip_gen: v7x
topology: tpu7x:2x2x1
jax: 0.10.2.dev20260603
libtpu: 0.0.44.dev20260713+nightly
codegen_flags: <defaults>
</compile_context>

<pallas_src>
import functools

import jax
import jax.numpy as jnp
from jax import lax
from jax.experimental import pallas as pl
from jax.experimental.pallas import tpu as pltpu
from jax.experimental.pallas import tpu_sc as plsc

N = 10000
NP = 10240
D = 128
DH = 512
E = 320000
K = 128
NTILES = 32
CPT = 80
IB = 16
NBLK = CPT // IB
EP = NTILES * CPT * K
ROWS_PT = NP // 16

K2 = 64
CPT2 = 160
IB2 = 32
NBLK2 = CPT2 // IB2
NSLOT = 4

_mesh = plsc.VectorSubcoreMesh(core_axis_name="c", subcore_axis_name="s")


@functools.partial(
    pl.kernel,
    out_type=jax.ShapeDtypeStruct((2, NP), jnp.float32),
    mesh=_mesh,
    scratch_types=[
        pltpu.VMEM((CPT, K), jnp.int32),
        pltpu.VMEM((K,), jnp.float32),
        pltpu.VMEM((ROWS_PT,), jnp.float32),
        pltpu.VMEM_SHARED((NP,), jnp.float32),
    ],
)
def _deg_kernel(dst_hbm, deg_hbm, idx_v, ones_v, zero_v, sh):
    cid = lax.axis_index("c")
    sid = lax.axis_index("s")
    wid = cid * 16 + sid
    for i in range(K // 16):
        ones_v[pl.ds(i * 16, 16)] = jnp.ones((16,), jnp.float32)

    def _zero(i, carry):
        zero_v[pl.ds(i * 16, 16)] = jnp.zeros((16,), jnp.float32)
        return carry

    lax.fori_loop(0, ROWS_PT // 16, _zero, 0)
    pltpu.sync_copy(zero_v, sh.at[pl.ds(sid * ROWS_PT, ROWS_PT)])
    pltpu.sync_copy(dst_hbm.at[pl.ds(wid * CPT, CPT)], idx_v)
    plsc.subcore_barrier()

    def _scat(j, carry):
        pltpu.sync_copy(ones_v, sh.at[idx_v.at[j]], add=True)
        return carry

    lax.fori_loop(0, CPT, _scat, 0)
    plsc.subcore_barrier()
    pltpu.sync_copy(
        sh.at[pl.ds(sid * ROWS_PT, ROWS_PT)],
        deg_hbm.at[cid, pl.ds(sid * ROWS_PT, ROWS_PT)],
    )


@functools.partial(
    pl.kernel,
    out_type=jax.ShapeDtypeStruct((2, NP, D), jnp.float32),
    mesh=_mesh,
    scratch_types=[
        pltpu.VMEM((2, IB2, K2), jnp.int32),
        pltpu.VMEM((2, IB2, K2), jnp.int32),
        pltpu.VMEM((NSLOT, K2, D), jnp.float32),
        pltpu.VMEM_SHARED((NP, D), jnp.float32),
        pltpu.SemaphoreType.DMA,
        pltpu.SemaphoreType.DMA,
        pltpu.SemaphoreType.DMA,
        pltpu.SemaphoreType.DMA,
        pltpu.SemaphoreType.DMA,
    ],
)
def _agg_kernel(xs_hbm, src_hbm, dst_hbm, agg_hbm, sidx_v, didx_v, rows_v, sh,
                sga, sgb, sgc, sgd, sidm):
    cid = lax.axis_index("c")
    sid = lax.axis_index("s")
    wid = cid * 16 + sid
    sems = (sga, sgb, sgc, sgd)

    def _zero(i, carry):
        rows_v[0, i // 8, pl.ds((i % 8) * 16, 16)] = jnp.zeros((16,), jnp.float32)
        return carry

    lax.fori_loop(0, K2 * D // 16, _zero, 0)
    for t in range(ROWS_PT // K2):
        pltpu.sync_copy(rows_v.at[0], sh.at[pl.ds(sid * ROWS_PT + t * K2, K2)])
    plsc.subcore_barrier()

    base = wid * CPT2
    pltpu.sync_copy(src_hbm.at[pl.ds(base, IB2)], sidx_v.at[0])
    pltpu.sync_copy(dst_hbm.at[pl.ds(base, IB2)], didx_v.at[0])
    pltpu.async_copy(src_hbm.at[pl.ds(base + IB2, IB2)], sidx_v.at[1], sidm)
    pltpu.async_copy(dst_hbm.at[pl.ds(base + IB2, IB2)], didx_v.at[1], sidm)
    for t in range(NSLOT):
        pltpu.async_copy(xs_hbm.at[sidx_v.at[0, t]], rows_v.at[t], sems[t])

    for bi in range(NBLK2):
        s = bi % 2

        def _quad(p, c2):
            j0 = NSLOT * p
            for t in range(NSLOT):
                pltpu.make_async_copy(xs_hbm.at[pl.ds(0, K2)], rows_v.at[t],
                                      sems[t]).wait()
                pltpu.sync_copy(rows_v.at[t], sh.at[didx_v.at[s, j0 + t]],
                                add=True)
                pltpu.async_copy(xs_hbm.at[sidx_v.at[s, j0 + NSLOT + t]],
                                 rows_v.at[t], sems[t])
            return c2

        lax.fori_loop(0, IB2 // NSLOT - 1, _quad, 0)

        if bi + 1 < NBLK2:
            ns = (bi + 1) % 2
            pltpu.make_async_copy(src_hbm.at[pl.ds(0, IB2)], sidx_v.at[ns],
                                  sidm).wait()
            pltpu.make_async_copy(dst_hbm.at[pl.ds(0, IB2)], didx_v.at[ns],
                                  sidm).wait()
            for t in range(NSLOT):
                pltpu.make_async_copy(xs_hbm.at[pl.ds(0, K2)], rows_v.at[t],
                                      sems[t]).wait()
                pltpu.sync_copy(rows_v.at[t],
                                sh.at[didx_v.at[s, IB2 - NSLOT + t]],
                                add=True)
                pltpu.async_copy(xs_hbm.at[sidx_v.at[ns, t]], rows_v.at[t],
                                 sems[t])
            if bi + 2 < NBLK2:
                nb = base + (bi + 2) * IB2
                pltpu.async_copy(src_hbm.at[pl.ds(nb, IB2)], sidx_v.at[s],
                                 sidm)
                pltpu.async_copy(dst_hbm.at[pl.ds(nb, IB2)], didx_v.at[s],
                                 sidm)
        else:
            for t in range(NSLOT):
                pltpu.make_async_copy(xs_hbm.at[pl.ds(0, K2)], rows_v.at[t],
                                      sems[t]).wait()
                pltpu.sync_copy(rows_v.at[t],
                                sh.at[didx_v.at[s, IB2 - NSLOT + t]],
                                add=True)
    plsc.subcore_barrier()
    pltpu.sync_copy(
        sh.at[pl.ds(sid * ROWS_PT, ROWS_PT)],
        agg_hbm.at[cid, pl.ds(sid * ROWS_PT, ROWS_PT)],
    )


def _scale_body(deg_ref, x_ref, dinv_ref, xs_ref):
    deg = deg_ref[0, :] + deg_ref[1, :] + 1.0
    dinv = lax.rsqrt(deg)
    dinv_ref[...] = dinv[:, None]
    xs_ref[...] = x_ref[...] * dinv[:, None]


_SCALE_ROWS = 1280


def _scale(degp, xp):
    return pl.pallas_call(
        _scale_body,
        grid=(NP // _SCALE_ROWS,),
        in_specs=[
            pl.BlockSpec((2, _SCALE_ROWS), lambda i: (0, i)),
            pl.BlockSpec((_SCALE_ROWS, D), lambda i: (i, 0)),
        ],
        out_specs=[
            pl.BlockSpec((_SCALE_ROWS, 1), lambda i: (i, 0)),
            pl.BlockSpec((_SCALE_ROWS, D), lambda i: (i, 0)),
        ],
        out_shape=[
            jax.ShapeDtypeStruct((NP, 1), jnp.float32),
            jax.ShapeDtypeStruct((NP, D), jnp.float32),
        ],
    )(degp, xp)


def _mm_body(agg_ref, xs_ref, dinv_ref, w_ref, b_ref, pw_ref, out_ref):
    pre = (agg_ref[0] + agg_ref[1] + xs_ref[...]) * dinv_ref[...]
    acc = jnp.dot(pre, w_ref[...], preferred_element_type=jnp.float32)
    acc = acc + b_ref[...][None, :]
    pw = pw_ref[0, 0]
    out_ref[...] = jnp.where(acc >= 0.0, acc, pw * acc)


_MM_ROWS = 400


def _matmul(agg, xs, dinv, W, b, pw):
    return pl.pallas_call(
        _mm_body,
        grid=(N // _MM_ROWS,),
        in_specs=[
            pl.BlockSpec((2, _MM_ROWS, D), lambda i: (0, i, 0)),
            pl.BlockSpec((_MM_ROWS, D), lambda i: (i, 0)),
            pl.BlockSpec((_MM_ROWS, 1), lambda i: (i, 0)),
            pl.BlockSpec((D, DH), lambda i: (0, 0)),
            pl.BlockSpec((DH,), lambda i: (0,)),
            pl.BlockSpec((1, 1), lambda i: (0, 0)),
        ],
        out_specs=pl.BlockSpec((_MM_ROWS, DH), lambda i: (i, 0)),
        out_shape=jax.ShapeDtypeStruct((N, DH), jnp.float32),
    )(agg, xs, dinv, W, b, pw)


def kernel(x, edge_index, W, b, prelu_weight):
    src = edge_index[0]
    dst = edge_index[1]
    pad = N + jnp.arange(EP - E, dtype=jnp.int32) % (NP - N)
    srcf = jnp.concatenate([src, pad])
    dstf = jnp.concatenate([dst, pad])
    dstp = dstf.reshape(NTILES * CPT, K)
    xp = jnp.concatenate([x, jnp.zeros((NP - N, D), dtype=x.dtype)], axis=0)

    degp = _deg_kernel(dstp)
    dinv, xs = _scale(degp, xp)
    agg = _agg_kernel(xs, srcf.reshape(NTILES * CPT2, K2),
                      dstf.reshape(NTILES * CPT2, K2))
    return _matmul(agg, xs, dinv, W, b, prelu_weight.reshape(1, 1))

# --- scband reference (transcript-rebuilt; emitter-appended) ---
"""Pipeline reference for scband-encoder-84610855731642 (READ-ONLY COPY).

The authoritative reference and input builder live on the scoring server;
editing this copy changes nothing except your own understanding.
"""

import jax, jax.numpy as jnp
import numpy as np

N = 10000
E = 320000
D_IN = 128
D_H = 512


def setup_inputs(seed: int = 0) -> dict:
    key = jax.random.key(seed)
    k1, k2, k3 = jax.random.split(key, 3)
    x = jax.random.normal(k1, (N, D_IN), dtype=jnp.float32)
    edge_index = jax.random.randint(k2, (2, E), 0, N, dtype=jnp.int32)
    # GCNConv linear weight (PyG Linear, no bias inside conv by default has bias; include bias)
    W = jax.random.normal(k3, (D_IN, D_H), dtype=jnp.float32) * (1.0 / np.sqrt(D_IN))
    b = jnp.zeros((D_H,), dtype=jnp.float32)
    # PReLU default: single shared parameter initialized to 0.25
    prelu_weight = jnp.full((1,), 0.25, dtype=jnp.float32)
    return {"x": x, "edge_index": edge_index, "W": W, "b": b, "prelu_weight": prelu_weight}


def reference(x, edge_index, W, b, prelu_weight):
    n = x.shape[0]
    src = edge_index[0]
    dst = edge_index[1]
    # add self-loops (GCNConv default add_self_loops=True, edge_weight None -> ones)
    loop = jnp.arange(n, dtype=src.dtype)
    src = jnp.concatenate([src, loop])
    dst = jnp.concatenate([dst, loop])
    ew = jnp.ones(src.shape[0], dtype=x.dtype)
    # symmetric normalization: deg computed by scatter-add of edge_weight at dst
    deg = jax.ops.segment_sum(ew, dst, num_segments=n)
    deg_inv_sqrt = jnp.where(deg > 0, jax.lax.rsqrt(deg), 0.0)
    norm = deg_inv_sqrt[src] * ew * deg_inv_sqrt[dst]
    # linear transform then propagate
    h = x @ W
    msg = jnp.take(h, src, axis=0) * norm[:, None]
    out = jax.ops.segment_sum(msg, dst, num_segments=n) + b
    # Encoder applies PReLU activation on GCN output
    return jnp.where(out >= 0, out, prelu_weight * out)

if __name__ == "__main__":
    import jax
    _d = setup_inputs()
    print(jax.jit(kernel)(*tuple(_d.values())))

</pallas_src>

<mosaic_0001>
#map = affine_map<(d0, d1) -> (0, 0)>
#map1 = affine_map<(d0, d1) -> (0, 0, 0)>
module attributes {stable_mosaic.version = 14 : i64} {
  func.func @_agg_kernel(%arg0: i32, %arg1: i32, %arg2: memref<10240x128xf32, #tpu.memory_space<hbm>>, %arg3: memref<5120x64xi32, #tpu.memory_space<hbm>>, %arg4: memref<5120x64xi32, #tpu.memory_space<hbm>>, %arg5: memref<2x10240x128xf32, #tpu.memory_space<hbm>>, %arg6: memref<2x32x64xi32, #tpu.memory_space<vmem>>, %arg7: memref<2x32x64xi32, #tpu.memory_space<vmem>>, %arg8: memref<4x64x128xf32, #tpu.memory_space<vmem>>, %arg9: memref<10240x128xf32, #tpu.memory_space<vmem_shared>>, %arg10: memref<!tpu.dma_semaphore, #tpu.memory_space<semaphore_mem>>, %arg11: memref<!tpu.dma_semaphore, #tpu.memory_space<semaphore_mem>>, %arg12: memref<!tpu.dma_semaphore, #tpu.memory_space<semaphore_mem>>, %arg13: memref<!tpu.dma_semaphore, #tpu.memory_space<semaphore_mem>>, %arg14: memref<!tpu.dma_semaphore, #tpu.memory_space<semaphore_mem>>) attributes {dimension_semantics = [#tpu.dimension_semantics<core_parallel>, #tpu.dimension_semantics<subcore_parallel>], iteration_bounds = array<i64: 2, 16>, scalar_prefetch = 0 : i64, scratch_operands = 9 : i64, tpu.core_type = #tpu.core_type<sc_vector_subcore>, window_params = [{transform_indices = #map}, {transform_indices = #map}, {transform_indices = #map}, {transform_indices = #map1}]} {
    %mul3A = arith.constant 16 : i32
    %mul3A_0 = arith.muli %arg0, %mul3A : i32
    %add3A = arith.addi %mul3A_0, %arg1 : i32
    %scan3A = arith.constant 0 : i32
    %scan3A_1 = arith.constant 0 : i32
    %scan3A_2 = arith.constant 512 : i32
    %scan3A_3 = arith.addi %scan3A_1, %scan3A_2 : i32
    %scan3A_4 = arith.constant 1 : i32
    scf.for %scan3A_946 = %scan3A_1 to %scan3A_3 step %scan3A_4  : i32 {
      %broadcast_in_dim3A = arith.constant 0.000000e+00 : f32
      %broadcast_in_dim3A_947 = vector.broadcast %broadcast_in_dim3A : f32 to vector<16xf32>
      %jit3A = arith.constant 8 : i32
      %div3A = arith.divsi %scan3A_946, %jit3A : i32
      %sign3A = arith.constant 0 : i32
      %sign3A_948 = arith.cmpi sgt, %scan3A_946, %sign3A : i32
      %sign3A_949 = arith.extui %sign3A_948 : i1 to i32
      %sign3A_950 = arith.constant 0 : i32
      %sign3A_951 = arith.cmpi slt, %scan3A_946, %sign3A_950 : i32
      %sign3A_952 = arith.extui %sign3A_951 : i1 to i32
      %sign3A_953 = arith.subi %sign3A_949, %sign3A_952 : i32
      %sign3A_954 = arith.constant 0 : i32
      %sign3A_955 = arith.cmpi sgt, %jit3A, %sign3A_954 : i32
      %sign3A_956 = arith.extui %sign3A_955 : i1 to i32
      %sign3A_957 = arith.constant 0 : i32
      %sign3A_958 = arith.cmpi slt, %jit3A, %sign3A_957 : i32
      %sign3A_959 = arith.extui %sign3A_958 : i1 to i32
      %sign3A_960 = arith.subi %sign3A_956, %sign3A_959 : i32
      %ne3A = arith.cmpi ne, %sign3A_953, %sign3A_960 : i32
      %rem3A = arith.remsi %scan3A_946, %jit3A : i32
      %ne3A_961 = arith.constant 0 : i32
      %ne3A_962 = arith.cmpi ne, %rem3A, %ne3A_961 : i32
      %and3A = arith.andi %ne3A, %ne3A_962 : i1
      %sub3A = arith.constant 1 : i32
      %sub3A_963 = arith.subi %div3A, %sub3A : i32
      %select_n3A = arith.select %and3A, %sub3A_963, %div3A : i32
      %jit3A_964 = arith.constant 8 : i32
      %eq3A = arith.constant 0 : i32
      %eq3A_965 = arith.cmpi eq, %jit3A_964, %eq3A : i32
      %jit3A_966 = arith.constant 1 : i32
      %select_n3A_967 = arith.select %eq3A_965, %jit3A_966, %jit3A_964 : i32
      %rem3A_968 = arith.remsi %scan3A_946, %select_n3A_967 : i32
      %ne3A_969 = arith.constant 0 : i32
      %ne3A_970 = arith.cmpi ne, %rem3A_968, %ne3A_969 : i32
      %lt3A = arith.constant 0 : i32
      %lt3A_971 = arith.cmpi slt, %rem3A_968, %lt3A : i32
      %lt3A_972 = arith.constant 0 : i32
      %lt3A_973 = arith.cmpi slt, %select_n3A_967, %lt3A_972 : i32
      %ne3A_974 = arith.xori %lt3A_971, %lt3A_973 : i1
      %and3A_975 = arith.andi %ne3A_974, %ne3A_970 : i1
      %add3A_976 = arith.addi %rem3A_968, %select_n3A_967 : i32
      %select_n3A_977 = arith.select %and3A_975, %add3A_976, %rem3A_968 : i32
      %mul3A_978 = arith.constant 16 : i32
      %mul3A_979 = arith.muli %select_n3A_977, %mul3A_978 : i32
      %swap3A = arith.constant 0 : i32
      %swap3A_980 = arith.index_cast %swap3A : i32 to index
      %swap3A_981 = arith.index_cast %select_n3A : i32 to index
      %swap3A_982 = arith.index_cast %mul3A_979 : i32 to index
      %swap3A_983 = tpu.vector_load %arg8[%swap3A_980, %swap3A_981, %swap3A_982] {strides = array<i32>} : memref<4x64x128xf32, #tpu.memory_space<vmem>>, vector<1x1x16xf32>,
      %swap3A_984 = vector.shape_cast %swap3A_983 : vector<1x1x16xf32> to vector<16xf32>
      %swap3A_985 = vector.shape_cast %broadcast_in_dim3A_947 : vector<16xf32> to vector<1x1x16xf32>
      tpu.vector_store %arg8[%swap3A_980, %swap3A_981, %swap3A_982], %swap3A_985 {strides = array<i32>} : memref<4x64x128xf32, #tpu.memory_space<vmem>>, vector<1x1x16xf32>,
    }
    %scan3A_5 = arith.constant 512 : i32
    %mul3A_6 = arith.constant 640 : i32
    %mul3A_7 = arith.muli %arg1, %mul3A_6 : i32
    %add3A_8 = arith.constant 0 : i32
    %add3A_9 = arith.addi %mul3A_7, %add3A_8 : i32
    %run_scoped3A = arith.constant 0 : i32
    "tpu.region"() ({
      %run_scoped3A_946 = tpu.sem_alloc : memref<!tpu.dma_semaphore, #tpu.memory_space<semaphore_mem>>
      %dma_start3A_947 = arith.constant 0 : i32
      %dma_start3A_948 = arith.constant 0 : i32
      %dma_start3A_949 = tpu.memref_slice %arg8[%run_scoped3A, %dma_start3A_947, %dma_start3A_948] : memref<4x64x128xf32, #tpu.memory_space<vmem>> -> memref<1x64x128xf32, #tpu.memory_space<vmem>>
      %dma_start3A_950 = tpu.memref_squeeze %dma_start3A_949 : memref<1x64x128xf32, #tpu.memory_space<vmem>> -> memref<64x128xf32, #tpu.memory_space<vmem>>
      %dma_start3A_951 = arith.constant 0 : i32
      %dma_start3A_952 = tpu.memref_slice %arg9[%add3A_9, %dma_start3A_951] : memref<10240x128xf32, #tpu.memory_space<vmem_shared>> -> memref<64x128xf32, #tpu.memory_space<vmem_shared>>
      %dma_start3A_953 = arith.constant 0 : i32
      %dma_start3A_954 = tpu.memref_slice %arg9[%add3A_9, %dma_start3A_953] : memref<10240x128xf32, #tpu.memory_space<vmem_shared>> -> memref<64x128xf32, #tpu.memory_space<vmem_shared>>
      %dma_start3A_955 = arith.constant 0 : i32
      %dma_start3A_956 = arith.constant 0 : i32
      %dma_start3A_957 = tpu.memref_slice %arg8[%run_scoped3A, %dma_start3A_955, %dma_start3A_956] : memref<4x64x128xf32, #tpu.memory_space<vmem>> -> memref<1x64x128xf32, #tpu.memory_space<vmem>>
      %dma_start3A_958 = tpu.memref_squeeze %dma_start3A_957 : memref<1x64x128xf32, #tpu.memory_space<vmem>> -> memref<64x128xf32, #tpu.memory_space<vmem>>
      tpu.enqueue_dma source(%dma_start3A_958 : memref<64x128xf32, #tpu.memory_space<vmem>>) target(%dma_start3A_954 : memref<64x128xf32, #tpu.memory_space<vmem_shared>>) target_semaphore(%run_scoped3A_946 : memref<!tpu.dma_semaphore, #tpu.memory_space<semaphore_mem>>)
      %dma_wait3A_959 = arith.constant 0 : i32
      %dma_wait3A_960 = arith.constant 0 : i32
      %dma_wait3A_961 = tpu.memref_slice %arg8[%run_scoped3A, %dma_wait3A_959, %dma_wait3A_960] : memref<4x64x128xf32, #tpu.memory_space<vmem>> -> memref<1x64x128xf32, #tpu.memory_space<vmem>>
      %dma_wait3A_962 = tpu.memref_squeeze %dma_wait3A_961 : memref<1x64x128xf32, #tpu.memory_space<vmem>> -> memref<64x128xf32, #tpu.memory_space<vmem>>
      %dma_wait3A_963 = arith.constant 0 : i32
      %dma_wait3A_964 = tpu.memref_slice %arg9[%add3A_9, %dma_wait3A_963] : memref<10240x128xf32, #tpu.memory_space<vmem_shared>> -> memref<64x128xf32, #tpu.memory_space<vmem_shared>>
      %dma_wait3A_965 = arith.constant 0 : i32
      %dma_wait3A_966 = tpu.memref_slice %arg9[%add3A_9, %dma_wait3A_965] : memref<10240x128xf32, #tpu.memory_space<vmem_shared>> -> memref<64x128xf32, #tpu.memory_space<vmem_shared>>
      %dma_wait3A_967 = arith.constant 0 : i32
      %dma_wait3A_968 = arith.constant 0 : i32
      %dma_wait3A_969 = tpu.memref_slice %arg8[%run_scoped3A, %dma_wait3A_967, %dma_wait3A_968] : memref<4x64x128xf32, #tpu.memory_space<vmem>> -> memref<1x64x128xf32, #tpu.memory_space<vmem>>
      %dma_wait3A_970 = tpu.memref_squeeze %dma_wait3A_969 : memref<1x64x128xf32, #tpu.memory_space<vmem>> -> memref<64x128xf32, #tpu.memory_space<vmem>>
      tpu.wait_dma2 semaphore(%run_scoped3A_946 : memref<!tpu.dma_semaphore, #tpu.memory_space<semaphore_mem>>) src(%dma_wait3A_970 : memref<64x128xf32, #tpu.memory_space<vmem>>) dst(%dma_wait3A_966 : memref<64x128xf32, #tpu.memory_space<vmem_shared>>)
      tpu.yield
    }) : () -> ()
    %mul3A_10 = arith.constant 640 : i32
    %mul3A_11 = arith.muli %arg1, %mul3A_10 : i32
    %add3A_12 = arith.constant 64 : i32
    %add3A_13 = arith.addi %mul3A_11, %add3A_12 : i32
    %run_scoped3A_14 = arith.constant 0 : i32
    "tpu.region"() ({
      %run_scoped3A_946 = tpu.sem_alloc : memref<!tpu.dma_semaphore, #tpu.memory_space<semaphore_mem>>
      %dma_start3A_947 = arith.constant 0 : i32
      %dma_start3A_948 = arith.constant 0 : i32
      %dma_start3A_949 = tpu.memref_slice %arg8[%run_scoped3A_14, %dma_start3A_947, %dma_start3A_948] : memref<4x64x128xf32, #tpu.memory_space<vmem>> -> memref<1x64x128xf32, #tpu.memory_space<vmem>>
      %dma_start3A_950 = tpu.memref_squeeze %dma_start3A_949 : memref<1x64x128xf32, #tpu.memory_space<vmem>> -> memref<64x128xf32, #tpu.memory_space<vmem>>
      %dma_start3A_951 = arith.constant 0 : i32
      %dma_start3A_952 = tpu.memref_slice %arg9[%add3A_13, %dma_start3A_951] : memref<10240x128xf32, #tpu.memory_space<vmem_shared>> -> memref<64x128xf32, #tpu.memory_space<vmem_shared>>
      %dma_start3A_953 = arith.constant 0 : i32
      %dma_start3A_954 = tpu.memref_slice %arg9[%add3A_13, %dma_start3A_953] : memref<10240x128xf32, #tpu.memory_space<vmem_shared>> -> memref<64x128xf32, #tpu.memory_space<vmem_shared>>
      %dma_start3A_955 = arith.constant 0 : i32
      %dma_start3A_956 = arith.constant 0 : i32
      %dma_start3A_957 = tpu.memref_slice %arg8[%run_scoped3A_14, %dma_start3A_955, %dma_start3A_956] : memref<4x64x128xf32, #tpu.memory_space<vmem>> -> memref<1x64x128xf32, #tpu.memory_space<vmem>>
      %dma_start3A_958 = tpu.memref_squeeze %dma_start3A_957 : memref<1x64x128xf32, #tpu.memory_space<vmem>> -> memref<64x128xf32, #tpu.memory_space<vmem>>
      tpu.enqueue_dma source(%dma_start3A_958 : memref<64x128xf32, #tpu.memory_space<vmem>>) target(%dma_start3A_954 : memref<64x128xf32, #tpu.memory_space<vmem_shared>>) target_semaphore(%run_scoped3A_946 : memref<!tpu.dma_semaphore, #tpu.memory_space<semaphore_mem>>)
      %dma_wait3A_959 = arith.constant 0 : i32
      %dma_wait3A_960 = arith.constant 0 : i32
      %dma_wait3A_961 = tpu.memref_slice %arg8[%run_scoped3A_14, %dma_wait3A_959, %dma_wait3A_960] : memref<4x64x128xf32, #tpu.memory_space<vmem>> -> memref<1x64x128xf32, #tpu.memory_space<vmem>>
      %dma_wait3A_962 = tpu.memref_squeeze %dma_wait3A_961 : memref<1x64x128xf32, #tpu.memory_space<vmem>> -> memref<64x128xf32, #tpu.memory_space<vmem>>
      %dma_wait3A_963 = arith.constant 0 : i32
      %dma_wait3A_964 = tpu.memref_slice %arg9[%add3A_13, %dma_wait3A_963] : memref<10240x128xf32, #tpu.memory_space<vmem_shared>> -> memref<64x128xf32, #tpu.memory_space<vmem_shared>>
      %dma_wait3A_965 = arith.constant 0 : i32
      %dma_wait3A_966 = tpu.memref_slice %arg9[%add3A_13, %dma_wait3A_965] : memref<10240x128xf32, #tpu.memory_space<vmem_shared>> -> memref<64x128xf32, #tpu.memory_space<vmem_shared>>
      %dma_wait3A_967 = arith.constant 0 : i32
      %dma_wait3A_968 = arith.constant 0 : i32
      %dma_wait3A_969 = tpu.memref_slice %arg8[%run_scoped3A_14, %dma_wait3A_967, %dma_wait3A_968] : memref<4x64x128xf32, #tpu.memory_space<vmem>> -> memref<1x64x128xf32, #tpu.memory_space<vmem>>
      %dma_wait3A_970 = tpu.memref_squeeze %dma_wait3A_969 : memref<1x64x128xf32, #tpu.memory_space<vmem>> -> memref<64x128xf32, #tpu.memory_space<vmem>>
      tpu.wait_dma2 semaphore(%run_scoped3A_946 : memref<!tpu.dma_semaphore, #tpu.memory_space<semaphore_mem>>) src(%dma_wait3A_970 : memref<64x128xf32, #tpu.memory_space<vmem>>) dst(%dma_wait3A_966 : memref<64x128xf32, #tpu.memory_space<vmem_shared>>)
      tpu.yield
    }) : () -> ()
    %mul3A_15 = arith.constant 640 : i32
    %mul3A_16 = arith.muli %arg1, %mul3A_15 : i32
    %add3A_17 = arith.constant 128 : i32
    %add3A_18 = arith.addi %mul3A_16, %add3A_17 : i32
    %run_scoped3A_19 = arith.constant 0 : i32
    "tpu.region"() ({
      %run_scoped3A_946 = tpu.sem_alloc : memref<!tpu.dma_semaphore, #tpu.memory_space<semaphore_mem>>
      %dma_start3A_947 = arith.constant 0 : i32
      %dma_start3A_948 = arith.constant 0 : i32
      %dma_start3A_949 = tpu.memref_slice %arg8[%run_scoped3A_19, %dma_start3A_947, %dma_start3A_948] : memref<4x64x128xf32, #tpu.memory_space<vmem>> -> memref<1x64x128xf32, #tpu.memory_space<vmem>>
      %dma_start3A_950 = tpu.memref_squeeze %dma_start3A_949 : memref<1x64x128xf32, #tpu.memory_space<vmem>> -> memref<64x128xf32, #tpu.memory_space<vmem>>
      %dma_start3A_951 = arith.constant 0 : i32
      %dma_start3A_952 = tpu.memref_slice %arg9[%add3A_18, %dma_start3A_951] : memref<10240x128xf32, #tpu.memory_space<vmem_shared>> -> memref<64x128xf32, #tpu.memory_space<vmem_shared>>
      %dma_start3A_953 = arith.constant 0 : i32
      %dma_start3A_954 = tpu.memref_slice %arg9[%add3A_18, %dma_start3A_953] : memref<10240x128xf32, #tpu.memory_space<vmem_shared>> -> memref<64x128xf32, #tpu.memory_space<vmem_shared>>
      %dma_start3A_955 = arith.constant 0 : i32
      %dma_start3A_956 = arith.constant 0 : i32
      %dma_start3A_957 = tpu.memref_slice %arg8[%run_scoped3A_19, %dma_start3A_955, %dma_start3A_956] : memref<4x64x128xf32, #tpu.memory_space<vmem>> -> memref<1x64x128xf32, #tpu.memory_space<vmem>>
      %dma_start3A_958 = tpu.memref_squeeze %dma_start3A_957 : memref<1x64x128xf32, #tpu.memory_space<vmem>> -> memref<64x128xf32, #tpu.memory_space<vmem>>
      tpu.enqueue_dma source(%dma_start3A_958 : memref<64x128xf32, #tpu.memory_space<vmem>>) target(%dma_start3A_954 : memref<64x128xf32, #tpu.memory_space<vmem_shared>>) target_semaphore(%run_scoped3A_946 : memref<!tpu.dma_semaphore, #tpu.memory_space<semaphore_mem>>)
      %dma_wait3A_959 = arith.constant 0 : i32
      %dma_wait3A_960 = arith.constant 0 : i32
      %dma_wait3A_961 = tpu.memref_slice %arg8[%run_scoped3A_19, %dma_wait3A_959, %dma_wait3A_960] : memref<4x64x128xf32, #tpu.memory_space<vmem>> -> memref<1x64x128xf32, #tpu.memory_space<vmem>>
      %dma_wait3A_962 = tpu.memref_squeeze %dma_wait3A_961 : memref<1x64x128xf32, #tpu.memory_space<vmem>> -> memref<64x128xf32, #tpu.memory_space<vmem>>
      %dma_wait3A_963 = arith.constant 0 : i32
      %dma_wait3A_964 = tpu.memref_slice %arg9[%add3A_18, %dma_wait3A_963] : memref<10240x128xf32, #tpu.memory_space<vmem_shared>> -> memref<64x128xf32, #tpu.memory_space<vmem_shared>>
      %dma_wait3A_965 = arith.constant 0 : i32
      %dma_wait3A_966 = tpu.memref_slice %arg9[%add3A_18, %dma_wait3A_965] : memref<10240x128xf32, #tpu.memory_space<vmem_shared>> -> memref<64x128xf32, #tpu.memory_space<vmem_shared>>
      %dma_wait3A_967 = arith.constant 0 : i32
      %dma_wait3A_968 = arith.constant 0 : i32
      %dma_wait3A_969 = tpu.memref_slice %arg8[%run_scoped3A_19, %dma_wait3A_967, %dma_wait3A_968] : memref<4x64x128xf32, #tpu.memory_space<vmem>> -> memref<1x64x128xf32, #tpu.memory_space<vmem>>
      %dma_wait3A_970 = tpu.memref_squeeze %dma_wait3A_969 : memref<1x64x128xf32, #tpu.memory_space<vmem>> -> memref<64x128xf32, #tpu.memory_space<vmem>>
      tpu.wait_dma2 semaphore(%run_scoped3A_946 : memref<!tpu.dma_semaphore, #tpu.memory_space<semaphore_mem>>) src(%dma_wait3A_970 : memref<64x128xf32, #tpu.memory_space<vmem>>) dst(%dma_wait3A_966 : memref<64x128xf32, #tpu.memory_space<vmem_shared>>)
      tpu.yield
    }) : () -> ()
    %mul3A_20 = arith.constant 640 : i32
    %mul3A_21 = arith.muli %arg1, %mul3A_20 : i32
    %add3A_22 = arith.constant 192 : i32
    %add3A_23 = arith.addi %mul3A_21, %add3A_22 : i32
    %run_scoped3A_24 = arith.constant 0 : i32
    "tpu.region"() ({
      %run_scoped3A_946 = tpu.sem_alloc : memref<!tpu.dma_semaphore, #tpu.memory_space<semaphore_mem>>
      %dma_start3A_947 = arith.constant 0 : i32
      %dma_start3A_948 = arith.constant 0 : i32
      %dma_start3A_949 = tpu.memref_slice %arg8[%run_scoped3A_24, %dma_start3A_947, %dma_start3A_948] : memref<4x64x128xf32, #tpu.memory_space<vmem>> -> memref<1x64x128xf32, #tpu.memory_space<vmem>>
      %dma_start3A_950 = tpu.memref_squeeze %dma_start3A_949 : memref<1x64x128xf32, #tpu.memory_space<vmem>> -> memref<64x128xf32, #tpu.memory_space<vmem>>
      %dma_start3A_951 = arith.constant 0 : i32
      %dma_start3A_952 = tpu.memref_slice %arg9[%add3A_23, %dma_start3A_951] : memref<10240x128xf32, #tpu.memory_space<vmem_shared>> -> memref<64x128xf32, #tpu.memory_space<vmem_shared>>
      %dma_start3A_953 = arith.constant 0 : i32
      %dma_start3A_954 = tpu.memref_slice %arg9[%add3A_23, %dma_start3A_953] : memref<10240x128xf32, #tpu.memory_space<vmem_shared>> -> memref<64x128xf32, #tpu.memory_space<vmem_shared>>
      %dma_start3A_955 = arith.constant 0 : i32
      %dma_start3A_956 = arith.constant 0 : i32
      %dma_start3A_957 = tpu.memref_slice %arg8[%run_scoped3A_24, %dma_start3A_955, %dma_start3A_956] : memref<4x64x128xf32, #tpu.memory_space<vmem>> -> memref<1x64x128xf32, #tpu.memory_space<vmem>>
      %dma_start3A_958 = tpu.memref_squeeze %dma_start3A_957 : memref<1x64x128xf32, #tpu.memory_space<vmem>> -> memref<64x128xf32, #tpu.memory_space<vmem>>
      tpu.enqueue_dma source(%dma_start3A_958 : memref<64x128xf32, #tpu.memory_space<vmem>>) target(%dma_start3A_954 : memref<64x128xf32, #tpu.memory_space<vmem_shared>>) target_semaphore(%run_scoped3A_946 : memref<!tpu.dma_semaphore, #tpu.memory_space<semaphore_mem>>)
      %dma_wait3A_959 = arith.constant 0 : i32
      %dma_wait3A_960 = arith.constant 0 : i32
      %dma_wait3A_961 = tpu.memref_slice %arg8[%run_scoped3A_24, %dma_wait3A_959, %dma_wait3A_960] : memref<4x64x128xf32, #tpu.memory_space<vmem>> -> memref<1x64x128xf32, #tpu.memory_space<vmem>>
      %dma_wait3A_962 = tpu.memref_squeeze %dma_wait3A_961 : memref<1x64x128xf32, #tpu.memory_space<vmem>> -> memref<64x128xf32, #tpu.memory_space<vmem>>
      %dma_wait3A_963 = arith.constant 0 : i32
      %dma_wait3A_964 = tpu.memref_slice %arg9[%add3A_23, %dma_wait3A_963] : memref<10240x128xf32, #tpu.memory_space<vmem_shared>> -> memref<64x128xf32, #tpu.memory_space<vmem_shared>>
      %dma_wait3A_965 = arith.constant 0 : i32
      %dma_wait3A_966 = tpu.memref_slice %arg9[%add3A_23, %dma_wait3A_965] : memref<10240x128xf32, #tpu.memory_space<vmem_shared>> -> memref<64x128xf32, #tpu.memory_space<vmem_shared>>
      %dma_wait3A_967 = arith.constant 0 : i32
      %dma_wait3A_968 = arith.constant 0 : i32
      %dma_wait3A_969 = tpu.memref_slice %arg8[%run_scoped3A_24, %dma_wait3A_967, %dma_wait3A_968] : memref<4x64x128xf32, #tpu.memory_space<vmem>> -> memref<1x64x128xf32, #tpu.memory_space<vmem>>
      %dma_wait3A_970 = tpu.memref_squeeze %dma_wait3A_969 : memref<1x64x128xf32, #tpu.memory_space<vmem>> -> memref<64x128xf32, #tpu.memory_space<vmem>>
      tpu.wait_dma2 semaphore(%run_scoped3A_946 : memref<!tpu.dma_semaphore, #tpu.memory_space<semaphore_mem>>) src(%dma_wait3A_970 : memref<64x128xf32, #tpu.memory_space<vmem>>) dst(%dma_wait3A_966 : memref<64x128xf32, #tpu.memory_space<vmem_shared>>)
      tpu.yield
    }) : () -> ()
    %mul3A_25 = arith.constant 640 : i32
    %mul3A_26 = arith.muli %arg1, %mul3A_25 : i32
    %add3A_27 = arith.constant 256 : i32
    %add3A_28 = arith.addi %mul3A_26, %add3A_27 : i32
    %run_scoped3A_29 = arith.constant 0 : i32
    "tpu.region"() ({
      %run_scoped3A_946 = tpu.sem_alloc : memref<!tpu.dma_semaphore, #tpu.memory_space<semaphore_mem>>
      %dma_start3A_947 = arith.constant 0 : i32
      %dma_start3A_948 = arith.constant 0 : i32
      %dma_start3A_949 = tpu.memref_slice %arg8[%run_scoped3A_29, %dma_start3A_947, %dma_start3A_948] : memref<4x64x128xf32, #tpu.memory_space<vmem>> -> memref<1x64x128xf32, #tpu.memory_space<vmem>>
      %dma_start3A_950 = tpu.memref_squeeze %dma_start3A_949 : memref<1x64x128xf32, #tpu.memory_space<vmem>> -> memref<64x128xf32, #tpu.memory_space<vmem>>
      %dma_start3A_951 = arith.constant 0 : i32
      %dma_start3A_952 = tpu.memref_slice %arg9[%add3A_28, %dma_start3A_951] : memref<10240x128xf32, #tpu.memory_space<vmem_shared>> -> memref<64x128xf32, #tpu.memory_space<vmem_shared>>
      %dma_start3A_953 = arith.constant 0 : i32
      %dma_start3A_954 = tpu.memref_slice %arg9[%add3A_28, %dma_start3A_953] : memref<10240x128xf32, #tpu.memory_space<vmem_shared>> -> memref<64x128xf32, #tpu.memory_space<vmem_shared>>
      %dma_start3A_955 = arith.constant 0 : i32
      %dma_start3A_956 = arith.constant 0 : i32
      %dma_start3A_957 = tpu.memref_slice %arg8[%run_scoped3A_29, %dma_start3A_955, %dma_start3A_956] : memref<4x64x128xf32, #tpu.memory_space<vmem>> -> memref<1x64x128xf32, #tpu.memory_space<vmem>>
      %dma_start3A_958 = tpu.memref_squeeze %dma_start3A_957 : memref<1x64x128xf32, #tpu.memory_space<vmem>> -> memref<64x128xf32, #tpu.memory_space<vmem>>
      tpu.enqueue_dma source(%dma_start3A_958 : memref<64x128xf32, #tpu.memory_space<vmem>>) target(%dma_start3A_954 : memref<64x128xf32, #tpu.memory_space<vmem_shared>>) target_semaphore(%run_scoped3A_946 : memref<!tpu.dma_semaphore, #tpu.memory_space<semaphore_mem>>)
      %dma_wait3A_959 = arith.constant 0 : i32
      %dma_wait3A_960 = arith.constant 0 : i32
      %dma_wait3A_961 = tpu.memref_slice %arg8[%run_scoped3A_29, %dma_wait3A_959, %dma_wait3A_960] : memref<4x64x128xf32, #tpu.memory_space<vmem>> -> memref<1x64x128xf32, #tpu.memory_space<vmem>>
      %dma_wait3A_962 = tpu.memref_squeeze %dma_wait3A_961 : memref<1x64x128xf32, #tpu.memory_space<vmem>> -> memref<64x128xf32, #tpu.memory_space<vmem>>
      %dma_wait3A_963 = arith.constant 0 : i32
      %dma_wait3A_964 = tpu.memref_slice %arg9[%add3A_28, %dma_wait3A_963] : memref<10240x128xf32, #tpu.memory_space<vmem_shared>> -> memref<64x128xf32, #tpu.memory_space<vmem_shared>>
      %dma_wait3A_965 = arith.constant 0 : i32
      %dma_wait3A_966 = tpu.memref_slice %arg9[%add3A_28, %dma_wait3A_965] : memref<10240x128xf32, #tpu.memory_space<vmem_shared>> -> memref<64x128xf32, #tpu.memory_space<vmem_shared>>
      %dma_wait3A_967 = arith.constant 0 : i32
      %dma_wait3A_968 = arith.constant 0 : i32
      %dma_wait3A_969 = tpu.memref_slice %arg8[%run_scoped3A_29, %dma_wait3A_967, %dma_wait3A_968] : memref<4x64x128xf32, #tpu.memory_space<vmem>> -> memref<1x64x128xf32, #tpu.memory_space<vmem>>
      %dma_wait3A_970 = tpu.memref_squeeze %dma_wait3A_969 : memref<1x64x128xf32, #tpu.memory_space<vmem>> -> memref<64x128xf32, #tpu.memory_space<vmem>>
      tpu.wait_dma2 semaphore(%run_scoped3A_946 : memref<!tpu.dma_semaphore, #tpu.memory_space<semaphore_mem>>) src(%dma_wait3A_970 : memref<64x128xf32, #tpu.memory_space<vmem>>) dst(%dma_wait3A_966 : memref<64x128xf32, #tpu.memory_space<vmem_shared>>)
      tpu.yield
    }) : () -> ()
    %mul3A_30 = arith.constant 640 : i32
    %mul3A_31 = arith.muli %arg1, %mul3A_30 : i32
    %add3A_32 = arith.constant 320 : i32
    %add3A_33 = arith.addi %mul3A_31, %add3A_32 : i32
    %run_scoped3A_34 = arith.constant 0 : i32
    "tpu.region"() ({
      %run_scoped3A_946 = tpu.sem_alloc : memref<!tpu.dma_semaphore, #tpu.memory_space<semaphore_mem>>
      %dma_start3A_947 = arith.constant 0 : i32
      %dma_start3A_948 = arith.constant 0 : i32
      %dma_start3A_949 = tpu.memref_slice %arg8[%run_scoped3A_34, %dma_start3A_947, %dma_start3A_948] : memref<4x64x128xf32, #tpu.memory_space<vmem>> -> memref<1x64x128xf32, #tpu.memory_space<vmem>>
      %dma_start3A_950 = tpu.memref_squeeze %dma_start3A_949 : memref<1x64x128xf32, #tpu.memory_space<vmem>> -> memref<64x128xf32, #tpu.memory_space<vmem>>
      %dma_start3A_951 = arith.constant 0 : i32
      %dma_start3A_952 = tpu.memref_slice %arg9[%add3A_33, %dma_start3A_951] : memref<10240x128xf32, #tpu.memory_space<vmem_shared>> -> memref<64x128xf32, #tpu.memory_space<vmem_shared>>
      %dma_start3A_953 = arith.constant 0 : i32
      %dma_start3A_954 = tpu.memref_slice %arg9[%add3A_33, %dma_start3A_953] : memref<10240x128xf32, #tpu.memory_space<vmem_shared>> -> memref<64x128xf32, #tpu.memory_space<vmem_shared>>
      %dma_start3A_955 = arith.constant 0 : i32
      %dma_start3A_956 = arith.constant 0 : i32
      %dma_start3A_957 = tpu.memref_slice %arg8[%run_scoped3A_34, %dma_start3A_955, %dma_start3A_956] : memref<4x64x128xf32, #tpu.memory_space<vmem>> -> memref<1x64x128xf32, #tpu.memory_space<vmem>>
      %dma_start3A_958 = tpu.memref_squeeze %dma_start3A_957 : memref<1x64x128xf32, #tpu.memory_space<vmem>> -> memref<64x128xf32, #tpu.memory_space<vmem>>
      tpu.enqueue_dma source(%dma_start3A_958 : memref<64x128xf32, #tpu.memory_space<vmem>>) target(%dma_start3A_954 : memref<64x128xf32, #tpu.memory_space<vmem_shared>>) target_semaphore(%run_scoped3A_946 : memref<!tpu.dma_semaphore, #tpu.memory_space<semaphore_mem>>)
      %dma_wait3A_959 = arith.constant 0 : i32
      %dma_wait3A_960 = arith.constant 0 : i32
      %dma_wait3A_961 = tpu.memref_slice %arg8[%run_scoped3A_34, %dma_wait3A_959, %dma_wait3A_960] : memref<4x64x128xf32, #tpu.memory_space<vmem>> -> memref<1x64x128xf32, #tpu.memory_space<vmem>>
      %dma_wait3A_962 = tpu.memref_squeeze %dma_wait3A_961 : memref<1x64x128xf32, #tpu.memory_space<vmem>> -> memref<64x128xf32, #tpu.memory_space<vmem>>
      %dma_wait3A_963 = arith.constant 0 : i32
      %dma_wait3A_964 = tpu.memref_slice %arg9[%add3A_33, %dma_wait3A_963] : memref<10240x128xf32, #tpu.memory_space<vmem_shared>> -> memref<64x128xf32, #tpu.memory_space<vmem_shared>>
      %dma_wait3A_965 = arith.constant 0 : i32
      %dma_wait3A_966 = tpu.memref_slice %arg9[%add3A_33, %dma_wait3A_965] : memref<10240x128xf32, #tpu.memory_space<vmem_shared>> -> memref<64x128xf32, #tpu.memory_space<vmem_shared>>
      %dma_wait3A_967 = arith.constant 0 : i32
      %dma_wait3A_968 = arith.constant 0 : i32
      %dma_wait3A_969 = tpu.memref_slice %arg8[%run_scoped3A_34, %dma_wait3A_967, %dma_wait3A_968] : memref<4x64x128xf32, #tpu.memory_space<vmem>> -> memref<1x64x128xf32, #tpu.memory_space<vmem>>
      %dma_wait3A_970 = tpu.memref_squeeze %dma_wait3A_969 : memref<1x64x128xf32, #tpu.memory_space<vmem>> -> memref<64x128xf32, #tpu.memory_space<vmem>>
      tpu.wait_dma2 semaphore(%run_scoped3A_946 : memref<!tpu.dma_semaphore, #tpu.memory_space<semaphore_mem>>) src(%dma_wait3A_970 : memref<64x128xf32, #tpu.memory_space<vmem>>) dst(%dma_wait3A_966 : memref<64x128xf32, #tpu.memory_space<vmem_shared>>)
      tpu.yield
    }) : () -> ()
    %mul3A_35 = arith.constant 640 : i32
    %mul3A_36 = arith.muli %arg1, %mul3A_35 : i32
    %add3A_37 = arith.constant 384 : i32
    %add3A_38 = arith.addi %mul3A_36, %add3A_37 : i32
    %run_scoped3A_39 = arith.constant 0 : i32
    "tpu.region"() ({
      %run_scoped3A_946 = tpu.sem_alloc : memref<!tpu.dma_semaphore, #tpu.memory_space<semaphore_mem>>
      %dma_start3A_947 = arith.constant 0 : i32
      %dma_start3A_948 = arith.constant 0 : i32
      %dma_start3A_949 = tpu.memref_slice %arg8[%run_scoped3A_39, %dma_start3A_947, %dma_start3A_948] : memref<4x64x128xf32, #tpu.memory_space<vmem>> -> memref<1x64x128xf32, #tpu.memory_space<vmem>>
      %dma_start3A_950 = tpu.memref_squeeze %dma_start3A_949 : memref<1x64x128xf32, #tpu.memory_space<vmem>> -> memref<64x128xf32, #tpu.memory_space<vmem>>
      %dma_start3A_951 = arith.constant 0 : i32
      %dma_start3A_952 = tpu.memref_slice %arg9[%add3A_38, %dma_start3A_951] : memref<10240x128xf32, #tpu.memory_space<vmem_shared>> -> memref<64x128xf32, #tpu.memory_space<vmem_shared>>
      %dma_start3A_953 = arith.constant 0 : i32
      %dma_start3A_954 = tpu.memref_slice %arg9[%add3A_38, %dma_start3A_953] : memref<10240x128xf32, #tpu.memory_space<vmem_shared>> -> memref<64x128xf32, #tpu.memory_space<vmem_shared>>
      %dma_start3A_955 = arith.constant 0 : i32
      %dma_start3A_956 = arith.constant 0 : i32
      %dma_start3A_957 = tpu.memref_slice %arg8[%run_scoped3A_39, %dma_start3A_955, %dma_start3A_956] : memref<4x64x128xf32, #tpu.memory_space<vmem>> -> memref<1x64x128xf32, #tpu.memory_space<vmem>>
      %dma_start3A_958 = tpu.memref_squeeze %dma_start3A_957 : memref<1x64x128xf32, #tpu.memory_space<vmem>> -> memref<64x128xf32, #tpu.memory_space<vmem>>
      tpu.enqueue_dma source(%dma_start3A_958 : memref<64x128xf32, #tpu.memory_space<vmem>>) target(%dma_start3A_954 : memref<64x128xf32, #tpu.memory_space<vmem_shared>>) target_semaphore(%run_scoped3A_946 : memref<!tpu.dma_semaphore, #tpu.memory_space<semaphore_mem>>)
      %dma_wait3A_959 = arith.constant 0 : i32
      %dma_wait3A_960 = arith.constant 0 : i32
      %dma_wait3A_961 = tpu.memref_slice %arg8[%run_scoped3A_39, %dma_wait3A_959, %dma_wait3A_960] : memref<4x64x128xf32, #tpu.memory_space<vmem>> -> memref<1x64x128xf32, #tpu.memory_space<vmem>>
      %dma_wait3A_962 = tpu.memref_squeeze %dma_wait3A_961 : memref<1x64x128xf32, #tpu.memory_space<vmem>> -> memref<64x128xf32, #tpu.memory_space<vmem>>
      %dma_wait3A_963 = arith.constant 0 : i32
      %dma_wait3A_964 = tpu.memref_slice %arg9[%add3A_38, %dma_wait3A_963] : memref<10240x128xf32, #tpu.memory_space<vmem_shared>> -> memref<64x128xf32, #tpu.memory_space<vmem_shared>>
      %dma_wait3A_965 = arith.constant 0 : i32
      %dma_wait3A_966 = tpu.memref_slice %arg9[%add3A_38, %dma_wait3A_965] : memref<10240x128xf32, #tpu.memory_space<vmem_shared>> -> memref<64x128xf32, #tpu.memory_space<vmem_shared>>
      %dma_wait3A_967 = arith.constant 0 : i32
      %dma_wait3A_968 = arith.constant 0 : i32
      %dma_wait3A_969 = tpu.memref_slice %arg8[%run_scoped3A_39, %dma_wait3A_967, %dma_wait3A_968] : memref<4x64x128xf32, #tpu.memory_space<vmem>> -> memref<1x64x128xf32, #tpu.memory_space<vmem>>
      %dma_wait3A_970 = tpu.memref_squeeze %dma_wait3A_969 : memref<1x64x128xf32, #tpu.memory_space<vmem>> -> memref<64x128xf32, #tpu.memory_space<vmem>>
      tpu.wait_dma2 semaphore(%run_scoped3A_946 : memref<!tpu.dma_semaphore, #tpu.memory_space<semaphore_mem>>) src(%dma_wait3A_970 : memref<64x128xf32, #tpu.memory_space<vmem>>) dst(%dma_wait3A_966 : memref<64x128xf32, #tpu.memory_space<vmem_shared>>)
      tpu.yield
    }) : () -> ()
    %mul3A_40 = arith.constant 640 : i32
    %mul3A_41 = arith.muli %arg1, %mul3A_40 : i32
    %add3A_42 = arith.constant 448 : i32
    %add3A_43 = arith.addi %mul3A_41, %add3A_42 : i32
    %run_scoped3A_44 = arith.constant 0 : i32
    "tpu.region"() ({
      %run_scoped3A_946 = tpu.sem_alloc : memref<!tpu.dma_semaphore, #tpu.memory_space<semaphore_mem>>
      %dma_start3A_947 = arith.constant 0 : i32
      %dma_start3A_948 = arith.constant 0 : i32
      %dma_start3A_949 = tpu.memref_slice %arg8[%run_scoped3A_44, %dma_start3A_947, %dma_start3A_948] : memref<4x64x128xf32, #tpu.memory_space<vmem>> -> memref<1x64x128xf32, #tpu.memory_space<vmem>>
      %dma_start3A_950 = tpu.memref_squeeze %dma_start3A_949 : memref<1x64x128xf32, #tpu.memory_space<vmem>> -> memref<64x128xf32, #tpu.memory_space<vmem>>
      %dma_start3A_951 = arith.constant 0 : i32
      %dma_start3A_952 = tpu.memref_slice %arg9[%add3A_43, %dma_start3A_951] : memref<10240x128xf32, #tpu.memory_space<vmem_shared>> -> memref<64x128xf32, #tpu.memory_space<vmem_shared>>
      %dma_start3A_953 = arith.constant 0 : i32
      %dma_start3A_954 = tpu.memref_slice %arg9[%add3A_43, %dma_start3A_953] : memref<10240x128xf32, #tpu.memory_space<vmem_shared>> -> memref<64x128xf32, #tpu.memory_space<vmem_shared>>
      %dma_start3A_955 = arith.constant 0 : i32
      %dma_start3A_956 = arith.constant 0 : i32
      %dma_start3A_957 = tpu.memref_slice %arg8[%run_scoped3A_44, %dma_start3A_955, %dma_start3A_956] : memref<4x64x128xf32, #tpu.memory_space<vmem>> -> memref<1x64x128xf32, #tpu.memory_space<vmem>>
      %dma_start3A_958 = tpu.memref_squeeze %dma_start3A_957 : memref<1x64x128xf32, #tpu.memory_space<vmem>> -> memref<64x128xf32, #tpu.memory_space<vmem>>
      tpu.enqueue_dma source(%dma_start3A_958 : memref<64x128xf32, #tpu.memory_space<vmem>>) target(%dma_start3A_954 : memref<64x128xf32, #tpu.memory_space<vmem_shared>>) target_semaphore(%run_scoped3A_946 : memref<!tpu.dma_semaphore, #tpu.memory_space<semaphore_mem>>)
      %dma_wait3A_959 = arith.constant 0 : i32
      %dma_wait3A_960 = arith.constant 0 : i32
      %dma_wait3A_961 = tpu.memref_slice %arg8[%run_scoped3A_44, %dma_wait3A_959, %dma_wait3A_960] : memref<4x64x128xf32, #tpu.memory_space<vmem>> -> memref<1x64x128xf32, #tpu.memory_space<vmem>>
      %dma_wait3A_962 = tpu.memref_squeeze %dma_wait3A_961 : memref<1x64x128xf32, #tpu.memory_space<vmem>> -> memref<64x128xf32, #tpu.memory_space<vmem>>
      %dma_wait3A_963 = arith.constant 0 : i32
      %dma_wait3A_964 = tpu.memref_slice %arg9[%add3A_43, %dma_wait3A_963] : memref<10240x128xf32, #tpu.memory_space<vmem_shared>> -> memref<64x128xf32, #tpu.memory_space<vmem_shared>>
      %dma_wait3A_965 = arith.constant 0 : i32
      %dma_wait3A_966 = tpu.memref_slice %arg9[%add3A_43, %dma_wait3A_965] : memref<10240x128xf32, #tpu.memory_space<vmem_shared>> -> memref<64x128xf32, #tpu.memory_space<vmem_shared>>
      %dma_wait3A_967 = arith.constant 0 : i32
      %dma_wait3A_968 = arith.constant 0 : i32
      %dma_wait3A_969 = tpu.memref_slice %arg8[%run_scoped3A_44, %dma_wait3A_967, %dma_wait3A_968] : memref<4x64x128xf32, #tpu.memory_space<vmem>> -> memref<1x64x128xf32, #tpu.memory_space<vmem>>
      %dma_wait3A_970 = tpu.memref_squeeze %dma_wait3A_969 : memref<1x64x128xf32, #tpu.memory_space<vmem>> -> memref<64x128xf32, #tpu.memory_space<vmem>>
      tpu.wait_dma2 semaphore(%run_scoped3A_946 : memref<!tpu.dma_semaphore, #tpu.memory_space<semaphore_mem>>) src(%dma_wait3A_970 : memref<64x128xf32, #tpu.memory_space<vmem>>) dst(%dma_wait3A_966 : memref<64x128xf32, #tpu.memory_space<vmem_shared>>)
      tpu.yield
    }) : () -> ()
    %mul3A_45 = arith.constant 640 : i32
    %mul3A_46 = arith.muli %arg1, %mul3A_45 : i32
    %add3A_47 = arith.constant 512 : i32
    %add3A_48 = arith.addi %mul3A_46, %add3A_47 : i32
    %run_scoped3A_49 = arith.constant 0 : i32
    "tpu.region"() ({
      %run_scoped3A_946 = tpu.sem_alloc : memref<!tpu.dma_semaphore, #tpu.memory_space<semaphore_mem>>
      %dma_start3A_947 = arith.constant 0 : i32
      %dma_start3A_948 = arith.constant 0 : i32
      %dma_start3A_949 = tpu.memref_slice %arg8[%run_scoped3A_49, %dma_start3A_947, %dma_start3A_948] : memref<4x64x128xf32, #tpu.memory_space<vmem>> -> memref<1x64x128xf32, #tpu.memory_space<vmem>>
      %dma_start3A_950 = tpu.memref_squeeze %dma_start3A_949 : memref<1x64x128xf32, #tpu.memory_space<vmem>> -> memref<64x128xf32, #tpu.memory_space<vmem>>
      %dma_start3A_951 = arith.constant 0 : i32
      %dma_start3A_952 = tpu.memref_slice %arg9[%add3A_48, %dma_start3A_951] : memref<10240x128xf32, #tpu.memory_space<vmem_shared>> -> memref<64x128xf32, #tpu.memory_space<vmem_shared>>
      %dma_start3A_953 = arith.constant 0 : i32
      %dma_start3A_954 = tpu.memref_slice %arg9[%add3A_48, %dma_start3A_953] : memref<10240x128xf32, #tpu.memory_space<vmem_shared>> -> memref<64x128xf32, #tpu.memory_space<vmem_shared>>
      %dma_start3A_955 = arith.constant 0 : i32
      %dma_start3A_956 = arith.constant 0 : i32
      %dma_start3A_957 = tpu.memref_slice %arg8[%run_scoped3A_49, %dma_start3A_955, %dma_start3A_956] : memref<4x64x128xf32, #tpu.memory_space<vmem>> -> memref<1x64x128xf32, #tpu.memory_space<vmem>>
      %dma_start3A_958 = tpu.memref_squeeze %dma_start3A_957 : memref<1x64x128xf32, #tpu.memory_space<vmem>> -> memref<64x128xf32, #tpu.memory_space<vmem>>
      tpu.enqueue_dma source(%dma_start3A_958 : memref<64x128xf32, #tpu.memory_space<vmem>>) target(%dma_start3A_954 : memref<64x128xf32, #tpu.memory_space<vmem_shared>>) target_semaphore(%run_scoped3A_946 : memref<!tpu.dma_semaphore, #tpu.memory_space<semaphore_mem>>)
      %dma_wait3A_959 = arith.constant 0 : i32
      %dma_wait3A_960 = arith.constant 0 : i32
      %dma_wait3A_961 = tpu.memref_slice %arg8[%run_scoped3A_49, %dma_wait3A_959, %dma_wait3A_960] : memref<4x64x128xf32, #tpu.memory_space<vmem>> -> memref<1x64x128xf32, #tpu.memory_space<vmem>>
      %dma_wait3A_962 = tpu.memref_squeeze %dma_wait3A_961 : memref<1x64x128xf32, #tpu.memory_space<vmem>> -> memref<64x128xf32, #tpu.memory_space<vmem>>
      %dma_wait3A_963 = arith.constant 0 : i32
      %dma_wait3A_964 = tpu.memref_slice %arg9[%add3A_48, %dma_wait3A_963] : memref<10240x128xf32, #tpu.memory_space<vmem_shared>> -> memref<64x128xf32, #tpu.memory_space<vmem_shared>>
      %dma_wait3A_965 = arith.constant 0 : i32
      %dma_wait3A_966 = tpu.memref_slice %arg9[%add3A_48, %dma_wait3A_965] : memref<10240x128xf32, #tpu.memory_space<vmem_shared>> -> memref<64x128xf32, #tpu.memory_space<vmem_shared>>
      %dma_wait3A_967 = arith.constant 0 : i32
      %dma_wait3A_968 = arith.constant 0 : i32
      %dma_wait3A_969 = tpu.memref_slice %arg8[%run_scoped3A_49, %dma_wait3A_967, %dma_wait3A_968] : memref<4x64x128xf32, #tpu.memory_space<vmem>> -> memref<1x64x128xf32, #tpu.memory_space<vmem>>
      %dma_wait3A_970 = tpu.memref_squeeze %dma_wait3A_969 : memref<1x64x128xf32, #tpu.memory_space<vmem>> -> memref<64x128xf32, #tpu.memory_space<vmem>>
      tpu.wait_dma2 semaphore(%run_scoped3A_946 : memref<!tpu.dma_semaphore, #tpu.memory_space<semaphore_mem>>) src(%dma_wait3A_970 : memref<64x128xf32, #tpu.memory_space<vmem>>) dst(%dma_wait3A_966 : memref<64x128xf32, #tpu.memory_space<vmem_shared>>)
      tpu.yield
    }) : () -> ()
    %mul3A_50 = arith.constant 640 : i32
    %mul3A_51 = arith.muli %arg1, %mul3A_50 : i32
    %add3A_52 = arith.constant 576 : i32
    %add3A_53 = arith.addi %mul3A_51, %add3A_52 : i32
    %run_scoped3A_54 = arith.constant 0 : i32
    "tpu.region"() ({
      %run_scoped3A_946 = tpu.sem_alloc : memref<!tpu.dma_semaphore, #tpu.memory_space<semaphore_mem>>
      %dma_start3A_947 = arith.constant 0 : i32
      %dma_start3A_948 = arith.constant 0 : i32
      %dma_start3A_949 = tpu.memref_slice %arg8[%run_scoped3A_54, %dma_start3A_947, %dma_start3A_948] : memref<4x64x128xf32, #tpu.memory_space<vmem>> -> memref<1x64x128xf32, #tpu.memory_space<vmem>>
      %dma_start3A_950 = tpu.memref_squeeze %dma_start3A_949 : memref<1x64x128xf32, #tpu.memory_space<vmem>> -> memref<64x128xf32, #tpu.memory_space<vmem>>
      %dma_start3A_951 = arith.constant 0 : i32
      %dma_start3A_952 = tpu.memref_slice %arg9[%add3A_53, %dma_start3A_951] : memref<10240x128xf32, #tpu.memory_space<vmem_shared>> -> memref<64x128xf32, #tpu.memory_space<vmem_shared>>
      %dma_start3A_953 = arith.constant 0 : i32
      %dma_start3A_954 = tpu.memref_slice %arg9[%add3A_53, %dma_start3A_953] : memref<10240x128xf32, #tpu.memory_space<vmem_shared>> -> memref<64x128xf32, #tpu.memory_space<vmem_shared>>
      %dma_start3A_955 = arith.constant 0 : i32
      %dma_start3A_956 = arith.constant 0 : i32
      %dma_start3A_957 = tpu.memref_slice %arg8[%run_scoped3A_54, %dma_start3A_955, %dma_start3A_956] : memref<4x64x128xf32, #tpu.memory_space<vmem>> -> memref<1x64x128xf32, #tpu.memory_space<vmem>>
      %dma_start3A_958 = tpu.memref_squeeze %dma_start3A_957 : memref<1x64x128xf32, #tpu.memory_space<vmem>> -> memref<64x128xf32, #tpu.memory_space<vmem>>
      tpu.enqueue_dma source(%dma_start3A_958 : memref<64x128xf32, #tpu.memory_space<vmem>>) target(%dma_start3A_954 : memref<64x128xf32, #tpu.memory_space<vmem_shared>>) target_semaphore(%run_scoped3A_946 : memref<!tpu.dma_semaphore, #tpu.memory_space<semaphore_mem>>)
      %dma_wait3A_959 = arith.constant 0 : i32
      %dma_wait3A_960 = arith.constant 0 : i32
      %dma_wait3A_961 = tpu.memref_slice %arg8[%run_scoped3A_54, %dma_wait3A_959, %dma_wait3A_960] : memref<4x64x128xf32, #tpu.memory_space<vmem>> -> memref<1x64x128xf32, #tpu.memory_space<vmem>>
      %dma_wait3A_962 = tpu.memref_squeeze %dma_wait3A_961 : memref<1x64x128xf32, #tpu.memory_space<vmem>> -> memref<64x128xf32, #tpu.memory_space<vmem>>
      %dma_wait3A_963 = arith.constant 0 : i32
      %dma_wait3A_964 = tpu.memref_slice %arg9[%add3A_53, %dma_wait3A_963] : memref<10240x128xf32, #tpu.memory_space<vmem_shared>> -> memref<64x128xf32, #tpu.memory_space<vmem_shared>>
      %dma_wait3A_965 = arith.constant 0 : i32
      %dma_wait3A_966 = tpu.memref_slice %arg9[%add3A_53, %dma_wait3A_965] : memref<10240x128xf32, #tpu.memory_space<vmem_shared>> -> memref<64x128xf32, #tpu.memory_space<vmem_shared>>
      %dma_wait3A_967 = arith.constant 0 : i32
      %dma_wait3A_968 = arith.constant 0 : i32
      %dma_wait3A_969 = tpu.memref_slice %arg8[%run_scoped3A_54, %dma_wait3A_967, %dma_wait3A_968] : memref<4x64x128xf32, #tpu.memory_space<vmem>> -> memref<1x64x128xf32, #tpu.memory_space<vmem>>
      %dma_wait3A_970 = tpu.memref_squeeze %dma_wait3A_969 : memref<1x64x128xf32, #tpu.memory_space<vmem>> -> memref<64x128xf32, #tpu.memory_space<vmem>>
      tpu.wait_dma2 semaphore(%run_scoped3A_946 : memref<!tpu.dma_semaphore, #tpu.memory_space<semaphore_mem>>) src(%dma_wait3A_970 : memref<64x128xf32, #tpu.memory_space<vmem>>) dst(%dma_wait3A_966 : memref<64x128xf32, #tpu.memory_space<vmem_shared>>)
      tpu.yield
    }) : () -> ()
    %barrier3A = arith.constant 0 : index
    tpu.barrier barrier_id(%barrier3A)
    %mul3A_55 = arith.constant 160 : i32
    %mul3A_56 = arith.muli %add3A, %mul3A_55 : i32
    %run_scoped3A_57 = arith.constant 0 : i32
    "tpu.region"() ({
      %run_scoped3A_946 = tpu.sem_alloc : memref<!tpu.dma_semaphore, #tpu.memory_space<semaphore_mem>>
      %dma_start3A_947 = arith.constant 0 : i32
      %dma_start3A_948 = arith.constant 0 : i32
      %dma_start3A_949 = tpu.memref_slice %arg6[%run_scoped3A_57, %dma_start3A_947, %dma_start3A_948] : memref<2x32x64xi32, #tpu.memory_space<vmem>> -> memref<1x32x64xi32, #tpu.memory_space<vmem>>
      %dma_start3A_950 = tpu.memref_squeeze %dma_start3A_949 : memref<1x32x64xi32, #tpu.memory_space<vmem>> -> memref<32x64xi32, #tpu.memory_space<vmem>>
      %dma_start3A_951 = arith.constant 0 : i32
      %dma_start3A_952 = tpu.memref_slice %arg3[%mul3A_56, %dma_start3A_951] : memref<5120x64xi32, #tpu.memory_space<hbm>> -> memref<32x64xi32, #tpu.memory_space<hbm>>
      %dma_start3A_953 = arith.constant 0 : i32
      %dma_start3A_954 = arith.constant 0 : i32
      %dma_start3A_955 = tpu.memref_slice %arg6[%run_scoped3A_57, %dma_start3A_953, %dma_start3A_954] : memref<2x32x64xi32, #tpu.memory_space<vmem>> -> memref<1x32x64xi32, #tpu.memory_space<vmem>>
      %dma_start3A_956 = tpu.memref_squeeze %dma_start3A_955 : memref<1x32x64xi32, #tpu.memory_space<vmem>> -> memref<32x64xi32, #tpu.memory_space<vmem>>
      %dma_start3A_957 = arith.constant 0 : i32
      %dma_start3A_958 = tpu.memref_slice %arg3[%mul3A_56, %dma_start3A_957] : memref<5120x64xi32, #tpu.memory_space<hbm>> -> memref<32x64xi32, #tpu.memory_space<hbm>>
      tpu.enqueue_dma source(%dma_start3A_958 : memref<32x64xi32, #tpu.memory_space<hbm>>) target(%dma_start3A_956 : memref<32x64xi32, #tpu.memory_space<vmem>>) target_semaphore(%run_scoped3A_946 : memref<!tpu.dma_semaphore, #tpu.memory_space<semaphore_mem>>)
      %dma_wait3A_959 = arith.constant 0 : i32
      %dma_wait3A_960 = arith.constant 0 : i32
      %dma_wait3A_961 = tpu.memref_slice %arg6[%run_scoped3A_57, %dma_wait3A_959, %dma_wait3A_960] : memref<2x32x64xi32, #tpu.memory_space<vmem>> -> memref<1x32x64xi32, #tpu.memory_space<vmem>>
      %dma_wait3A_962 = tpu.memref_squeeze %dma_wait3A_961 : memref<1x32x64xi32, #tpu.memory_space<vmem>> -> memref<32x64xi32, #tpu.memory_space<vmem>>
      %dma_wait3A_963 = arith.constant 0 : i32
      %dma_wait3A_964 = tpu.memref_slice %arg3[%mul3A_56, %dma_wait3A_963] : memref<5120x64xi32, #tpu.memory_space<hbm>> -> memref<32x64xi32, #tpu.memory_space<hbm>>
      %dma_wait3A_965 = arith.constant 0 : i32
      %dma_wait3A_966 = arith.constant 0 : i32
      %dma_wait3A_967 = tpu.memref_slice %arg6[%run_scoped3A_57, %dma_wait3A_965, %dma_wait3A_966] : memref<2x32x64xi32, #tpu.memory_space<vmem>> -> memref<1x32x64xi32, #tpu.memory_space<vmem>>
      %dma_wait3A_968 = tpu.memref_squeeze %dma_wait3A_967 : memref<1x32x64xi32, #tpu.memory_space<vmem>> -> memref<32x64xi32, #tpu.memory_space<vmem>>
      %dma_wait3A_969 = arith.constant 0 : i32
      %dma_wait3A_970 = tpu.memref_slice %arg3[%mul3A_56, %dma_wait3A_969] : memref<5120x64xi32, #tpu.memory_space<hbm>> -> memref<32x64xi32, #tpu.memory_space<hbm>>
      tpu.wait_dma2 semaphore(%run_scoped3A_946 : memref<!tpu.dma_semaphore, #tpu.memory_space<semaphore_mem>>) src(%dma_wait3A_970 : memref<32x64xi32, #tpu.memory_space<hbm>>) dst(%dma_wait3A_968 : memref<32x64xi32, #tpu.memory_space<vmem>>)
      tpu.yield
    }) : () -> ()
    %run_scoped3A_58 = arith.constant 0 : i32
    "tpu.region"() ({
      %run_scoped3A_946 = tpu.sem_alloc : memref<!tpu.dma_semaphore, #tpu.memory_space<semaphore_mem>>
      %dma_start3A_947 = arith.constant 0 : i32
      %dma_start3A_948 = arith.constant 0 : i32
      %dma_start3A_949 = tpu.memref_slice %arg7[%run_scoped3A_58, %dma_start3A_947, %dma_start3A_948] : memref<2x32x64xi32, #tpu.memory_space<vmem>> -> memref<1x32x64xi32, #tpu.memory_space<vmem>>
      %dma_start3A_950 = tpu.memref_squeeze %dma_start3A_949 : memref<1x32x64xi32, #tpu.memory_space<vmem>> -> memref<32x64xi32, #tpu.memory_space<vmem>>
      %dma_start3A_951 = arith.constant 0 : i32
      %dma_start3A_952 = tpu.memref_slice %arg4[%mul3A_56, %dma_start3A_951] : memref<5120x64xi32, #tpu.memory_space<hbm>> -> memref<32x64xi32, #tpu.memory_space<hbm>>
      %dma_start3A_953 = arith.constant 0 : i32
      %dma_start3A_954 = arith.constant 0 : i32
      %dma_start3A_955 = tpu.memref_slice %arg7[%run_scoped3A_58, %dma_start3A_953, %dma_start3A_954] : memref<2x32x64xi32, #tpu.memory_space<vmem>> -> memref<1x32x64xi32, #tpu.memory_space<vmem>>
      %dma_start3A_956 = tpu.memref_squeeze %dma_start3A_955 : memref<1x32x64xi32, #tpu.memory_space<vmem>> -> memref<32x64xi32, #tpu.memory_space<vmem>>
      %dma_start3A_957 = arith.constant 0 : i32
      %dma_start3A_958 = tpu.memref_slice %arg4[%mul3A_56, %dma_start3A_957] : memref<5120x64xi32, #tpu.memory_space<hbm>> -> memref<32x64xi32, #tpu.memory_space<hbm>>
      tpu.enqueue_dma source(%dma_start3A_958 : memref<32x64xi32, #tpu.memory_space<hbm>>) target(%dma_start3A_956 : memref<32x64xi32, #tpu.memory_space<vmem>>) target_semaphore(%run_scoped3A_946 : memref<!tpu.dma_semaphore, #tpu.memory_space<semaphore_mem>>)
      %dma_wait3A_959 = arith.constant 0 : i32
      %dma_wait3A_960 = arith.constant 0 : i32
      %dma_wait3A_961 = tpu.memref_slice %arg7[%run_scoped3A_58, %dma_wait3A_959, %dma_wait3A_960] : memref<2x32x64xi32, #tpu.memory_space<vmem>> -> memref<1x32x64xi32, #tpu.memory_space<vmem>>
      %dma_wait3A_962 = tpu.memref_squeeze %dma_wait3A_961 : memref<1x32x64xi32, #tpu.memory_space<vmem>> -> memref<32x64xi32, #tpu.memory_space<vmem>>
      %dma_wait3A_963 = arith.constant 0 : i32
      %dma_wait3A_964 = tpu.memref_slice %arg4[%mul3A_56, %dma_wait3A_963] : memref<5120x64xi32, #tpu.memory_space<hbm>> -> memref<32x64xi32, #tpu.memory_space<hbm>>
      %dma_wait3A_965 = arith.constant 0 : i32
      %dma_wait3A_966 = arith.constant 0 : i32
      %dma_wait3A_967 = tpu.memref_slice %arg7[%run_scoped3A_58, %dma_wait3A_965, %dma_wait3A_966] : memref<2x32x64xi32, #tpu.memory_space<vmem>> -> memref<1x32x64xi32, #tpu.memory_space<vmem>>
      %dma_wait3A_968 = tpu.memref_squeeze %dma_wait3A_967 : memref<1x32x64xi32, #tpu.memory_space<vmem>> -> memref<32x64xi32, #tpu.memory_space<vmem>>
      %dma_wait3A_969 = arith.constant 0 : i32
      %dma_wait3A_970 = tpu.memref_slice %arg4[%mul3A_56, %dma_wait3A_969] : memref<5120x64xi32, #tpu.memory_space<hbm>> -> memref<32x64xi32, #tpu.memory_space<hbm>>
      tpu.wait_dma2 semaphore(%run_scoped3A_946 : memref<!tpu.dma_semaphore, #tpu.memory_space<semaphore_mem>>) src(%dma_wait3A_970 : memref<32x64xi32, #tpu.memory_space<hbm>>) dst(%dma_wait3A_968 : memref<32x64xi32, #tpu.memory_space<vmem>>)
      tpu.yield
    }) : () -> ()
    %add3A_59 = arith.constant 32 : i32
    %add3A_60 = arith.addi %mul3A_56, %add3A_59 : i32
    %dma_start3A = arith.constant 1 : i32
    %dma_start3A_61 = arith.constant 0 : i32
    %dma_start3A_62 = arith.constant 0 : i32
    %dma_start3A_63 = tpu.memref_slice %arg6[%dma_start3A, %dma_start3A_61, %dma_start3A_62] : memref<2x32x64xi32, #tpu.memory_space<vmem>> -> memref<1x32x64xi32, #tpu.memory_space<vmem>>
    %dma_start3A_64 = tpu.memref_squeeze %dma_start3A_63 : memref<1x32x64xi32, #tpu.memory_space<vmem>> -> memref<32x64xi32, #tpu.memory_space<vmem>>
    %dma_start3A_65 = arith.constant 0 : i32
    %dma_start3A_66 = tpu.memref_slice %arg3[%add3A_60, %dma_start3A_65] : memref<5120x64xi32, #tpu.memory_space<hbm>> -> memref<32x64xi32, #tpu.memory_space<hbm>>
    %dma_start3A_67 = arith.constant 0 : i32
    %dma_start3A_68 = arith.constant 0 : i32
    %dma_start3A_69 = tpu.memref_slice %arg6[%dma_start3A, %dma_start3A_67, %dma_start3A_68] : memref<2x32x64xi32, #tpu.memory_space<vmem>> -> memref<1x32x64xi32, #tpu.memory_space<vmem>>
    %dma_start3A_70 = tpu.memref_squeeze %dma_start3A_69 : memref<1x32x64xi32, #tpu.memory_space<vmem>> -> memref<32x64xi32, #tpu.memory_space<vmem>>
    %dma_start3A_71 = arith.constant 0 : i32
    %dma_start3A_72 = tpu.memref_slice %arg3[%add3A_60, %dma_start3A_71] : memref<5120x64xi32, #tpu.memory_space<hbm>> -> memref<32x64xi32, #tpu.memory_space<hbm>>
    tpu.enqueue_dma source(%dma_start3A_72 : memref<32x64xi32, #tpu.memory_space<hbm>>) target(%dma_start3A_70 : memref<32x64xi32, #tpu.memory_space<vmem>>) target_semaphore(%arg14 : memref<!tpu.dma_semaphore, #tpu.memory_space<semaphore_mem>>)
    %add3A_73 = arith.constant 32 : i32
    %add3A_74 = arith.addi %mul3A_56, %add3A_73 : i32
    %dma_start3A_75 = arith.constant 1 : i32
    %dma_start3A_76 = arith.constant 0 : i32
    %dma_start3A_77 = arith.constant 0 : i32
    %dma_start3A_78 = tpu.memref_slice %arg7[%dma_start3A_75, %dma_start3A_76, %dma_start3A_77] : memref<2x32x64xi32, #tpu.memory_space<vmem>> -> memref<1x32x64xi32, #tpu.memory_space<vmem>>
    %dma_start3A_79 = tpu.memref_squeeze %dma_start3A_78 : memref<1x32x64xi32, #tpu.memory_space<vmem>> -> memref<32x64xi32, #tpu.memory_space<vmem>>
    %dma_start3A_80 = arith.constant 0 : i32
    %dma_start3A_81 = tpu.memref_slice %arg4[%add3A_74, %dma_start3A_80] : memref<5120x64xi32, #tpu.memory_space<hbm>> -> memref<32x64xi32, #tpu.memory_space<hbm>>
    %dma_start3A_82 = arith.constant 0 : i32
    %dma_start3A_83 = arith.constant 0 : i32
    %dma_start3A_84 = tpu.memref_slice %arg7[%dma_start3A_75, %dma_start3A_82, %dma_start3A_83] : memref<2x32x64xi32, #tpu.memory_space<vmem>> -> memref<1x32x64xi32, #tpu.memory_space<vmem>>
    %dma_start3A_85 = tpu.memref_squeeze %dma_start3A_84 : memref<1x32x64xi32, #tpu.memory_space<vmem>> -> memref<32x64xi32, #tpu.memory_space<vmem>>
    %dma_start3A_86 = arith.constant 0 : i32
    %dma_start3A_87 = tpu.memref_slice %arg4[%add3A_74, %dma_start3A_86] : memref<5120x64xi32, #tpu.memory_space<hbm>> -> memref<32x64xi32, #tpu.memory_space<hbm>>
    tpu.enqueue_dma source(%dma_start3A_87 : memref<32x64xi32, #tpu.memory_space<hbm>>) target(%dma_start3A_85 : memref<32x64xi32, #tpu.memory_space<vmem>>) target_semaphore(%arg14 : memref<!tpu.dma_semaphore, #tpu.memory_space<semaphore_mem>>)
    %dma_start3A_88 = arith.constant 0 : i32
    %dma_start3A_89 = arith.constant 0 : i32
    %dma_start3A_90 = arith.constant 0 : i32
    %dma_start3A_91 = arith.constant 0 : i32
    %dma_start3A_92 = arith.constant 0 : i32
    %dma_start3A_93 = tpu.memref_slice %arg8[%dma_start3A_90, %dma_start3A_91, %dma_start3A_92] : memref<4x64x128xf32, #tpu.memory_space<vmem>> -> memref<1x64x128xf32, #tpu.memory_space<vmem>>
    %dma_start3A_94 = tpu.memref_squeeze %dma_start3A_93 : memref<1x64x128xf32, #tpu.memory_space<vmem>> -> memref<64x128xf32, #tpu.memory_space<vmem>>
    %dma_start3A_95 = arith.constant 0 : i32
    %dma_start3A_96 = tpu.memref_slice %arg6[%dma_start3A_88, %dma_start3A_89, %dma_start3A_95] : memref<2x32x64xi32, #tpu.memory_space<vmem>> -> memref<1x1x64xi32, #tpu.memory_space<vmem>>
    %dma_start3A_97 = tpu.memref_squeeze %dma_start3A_96 : memref<1x1x64xi32, #tpu.memory_space<vmem>> -> memref<64xi32, #tpu.memory_space<vmem>>
    %dma_start3A_98 = arith.constant 0 : i32
    %dma_start3A_99 = arith.constant 0 : i32
    %dma_start3A_100 = tpu.memref_slice %arg2[%dma_start3A_98, %dma_start3A_99] : memref<10240x128xf32, #tpu.memory_space<hbm>> -> memref<10240x128xf32, #tpu.memory_space<hbm>>
    tpu.enqueue_indirect_dma source(%dma_start3A_100 : memref<10240x128xf32, #tpu.memory_space<hbm>>) target(%dma_start3A_94 : memref<64x128xf32, #tpu.memory_space<vmem>>) offsets(%dma_start3A_97 : memref<64xi32, #tpu.memory_space<vmem>>) semaphore(%arg10 : memref<!tpu.dma_semaphore, #tpu.memory_space<semaphore_mem>>)
    %dma_start3A_101 = arith.constant 0 : i32
    %dma_start3A_102 = arith.constant 1 : i32
    %dma_start3A_103 = arith.constant 1 : i32
    %dma_start3A_104 = arith.constant 0 : i32
    %dma_start3A_105 = arith.constant 0 : i32
    %dma_start3A_106 = tpu.memref_slice %arg8[%dma_start3A_103, %dma_start3A_104, %dma_start3A_105] : memref<4x64x128xf32, #tpu.memory_space<vmem>> -> memref<1x64x128xf32, #tpu.memory_space<vmem>>
    %dma_start3A_107 = tpu.memref_squeeze %dma_start3A_106 : memref<1x64x128xf32, #tpu.memory_space<vmem>> -> memref<64x128xf32, #tpu.memory_space<vmem>>
    %dma_start3A_108 = arith.constant 0 : i32
    %dma_start3A_109 = tpu.memref_slice %arg6[%dma_start3A_101, %dma_start3A_102, %dma_start3A_108] : memref<2x32x64xi32, #tpu.memory_space<vmem>> -> memref<1x1x64xi32, #tpu.memory_space<vmem>>
    %dma_start3A_110 = tpu.memref_squeeze %dma_start3A_109 : memref<1x1x64xi32, #tpu.memory_space<vmem>> -> memref<64xi32, #tpu.memory_space<vmem>>
    %dma_start3A_111 = arith.constant 0 : i32
    %dma_start3A_112 = arith.constant 0 : i32
    %dma_start3A_113 = tpu.memref_slice %arg2[%dma_start3A_111, %dma_start3A_112] : memref<10240x128xf32, #tpu.memory_space<hbm>> -> memref<10240x128xf32, #tpu.memory_space<hbm>>
    tpu.enqueue_indirect_dma source(%dma_start3A_113 : memref<10240x128xf32, #tpu.memory_space<hbm>>) target(%dma_start3A_107 : memref<64x128xf32, #tpu.memory_space<vmem>>) offsets(%dma_start3A_110 : memref<64xi32, #tpu.memory_space<vmem>>) semaphore(%arg11 : memref<!tpu.dma_semaphore, #tpu.memory_space<semaphore_mem>>)
    %dma_start3A_114 = arith.constant 0 : i32
    %dma_start3A_115 = arith.constant 2 : i32
    %dma_start3A_116 = arith.constant 2 : i32
    %dma_start3A_117 = arith.constant 0 : i32
    %dma_start3A_118 = arith.constant 0 : i32
    %dma_start3A_119 = tpu.memref_slice %arg8[%dma_start3A_116, %dma_start3A_117, %dma_start3A_118] : memref<4x64x128xf32, #tpu.memory_space<vmem>> -> memref<1x64x128xf32, #tpu.memory_space<vmem>>
    %dma_start3A_120 = tpu.memref_squeeze %dma_start3A_119 : memref<1x64x128xf32, #tpu.memory_space<vmem>> -> memref<64x128xf32, #tpu.memory_space<vmem>>
    %dma_start3A_121 = arith.constant 0 : i32
    %dma_start3A_122 = tpu.memref_slice %arg6[%dma_start3A_114, %dma_start3A_115, %dma_start3A_121] : memref<2x32x64xi32, #tpu.memory_space<vmem>> -> memref<1x1x64xi32, #tpu.memory_space<vmem>>
    %dma_start3A_123 = tpu.memref_squeeze %dma_start3A_122 : memref<1x1x64xi32, #tpu.memory_space<vmem>> -> memref<64xi32, #tpu.memory_space<vmem>>
    %dma_start3A_124 = arith.constant 0 : i32
    %dma_start3A_125 = arith.constant 0 : i32
    %dma_start3A_126 = tpu.memref_slice %arg2[%dma_start3A_124, %dma_start3A_125] : memref<10240x128xf32, #tpu.memory_space<hbm>> -> memref<10240x128xf32, #tpu.memory_space<hbm>>
    tpu.enqueue_indirect_dma source(%dma_start3A_126 : memref<10240x128xf32, #tpu.memory_space<hbm>>) target(%dma_start3A_120 : memref<64x128xf32, #tpu.memory_space<vmem>>) offsets(%dma_start3A_123 : memref<64xi32, #tpu.memory_space<vmem>>) semaphore(%arg12 : memref<!tpu.dma_semaphore, #tpu.memory_space<semaphore_mem>>)
    %dma_start3A_127 = arith.constant 0 : i32
    %dma_start3A_128 = arith.constant 3 : i32
    %dma_start3A_129 = arith.constant 3 : i32
    %dma_start3A_130 = arith.constant 0 : i32
    %dma_start3A_131 = arith.constant 0 : i32
    %dma_start3A_132 = tpu.memref_slice %arg8[%dma_start3A_129, %dma_start3A_130, %dma_start3A_131] : memref<4x64x128xf32, #tpu.memory_space<vmem>> -> memref<1x64x128xf32, #tpu.memory_space<vmem>>
    %dma_start3A_133 = tpu.memref_squeeze %dma_start3A_132 : memref<1x64x128xf32, #tpu.memory_space<vmem>> -> memref<64x128xf32, #tpu.memory_space<vmem>>
    %dma_start3A_134 = arith.constant 0 : i32
    %dma_start3A_135 = tpu.memref_slice %arg6[%dma_start3A_127, %dma_start3A_128, %dma_start3A_134] : memref<2x32x64xi32, #tpu.memory_space<vmem>> -> memref<1x1x64xi32, #tpu.memory_space<vmem>>
    %dma_start3A_136 = tpu.memref_squeeze %dma_start3A_135 : memref<1x1x64xi32, #tpu.memory_space<vmem>> -> memref<64xi32, #tpu.memory_space<vmem>>
    %dma_start3A_137 = arith.constant 0 : i32
    %dma_start3A_138 = arith.constant 0 : i32
    %dma_start3A_139 = tpu.memref_slice %arg2[%dma_start3A_137, %dma_start3A_138] : memref<10240x128xf32, #tpu.memory_space<hbm>> -> memref<10240x128xf32, #tpu.memory_space<hbm>>
    tpu.enqueue_indirect_dma source(%dma_start3A_139 : memref<10240x128xf32, #tpu.memory_space<hbm>>) target(%dma_start3A_133 : memref<64x128xf32, #tpu.memory_space<vmem>>) offsets(%dma_start3A_136 : memref<64xi32, #tpu.memory_space<vmem>>) semaphore(%arg13 : memref<!tpu.dma_semaphore, #tpu.memory_space<semaphore_mem>>)
    %scan3A_140 = arith.constant 0 : i32
    %scan3A_141 = arith.constant 0 : i32
    %scan3A_142 = arith.constant 7 : i32
    %scan3A_143 = arith.addi %scan3A_141, %scan3A_142 : i32
    %scan3A_144 = arith.constant 1 : i32
    scf.for %scan3A_946 = %scan3A_141 to %scan3A_143 step %scan3A_144  : i32 {
      %mul3A_947 = arith.constant 4 : i32
      %mul3A_948 = arith.muli %mul3A_947, %scan3A_946 : i32
      %dma_wait3A_949 = arith.constant 0 : i32
      %dma_wait3A_950 = arith.constant 0 : i32
      %dma_wait3A_951 = arith.constant 0 : i32
      %dma_wait3A_952 = tpu.memref_slice %arg8[%dma_wait3A_949, %dma_wait3A_950, %dma_wait3A_951] : memref<4x64x128xf32, #tpu.memory_space<vmem>> -> memref<1x64x128xf32, #tpu.memory_space<vmem>>
      %dma_wait3A_953 = tpu.memref_squeeze %dma_wait3A_952 : memref<1x64x128xf32, #tpu.memory_space<vmem>> -> memref<64x128xf32, #tpu.memory_space<vmem>>
      %dma_wait3A_954 = arith.constant 0 : i32
      %dma_wait3A_955 = arith.constant 0 : i32
      %dma_wait3A_956 = tpu.memref_slice %arg2[%dma_wait3A_954, %dma_wait3A_955] : memref<10240x128xf32, #tpu.memory_space<hbm>> -> memref<64x128xf32, #tpu.memory_space<hbm>>
      %dma_wait3A_957 = arith.constant 0 : i32
      %dma_wait3A_958 = arith.constant 0 : i32
      %dma_wait3A_959 = tpu.memref_slice %arg8[%dma_wait3A_949, %dma_wait3A_957, %dma_wait3A_958] : memref<4x64x128xf32, #tpu.memory_space<vmem>> -> memref<1x64x128xf32, #tpu.memory_space<vmem>>
      %dma_wait3A_960 = tpu.memref_squeeze %dma_wait3A_959 : memref<1x64x128xf32, #tpu.memory_space<vmem>> -> memref<64x128xf32, #tpu.memory_space<vmem>>
      %dma_wait3A_961 = arith.constant 0 : i32
      %dma_wait3A_962 = arith.constant 0 : i32
      %dma_wait3A_963 = tpu.memref_slice %arg2[%dma_wait3A_961, %dma_wait3A_962] : memref<10240x128xf32, #tpu.memory_space<hbm>> -> memref<64x128xf32, #tpu.memory_space<hbm>>
      tpu.wait_dma2 semaphore(%arg10 : memref<!tpu.dma_semaphore, #tpu.memory_space<semaphore_mem>>) src(%dma_wait3A_963 : memref<64x128xf32, #tpu.memory_space<hbm>>) dst(%dma_wait3A_960 : memref<64x128xf32, #tpu.memory_space<vmem>>)
      %add3A_964 = arith.constant 0 : i32
      %add3A_965 = arith.addi %mul3A_948, %add3A_964 : i32
      %run_scoped3A_966 = arith.constant 0 : i32
      %run_scoped3A_967 = arith.constant 0 : i32
      "tpu.region"() ({
        %run_scoped3A_1089 = tpu.sem_alloc : memref<!tpu.dma_semaphore, #tpu.memory_space<semaphore_mem>>
        %dma_start3A_1090 = arith.constant 0 : i32
        %dma_start3A_1091 = arith.constant 0 : i32
        %dma_start3A_1092 = tpu.memref_slice %arg8[%run_scoped3A_966, %dma_start3A_1090, %dma_start3A_1091] : memref<4x64x128xf32, #tpu.memory_space<vmem>> -> memref<1x64x128xf32, #tpu.memory_space<vmem>>
        %dma_start3A_1093 = tpu.memref_squeeze %dma_start3A_1092 : memref<1x64x128xf32, #tpu.memory_space<vmem>> -> memref<64x128xf32, #tpu.memory_space<vmem>>
        %dma_start3A_1094 = arith.constant 0 : i32
        %dma_start3A_1095 = tpu.memref_slice %arg7[%run_scoped3A_967, %add3A_965, %dma_start3A_1094] : memref<2x32x64xi32, #tpu.memory_space<vmem>> -> memref<1x1x64xi32, #tpu.memory_space<vmem>>
        %dma_start3A_1096 = tpu.memref_squeeze %dma_start3A_1095 : memref<1x1x64xi32, #tpu.memory_space<vmem>> -> memref<64xi32, #tpu.memory_space<vmem>>
        %dma_start3A_1097 = arith.constant 0 : i32
        %dma_start3A_1098 = arith.constant 0 : i32
        %dma_start3A_1099 = tpu.memref_slice %arg9[%dma_start3A_1097, %dma_start3A_1098] : memref<10240x128xf32, #tpu.memory_space<vmem_shared>> -> memref<10240x128xf32, #tpu.memory_space<vmem_shared>>
        tpu.enqueue_indirect_dma source(%dma_start3A_1093 : memref<64x128xf32, #tpu.memory_space<vmem>>) target(%dma_start3A_1099 : memref<10240x128xf32, #tpu.memory_space<vmem_shared>>) offsets(%dma_start3A_1096 : memref<64xi32, #tpu.memory_space<vmem>>) semaphore(%run_scoped3A_1089 : memref<!tpu.dma_semaphore, #tpu.memory_space<semaphore_mem>>) {add = true}
        %dma_wait3A_1100 = arith.constant 0 : i32
        %dma_wait3A_1101 = arith.constant 0 : i32
        %dma_wait3A_1102 = tpu.memref_slice %arg8[%run_scoped3A_966, %dma_wait3A_1100, %dma_wait3A_1101] : memref<4x64x128xf32, #tpu.memory_space<vmem>> -> memref<1x64x128xf32, #tpu.memory_space<vmem>>
        %dma_wait3A_1103 = tpu.memref_squeeze %dma_wait3A_1102 : memref<1x64x128xf32, #tpu.memory_space<vmem>> -> memref<64x128xf32, #tpu.memory_space<vmem>>
        %dma_wait3A_1104 = arith.constant 0 : i32
        %dma_wait3A_1105 = tpu.memref_slice %arg7[%run_scoped3A_967, %add3A_965, %dma_wait3A_1104] : memref<2x32x64xi32, #tpu.memory_space<vmem>> -> memref<1x1x64xi32, #tpu.memory_space<vmem>>
        %dma_wait3A_1106 = tpu.memref_squeeze %dma_wait3A_1105 : memref<1x1x64xi32, #tpu.memory_space<vmem>> -> memref<64xi32, #tpu.memory_space<vmem>>
        %dma_wait3A_1107 = arith.constant 0 : i32
        %dma_wait3A_1108 = arith.constant 0 : i32
        %dma_wait3A_1109 = tpu.memref_slice %arg9[%dma_wait3A_1107, %dma_wait3A_1108] : memref<10240x128xf32, #tpu.memory_space<vmem_shared>> -> memref<10240x128xf32, #tpu.memory_space<vmem_shared>>
        tpu.wait_indirect_dma semaphore(%run_scoped3A_1089 : memref<!tpu.dma_semaphore, #tpu.memory_space<semaphore_mem>>) src(%dma_wait3A_1103 : memref<64x128xf32, #tpu.memory_space<vmem>>) dst(%dma_wait3A_1109 : memref<10240x128xf32, #tpu.memory_space<vmem_shared>>)
        tpu.yield
      }) : () -> ()
      %add3A_968 = arith.constant 4 : i32
      %add3A_969 = arith.addi %mul3A_948, %add3A_968 : i32
      %add3A_970 = arith.constant 0 : i32
      %add3A_971 = arith.addi %add3A_969, %add3A_970 : i32
      %dma_start3A_972 = arith.constant 0 : i32
      %dma_start3A_973 = arith.constant 0 : i32
      %dma_start3A_974 = arith.constant 0 : i32
      %dma_start3A_975 = arith.constant 0 : i32
      %dma_start3A_976 = tpu.memref_slice %arg8[%dma_start3A_973, %dma_start3A_974, %dma_start3A_975] : memref<4x64x128xf32, #tpu.memory_space<vmem>> -> memref<1x64x128xf32, #tpu.memory_space<vmem>>
      %dma_start3A_977 = tpu.memref_squeeze %dma_start3A_976 : memref<1x64x128xf32, #tpu.memory_space<vmem>> -> memref<64x128xf32, #tpu.memory_space<vmem>>
      %dma_start3A_978 = arith.constant 0 : i32
      %dma_start3A_979 = tpu.memref_slice %arg6[%dma_start3A_972, %add3A_971, %dma_start3A_978] : memref<2x32x64xi32, #tpu.memory_space<vmem>> -> memref<1x1x64xi32, #tpu.memory_space<vmem>>
      %dma_start3A_980 = tpu.memref_squeeze %dma_start3A_979 : memref<1x1x64xi32, #tpu.memory_space<vmem>> -> memref<64xi32, #tpu.memory_space<vmem>>
      %dma_start3A_981 = arith.constant 0 : i32
      %dma_start3A_982 = arith.constant 0 : i32
      %dma_start3A_983 = tpu.memref_slice %arg2[%dma_start3A_981, %dma_start3A_982] : memref<10240x128xf32, #tpu.memory_space<hbm>> -> memref<10240x128xf32, #tpu.memory_space<hbm>>
      tpu.enqueue_indirect_dma source(%dma_start3A_983 : memref<10240x128xf32, #tpu.memory_space<hbm>>) target(%dma_start3A_977 : memref<64x128xf32, #tpu.memory_space<vmem>>) offsets(%dma_start3A_980 : memref<64xi32, #tpu.memory_space<vmem>>) semaphore(%arg10 : memref<!tpu.dma_semaphore, #tpu.memory_space<semaphore_mem>>)
      %dma_wait3A_984 = arith.constant 1 : i32
      %dma_wait3A_985 = arith.constant 0 : i32
      %dma_wait3A_986 = arith.constant 0 : i32
      %dma_wait3A_987 = tpu.memref_slice %arg8[%dma_wait3A_984, %dma_wait3A_985, %dma_wait3A_986] : memref<4x64x128xf32, #tpu.memory_space<vmem>> -> memref<1x64x128xf32, #tpu.memory_space<vmem>>
      %dma_wait3A_988 = tpu.memref_squeeze %dma_wait3A_987 : memref<1x64x128xf32, #tpu.memory_space<vmem>> -> memref<64x128xf32, #tpu.memory_space<vmem>>
      %dma_wait3A_989 = arith.constant 0 : i32
      %dma_wait3A_990 = arith.constant 0 : i32
      %dma_wait3A_991 = tpu.memref_slice %arg2[%dma_wait3A_989, %dma_wait3A_990] : memref<10240x128xf32, #tpu.memory_space<hbm>> -> memref<64x128xf32, #tpu.memory_space<hbm>>
      %dma_wait3A_992 = arith.constant 0 : i32
      %dma_wait3A_993 = arith.constant 0 : i32
      %dma_wait3A_994 = tpu.memref_slice %arg8[%dma_wait3A_984, %dma_wait3A_992, %dma_wait3A_993] : memref<4x64x128xf32, #tpu.memory_space<vmem>> -> memref<1x64x128xf32, #tpu.memory_space<vmem>>
      %dma_wait3A_995 = tpu.memref_squeeze %dma_wait3A_994 : memref<1x64x128xf32, #tpu.memory_space<vmem>> -> memref<64x128xf32, #tpu.memory_space<vmem>>
      %dma_wait3A_996 = arith.constant 0 : i32
      %dma_wait3A_997 = arith.constant 0 : i32
      %dma_wait3A_998 = tpu.memref_slice %arg2[%dma_wait3A_996, %dma_wait3A_997] : memref<10240x128xf32, #tpu.memory_space<hbm>> -> memref<64x128xf32, #tpu.memory_space<hbm>>
      tpu.wait_dma2 semaphore(%arg11 : memref<!tpu.dma_semaphore, #tpu.memory_space<semaphore_mem>>) src(%dma_wait3A_998 : memref<64x128xf32, #tpu.memory_space<hbm>>) dst(%dma_wait3A_995 : memref<64x128xf32, #tpu.memory_space<vmem>>)
      %add3A_999 = arith.constant 1 : i32
      %add3A_1000 = arith.addi %mul3A_948, %add3A_999 : i32
      %run_scoped3A_1001 = arith.constant 1 : i32
      %run_scoped3A_1002 = arith.constant 0 : i32
      "tpu.region"() ({
        %run_scoped3A_1089 = tpu.sem_alloc : memref<!tpu.dma_semaphore, #tpu.memory_space<semaphore_mem>>
        %dma_start3A_1090 = arith.constant 0 : i32
        %dma_start3A_1091 = arith.constant 0 : i32
        %dma_start3A_1092 = tpu.memref_slice %arg8[%run_scoped3A_1001, %dma_start3A_1090, %dma_start3A_1091] : memref<4x64x128xf32, #tpu.memory_space<vmem>> -> memref<1x64x128xf32, #tpu.memory_space<vmem>>
        %dma_start3A_1093 = tpu.memref_squeeze %dma_start3A_1092 : memref<1x64x128xf32, #tpu.memory_space<vmem>> -> memref<64x128xf32, #tpu.memory_space<vmem>>
        %dma_start3A_1094 = arith.constant 0 : i32
        %dma_start3A_1095 = tpu.memref_slice %arg7[%run_scoped3A_1002, %add3A_1000, %dma_start3A_1094] : memref<2x32x64xi32, #tpu.memory_space<vmem>> -> memref<1x1x64xi32, #tpu.memory_space<vmem>>
        %dma_start3A_1096 = tpu.memref_squeeze %dma_start3A_1095 : memref<1x1x64xi32, #tpu.memory_space<vmem>> -> memref<64xi32, #tpu.memory_space<vmem>>
        %dma_start3A_1097 = arith.constant 0 : i32
        %dma_start3A_1098 = arith.constant 0 : i32
        %dma_start3A_1099 = tpu.memref_slice %arg9[%dma_start3A_1097, %dma_start3A_1098] : memref<10240x128xf32, #tpu.memory_space<vmem_shared>> -> memref<10240x128xf32, #tpu.memory_space<vmem_shared>>
        tpu.enqueue_indirect_dma source(%dma_start3A_1093 : memref<64x128xf32, #tpu.memory_space<vmem>>) target(%dma_start3A_1099 : memref<10240x128xf32, #tpu.memory_space<vmem_shared>>) offsets(%dma_start3A_1096 : memref<64xi32, #tpu.memory_space<vmem>>) semaphore(%run_scoped3A_1089 : memref<!tpu.dma_semaphore, #tpu.memory_space<semaphore_mem>>) {add = true}
        %dma_wait3A_1100 = arith.constant 0 : i32
        %dma_wait3A_1101 = arith.constant 0 : i32
        %dma_wait3A_1102 = tpu.memref_slice %arg8[%run_scoped3A_1001, %dma_wait3A_1100, %dma_wait3A_1101] : memref<4x64x128xf32, #tpu.memory_space<vmem>> -> memref<1x64x128xf32, #tpu.memory_space<vmem>>
        %dma_wait3A_1103 = tpu.memref_squeeze %dma_wait3A_1102 : memref<1x64x128xf32, #tpu.memory_space<vmem>> -> memref<64x128xf32, #tpu.memory_space<vmem>>
        %dma_wait3A_1104 = arith.constant 0 : i32
        %dma_wait3A_1105 = tpu.memref_slice %arg7[%run_scoped3A_1002, %add3A_1000, %dma_wait3A_1104] : memref<2x32x64xi32, #tpu.memory_space<vmem>> -> memref<1x1x64xi32, #tpu.memory_space<vmem>>
        %dma_wait3A_1106 = tpu.memref_squeeze %dma_wait3A_1105 : memref<1x1x64xi32, #tpu.memory_space<vmem>> -> memref<64xi32, #tpu.memory_space<vmem>>
        %dma_wait3A_1107 = arith.constant 0 : i32
        %dma_wait3A_1108 = arith.constant 0 : i32
        %dma_wait3A_1109 = tpu.memref_slice %arg9[%dma_wait3A_1107, %dma_wait3A_1108] : memref<10240x128xf32, #tpu.memory_space<vmem_shared>> -> memref<10240x128xf32, #tpu.memory_space<vmem_shared>>
        tpu.wait_indirect_dma semaphore(%run_scoped3A_1089 : memref<!tpu.dma_semaphore, #tpu.memory_space<semaphore_mem>>) src(%dma_wait3A_1103 : memref<64x128xf32, #tpu.memory_space<vmem>>) dst(%dma_wait3A_1109 : memref<10240x128xf32, #tpu.memory_space<vmem_shared>>)
        tpu.yield
      }) : () -> ()
      %add3A_1003 = arith.constant 4 : i32
      %add3A_1004 = arith.addi %mul3A_948, %add3A_1003 : i32
      %add3A_1005 = arith.constant 1 : i32
      %add3A_1006 = arith.addi %add3A_1004, %add3A_1005 : i32
      %dma_start3A_1007 = arith.constant 0 : i32
      %dma_start3A_1008 = arith.constant 1 : i32
      %dma_start3A_1009 = arith.constant 0 : i32
      %dma_start3A_1010 = arith.constant 0 : i32
      %dma_start3A_1011 = tpu.memref_slice %arg8[%dma_start3A_1008, %dma_start3A_1009, %dma_start3A_1010] : memref<4x64x128xf32, #tpu.memory_space<vmem>> -> memref<1x64x128xf32, #tpu.memory_space<vmem>>
      %dma_start3A_1012 = tpu.memref_squeeze %dma_start3A_1011 : memref<1x64x128xf32, #tpu.memory_space<vmem>> -> memref<64x128xf32, #tpu.memory_space<vmem>>
      %dma_start3A_1013 = arith.constant 0 : i32
      %dma_start3A_1014 = tpu.memref_slice %arg6[%dma_start3A_1007, %add3A_1006, %dma_start3A_1013] : memref<2x32x64xi32, #tpu.memory_space<vmem>> -> memref<1x1x64xi32, #tpu.memory_space<vmem>>
      %dma_start3A_1015 = tpu.memref_squeeze %dma_start3A_1014 : memref<1x1x64xi32, #tpu.memory_space<vmem>> -> memref<64xi32, #tpu.memory_space<vmem>>
      %dma_start3A_1016 = arith.constant 0 : i32
      %dma_start3A_1017 = arith.constant 0 : i32
      %dma_start3A_1018 = tpu.memref_slice %arg2[%dma_start3A_1016, %dma_start3A_1017] : memref<10240x128xf32, #tpu.memory_space<hbm>> -> memref<10240x128xf32, #tpu.memory_space<hbm>>
      tpu.enqueue_indirect_dma source(%dma_start3A_1018 : memref<10240x128xf32, #tpu.memory_space<hbm>>) target(%dma_start3A_1012 : memref<64x128xf32, #tpu.memory_space<vmem>>) offsets(%dma_start3A_1015 : memref<64xi32, #tpu.memory_space<vmem>>) semaphore(%arg11 : memref<!tpu.dma_semaphore, #tpu.memory_space<semaphore_mem>>)
      %dma_wait3A_1019 = arith.constant 2 : i32
      %dma_wait3A_1020 = arith.constant 0 : i32
      %dma_wait3A_1021 = arith.constant 0 : i32
      %dma_wait3A_1022 = tpu.memref_slice %arg8[%dma_wait3A_1019, %dma_wait3A_1020, %dma_wait3A_1021] : memref<4x64x128xf32, #tpu.memory_space<vmem>> -> memref<1x64x128xf32, #tpu.memory_space<vmem>>
      %dma_wait3A_1023 = tpu.memref_squeeze %dma_wait3A_1022 : memref<1x64x128xf32, #tpu.memory_space<vmem>> -> memref<64x128xf32, #tpu.memory_space<vmem>>
      %dma_wait3A_1024 = arith.constant 0 : i32
      %dma_wait3A_1025 = arith.constant 0 : i32
      %dma_wait3A_1026 = tpu.memref_slice %arg2[%dma_wait3A_1024, %dma_wait3A_1025] : memref<10240x128xf32, #tpu.memory_space<hbm>> -> memref<64x128xf32, #tpu.memory_space<hbm>>
      %dma_wait3A_1027 = arith.constant 0 : i32
      %dma_wait3A_1028 = arith.constant 0 : i32
      %dma_wait3A_1029 = tpu.memref_slice %arg8[%dma_wait3A_1019, %dma_wait3A_1027, %dma_wait3A_1028] : memref<4x64x128xf32, #tpu.memory_space<vmem>> -> memref<1x64x128xf32, #tpu.memory_space<vmem>>
      %dma_wait3A_1030 = tpu.memref_squeeze %dma_wait3A_1029 : memref<1x64x128xf32, #tpu.memory_space<vmem>> -> memref<64x128xf32, #tpu.memory_space<vmem>>
      %dma_wait3A_1031 = arith.constant 0 : i32
      %dma_wait3A_1032 = arith.constant 0 : i32
      %dma_wait3A_1033 = tpu.memref_slice %arg2[%dma_wait3A_1031, %dma_wait3A_1032] : memref<10240x128xf32, #tpu.memory_space<hbm>> -> memref<64x128xf32, #tpu.memory_space<hbm>>
      tpu.wait_dma2 semaphore(%arg12 : memref<!tpu.dma_semaphore, #tpu.memory_space<semaphore_mem>>) src(%dma_wait3A_1033 : memref<64x128xf32, #tpu.memory_space<hbm>>) dst(%dma_wait3A_1030 : memref<64x128xf32, #tpu.memory_space<vmem>>)
      %add3A_1034 = arith.constant 2 : i32
      %add3A_1035 = arith.addi %mul3A_948, %add3A_1034 : i32
      %run_scoped3A_1036 = arith.constant 2 : i32
      %run_scoped3A_1037 = arith.constant 0 : i32
      "tpu.region"() ({
        %run_scoped3A_1089 = tpu.sem_alloc : memref<!tpu.dma_semaphore, #tpu.memory_space<semaphore_mem>>
        %dma_start3A_1090 = arith.constant 0 : i32
        %dma_start3A_1091 = arith.constant 0 : i32
        %dma_start3A_1092 = tpu.memref_slice %arg8[%run_scoped3A_1036, %dma_start3A_1090, %dma_start3A_1091] : memref<4x64x128xf32, #tpu.memory_space<vmem>> -> memref<1x64x128xf32, #tpu.memory_space<vmem>>
        %dma_start3A_1093 = tpu.memref_squeeze %dma_start3A_1092 : memref<1x64x128xf32, #tpu.memory_space<vmem>> -> memref<64x128xf32, #tpu.memory_space<vmem>>
        %dma_start3A_1094 = arith.constant 0 : i32
        %dma_start3A_1095 = tpu.memref_slice %arg7[%run_scoped3A_1037, %add3A_1035, %dma_start3A_1094] : memref<2x32x64xi32, #tpu.memory_space<vmem>> -> memref<1x1x64xi32, #tpu.memory_space<vmem>>
        %dma_start3A_1096 = tpu.memref_squeeze %dma_start3A_1095 : memref<1x1x64xi32, #tpu.memory_space<vmem>> -> memref<64xi32, #tpu.memory_space<vmem>>
        %dma_start3A_1097 = arith.constant 0 : i32
        %dma_start3A_1098 = arith.constant 0 : i32
        %dma_start3A_1099 = tpu.memref_slice %arg9[%dma_start3A_1097, %dma_start3A_1098] : memref<10240x128xf32, #tpu.memory_space<vmem_shared>> -> memref<10240x128xf32, #tpu.memory_space<vmem_shared>>
        tpu.enqueue_indirect_dma source(%dma_start3A_1093 : memref<64x128xf32, #tpu.memory_space<vmem>>) target(%dma_start3A_1099 : memref<10240x128xf32, #tpu.memory_space<vmem_shared>>) offsets(%dma_start3A_1096 : memref<64xi32, #tpu.memory_space<vmem>>) semaphore(%run_scoped3A_1089 : memref<!tpu.dma_semaphore, #tpu.memory_space<semaphore_mem>>) {add = true}
        %dma_wait3A_1100 = arith.constant 0 : i32
        %dma_wait3A_1101 = arith.constant 0 : i32
        %dma_wait3A_1102 = tpu.memref_slice %arg8[%run_scoped3A_1036, %dma_wait3A_1100, %dma_wait3A_1101] : memref<4x64x128xf32, #tpu.memory_space<vmem>> -> memref<1x64x128xf32, #tpu.memory_space<vmem>>
        %dma_wait3A_1103 = tpu.memref_squeeze %dma_wait3A_1102 : memref<1x64x128xf32, #tpu.memory_space<vmem>> -> memref<64x128xf32, #tpu.memory_space<vmem>>
        %dma_wait3A_1104 = arith.constant 0 : i32
        %dma_wait3A_1105 = tpu.memref_slice %arg7[%run_scoped3A_1037, %add3A_1035, %dma_wait3A_1104] : memref<2x32x64xi32, #tpu.memory_space<vmem>> -> memref<1x1x64xi32, #tpu.memory_space<vmem>>
        %dma_wait3A_1106 = tpu.memref_squeeze %dma_wait3A_1105 : memref<1x1x64xi32, #tpu.memory_space<vmem>> -> memref<64xi32, #tpu.memory_space<vmem>>
        %dma_wait3A_1107 = arith.constant 0 : i32
        %dma_wait3A_1108 = arith.constant 0 : i32
        %dma_wait3A_1109 = tpu.memref_slice %arg9[%dma_wait3A_1107, %dma_wait3A_1108] : memref<10240x128xf32, #tpu.memory_space<vmem_shared>> -> memref<10240x128xf32, #tpu.memory_space<vmem_shared>>
        tpu.wait_indirect_dma semaphore(%run_scoped3A_1089 : memref<!tpu.dma_semaphore, #tpu.memory_space<semaphore_mem>>) src(%dma_wait3A_1103 : memref<64x128xf32, #tpu.memory_space<vmem>>) dst(%dma_wait3A_1109 : memref<10240x128xf32, #tpu.memory_space<vmem_shared>>)
        tpu.yield
      }) : () -> ()
      %add3A_1038 = arith.constant 4 : i32
      %add3A_1039 = arith.addi %mul3A_948, %add3A_1038 : i32
      %add3A_1040 = arith.constant 2 : i32
      %add3A_1041 = arith.addi %add3A_1039, %add3A_1040 : i32
      %dma_start3A_1042 = arith.constant 0 : i32
      %dma_start3A_1043 = arith.constant 2 : i32
      %dma_start3A_1044 = arith.constant 0 : i32
      %dma_start3A_1045 = arith.constant 0 : i32
      %dma_start3A_1046 = tpu.memref_slice %arg8[%dma_start3A_1043, %dma_start3A_1044, %dma_start3A_1045] : memref<4x64x128xf32, #tpu.memory_space<vmem>> -> memref<1x64x128xf32, #tpu.memory_space<vmem>>
      %dma_start3A_1047 = tpu.memref_squeeze %dma_start3A_1046 : memref<1x64x128xf32, #tpu.memory_space<vmem>> -> memref<64x128xf32, #tpu.memory_space<vmem>>
      %dma_start3A_1048 = arith.constant 0 : i32
      %dma_start3A_1049 = tpu.memref_slice %arg6[%dma_start3A_1042, %add3A_1041, %dma_start3A_1048] : memref<2x32x64xi32, #tpu.memory_space<vmem>> -> memref<1x1x64xi32, #tpu.memory_space<vmem>>
      %dma_start3A_1050 = tpu.memref_squeeze %dma_start3A_1049 : memref<1x1x64xi32, #tpu.memory_space<vmem>> -> memref<64xi32, #tpu.memory_space<vmem>>
      %dma_start3A_1051 = arith.constant 0 : i32
      %dma_start3A_1052 = arith.constant 0 : i32
      %dma_start3A_1053 = tpu.memref_slice %arg2[%dma_start3A_1051, %dma_start3A_1052] : memref<10240x128xf32, #tpu.memory_space<hbm>> -> memref<10240x128xf32, #tpu.memory_space<hbm>>
      tpu.enqueue_indirect_dma source(%dma_start3A_1053 : memref<10240x128xf32, #tpu.memory_space<hbm>>) target(%dma_start3A_1047 : memref<64x128xf32, #tpu.memory_space<vmem>>) offsets(%dma_start3A_1050 : memref<64xi32, #tpu.memory_space<vmem>>) semaphore(%arg12 : memref<!tpu.dma_semaphore, #tpu.memory_space<semaphore_mem>>)
      %dma_wait3A_1054 = arith.constant 3 : i32
      %dma_wait3A_1055 = arith.constant 0 : i32
      %dma_wait3A_1056 = arith.constant 0 : i32
      %dma_wait3A_1057 = tpu.memref_slice %arg8[%dma_wait3A_1054, %dma_wait3A_1055, %dma_wait3A_1056] : memref<4x64x128xf32, #tpu.memory_space<vmem>> -> memref<1x64x128xf32, #tpu.memory_space<vmem>>
      %dma_wait3A_1058 = tpu.memref_squeeze %dma_wait3A_1057 : memref<1x64x128xf32, #tpu.memory_space<vmem>> -> memref<64x128xf32, #tpu.memory_space<vmem>>
      %dma_wait3A_1059 = arith.constant 0 : i32
      %dma_wait3A_1060 = arith.constant 0 : i32
      %dma_wait3A_1061 = tpu.memref_slice %arg2[%dma_wait3A_1059, %dma_wait3A_1060] : memref<10240x128xf32, #tpu.memory_space<hbm>> -> memref<64x128xf32, #tpu.memory_space<hbm>>
      %dma_wait3A_1062 = arith.constant 0 : i32
      %dma_wait3A_1063 = arith.constant 0 : i32
      %dma_wait3A_1064 = tpu.memref_slice %arg8[%dma_wait3A_1054, %dma_wait3A_1062, %dma_wait3A_1063] : memref<4x64x128xf32, #tpu.memory_space<vmem>> -> memref<1x64x128xf32, #tpu.memory_space<vmem>>
      %dma_wait3A_1065 = tpu.memref_squeeze %dma_wait3A_1064 : memref<1x64x128xf32, #tpu.memory_space<vmem>> -> memref<64x128xf32, #tpu.memory_space<vmem>>
      %dma_wait3A_1066 = arith.constant 0 : i32
      %dma_wait3A_1067 = arith.constant 0 : i32
      %dma_wait3A_1068 = tpu.memref_slice %arg2[%dma_wait3A_1066, %dma_wait3A_1067] : memref<10240x128xf32, #tpu.memory_space<hbm>> -> memref<64x128xf32, #tpu.memory_space<hbm>>
      tpu.wait_dma2 semaphore(%arg13 : memref<!tpu.dma_semaphore, #tpu.memory_space<semaphore_mem>>) src(%dma_wait3A_1068 : memref<64x128xf32, #tpu.memory_space<hbm>>) dst(%dma_wait3A_1065 : memref<64x128xf32, #tpu.memory_space<vmem>>)
      %add3A_1069 = arith.constant 3 : i32
      %add3A_1070 = arith.addi %mul3A_948, %add3A_1069 : i32
      %run_scoped3A_1071 = arith.constant 3 : i32
      %run_scoped3A_1072 = arith.constant 0 : i32
      "tpu.region"() ({
        %run_scoped3A_1089 = tpu.sem_alloc : memref<!tpu.dma_semaphore, #tpu.memory_space<semaphore_mem>>
        %dma_start3A_1090 = arith.constant 0 : i32
        %dma_start3A_1091 = arith.constant 0 : i32
        %dma_start3A_1092 = tpu.memref_slice %arg8[%run_scoped3A_1071, %dma_start3A_1090, %dma_start3A_1091] : memref<4x64x128xf32, #tpu.memory_space<vmem>> -> memref<1x64x128xf32, #tpu.memory_space<vmem>>
        %dma_start3A_1093 = tpu.memref_squeeze %dma_start3A_1092 : memref<1x64x128xf32, #tpu.memory_space<vmem>> -> memref<64x128xf32, #tpu.memory_space<vmem>>
        %dma_start3A_1094 = arith.constant 0 : i32
        %dma_start3A_1095 = tpu.memref_slice %arg7[%run_scoped3A_1072, %add3A_1070, %dma_start3A_1094] : memref<2x32x64xi32, #tpu.memory_space<vmem>> -> memref<1x1x64xi32, #tpu.memory_space<vmem>>
        %dma_start3A_1096 = tpu.memref_squeeze %dma_start3A_1095 : memref<1x1x64xi32, #tpu.memory_space<vmem>> -> memref<64xi32, #tpu.memory_space<vmem>>
        %dma_start3A_1097 = arith.constant 0 : i32
        %dma_start3A_1098 = arith.constant 0 : i32
        %dma_start3A_1099 = tpu.memref_slice %arg9[%dma_start3A_1097, %dma_start3A_1098] : memref<10240x128xf32, #tpu.memory_space<vmem_shared>> -> memref<10240x128xf32, #tpu.memory_space<vmem_shared>>
        tpu.enqueue_indirect_dma source(%dma_start3A_1093 : memref<64x128xf32, #tpu.memory_space<vmem>>) target(%dma_start3A_1099 : memref<10240x128xf32, #tpu.memory_space<vmem_shared>>) offsets(%dma_start3A_1096 : memref<64xi32, #tpu.memory_space<vmem>>) semaphore(%run_scoped3A_1089 : memref<!tpu.dma_semaphore, #tpu.memory_space<semaphore_mem>>) {add = true}
        %dma_wait3A_1100 = arith.constant 0 : i32
        %dma_wait3A_1101 = arith.constant 0 : i32
        %dma_wait3A_1102 = tpu.memref_slice %arg8[%run_scoped3A_1071, %dma_wait3A_1100, %dma_wait3A_1101] : memref<4x64x128xf32, #tpu.memory_space<vmem>> -> memref<1x64x128xf32, #tpu.memory_space<vmem>>
        %dma_wait3A_1103 = tpu.memref_squeeze %dma_wait3A_1102 : memref<1x64x128xf32, #tpu.memory_space<vmem>> -> memref<64x128xf32, #tpu.memory_space<vmem>>
        %dma_wait3A_1104 = arith.constant 0 : i32
        %dma_wait3A_1105 = tpu.memref_slice %arg7[%run_scoped3A_1072, %add3A_1070, %dma_wait3A_1104] : memref<2x32x64xi32, #tpu.memory_space<vmem>> -> memref<1x1x64xi32, #tpu.memory_space<vmem>>
        %dma_wait3A_1106 = tpu.memref_squeeze %dma_wait3A_1105 : memref<1x1x64xi32, #tpu.memory_space<vmem>> -> memref<64xi32, #tpu.memory_space<vmem>>
        %dma_wait3A_1107 = arith.constant 0 : i32
        %dma_wait3A_1108 = arith.constant 0 : i32
        %dma_wait3A_1109 = tpu.memref_slice %arg9[%dma_wait3A_1107, %dma_wait3A_1108] : memref<10240x128xf32, #tpu.memory_space<vmem_shared>> -> memref<10240x128xf32, #tpu.memory_space<vmem_shared>>
        tpu.wait_indirect_dma semaphore(%run_scoped3A_1089 : memref<!tpu.dma_semaphore, #tpu.memory_space<semaphore_mem>>) src(%dma_wait3A_1103 : memref<64x128xf32, #tpu.memory_space<vmem>>) dst(%dma_wait3A_1109 : memref<10240x128xf32, #tpu.memory_space<vmem_shared>>)
        tpu.yield
      }) : () -> ()
      %add3A_1073 = arith.constant 4 : i32
      %add3A_1074 = arith.addi %mul3A_948, %add3A_1073 : i32
      %add3A_1075 = arith.constant 3 : i32
      %add3A_1076 = arith.addi %add3A_1074, %add3A_1075 : i32
      %dma_start3A_1077 = arith.constant 0 : i32
      %dma_start3A_1078 = arith.constant 3 : i32
      %dma_start3A_1079 = arith.constant 0 : i32
      %dma_start3A_1080 = arith.constant 0 : i32
      %dma_start3A_1081 = tpu.memref_slice %arg8[%dma_start3A_1078, %dma_start3A_1079, %dma_start3A_1080] : memref<4x64x128xf32, #tpu.memory_space<vmem>> -> memref<1x64x128xf32, #tpu.memory_space<vmem>>
      %dma_start3A_1082 = tpu.memref_squeeze %dma_start3A_1081 : memref<1x64x128xf32, #tpu.memory_space<vmem>> -> memref<64x128xf32, #tpu.memory_space<vmem>>
      %dma_start3A_1083 = arith.constant 0 : i32
      %dma_start3A_1084 = tpu.memref_slice %arg6[%dma_start3A_1077, %add3A_1076, %dma_start3A_1083] : memref<2x32x64xi32, #tpu.memory_space<vmem>> -> memref<1x1x64xi32, #tpu.memory_space<vmem>>
      %dma_start3A_1085 = tpu.memref_squeeze %dma_start3A_1084 : memref<1x1x64xi32, #tpu.memory_space<vmem>> -> memref<64xi32, #tpu.memory_space<vmem>>
      %dma_start3A_1086 = arith.constant 0 : i32
      %dma_start3A_1087 = arith.constant 0 : i32
      %dma_start3A_1088 = tpu.memref_slice %arg2[%dma_start3A_1086, %dma_start3A_1087] : memref<10240x128xf32, #tpu.memory_space<hbm>> -> memref<10240x128xf32, #tpu.memory_space<hbm>>
      tpu.enqueue_indirect_dma source(%dma_start3A_1088 : memref<10240x128xf32, #tpu.memory_space<hbm>>) target(%dma_start3A_1082 : memref<64x128xf32, #tpu.memory_space<vmem>>) offsets(%dma_start3A_1085 : memref<64xi32, #tpu.memory_space<vmem>>) semaphore(%arg13 : memref<!tpu.dma_semaphore, #tpu.memory_space<semaphore_mem>>)
    }
    %scan3A_145 = arith.constant 7 : i32
    %dma_wait3A = arith.constant 1 : i32
    %dma_wait3A_146 = arith.constant 0 : i32
    %dma_wait3A_147 = arith.constant 0 : i32
    %dma_wait3A_148 = tpu.memref_slice %arg6[%dma_wait3A, %dma_wait3A_146, %dma_wait3A_147] : memref<2x32x64xi32, #tpu.memory_space<vmem>> -> memref<1x32x64xi32, #tpu.memory_space<vmem>>
    %dma_wait3A_149 = tpu.memref_squeeze %dma_wait3A_148 : memref<1x32x64xi32, #tpu.memory_space<vmem>> -> memref<32x64xi32, #tpu.memory_space<vmem>>
    %dma_wait3A_150 = arith.constant 0 : i32
    %dma_wait3A_151 = arith.constant 0 : i32
    %dma_wait3A_152 = tpu.memref_slice %arg3[%dma_wait3A_150, %dma_wait3A_151] : memref<5120x64xi32, #tpu.memory_space<hbm>> -> memref<32x64xi32, #tpu.memory_space<hbm>>
    %dma_wait3A_153 = arith.constant 0 : i32
    %dma_wait3A_154 = arith.constant 0 : i32
    %dma_wait3A_155 = tpu.memref_slice %arg6[%dma_wait3A, %dma_wait3A_153, %dma_wait3A_154] : memref<2x32x64xi32, #tpu.memory_space<vmem>> -> memref<1x32x64xi32, #tpu.memory_space<vmem>>
    %dma_wait3A_156 = tpu.memref_squeeze %dma_wait3A_155 : memref<1x32x64xi32, #tpu.memory_space<vmem>> -> memref<32x64xi32, #tpu.memory_space<vmem>>
    %dma_wait3A_157 = arith.constant 0 : i32
    %dma_wait3A_158 = arith.constant 0 : i32
    %dma_wait3A_159 = tpu.memref_slice %arg3[%dma_wait3A_157, %dma_wait3A_158] : memref<5120x64xi32, #tpu.memory_space<hbm>> -> memref<32x64xi32, #tpu.memory_space<hbm>>
    tpu.wait_dma2 semaphore(%arg14 : memref<!tpu.dma_semaphore, #tpu.memory_space<semaphore_mem>>) src(%dma_wait3A_159 : memref<32x64xi32, #tpu.memory_space<hbm>>) dst(%dma_wait3A_156 : memref<32x64xi32, #tpu.memory_space<vmem>>)
    %dma_wait3A_160 = arith.constant 1 : i32
    %dma_wait3A_161 = arith.constant 0 : i32
    %dma_wait3A_162 = arith.constant 0 : i32
    %dma_wait3A_163 = tpu.memref_slice %arg7[%dma_wait3A_160, %dma_wait3A_161, %dma_wait3A_162] : memref<2x32x64xi32, #tpu.memory_space<vmem>> -> memref<1x32x64xi32, #tpu.memory_space<vmem>>
    %dma_wait3A_164 = tpu.memref_squeeze %dma_wait3A_163 : memref<1x32x64xi32, #tpu.memory_space<vmem>> -> memref<32x64xi32, #tpu.memory_space<vmem>>
    %dma_wait3A_165 = arith.constant 0 : i32
    %dma_wait3A_166 = arith.constant 0 : i32
    %dma_wait3A_167 = tpu.memref_slice %arg4[%dma_wait3A_165, %dma_wait3A_166] : memref<5120x64xi32, #tpu.memory_space<hbm>> -> memref<32x64xi32, #tpu.memory_space<hbm>>
    %dma_wait3A_168 = arith.constant 0 : i32
    %dma_wait3A_169 = arith.constant 0 : i32
    %dma_wait3A_170 = tpu.memref_slice %arg7[%dma_wait3A_160, %dma_wait3A_168, %dma_wait3A_169] : memref<2x32x64xi32, #tpu.memory_space<vmem>> -> memref<1x32x64xi32, #tpu.memory_space<vmem>>
    %dma_wait3A_171 = tpu.memref_squeeze %dma_wait3A_170 : memref<1x32x64xi32, #tpu.memory_space<vmem>> -> memref<32x64xi32, #tpu.memory_space<vmem>>
    %dma_wait3A_172 = arith.constant 0 : i32
    %dma_wait3A_173 = arith.constant 0 : i32
    %dma_wait3A_174 = tpu.memref_slice %arg4[%dma_wait3A_172, %dma_wait3A_173] : memref<5120x64xi32, #tpu.memory_space<hbm>> -> memref<32x64xi32, #tpu.memory_space<hbm>>
    tpu.wait_dma2 semaphore(%arg14 : memref<!tpu.dma_semaphore, #tpu.memory_space<semaphore_mem>>) src(%dma_wait3A_174 : memref<32x64xi32, #tpu.memory_space<hbm>>) dst(%dma_wait3A_171 : memref<32x64xi32, #tpu.memory_space<vmem>>)
    %dma_wait3A_175 = arith.constant 0 : i32
    %dma_wait3A_176 = arith.constant 0 : i32
    %dma_wait3A_177 = arith.constant 0 : i32
    %dma_wait3A_178 = tpu.memref_slice %arg8[%dma_wait3A_175, %dma_wait3A_176, %dma_wait3A_177] : memref<4x64x128xf32, #tpu.memory_space<vmem>> -> memref<1x64x128xf32, #tpu.memory_space<vmem>>
    %dma_wait3A_179 = tpu.memref_squeeze %dma_wait3A_178 : memref<1x64x128xf32, #tpu.memory_space<vmem>> -> memref<64x128xf32, #tpu.memory_space<vmem>>
    %dma_wait3A_180 = arith.constant 0 : i32
    %dma_wait3A_181 = arith.constant 0 : i32
    %dma_wait3A_182 = tpu.memref_slice %arg2[%dma_wait3A_180, %dma_wait3A_181] : memref<10240x128xf32, #tpu.memory_space<hbm>> -> memref<64x128xf32, #tpu.memory_space<hbm>>
    %dma_wait3A_183 = arith.constant 0 : i32
    %dma_wait3A_184 = arith.constant 0 : i32
    %dma_wait3A_185 = tpu.memref_slice %arg8[%dma_wait3A_175, %dma_wait3A_183, %dma_wait3A_184] : memref<4x64x128xf32, #tpu.memory_space<vmem>> -> memref<1x64x128xf32, #tpu.memory_space<vmem>>
    %dma_wait3A_186 = tpu.memref_squeeze %dma_wait3A_185 : memref<1x64x128xf32, #tpu.memory_space<vmem>> -> memref<64x128xf32, #tpu.memory_space<vmem>>
    %dma_wait3A_187 = arith.constant 0 : i32
    %dma_wait3A_188 = arith.constant 0 : i32
    %dma_wait3A_189 = tpu.memref_slice %arg2[%dma_wait3A_187, %dma_wait3A_188] : memref<10240x128xf32, #tpu.memory_space<hbm>> -> memref<64x128xf32, #tpu.memory_space<hbm>>
    tpu.wait_dma2 semaphore(%arg10 : memref<!tpu.dma_semaphore, #tpu.memory_space<semaphore_mem>>) src(%dma_wait3A_189 : memref<64x128xf32, #tpu.memory_space<hbm>>) dst(%dma_wait3A_186 : memref<64x128xf32, #tpu.memory_space<vmem>>)
    %run_scoped3A_190 = arith.constant 0 : i32
    %run_scoped3A_191 = arith.constant 0 : i32
    %run_scoped3A_192 = arith.constant 28 : i32
    "tpu.region"() ({
      %run_scoped3A_946 = tpu.sem_alloc : memref<!tpu.dma_semaphore, #tpu.memory_space<semaphore_mem>>
      %dma_start3A_947 = arith.constant 0 : i32
      %dma_start3A_948 = arith.constant 0 : i32
      %dma_start3A_949 = tpu.memref_slice %arg8[%run_scoped3A_190, %dma_start3A_947, %dma_start3A_948] : memref<4x64x128xf32, #tpu.memory_space<vmem>> -> memref<1x64x128xf32, #tpu.memory_space<vmem>>
      %dma_start3A_950 = tpu.memref_squeeze %dma_start3A_949 : memref<1x64x128xf32, #tpu.memory_space<vmem>> -> memref<64x128xf32, #tpu.memory_space<vmem>>
      %dma_start3A_951 = arith.constant 0 : i32
      %dma_start3A_952 = tpu.memref_slice %arg7[%run_scoped3A_191, %run_scoped3A_192, %dma_start3A_951] : memref<2x32x64xi32, #tpu.memory_space<vmem>> -> memref<1x1x64xi32, #tpu.memory_space<vmem>>
      %dma_start3A_953 = tpu.memref_squeeze %dma_start3A_952 : memref<1x1x64xi32, #tpu.memory_space<vmem>> -> memref<64xi32, #tpu.memory_space<vmem>>
      %dma_start3A_954 = arith.constant 0 : i32
      %dma_start3A_955 = arith.constant 0 : i32
      %dma_start3A_956 = tpu.memref_slice %arg9[%dma_start3A_954, %dma_start3A_955] : memref<10240x128xf32, #tpu.memory_space<vmem_shared>> -> memref<10240x128xf32, #tpu.memory_space<vmem_shared>>
      tpu.enqueue_indirect_dma source(%dma_start3A_950 : memref<64x128xf32, #tpu.memory_space<vmem>>) target(%dma_start3A_956 : memref<10240x128xf32, #tpu.memory_space<vmem_shared>>) offsets(%dma_start3A_953 : memref<64xi32, #tpu.memory_space<vmem>>) semaphore(%run_scoped3A_946 : memref<!tpu.dma_semaphore, #tpu.memory_space<semaphore_mem>>) {add = true}
      %dma_wait3A_957 = arith.constant 0 : i32
      %dma_wait3A_958 = arith.constant 0 : i32
      %dma_wait3A_959 = tpu.memref_slice %arg8[%run_scoped3A_190, %dma_wait3A_957, %dma_wait3A_958] : memref<4x64x128xf32, #tpu.memory_space<vmem>> -> memref<1x64x128xf32, #tpu.memory_space<vmem>>
      %dma_wait3A_960 = tpu.memref_squeeze %dma_wait3A_959 : memref<1x64x128xf32, #tpu.memory_space<vmem>> -> memref<64x128xf32, #tpu.memory_space<vmem>>
      %dma_wait3A_961 = arith.constant 0 : i32
      %dma_wait3A_962 = tpu.memref_slice %arg7[%run_scoped3A_191, %run_scoped3A_192, %dma_wait3A_961] : memref<2x32x64xi32, #tpu.memory_space<vmem>> -> memref<1x1x64xi32, #tpu.memory_space<vmem>>
      %dma_wait3A_963 = tpu.memref_squeeze %dma_wait3A_962 : memref<1x1x64xi32, #tpu.memory_space<vmem>> -> memref<64xi32, #tpu.memory_space<vmem>>
      %dma_wait3A_964 = arith.constant 0 : i32
      %dma_wait3A_965 = arith.constant 0 : i32
      %dma_wait3A_966 = tpu.memref_slice %arg9[%dma_wait3A_964, %dma_wait3A_965] : memref<10240x128xf32, #tpu.memory_space<vmem_shared>> -> memref<10240x128xf32, #tpu.memory_space<vmem_shared>>
      tpu.wait_indirect_dma semaphore(%run_scoped3A_946 : memref<!tpu.dma_semaphore, #tpu.memory_space<semaphore_mem>>) src(%dma_wait3A_960 : memref<64x128xf32, #tpu.memory_space<vmem>>) dst(%dma_wait3A_966 : memref<10240x128xf32, #tpu.memory_space<vmem_shared>>)
      tpu.yield
    }) : () -> ()
    %dma_start3A_193 = arith.constant 1 : i32
    %dma_start3A_194 = arith.constant 0 : i32
    %dma_start3A_195 = arith.constant 0 : i32
    %dma_start3A_196 = arith.constant 0 : i32
    %dma_start3A_197 = arith.constant 0 : i32
    %dma_start3A_198 = tpu.memref_slice %arg8[%dma_start3A_195, %dma_start3A_196, %dma_start3A_197] : memref<4x64x128xf32, #tpu.memory_space<vmem>> -> memref<1x64x128xf32, #tpu.memory_space<vmem>>
    %dma_start3A_199 = tpu.memref_squeeze %dma_start3A_198 : memref<1x64x128xf32, #tpu.memory_space<vmem>> -> memref<64x128xf32, #tpu.memory_space<vmem>>
    %dma_start3A_200 = arith.constant 0 : i32
    %dma_start3A_201 = tpu.memref_slice %arg6[%dma_start3A_193, %dma_start3A_194, %dma_start3A_200] : memref<2x32x64xi32, #tpu.memory_space<vmem>> -> memref<1x1x64xi32, #tpu.memory_space<vmem>>
    %dma_start3A_202 = tpu.memref_squeeze %dma_start3A_201 : memref<1x1x64xi32, #tpu.memory_space<vmem>> -> memref<64xi32, #tpu.memory_space<vmem>>
    %dma_start3A_203 = arith.constant 0 : i32
    %dma_start3A_204 = arith.constant 0 : i32
    %dma_start3A_205 = tpu.memref_slice %arg2[%dma_start3A_203, %dma_start3A_204] : memref<10240x128xf32, #tpu.memory_space<hbm>> -> memref<10240x128xf32, #tpu.memory_space<hbm>>
    tpu.enqueue_indirect_dma source(%dma_start3A_205 : memref<10240x128xf32, #tpu.memory_space<hbm>>) target(%dma_start3A_199 : memref<64x128xf32, #tpu.memory_space<vmem>>) offsets(%dma_start3A_202 : memref<64xi32, #tpu.memory_space<vmem>>) semaphore(%arg10 : memref<!tpu.dma_semaphore, #tpu.memory_space<semaphore_mem>>)
    %dma_wait3A_206 = arith.constant 1 : i32
    %dma_wait3A_207 = arith.constant 0 : i32
    %dma_wait3A_208 = arith.constant 0 : i32
    %dma_wait3A_209 = tpu.memref_slice %arg8[%dma_wait3A_206, %dma_wait3A_207, %dma_wait3A_208] : memref<4x64x128xf32, #tpu.memory_space<vmem>> -> memref<1x64x128xf32, #tpu.memory_space<vmem>>
    %dma_wait3A_210 = tpu.memref_squeeze %dma_wait3A_209 : memref<1x64x128xf32, #tpu.memory_space<vmem>> -> memref<64x128xf32, #tpu.memory_space<vmem>>
    %dma_wait3A_211 = arith.constant 0 : i32
    %dma_wait3A_212 = arith.constant 0 : i32
    %dma_wait3A_213 = tpu.memref_slice %arg2[%dma_wait3A_211, %dma_wait3A_212] : memref<10240x128xf32, #tpu.memory_space<hbm>> -> memref<64x128xf32, #tpu.memory_space<hbm>>
    %dma_wait3A_214 = arith.constant 0 : i32
    %dma_wait3A_215 = arith.constant 0 : i32
    %dma_wait3A_216 = tpu.memref_slice %arg8[%dma_wait3A_206, %dma_wait3A_214, %dma_wait3A_215] : memref<4x64x128xf32, #tpu.memory_space<vmem>> -> memref<1x64x128xf32, #tpu.memory_space<vmem>>
    %dma_wait3A_217 = tpu.memref_squeeze %dma_wait3A_216 : memref<1x64x128xf32, #tpu.memory_space<vmem>> -> memref<64x128xf32, #tpu.memory_space<vmem>>
    %dma_wait3A_218 = arith.constant 0 : i32
    %dma_wait3A_219 = arith.constant 0 : i32
    %dma_wait3A_220 = tpu.memref_slice %arg2[%dma_wait3A_218, %dma_wait3A_219] : memref<10240x128xf32, #tpu.memory_space<hbm>> -> memref<64x128xf32, #tpu.memory_space<hbm>>
    tpu.wait_dma2 semaphore(%arg11 : memref<!tpu.dma_semaphore, #tpu.memory_space<semaphore_mem>>) src(%dma_wait3A_220 : memref<64x128xf32, #tpu.memory_space<hbm>>) dst(%dma_wait3A_217 : memref<64x128xf32, #tpu.memory_space<vmem>>)
    %run_scoped3A_221 = arith.constant 1 : i32
    %run_scoped3A_222 = arith.constant 0 : i32
    %run_scoped3A_223 = arith.constant 29 : i32
    "tpu.region"() ({
      %run_scoped3A_946 = tpu.sem_alloc : memref<!tpu.dma_semaphore, #tpu.memory_space<semaphore_mem>>
      %dma_start3A_947 = arith.constant 0 : i32
      %dma_start3A_948 = arith.constant 0 : i32
      %dma_start3A_949 = tpu.memref_slice %arg8[%run_scoped3A_221, %dma_start3A_947, %dma_start3A_948] : memref<4x64x128xf32, #tpu.memory_space<vmem>> -> memref<1x64x128xf32, #tpu.memory_space<vmem>>
      %dma_start3A_950 = tpu.memref_squeeze %dma_start3A_949 : memref<1x64x128xf32, #tpu.memory_space<vmem>> -> memref<64x128xf32, #tpu.memory_space<vmem>>
      %dma_start3A_951 = arith.constant 0 : i32
      %dma_start3A_952 = tpu.memref_slice %arg7[%run_scoped3A_222, %run_scoped3A_223, %dma_start3A_951] : memref<2x32x64xi32, #tpu.memory_space<vmem>> -> memref<1x1x64xi32, #tpu.memory_space<vmem>>
      %dma_start3A_953 = tpu.memref_squeeze %dma_start3A_952 : memref<1x1x64xi32, #tpu.memory_space<vmem>> -> memref<64xi32, #tpu.memory_space<vmem>>
      %dma_start3A_954 = arith.constant 0 : i32
      %dma_start3A_955 = arith.constant 0 : i32
      %dma_start3A_956 = tpu.memref_slice %arg9[%dma_start3A_954, %dma_start3A_955] : memref<10240x128xf32, #tpu.memory_space<vmem_shared>> -> memref<10240x128xf32, #tpu.memory_space<vmem_shared>>
      tpu.enqueue_indirect_dma source(%dma_start3A_950 : memref<64x128xf32, #tpu.memory_space<vmem>>) target(%dma_start3A_956 : memref<10240x128xf32, #tpu.memory_space<vmem_shared>>) offsets(%dma_start3A_953 : memref<64xi32, #tpu.memory_space<vmem>>) semaphore(%run_scoped3A_946 : memref<!tpu.dma_semaphore, #tpu.memory_space<semaphore_mem>>) {add = true}
      %dma_wait3A_957 = arith.constant 0 : i32
      %dma_wait3A_958 = arith.constant 0 : i32
      %dma_wait3A_959 = tpu.memref_slice %arg8[%run_scoped3A_221, %dma_wait3A_957, %dma_wait3A_958] : memref<4x64x128xf32, #tpu.memory_space<vmem>> -> memref<1x64x128xf32, #tpu.memory_space<vmem>>
      %dma_wait3A_960 = tpu.memref_squeeze %dma_wait3A_959 : memref<1x64x128xf32, #tpu.memory_space<vmem>> -> memref<64x128xf32, #tpu.memory_space<vmem>>
      %dma_wait3A_961 = arith.constant 0 : i32
      %dma_wait3A_962 = tpu.memref_slice %arg7[%run_scoped3A_222, %run_scoped3A_223, %dma_wait3A_961] : memref<2x32x64xi32, #tpu.memory_space<vmem>> -> memref<1x1x64xi32, #tpu.memory_space<vmem>>
      %dma_wait3A_963 = tpu.memref_squeeze %dma_wait3A_962 : memref<1x1x64xi32, #tpu.memory_space<vmem>> -> memref<64xi32, #tpu.memory_space<vmem>>
      %dma_wait3A_964 = arith.constant 0 : i32
      %dma_wait3A_965 = arith.constant 0 : i32
      %dma_wait3A_966 = tpu.memref_slice %arg9[%dma_wait3A_964, %dma_wait3A_965] : memref<10240x128xf32, #tpu.memory_space<vmem_shared>> -> memref<10240x128xf32, #tpu.memory_space<vmem_shared>>
      tpu.wait_indirect_dma semaphore(%run_scoped3A_946 : memref<!tpu.dma_semaphore, #tpu.memory_space<semaphore_mem>>) src(%dma_wait3A_960 : memref<64x128xf32, #tpu.memory_space<vmem>>) dst(%dma_wait3A_966 : memref<10240x128xf32, #tpu.memory_space<vmem_shared>>)
      tpu.yield
    }) : () -> ()
    %dma_start3A_224 = arith.constant 1 : i32
    %dma_start3A_225 = arith.constant 1 : i32
    %dma_start3A_226 = arith.constant 1 : i32
    %dma_start3A_227 = arith.constant 0 : i32
    %dma_start3A_228 = arith.constant 0 : i32
    %dma_start3A_229 = tpu.memref_slice %arg8[%dma_start3A_226, %dma_start3A_227, %dma_start3A_228] : memref<4x64x128xf32, #tpu.memory_space<vmem>> -> memref<1x64x128xf32, #tpu.memory_space<vmem>>
    %dma_start3A_230 = tpu.memref_squeeze %dma_start3A_229 : memref<1x64x128xf32, #tpu.memory_space<vmem>> -> memref<64x128xf32, #tpu.memory_space<vmem>>
    %dma_start3A_231 = arith.constant 0 : i32
    %dma_start3A_232 = tpu.memref_slice %arg6[%dma_start3A_224, %dma_start3A_225, %dma_start3A_231] : memref<2x32x64xi32, #tpu.memory_space<vmem>> -> memref<1x1x64xi32, #tpu.memory_space<vmem>>
    %dma_start3A_233 = tpu.memref_squeeze %dma_start3A_232 : memref<1x1x64xi32, #tpu.memory_space<vmem>> -> memref<64xi32, #tpu.memory_space<vmem>>
    %dma_start3A_234 = arith.constant 0 : i32
    %dma_start3A_235 = arith.constant 0 : i32
    %dma_start3A_236 = tpu.memref_slice %arg2[%dma_start3A_234, %dma_start3A_235] : memref<10240x128xf32, #tpu.memory_space<hbm>> -> memref<10240x128xf32, #tpu.memory_space<hbm>>
    tpu.enqueue_indirect_dma source(%dma_start3A_236 : memref<10240x128xf32, #tpu.memory_space<hbm>>) target(%dma_start3A_230 : memref<64x128xf32, #tpu.memory_space<vmem>>) offsets(%dma_start3A_233 : memref<64xi32, #tpu.memory_space<vmem>>) semaphore(%arg11 : memref<!tpu.dma_semaphore, #tpu.memory_space<semaphore_mem>>)
    %dma_wait3A_237 = arith.constant 2 : i32
    %dma_wait3A_238 = arith.constant 0 : i32
    %dma_wait3A_239 = arith.constant 0 : i32
    %dma_wait3A_240 = tpu.memref_slice %arg8[%dma_wait3A_237, %dma_wait3A_238, %dma_wait3A_239] : memref<4x64x128xf32, #tpu.memory_space<vmem>> -> memref<1x64x128xf32, #tpu.memory_space<vmem>>
    %dma_wait3A_241 = tpu.memref_squeeze %dma_wait3A_240 : memref<1x64x128xf32, #tpu.memory_space<vmem>> -> memref<64x128xf32, #tpu.memory_space<vmem>>
    %dma_wait3A_242 = arith.constant 0 : i32
    %dma_wait3A_243 = arith.constant 0 : i32
    %dma_wait3A_244 = tpu.memref_slice %arg2[%dma_wait3A_242, %dma_wait3A_243] : memref<10240x128xf32, #tpu.memory_space<hbm>> -> memref<64x128xf32, #tpu.memory_space<hbm>>
    %dma_wait3A_245 = arith.constant 0 : i32
    %dma_wait3A_246 = arith.constant 0 : i32
    %dma_wait3A_247 = tpu.memref_slice %arg8[%dma_wait3A_237, %dma_wait3A_245, %dma_wait3A_246] : memref<4x64x128xf32, #tpu.memory_space<vmem>> -> memref<1x64x128xf32, #tpu.memory_space<vmem>>
    %dma_wait3A_248 = tpu.memref_squeeze %dma_wait3A_247 : memref<1x64x128xf32, #tpu.memory_space<vmem>> -> memref<64x128xf32, #tpu.memory_space<vmem>>
    %dma_wait3A_249 = arith.constant 0 : i32
    %dma_wait3A_250 = arith.constant 0 : i32
    %dma_wait3A_251 = tpu.memref_slice %arg2[%dma_wait3A_249, %dma_wait3A_250] : memref<10240x128xf32, #tpu.memory_space<hbm>> -> memref<64x128xf32, #tpu.memory_space<hbm>>
    tpu.wait_dma2 semaphore(%arg12 : memref<!tpu.dma_semaphore, #tpu.memory_space<semaphore_mem>>) src(%dma_wait3A_251 : memref<64x128xf32, #tpu.memory_space<hbm>>) dst(%dma_wait3A_248 : memref<64x128xf32, #tpu.memory_space<vmem>>)
    %run_scoped3A_252 = arith.constant 2 : i32
    %run_scoped3A_253 = arith.constant 0 : i32
    %run_scoped3A_254 = arith.constant 30 : i32
    "tpu.region"() ({
      %run_scoped3A_946 = tpu.sem_alloc : memref<!tpu.dma_semaphore, #tpu.memory_space<semaphore_mem>>
      %dma_start3A_947 = arith.constant 0 : i32
      %dma_start3A_948 = arith.constant 0 : i32
      %dma_start3A_949 = tpu.memref_slice %arg8[%run_scoped3A_252, %dma_start3A_947, %dma_start3A_948] : memref<4x64x128xf32, #tpu.memory_space<vmem>> -> memref<1x64x128xf32, #tpu.memory_space<vmem>>
      %dma_start3A_950 = tpu.memref_squeeze %dma_start3A_949 : memref<1x64x128xf32, #tpu.memory_space<vmem>> -> memref<64x128xf32, #tpu.memory_space<vmem>>
      %dma_start3A_951 = arith.constant 0 : i32
      %dma_start3A_952 = tpu.memref_slice %arg7[%run_scoped3A_253, %run_scoped3A_254, %dma_start3A_951] : memref<2x32x64xi32, #tpu.memory_space<vmem>> -> memref<1x1x64xi32, #tpu.memory_space<vmem>>
      %dma_start3A_953 = tpu.memref_squeeze %dma_start3A_952 : memref<1x1x64xi32, #tpu.memory_space<vmem>> -> memref<64xi32, #tpu.memory_space<vmem>>
      %dma_start3A_954 = arith.constant 0 : i32
      %dma_start3A_955 = arith.constant 0 : i32
      %dma_start3A_956 = tpu.memref_slice %arg9[%dma_start3A_954, %dma_start3A_955] : memref<10240x128xf32, #tpu.memory_space<vmem_shared>> -> memref<10240x128xf32, #tpu.memory_space<vmem_shared>>
      tpu.enqueue_indirect_dma source(%dma_start3A_950 : memref<64x128xf32, #tpu.memory_space<vmem>>) target(%dma_start3A_956 : memref<10240x128xf32, #tpu.memory_space<vmem_shared>>) offsets(%dma_start3A_953 : memref<64xi32, #tpu.memory_space<vmem>>) semaphore(%run_scoped3A_946 : memref<!tpu.dma_semaphore, #tpu.memory_space<semaphore_mem>>) {add = true}
      %dma_wait3A_957 = arith.constant 0 : i32
      %dma_wait3A_958 = arith.constant 0 : i32
      %dma_wait3A_959 = tpu.memref_slice %arg8[%run_scoped3A_252, %dma_wait3A_957, %dma_wait3A_958] : memref<4x64x128xf32, #tpu.memory_space<vmem>> -> memref<1x64x128xf32, #tpu.memory_space<vmem>>
      %dma_wait3A_960 = tpu.memref_squeeze %dma_wait3A_959 : memref<1x64x128xf32, #tpu.memory_space<vmem>> -> memref<64x128xf32, #tpu.memory_space<vmem>>
      %dma_wait3A_961 = arith.constant 0 : i32
      %dma_wait3A_962 = tpu.memref_slice %arg7[%run_scoped3A_253, %run_scoped3A_254, %dma_wait3A_961] : memref<2x32x64xi32, #tpu.memory_space<vmem>> -> memref<1x1x64xi32, #tpu.memory_space<vmem>>
      %dma_wait3A_963 = tpu.memref_squeeze %dma_wait3A_962 : memref<1x1x64xi32, #tpu.memory_space<vmem>> -> memref<64xi32, #tpu.memory_space<vmem>>
      %dma_wait3A_964 = arith.constant 0 : i32
      %dma_wait3A_965 = arith.constant 0 : i32
      %dma_wait3A_966 = tpu.memref_slice %arg9[%dma_wait3A_964, %dma_wait3A_965] : memref<10240x128xf32, #tpu.memory_space<vmem_shared>> -> memref<10240x128xf32, #tpu.memory_space<vmem_shared>>
      tpu.wait_indirect_dma semaphore(%run_scoped3A_946 : memref<!tpu.dma_semaphore, #tpu.memory_space<semaphore_mem>>) src(%dma_wait3A_960 : memref<64x128xf32, #tpu.memory_space<vmem>>) dst(%dma_wait3A_966 : memref<10240x128xf32, #tpu.memory_space<vmem_shared>>)
      tpu.yield
    }) : () -> ()
    %dma_start3A_255 = arith.constant 1 : i32
    %dma_start3A_256 = arith.constant 2 : i32
    %dma_start3A_257 = arith.constant 2 : i32
    %dma_start3A_258 = arith.constant 0 : i32
    %dma_start3A_259 = arith.constant 0 : i32
    %dma_start3A_260 = tpu.memref_slice %arg8[%dma_start3A_257, %dma_start3A_258, %dma_start3A_259] : memref<4x64x128xf32, #tpu.memory_space<vmem>> -> memref<1x64x128xf32, #tpu.memory_space<vmem>>
    %dma_start3A_261 = tpu.memref_squeeze %dma_start3A_260 : memref<1x64x128xf32, #tpu.memory_space<vmem>> -> memref<64x128xf32, #tpu.memory_space<vmem>>
    %dma_start3A_262 = arith.constant 0 : i32
    %dma_start3A_263 = tpu.memref_slice %arg6[%dma_start3A_255, %dma_start3A_256, %dma_start3A_262] : memref<2x32x64xi32, #tpu.memory_space<vmem>> -> memref<1x1x64xi32, #tpu.memory_space<vmem>>
    %dma_start3A_264 = tpu.memref_squeeze %dma_start3A_263 : memref<1x1x64xi32, #tpu.memory_space<vmem>> -> memref<64xi32, #tpu.memory_space<vmem>>
    %dma_start3A_265 = arith.constant 0 : i32
    %dma_start3A_266 = arith.constant 0 : i32
    %dma_start3A_267 = tpu.memref_slice %arg2[%dma_start3A_265, %dma_start3A_266] : memref<10240x128xf32, #tpu.memory_space<hbm>> -> memref<10240x128xf32, #tpu.memory_space<hbm>>
    tpu.enqueue_indirect_dma source(%dma_start3A_267 : memref<10240x128xf32, #tpu.memory_space<hbm>>) target(%dma_start3A_261 : memref<64x128xf32, #tpu.memory_space<vmem>>) offsets(%dma_start3A_264 : memref<64xi32, #tpu.memory_space<vmem>>) semaphore(%arg12 : memref<!tpu.dma_semaphore, #tpu.memory_space<semaphore_mem>>)
    %dma_wait3A_268 = arith.constant 3 : i32
    %dma_wait3A_269 = arith.constant 0 : i32
    %dma_wait3A_270 = arith.constant 0 : i32
    %dma_wait3A_271 = tpu.memref_slice %arg8[%dma_wait3A_268, %dma_wait3A_269, %dma_wait3A_270] : memref<4x64x128xf32, #tpu.memory_space<vmem>> -> memref<1x64x128xf32, #tpu.memory_space<vmem>>
    %dma_wait3A_272 = tpu.memref_squeeze %dma_wait3A_271 : memref<1x64x128xf32, #tpu.memory_space<vmem>> -> memref<64x128xf32, #tpu.memory_space<vmem>>
    %dma_wait3A_273 = arith.constant 0 : i32
    %dma_wait3A_274 = arith.constant 0 : i32
    %dma_wait3A_275 = tpu.memref_slice %arg2[%dma_wait3A_273, %dma_wait3A_274] : memref<10240x128xf32, #tpu.memory_space<hbm>> -> memref<64x128xf32, #tpu.memory_space<hbm>>
    %dma_wait3A_276 = arith.constant 0 : i32
    %dma_wait3A_277 = arith.constant 0 : i32
    %dma_wait3A_278 = tpu.memref_slice %arg8[%dma_wait3A_268, %dma_wait3A_276, %dma_wait3A_277] : memref<4x64x128xf32, #tpu.memory_space<vmem>> -> memref<1x64x128xf32, #tpu.memory_space<vmem>>
    %dma_wait3A_279 = tpu.memref_squeeze %dma_wait3A_278 : memref<1x64x128xf32, #tpu.memory_space<vmem>> -> memref<64x128xf32, #tpu.memory_space<vmem>>
    %dma_wait3A_280 = arith.constant 0 : i32
    %dma_wait3A_281 = arith.constant 0 : i32
    %dma_wait3A_282 = tpu.memref_slice %arg2[%dma_wait3A_280, %dma_wait3A_281] : memref<10240x128xf32, #tpu.memory_space<hbm>> -> memref<64x128xf32, #tpu.memory_space<hbm>>
    tpu.wait_dma2 semaphore(%arg13 : memref<!tpu.dma_semaphore, #tpu.memory_space<semaphore_mem>>) src(%dma_wait3A_282 : memref<64x128xf32, #tpu.memory_space<hbm>>) dst(%dma_wait3A_279 : memref<64x128xf32, #tpu.memory_space<vmem>>)
    %run_scoped3A_283 = arith.constant 3 : i32
    %run_scoped3A_284 = arith.constant 0 : i32
    %run_scoped3A_285 = arith.constant 31 : i32
    "tpu.region"() ({
      %run_scoped3A_946 = tpu.sem_alloc : memref<!tpu.dma_semaphore, #tpu.memory_space<semaphore_mem>>
      %dma_start3A_947 = arith.constant 0 : i32
      %dma_start3A_948 = arith.constant 0 : i32
      %dma_start3A_949 = tpu.memref_slice %arg8[%run_scoped3A_283, %dma_start3A_947, %dma_start3A_948] : memref<4x64x128xf32, #tpu.memory_space<vmem>> -> memref<1x64x128xf32, #tpu.memory_space<vmem>>
      %dma_start3A_950 = tpu.memref_squeeze %dma_start3A_949 : memref<1x64x128xf32, #tpu.memory_space<vmem>> -> memref<64x128xf32, #tpu.memory_space<vmem>>
      %dma_start3A_951 = arith.constant 0 : i32
      %dma_start3A_952 = tpu.memref_slice %arg7[%run_scoped3A_284, %run_scoped3A_285, %dma_start3A_951] : memref<2x32x64xi32, #tpu.memory_space<vmem>> -> memref<1x1x64xi32, #tpu.memory_space<vmem>>
      %dma_start3A_953 = tpu.memref_squeeze %dma_start3A_952 : memref<1x1x64xi32, #tpu.memory_space<vmem>> -> memref<64xi32, #tpu.memory_space<vmem>>
      %dma_start3A_954 = arith.constant 0 : i32
      %dma_start3A_955 = arith.constant 0 : i32
      %dma_start3A_956 = tpu.memref_slice %arg9[%dma_start3A_954, %dma_start3A_955] : memref<10240x128xf32, #tpu.memory_space<vmem_shared>> -> memref<10240x128xf32, #tpu.memory_space<vmem_shared>>
      tpu.enqueue_indirect_dma source(%dma_start3A_950 : memref<64x128xf32, #tpu.memory_space<vmem>>) target(%dma_start3A_956 : memref<10240x128xf32, #tpu.memory_space<vmem_shared>>) offsets(%dma_start3A_953 : memref<64xi32, #tpu.memory_space<vmem>>) semaphore(%run_scoped3A_946 : memref<!tpu.dma_semaphore, #tpu.memory_space<semaphore_mem>>) {add = true}
      %dma_wait3A_957 = arith.constant 0 : i32
      %dma_wait3A_958 = arith.constant 0 : i32
      %dma_wait3A_959 = tpu.memref_slice %arg8[%run_scoped3A_283, %dma_wait3A_957, %dma_wait3A_958] : memref<4x64x128xf32, #tpu.memory_space<vmem>> -> memref<1x64x128xf32, #tpu.memory_space<vmem>>
      %dma_wait3A_960 = tpu.memref_squeeze %dma_wait3A_959 : memref<1x64x128xf32, #tpu.memory_space<vmem>> -> memref<64x128xf32, #tpu.memory_space<vmem>>
      %dma_wait3A_961 = arith.constant 0 : i32
      %dma_wait3A_962 = tpu.memref_slice %arg7[%run_scoped3A_284, %run_scoped3A_285, %dma_wait3A_961] : memref<2x32x64xi32, #tpu.memory_space<vmem>> -> memref<1x1x64xi32, #tpu.memory_space<vmem>>
      %dma_wait3A_963 = tpu.memref_squeeze %dma_wait3A_962 : memref<1x1x64xi32, #tpu.memory_space<vmem>> -> memref<64xi32, #tpu.memory_space<vmem>>
      %dma_wait3A_964 = arith.constant 0 : i32
      %dma_wait3A_965 = arith.constant 0 : i32
      %dma_wait3A_966 = tpu.memref_slice %arg9[%dma_wait3A_964, %dma_wait3A_965] : memref<10240x128xf32, #tpu.memory_space<vmem_shared>> -> memref<10240x128xf32, #tpu.memory_space<vmem_shared>>
      tpu.wait_indirect_dma semaphore(%run_scoped3A_946 : memref<!tpu.dma_semaphore, #tpu.memory_space<semaphore_mem>>) src(%dma_wait3A_960 : memref<64x128xf32, #tpu.memory_space<vmem>>) dst(%dma_wait3A_966 : memref<10240x128xf32, #tpu.memory_space<vmem_shared>>)
      tpu.yield
    }) : () -> ()
    %dma_start3A_286 = arith.constant 1 : i32
    %dma_start3A_287 = arith.constant 3 : i32
    %dma_start3A_288 = arith.constant 3 : i32
    %dma_start3A_289 = arith.constant 0 : i32
    %dma_start3A_290 = arith.constant 0 : i32
    %dma_start3A_291 = tpu.memref_slice %arg8[%dma_start3A_288, %dma_start3A_289, %dma_start3A_290] : memref<4x64x128xf32, #tpu.memory_space<vmem>> -> memref<1x64x128xf32, #tpu.memory_space<vmem>>
    %dma_start3A_292 = tpu.memref_squeeze %dma_start3A_291 : memref<1x64x128xf32, #tpu.memory_space<vmem>> -> memref<64x128xf32, #tpu.memory_space<vmem>>
    %dma_start3A_293 = arith.constant 0 : i32
    %dma_start3A_294 = tpu.memref_slice %arg6[%dma_start3A_286, %dma_start3A_287, %dma_start3A_293] : memref<2x32x64xi32, #tpu.memory_space<vmem>> -> memref<1x1x64xi32, #tpu.memory_space<vmem>>
    %dma_start3A_295 = tpu.memref_squeeze %dma_start3A_294 : memref<1x1x64xi32, #tpu.memory_space<vmem>> -> memref<64xi32, #tpu.memory_space<vmem>>
    %dma_start3A_296 = arith.constant 0 : i32
    %dma_start3A_297 = arith.constant 0 : i32
    %dma_start3A_298 = tpu.memref_slice %arg2[%dma_start3A_296, %dma_start3A_297] : memref<10240x128xf32, #tpu.memory_space<hbm>> -> memref<10240x128xf32, #tpu.memory_space<hbm>>
    tpu.enqueue_indirect_dma source(%dma_start3A_298 : memref<10240x128xf32, #tpu.memory_space<hbm>>) target(%dma_start3A_292 : memref<64x128xf32, #tpu.memory_space<vmem>>) offsets(%dma_start3A_295 : memref<64xi32, #tpu.memory_space<vmem>>) semaphore(%arg13 : memref<!tpu.dma_semaphore, #tpu.memory_space<semaphore_mem>>)
    %add3A_299 = arith.constant 64 : i32
    %add3A_300 = arith.addi %mul3A_56, %add3A_299 : i32
    %dma_start3A_301 = arith.constant 0 : i32
    %dma_start3A_302 = arith.constant 0 : i32
    %dma_start3A_303 = arith.constant 0 : i32
    %dma_start3A_304 = tpu.memref_slice %arg6[%dma_start3A_301, %dma_start3A_302, %dma_start3A_303] : memref<2x32x64xi32, #tpu.memory_space<vmem>> -> memref<1x32x64xi32, #tpu.memory_space<vmem>>
    %dma_start3A_305 = tpu.memref_squeeze %dma_start3A_304 : memref<1x32x64xi32, #tpu.memory_space<vmem>> -> memref<32x64xi32, #tpu.memory_space<vmem>>
    %dma_start3A_306 = arith.constant 0 : i32
    %dma_start3A_307 = tpu.memref_slice %arg3[%add3A_300, %dma_start3A_306] : memref<5120x64xi32, #tpu.memory_space<hbm>> -> memref<32x64xi32, #tpu.memory_space<hbm>>
    %dma_start3A_308 = arith.constant 0 : i32
    %dma_start3A_309 = arith.constant 0 : i32
    %dma_start3A_310 = tpu.memref_slice %arg6[%dma_start3A_301, %dma_start3A_308, %dma_start3A_309] : memref<2x32x64xi32, #tpu.memory_space<vmem>> -> memref<1x32x64xi32, #tpu.memory_space<vmem>>
    %dma_start3A_311 = tpu.memref_squeeze %dma_start3A_310 : memref<1x32x64xi32, #tpu.memory_space<vmem>> -> memref<32x64xi32, #tpu.memory_space<vmem>>
    %dma_start3A_312 = arith.constant 0 : i32
    %dma_start3A_313 = tpu.memref_slice %arg3[%add3A_300, %dma_start3A_312] : memref<5120x64xi32, #tpu.memory_space<hbm>> -> memref<32x64xi32, #tpu.memory_space<hbm>>
    tpu.enqueue_dma source(%dma_start3A_313 : memref<32x64xi32, #tpu.memory_space<hbm>>) target(%dma_start3A_311 : memref<32x64xi32, #tpu.memory_space<vmem>>) target_semaphore(%arg14 : memref<!tpu.dma_semaphore, #tpu.memory_space<semaphore_mem>>)
    %dma_start3A_314 = arith.constant 0 : i32
    %dma_start3A_315 = arith.constant 0 : i32
    %dma_start3A_316 = arith.constant 0 : i32
    %dma_start3A_317 = tpu.memref_slice %arg7[%dma_start3A_314, %dma_start3A_315, %dma_start3A_316] : memref<2x32x64xi32, #tpu.memory_space<vmem>> -> memref<1x32x64xi32, #tpu.memory_space<vmem>>
    %dma_start3A_318 = tpu.memref_squeeze %dma_start3A_317 : memref<1x32x64xi32, #tpu.memory_space<vmem>> -> memref<32x64xi32, #tpu.memory_space<vmem>>
    %dma_start3A_319 = arith.constant 0 : i32
    %dma_start3A_320 = tpu.memref_slice %arg4[%add3A_300, %dma_start3A_319] : memref<5120x64xi32, #tpu.memory_space<hbm>> -> memref<32x64xi32, #tpu.memory_space<hbm>>
    %dma_start3A_321 = arith.constant 0 : i32
    %dma_start3A_322 = arith.constant 0 : i32
    %dma_start3A_323 = tpu.memref_slice %arg7[%dma_start3A_314, %dma_start3A_321, %dma_start3A_322] : memref<2x32x64xi32, #tpu.memory_space<vmem>> -> memref<1x32x64xi32, #tpu.memory_space<vmem>>
    %dma_start3A_324 = tpu.memref_squeeze %dma_start3A_323 : memref<1x32x64xi32, #tpu.memory_space<vmem>> -> memref<32x64xi32, #tpu.memory_space<vmem>>
    %dma_start3A_325 = arith.constant 0 : i32
    %dma_start3A_326 = tpu.memref_slice %arg4[%add3A_300, %dma_start3A_325] : memref<5120x64xi32, #tpu.memory_space<hbm>> -> memref<32x64xi32, #tpu.memory_space<hbm>>
    tpu.enqueue_dma source(%dma_start3A_326 : memref<32x64xi32, #tpu.memory_space<hbm>>) target(%dma_start3A_324 : memref<32x64xi32, #tpu.memory_space<vmem>>) target_semaphore(%arg14 : memref<!tpu.dma_semaphore, #tpu.memory_space<semaphore_mem>>)
    %scan3A_327 = arith.constant 0 : i32
    %scan3A_328 = arith.constant 0 : i32
    %scan3A_329 = arith.constant 7 : i32
    %scan3A_330 = arith.addi %scan3A_328, %scan3A_329 : i32
    %scan3A_331 = arith.constant 1 : i32
    scf.for %scan3A_946 = %scan3A_328 to %scan3A_330 step %scan3A_331  : i32 {
      %mul3A_947 = arith.constant 4 : i32
      %mul3A_948 = arith.muli %mul3A_947, %scan3A_946 : i32
      %dma_wait3A_949 = arith.constant 0 : i32
      %dma_wait3A_950 = arith.constant 0 : i32
      %dma_wait3A_951 = arith.constant 0 : i32
      %dma_wait3A_952 = tpu.memref_slice %arg8[%dma_wait3A_949, %dma_wait3A_950, %dma_wait3A_951] : memref<4x64x128xf32, #tpu.memory_space<vmem>> -> memref<1x64x128xf32, #tpu.memory_space<vmem>>
      %dma_wait3A_953 = tpu.memref_squeeze %dma_wait3A_952 : memref<1x64x128xf32, #tpu.memory_space<vmem>> -> memref<64x128xf32, #tpu.memory_space<vmem>>
      %dma_wait3A_954 = arith.constant 0 : i32
      %dma_wait3A_955 = arith.constant 0 : i32
      %dma_wait3A_956 = tpu.memref_slice %arg2[%dma_wait3A_954, %dma_wait3A_955] : memref<10240x128xf32, #tpu.memory_space<hbm>> -> memref<64x128xf32, #tpu.memory_space<hbm>>
      %dma_wait3A_957 = arith.constant 0 : i32
      %dma_wait3A_958 = arith.constant 0 : i32
      %dma_wait3A_959 = tpu.memref_slice %arg8[%dma_wait3A_949, %dma_wait3A_957, %dma_wait3A_958] : memref<4x64x128xf32, #tpu.memory_space<vmem>> -> memref<1x64x128xf32, #tpu.memory_space<vmem>>
      %dma_wait3A_960 = tpu.memref_squeeze %dma_wait3A_959 : memref<1x64x128xf32, #tpu.memory_space<vmem>> -> memref<64x128xf32, #tpu.memory_space<vmem>>
      %dma_wait3A_961 = arith.constant 0 : i32
      %dma_wait3A_962 = arith.constant 0 : i32
      %dma_wait3A_963 = tpu.memref_slice %arg2[%dma_wait3A_961, %dma_wait3A_962] : memref<10240x128xf32, #tpu.memory_space<hbm>> -> memref<64x128xf32, #tpu.memory_space<hbm>>
      tpu.wait_dma2 semaphore(%arg10 : memref<!tpu.dma_semaphore, #tpu.memory_space<semaphore_mem>>) src(%dma_wait3A_963 : memref<64x128xf32, #tpu.memory_space<hbm>>) dst(%dma_wait3A_960 : memref<64x128xf32, #tpu.memory_space<vmem>>)
      %add3A_964 = arith.constant 0 : i32
      %add3A_965 = arith.addi %mul3A_948, %add3A_964 : i32
      %run_scoped3A_966 = arith.constant 0 : i32
      %run_scoped3A_967 = arith.constant 1 : i32
      "tpu.region"() ({
        %run_scoped3A_1089 = tpu.sem_alloc : memref<!tpu.dma_semaphore, #tpu.memory_space<semaphore_mem>>
        %dma_start3A_1090 = arith.constant 0 : i32
        %dma_start3A_1091 = arith.constant 0 : i32
        %dma_start3A_1092 = tpu.memref_slice %arg8[%run_scoped3A_966, %dma_start3A_1090, %dma_start3A_1091] : memref<4x64x128xf32, #tpu.memory_space<vmem>> -> memref<1x64x128xf32, #tpu.memory_space<vmem>>
        %dma_start3A_1093 = tpu.memref_squeeze %dma_start3A_1092 : memref<1x64x128xf32, #tpu.memory_space<vmem>> -> memref<64x128xf32, #tpu.memory_space<vmem>>
        %dma_start3A_1094 = arith.constant 0 : i32
        %dma_start3A_1095 = tpu.memref_slice %arg7[%run_scoped3A_967, %add3A_965, %dma_start3A_1094] : memref<2x32x64xi32, #tpu.memory_space<vmem>> -> memref<1x1x64xi32, #tpu.memory_space<vmem>>
        %dma_start3A_1096 = tpu.memref_squeeze %dma_start3A_1095 : memref<1x1x64xi32, #tpu.memory_space<vmem>> -> memref<64xi32, #tpu.memory_space<vmem>>
        %dma_start3A_1097 = arith.constant 0 : i32
        %dma_start3A_1098 = arith.constant 0 : i32
        %dma_start3A_1099 = tpu.memref_slice %arg9[%dma_start3A_1097, %dma_start3A_1098] : memref<10240x128xf32, #tpu.memory_space<vmem_shared>> -> memref<10240x128xf32, #tpu.memory_space<vmem_shared>>
        tpu.enqueue_indirect_dma source(%dma_start3A_1093 : memref<64x128xf32, #tpu.memory_space<vmem>>) target(%dma_start3A_1099 : memref<10240x128xf32, #tpu.memory_space<vmem_shared>>) offsets(%dma_start3A_1096 : memref<64xi32, #tpu.memory_space<vmem>>) semaphore(%run_scoped3A_1089 : memref<!tpu.dma_semaphore, #tpu.memory_space<semaphore_mem>>) {add = true}
        %dma_wait3A_1100 = arith.constant 0 : i32
        %dma_wait3A_1101 = arith.constant 0 : i32
        %dma_wait3A_1102 = tpu.memref_slice %arg8[%run_scoped3A_966, %dma_wait3A_1100, %dma_wait3A_1101] : memref<4x64x128xf32, #tpu.memory_space<vmem>> -> memref<1x64x128xf32, #tpu.memory_space<vmem>>
        %dma_wait3A_1103 = tpu.memref_squeeze %dma_wait3A_1102 : memref<1x64x128xf32, #tpu.memory_space<vmem>> -> memref<64x128xf32, #tpu.memory_space<vmem>>
        %dma_wait3A_1104 = arith.constant 0 : i32
        %dma_wait3A_1105 = tpu.memref_slice %arg7[%run_scoped3A_967, %add3A_965, %dma_wait3A_1104] : memref<2x32x64xi32, #tpu.memory_space<vmem>> -> memref<1x1x64xi32, #tpu.memory_space<vmem>>
        %dma_wait3A_1106 = tpu.memref_squeeze %dma_wait3A_1105 : memref<1x1x64xi32, #tpu.memory_space<vmem>> -> memref<64xi32, #tpu.memory_space<vmem>>
        %dma_wait3A_1107 = arith.constant 0 : i32
        %dma_wait3A_1108 = arith.constant 0 : i32
        %dma_wait3A_1109 = tpu.memref_slice %arg9[%dma_wait3A_1107, %dma_wait3A_1108] : memref<10240x128xf32, #tpu.memory_space<vmem_shared>> -> memref<10240x128xf32, #tpu.memory_space<vmem_shared>>
        tpu.wait_indirect_dma semaphore(%run_scoped3A_1089 : memref<!tpu.dma_semaphore, #tpu.memory_space<semaphore_mem>>) src(%dma_wait3A_1103 : memref<64x128xf32, #tpu.memory_space<vmem>>) dst(%dma_wait3A_1109 : memref<10240x128xf32, #tpu.memory_space<vmem_shared>>)
        tpu.yield
      }) : () -> ()
      %add3A_968 = arith.constant 4 : i32
      %add3A_969 = arith.addi %mul3A_948, %add3A_968 : i32
      %add3A_970 = arith.constant 0 : i32
      %add3A_971 = arith.addi %add3A_969, %add3A_970 : i32
      %dma_start3A_972 = arith.constant 1 : i32
      %dma_start3A_973 = arith.constant 0 : i32
      %dma_start3A_974 = arith.constant 0 : i32
      %dma_start3A_975 = arith.constant 0 : i32
      %dma_start3A_976 = tpu.memref_slice %arg8[%dma_start3A_973, %dma_start3A_974, %dma_start3A_975] : memref<4x64x128xf32, #tpu.memory_space<vmem>> -> memref<1x64x128xf32, #tpu.memory_space<vmem>>
      %dma_start3A_977 = tpu.memref_squeeze %dma_start3A_976 : memref<1x64x128xf32, #tpu.memory_space<vmem>> -> memref<64x128xf32, #tpu.memory_space<vmem>>
      %dma_start3A_978 = arith.constant 0 : i32
      %dma_start3A_979 = tpu.memref_slice %arg6[%dma_start3A_972, %add3A_971, %dma_start3A_978] : memref<2x32x64xi32, #tpu.memory_space<vmem>> -> memref<1x1x64xi32, #tpu.memory_space<vmem>>
      %dma_start3A_980 = tpu.memref_squeeze %dma_start3A_979 : memref<1x1x64xi32, #tpu.memory_space<vmem>> -> memref<64xi32, #tpu.memory_space<vmem>>
      %dma_start3A_981 = arith.constant 0 : i32
      %dma_start3A_982 = arith.constant 0 : i32
      %dma_start3A_983 = tpu.memref_slice %arg2[%dma_start3A_981, %dma_start3A_982] : memref<10240x128xf32, #tpu.memory_space<hbm>> -> memref<10240x128xf32, #tpu.memory_space<hbm>>
      tpu.enqueue_indirect_dma source(%dma_start3A_983 : memref<10240x128xf32, #tpu.memory_space<hbm>>) target(%dma_start3A_977 : memref<64x128xf32, #tpu.memory_space<vmem>>) offsets(%dma_start3A_980 : memref<64xi32, #tpu.memory_space<vmem>>) semaphore(%arg10 : memref<!tpu.dma_semaphore, #tpu.memory_space<semaphore_mem>>)
      %dma_wait3A_984 = arith.constant 1 : i32
      %dma_wait3A_985 = arith.constant 0 : i32
      %dma_wait3A_986 = arith.constant 0 : i32
      %dma_wait3A_987 = tpu.memref_slice %arg8[%dma_wait3A_984, %dma_wait3A_985, %dma_wait3A_986] : memref<4x64x128xf32, #tpu.memory_space<vmem>> -> memref<1x64x128xf32, #tpu.memory_space<vmem>>
      %dma_wait3A_988 = tpu.memref_squeeze %dma_wait3A_987 : memref<1x64x128xf32, #tpu.memory_space<vmem>> -> memref<64x128xf32, #tpu.memory_space<vmem>>
      %dma_wait3A_989 = arith.constant 0 : i32
      %dma_wait3A_990 = arith.constant 0 : i32
      %dma_wait3A_991 = tpu.memref_slice %arg2[%dma_wait3A_989, %dma_wait3A_990] : memref<10240x128xf32, #tpu.memory_space<hbm>> -> memref<64x128xf32, #tpu.memory_space<hbm>>
      %dma_wait3A_992 = arith.constant 0 : i32
      %dma_wait3A_993 = arith.constant 0 : i32
      %dma_wait3A_994 = tpu.memref_slice %arg8[%dma_wait3A_984, %dma_wait3A_992, %dma_wait3A_993] : memref<4x64x128xf32, #tpu.memory_space<vmem>> -> memref<1x64x128xf32, #tpu.memory_space<vmem>>
      %dma_wait3A_995 = tpu.memref_squeeze %dma_wait3A_994 : memref<1x64x128xf32, #tpu.memory_space<vmem>> -> memref<64x128xf32, #tpu.memory_space<vmem>>
      %dma_wait3A_996 = arith.constant 0 : i32
      %dma_wait3A_997 = arith.constant 0 : i32
      %dma_wait3A_998 = tpu.memref_slice %arg2[%dma_wait3A_996, %dma_wait3A_997] : memref<10240x128xf32, #tpu.memory_space<hbm>> -> memref<64x128xf32, #tpu.memory_space<hbm>>
      tpu.wait_dma2 semaphore(%arg11 : memref<!tpu.dma_semaphore, #tpu.memory_space<semaphore_mem>>) src(%dma_wait3A_998 : memref<64x128xf32, #tpu.memory_space<hbm>>) dst(%dma_wait3A_995 : memref<64x128xf32, #tpu.memory_space<vmem>>)
      %add3A_999 = arith.constant 1 : i32
      %add3A_1000 = arith.addi %mul3A_948, %add3A_999 : i32
      %run_scoped3A_1001 = arith.constant 1 : i32
      %run_scoped3A_1002 = arith.constant 1 : i32
      "tpu.region"() ({
        %run_scoped3A_1089 = tpu.sem_alloc : memref<!tpu.dma_semaphore, #tpu.memory_space<semaphore_mem>>
        %dma_start3A_1090 = arith.constant 0 : i32
        %dma_start3A_1091 = arith.constant 0 : i32
        %dma_start3A_1092 = tpu.memref_slice %arg8[%run_scoped3A_1001, %dma_start3A_1090, %dma_start3A_1091] : memref<4x64x128xf32, #tpu.memory_space<vmem>> -> memref<1x64x128xf32, #tpu.memory_space<vmem>>
        %dma_start3A_1093 = tpu.memref_squeeze %dma_start3A_1092 : memref<1x64x128xf32, #tpu.memory_space<vmem>> -> memref<64x128xf32, #tpu.memory_space<vmem>>
        %dma_start3A_1094 = arith.constant 0 : i32
        %dma_start3A_1095 = tpu.memref_slice %arg7[%run_scoped3A_1002, %add3A_1000, %dma_start3A_1094] : memref<2x32x64xi32, #tpu.memory_space<vmem>> -> memref<1x1x64xi32, #tpu.memory_space<vmem>>
        %dma_start3A_1096 = tpu.memref_squeeze %dma_start3A_1095 : memref<1x1x64xi32, #tpu.memory_space<vmem>> -> memref<64xi32, #tpu.memory_space<vmem>>
        %dma_start3A_1097 = arith.constant 0 : i32
        %dma_start3A_1098 = arith.constant 0 : i32
        %dma_start3A_1099 = tpu.memref_slice %arg9[%dma_start3A_1097, %dma_start3A_1098] : memref<10240x128xf32, #tpu.memory_space<vmem_shared>> -> memref<10240x128xf32, #tpu.memory_space<vmem_shared>>
        tpu.enqueue_indirect_dma source(%dma_start3A_1093 : memref<64x128xf32, #tpu.memory_space<vmem>>) target(%dma_start3A_1099 : memref<10240x128xf32, #tpu.memory_space<vmem_shared>>) offsets(%dma_start3A_1096 : memref<64xi32, #tpu.memory_space<vmem>>) semaphore(%run_scoped3A_1089 : memref<!tpu.dma_semaphore, #tpu.memory_space<semaphore_mem>>) {add = true}
        %dma_wait3A_1100 = arith.constant 0 : i32
        %dma_wait3A_1101 = arith.constant 0 : i32
        %dma_wait3A_1102 = tpu.memref_slice %arg8[%run_scoped3A_1001, %dma_wait3A_1100, %dma_wait3A_1101] : memref<4x64x128xf32, #tpu.memory_space<vmem>> -> memref<1x64x128xf32, #tpu.memory_space<vmem>>
        %dma_wait3A_1103 = tpu.memref_squeeze %dma_wait3A_1102 : memref<1x64x128xf32, #tpu.memory_space<vmem>> -> memref<64x128xf32, #tpu.memory_space<vmem>>
        %dma_wait3A_1104 = arith.constant 0 : i32
        %dma_wait3A_1105 = tpu.memref_slice %arg7[%run_scoped3A_1002, %add3A_1000, %dma_wait3A_1104] : memref<2x32x64xi32, #tpu.memory_space<vmem>> -> memref<1x1x64xi32, #tpu.memory_space<vmem>>
        %dma_wait3A_1106 = tpu.memref_squeeze %dma_wait3A_1105 : memref<1x1x64xi32, #tpu.memory_space<vmem>> -> memref<64xi32, #tpu.memory_space<vmem>>
        %dma_wait3A_1107 = arith.constant 0 : i32
        %dma_wait3A_1108 = arith.constant 0 : i32
        %dma_wait3A_1109 = tpu.memref_slice %arg9[%dma_wait3A_1107, %dma_wait3A_1108] : memref<10240x128xf32, #tpu.memory_space<vmem_shared>> -> memref<10240x128xf32, #tpu.memory_space<vmem_shared>>
        tpu.wait_indirect_dma semaphore(%run_scoped3A_1089 : memref<!tpu.dma_semaphore, #tpu.memory_space<semaphore_mem>>) src(%dma_wait3A_1103 : memref<64x128xf32, #tpu.memory_space<vmem>>) dst(%dma_wait3A_1109 : memref<10240x128xf32, #tpu.memory_space<vmem_shared>>)
        tpu.yield
      }) : () -> ()
      %add3A_1003 = arith.constant 4 : i32
      %add3A_1004 = arith.addi %mul3A_948, %add3A_1003 : i32
      %add3A_1005 = arith.constant 1 : i32
      %add3A_1006 = arith.addi %add3A_1004, %add3A_1005 : i32
      %dma_start3A_1007 = arith.constant 1 : i32
      %dma_start3A_1008 = arith.constant 1 : i32
      %dma_start3A_1009 = arith.constant 0 : i32
      %dma_start3A_1010 = arith.constant 0 : i32
      %dma_start3A_1011 = tpu.memref_slice %arg8[%dma_start3A_1008, %dma_start3A_1009, %dma_start3A_1010] : memref<4x64x128xf32, #tpu.memory_space<vmem>> -> memref<1x64x128xf32, #tpu.memory_space<vmem>>
      %dma_start3A_1012 = tpu.memref_squeeze %dma_start3A_1011 : memref<1x64x128xf32, #tpu.memory_space<vmem>> -> memref<64x128xf32, #tpu.memory_space<vmem>>
      %dma_start3A_1013 = arith.constant 0 : i32
      %dma_start3A_1014 = tpu.memref_slice %arg6[%dma_start3A_1007, %add3A_1006, %dma_start3A_1013] : memref<2x32x64xi32, #tpu.memory_space<vmem>> -> memref<1x1x64xi32, #tpu.memory_space<vmem>>
      %dma_start3A_1015 = tpu.memref_squeeze %dma_start3A_1014 : memref<1x1x64xi32, #tpu.memory_space<vmem>> -> memref<64xi32, #tpu.memory_space<vmem>>
      %dma_start3A_1016 = arith.constant 0 : i32
      %dma_start3A_1017 = arith.constant 0 : i32
      %dma_start3A_1018 = tpu.memref_slice %arg2[%dma_start3A_1016, %dma_start3A_1017] : memref<10240x128xf32, #tpu.memory_space<hbm>> -> memref<10240x128xf32, #tpu.memory_space<hbm>>
      tpu.enqueue_indirect_dma source(%dma_start3A_1018 : memref<10240x128xf32, #tpu.memory_space<hbm>>) target(%dma_start3A_1012 : memref<64x128xf32, #tpu.memory_space<vmem>>) offsets(%dma_start3A_1015 : memref<64xi32, #tpu.memory_space<vmem>>) semaphore(%arg11 : memref<!tpu.dma_semaphore, #tpu.memory_space<semaphore_mem>>)
      %dma_wait3A_1019 = arith.constant 2 : i32
      %dma_wait3A_1020 = arith.constant 0 : i32
      %dma_wait3A_1021 = arith.constant 0 : i32
      %dma_wait3A_1022 = tpu.memref_slice %arg8[%dma_wait3A_1019, %dma_wait3A_1020, %dma_wait3A_1021] : memref<4x64x128xf32, #tpu.memory_space<vmem>> -> memref<1x64x128xf32, #tpu.memory_space<vmem>>
      %dma_wait3A_1023 = tpu.memref_squeeze %dma_wait3A_1022 : memref<1x64x128xf32, #tpu.memory_space<vmem>> -> memref<64x128xf32, #tpu.memory_space<vmem>>
      %dma_wait3A_1024 = arith.constant 0 : i32
      %dma_wait3A_1025 = arith.constant 0 : i32
      %dma_wait3A_1026 = tpu.memref_slice %arg2[%dma_wait3A_1024, %dma_wait3A_1025] : memref<10240x128xf32, #tpu.memory_space<hbm>> -> memref<64x128xf32, #tpu.memory_space<hbm>>
      %dma_wait3A_1027 = arith.constant 0 : i32
      %dma_wait3A_1028 = arith.constant 0 : i32
      %dma_wait3A_1029 = tpu.memref_slice %arg8[%dma_wait3A_1019, %dma_wait3A_1027, %dma_wait3A_1028] : memref<4x64x128xf32, #tpu.memory_space<vmem>> -> memref<1x64x128xf32, #tpu.memory_space<vmem>>
      %dma_wait3A_1030 = tpu.memref_squeeze %dma_wait3A_1029 : memref<1x64x128xf32, #tpu.memory_space<vmem>> -> memref<64x128xf32, #tpu.memory_space<vmem>>
      %dma_wait3A_1031 = arith.constant 0 : i32
      %dma_wait3A_1032 = arith.constant 0 : i32
      %dma_wait3A_1033 = tpu.memref_slice %arg2[%dma_wait3A_1031, %dma_wait3A_1032] : memref<10240x128xf32, #tpu.memory_space<hbm>> -> memref<64x128xf32, #tpu.memory_space<hbm>>
      tpu.wait_dma2 semaphore(%arg12 : memref<!tpu.dma_semaphore, #tpu.memory_space<semaphore_mem>>) src(%dma_wait3A_1033 : memref<64x128xf32, #tpu.memory_space<hbm>>) dst(%dma_wait3A_1030 : memref<64x128xf32, #tpu.memory_space<vmem>>)
      %add3A_1034 = arith.constant 2 : i32
      %add3A_1035 = arith.addi %mul3A_948, %add3A_1034 : i32
      %run_scoped3A_1036 = arith.constant 2 : i32
      %run_scoped3A_1037 = arith.constant 1 : i32
      "tpu.region"() ({
        %run_scoped3A_1089 = tpu.sem_alloc : memref<!tpu.dma_semaphore, #tpu.memory_space<semaphore_mem>>
        %dma_start3A_1090 = arith.constant 0 : i32
        %dma_start3A_1091 = arith.constant 0 : i32
        %dma_start3A_1092 = tpu.memref_slice %arg8[%run_scoped3A_1036, %dma_start3A_1090, %dma_start3A_1091] : memref<4x64x128xf32, #tpu.memory_space<vmem>> -> memref<1x64x128xf32, #tpu.memory_space<vmem>>
        %dma_start3A_1093 = tpu.memref_squeeze %dma_start3A_1092 : memref<1x64x128xf32, #tpu.memory_space<vmem>> -> memref<64x128xf32, #tpu.memory_space<vmem>>
        %dma_start3A_1094 = arith.constant 0 : i32
        %dma_start3A_1095 = tpu.memref_slice %arg7[%run_scoped3A_1037, %add3A_1035, %dma_start3A_1094] : memref<2x32x64xi32, #tpu.memory_space<vmem>> -> memref<1x1x64xi32, #tpu.memory_space<vmem>>
        %dma_start3A_1096 = tpu.memref_squeeze %dma_start3A_1095 : memref<1x1x64xi32, #tpu.memory_space<vmem>> -> memref<64xi32, #tpu.memory_space<vmem>>
        %dma_start3A_1097 = arith.constant 0 : i32
        %dma_start3A_1098 = arith.constant 0 : i32
        %dma_start3A_1099 = tpu.memref_slice %arg9[%dma_start3A_1097, %dma_start3A_1098] : memref<10240x128xf32, #tpu.memory_space<vmem_shared>> -> memref<10240x128xf32, #tpu.memory_space<vmem_shared>>
        tpu.enqueue_indirect_dma source(%dma_start3A_1093 : memref<64x128xf32, #tpu.memory_space<vmem>>) target(%dma_start3A_1099 : memref<10240x128xf32, #tpu.memory_space<vmem_shared>>) offsets(%dma_start3A_1096 : memref<64xi32, #tpu.memory_space<vmem>>) semaphore(%run_scoped3A_1089 : memref<!tpu.dma_semaphore, #tpu.memory_space<semaphore_mem>>) {add = true}
        %dma_wait3A_1100 = arith.constant 0 : i32
        %dma_wait3A_1101 = arith.constant 0 : i32
        %dma_wait3A_1102 = tpu.memref_slice %arg8[%run_scoped3A_1036, %dma_wait3A_1100, %dma_wait3A_1101] : memref<4x64x128xf32, #tpu.memory_space<vmem>> -> memref<1x64x128xf32, #tpu.memory_space<vmem>>
        %dma_wait3A_1103 = tpu.memref_squeeze %dma_wait3A_1102 : memref<1x64x128xf32, #tpu.memory_space<vmem>> -> memref<64x128xf32, #tpu.memory_space<vmem>>
        %dma_wait3A_1104 = arith.constant 0 : i32
        %dma_wait3A_1105 = tpu.memref_slice %arg7[%run_scoped3A_1037, %add3A_1035, %dma_wait3A_1104] : memref<2x32x64xi32, #tpu.memory_space<vmem>> -> memref<1x1x64xi32, #tpu.memory_space<vmem>>
        %dma_wait3A_1106 = tpu.memref_squeeze %dma_wait3A_1105 : memref<1x1x64xi32, #tpu.memory_space<vmem>> -> memref<64xi32, #tpu.memory_space<vmem>>
        %dma_wait3A_1107 = arith.constant 0 : i32
        %dma_wait3A_1108 = arith.constant 0 : i32
        %dma_wait3A_1109 = tpu.memref_slice %arg9[%dma_wait3A_1107, %dma_wait3A_1108] : memref<10240x128xf32, #tpu.memory_space<vmem_shared>> -> memref<10240x128xf32, #tpu.memory_space<vmem_shared>>
        tpu.wait_indirect_dma semaphore(%run_scoped3A_1089 : memref<!tpu.dma_semaphore, #tpu.memory_space<semaphore_mem>>) src(%dma_wait3A_1103 : memref<64x128xf32, #tpu.memory_space<vmem>>) dst(%dma_wait3A_1109 : memref<10240x128xf32, #tpu.memory_space<vmem_shared>>)
        tpu.yield
      }) : () -> ()
      %add3A_1038 = arith.constant 4 : i32
      %add3A_1039 = arith.addi %mul3A_948, %add3A_1038 : i32
      %add3A_1040 = arith.constant 2 : i32
      %add3A_1041 = arith.addi %add3A_1039, %add3A_1040 : i32
      %dma_start3A_1042 = arith.constant 1 : i32
      %dma_start3A_1043 = arith.constant 2 : i32
      %dma_start3A_1044 = arith.constant 0 : i32
      %dma_start3A_1045 = arith.constant 0 : i32
      %dma_start3A_1046 = tpu.memref_slice %arg8[%dma_start3A_1043, %dma_start3A_1044, %dma_start3A_1045] : memref<4x64x128xf32, #tpu.memory_space<vmem>> -> memref<1x64x128xf32, #tpu.memory_space<vmem>>
      %dma_start3A_1047 = tpu.memref_squeeze %dma_start3A_1046 : memref<1x64x128xf32, #tpu.memory_space<vmem>> -> memref<64x128xf32, #tpu.memory_space<vmem>>
      %dma_start3A_1048 = arith.constant 0 : i32
      %dma_start3A_1049 = tpu.memref_slice %arg6[%dma_start3A_1042, %add3A_1041, %dma_start3A_1048] : memref<2x32x64xi32, #tpu.memory_space<vmem>> -> memref<1x1x64xi32, #tpu.memory_space<vmem>>
      %dma_start3A_1050 = tpu.memref_squeeze %dma_start3A_1049 : memref<1x1x64xi32, #tpu.memory_space<vmem>> -> memref<64xi32, #tpu.memory_space<vmem>>
      %dma_start3A_1051 = arith.constant 0 : i32
      %dma_start3A_1052 = arith.constant 0 : i32
      %dma_start3A_1053 = tpu.memref_slice %arg2[%dma_start3A_1051, %dma_start3A_1052] : memref<10240x128xf32, #tpu.memory_space<hbm>> -> memref<10240x128xf32, #tpu.memory_space<hbm>>
      tpu.enqueue_indirect_dma source(%dma_start3A_1053 : memref<10240x128xf32, #tpu.memory_space<hbm>>) target(%dma_start3A_1047 : memref<64x128xf32, #tpu.memory_space<vmem>>) offsets(%dma_start3A_1050 : memref<64xi32, #tpu.memory_space<vmem>>) semaphore(%arg12 : memref<!tpu.dma_semaphore, #tpu.memory_space<semaphore_mem>>)
      %dma_wait3A_1054 = arith.constant 3 : i32
      %dma_wait3A_1055 = arith.constant 0 : i32
      %dma_wait3A_1056 = arith.constant 0 : i32
      %dma_wait3A_1057 = tpu.memref_slice %arg8[%dma_wait3A_1054, %dma_wait3A_1055, %dma_wait3A_1056] : memref<4x64x128xf32, #tpu.memory_space<vmem>> -> memref<1x64x128xf32, #tpu.memory_space<vmem>>
      %dma_wait3A_1058 = tpu.memref_squeeze %dma_wait3A_1057 : memref<1x64x128xf32, #tpu.memory_space<vmem>> -> memref<64x128xf32, #tpu.memory_space<vmem>>
      %dma_wait3A_1059 = arith.constant 0 : i32
      %dma_wait3A_1060 = arith.constant 0 : i32
      %dma_wait3A_1061 = tpu.memref_slice %arg2[%dma_wait3A_1059, %dma_wait3A_1060] : memref<10240x128xf32, #tpu.memory_space<hbm>> -> memref<64x128xf32, #tpu.memory_space<hbm>>
      %dma_wait3A_1062 = arith.constant 0 : i32
      %dma_wait3A_1063 = arith.constant 0 : i32
      %dma_wait3A_1064 = tpu.memref_slice %arg8[%dma_wait3A_1054, %dma_wait3A_1062, %dma_wait3A_1063] : memref<4x64x128xf32, #tpu.memory_space<vmem>> -> memref<1x64x128xf32, #tpu.memory_space<vmem>>
      %dma_wait3A_1065 = tpu.memref_squeeze %dma_wait3A_1064 : memref<1x64x128xf32, #tpu.memory_space<vmem>> -> memref<64x128xf32, #tpu.memory_space<vmem>>
      %dma_wait3A_1066 = arith.constant 0 : i32
      %dma_wait3A_1067 = arith.constant 0 : i32
      %dma_wait3A_1068 = tpu.memref_slice %arg2[%dma_wait3A_1066, %dma_wait3A_1067] : memref<10240x128xf32, #tpu.memory_space<hbm>> -> memref<64x128xf32, #tpu.memory_space<hbm>>
      tpu.wait_dma2 semaphore(%arg13 : memref<!tpu.dma_semaphore, #tpu.memory_space<semaphore_mem>>) src(%dma_wait3A_1068 : memref<64x128xf32, #tpu.memory_space<hbm>>) dst(%dma_wait3A_1065 : memref<64x128xf32, #tpu.memory_space<vmem>>)
      %add3A_1069 = arith.constant 3 : i32
      %add3A_1070 = arith.addi %mul3A_948, %add3A_1069 : i32
      %run_scoped3A_1071 = arith.constant 3 : i32
      %run_scoped3A_1072 = arith.constant 1 : i32
      "tpu.region"() ({
        %run_scoped3A_1089 = tpu.sem_alloc : memref<!tpu.dma_semaphore, #tpu.memory_space<semaphore_mem>>
        %dma_start3A_1090 = arith.constant 0 : i32
        %dma_start3A_1091 = arith.constant 0 : i32
        %dma_start3A_1092 = tpu.memref_slice %arg8[%run_scoped3A_1071, %dma_start3A_1090, %dma_start3A_1091] : memref<4x64x128xf32, #tpu.memory_space<vmem>> -> memref<1x64x128xf32, #tpu.memory_space<vmem>>
        %dma_start3A_1093 = tpu.memref_squeeze %dma_start3A_1092 : memref<1x64x128xf32, #tpu.memory_space<vmem>> -> memref<64x128xf32, #tpu.memory_space<vmem>>
        %dma_start3A_1094 = arith.constant 0 : i32
        %dma_start3A_1095 = tpu.memref_slice %arg7[%run_scoped3A_1072, %add3A_1070, %dma_start3A_1094] : memref<2x32x64xi32, #tpu.memory_space<vmem>> -> memref<1x1x64xi32, #tpu.memory_space<vmem>>
        %dma_start3A_1096 = tpu.memref_squeeze %dma_start3A_1095 : memref<1x1x64xi32, #tpu.memory_space<vmem>> -> memref<64xi32, #tpu.memory_space<vmem>>
        %dma_start3A_1097 = arith.constant 0 : i32
        %dma_start3A_1098 = arith.constant 0 : i32
        %dma_start3A_1099 = tpu.memref_slice %arg9[%dma_start3A_1097, %dma_start3A_1098] : memref<10240x128xf32, #tpu.memory_space<vmem_shared>> -> memref<10240x128xf32, #tpu.memory_space<vmem_shared>>
        tpu.enqueue_indirect_dma source(%dma_start3A_1093 : memref<64x128xf32, #tpu.memory_space<vmem>>) target(%dma_start3A_1099 : memref<10240x128xf32, #tpu.memory_space<vmem_shared>>) offsets(%dma_start3A_1096 : memref<64xi32, #tpu.memory_space<vmem>>) semaphore(%run_scoped3A_1089 : memref<!tpu.dma_semaphore, #tpu.memory_space<semaphore_mem>>) {add = true}
        %dma_wait3A_1100 = arith.constant 0 : i32
        %dma_wait3A_1101 = arith.constant 0 : i32
        %dma_wait3A_1102 = tpu.memref_slice %arg8[%run_scoped3A_1071, %dma_wait3A_1100, %dma_wait3A_1101] : memref<4x64x128xf32, #tpu.memory_space<vmem>> -> memref<1x64x128xf32, #tpu.memory_space<vmem>>
        %dma_wait3A_1103 = tpu.memref_squeeze %dma_wait3A_1102 : memref<1x64x128xf32, #tpu.memory_space<vmem>> -> memref<64x128xf32, #tpu.memory_space<vmem>>
        %dma_wait3A_1104 = arith.constant 0 : i32
        %dma_wait3A_1105 = tpu.memref_slice %arg7[%run_scoped3A_1072, %add3A_1070, %dma_wait3A_1104] : memref<2x32x64xi32, #tpu.memory_space<vmem>> -> memref<1x1x64xi32, #tpu.memory_space<vmem>>
        %dma_wait3A_1106 = tpu.memref_squeeze %dma_wait3A_1105 : memref<1x1x64xi32, #tpu.memory_space<vmem>> -> memref<64xi32, #tpu.memory_space<vmem>>
        %dma_wait3A_1107 = arith.constant 0 : i32
        %dma_wait3A_1108 = arith.constant 0 : i32
        %dma_wait3A_1109 = tpu.memref_slice %arg9[%dma_wait3A_1107, %dma_wait3A_1108] : memref<10240x128xf32, #tpu.memory_space<vmem_shared>> -> memref<10240x128xf32, #tpu.memory_space<vmem_shared>>
        tpu.wait_indirect_dma semaphore(%run_scoped3A_1089 : memref<!tpu.dma_semaphore, #tpu.memory_space<semaphore_mem>>) src(%dma_wait3A_1103 : memref<64x128xf32, #tpu.memory_space<vmem>>) dst(%dma_wait3A_1109 : memref<10240x128xf32, #tpu.memory_space<vmem_shared>>)
        tpu.yield
      }) : () -> ()
      %add3A_1073 = arith.constant 4 : i32
      %add3A_1074 = arith.addi %mul3A_948, %add3A_1073 : i32
      %add3A_1075 = arith.constant 3 : i32
      %add3A_1076 = arith.addi %add3A_1074, %add3A_1075 : i32
      %dma_start3A_1077 = arith.constant 1 : i32
      %dma_start3A_1078 = arith.constant 3 : i32
      %dma_start3A_1079 = arith.constant 0 : i32
      %dma_start3A_1080 = arith.constant 0 : i32
      %dma_start3A_1081 = tpu.memref_slice %arg8[%dma_start3A_1078, %dma_start3A_1079, %dma_start3A_1080] : memref<4x64x128xf32, #tpu.memory_space<vmem>> -> memref<1x64x128xf32, #tpu.memory_space<vmem>>
      %dma_start3A_1082 = tpu.memref_squeeze %dma_start3A_1081 : memref<1x64x128xf32, #tpu.memory_space<vmem>> -> memref<64x128xf32, #tpu.memory_space<vmem>>
      %dma_start3A_1083 = arith.constant 0 : i32
      %dma_start3A_1084 = tpu.memref_slice %arg6[%dma_start3A_1077, %add3A_1076, %dma_start3A_1083] : memref<2x32x64xi32, #tpu.memory_space<vmem>> -> memref<1x1x64xi32, #tpu.memory_space<vmem>>
      %dma_start3A_1085 = tpu.memref_squeeze %dma_start3A_1084 : memref<1x1x64xi32, #tpu.memory_space<vmem>> -> memref<64xi32, #tpu.memory_space<vmem>>
      %dma_start3A_1086 = arith.constant 0 : i32
      %dma_start3A_1087 = arith.constant 0 : i32
      %dma_start3A_1088 = tpu.memref_slice %arg2[%dma_start3A_1086, %dma_start3A_1087] : memref<10240x128xf32, #tpu.memory_space<hbm>> -> memref<10240x128xf32, #tpu.memory_space<hbm>>
      tpu.enqueue_indirect_dma source(%dma_start3A_1088 : memref<10240x128xf32, #tpu.memory_space<hbm>>) target(%dma_start3A_1082 : memref<64x128xf32, #tpu.memory_space<vmem>>) offsets(%dma_start3A_1085 : memref<64xi32, #tpu.memory_space<vmem>>) semaphore(%arg13 : memref<!tpu.dma_semaphore, #tpu.memory_space<semaphore_mem>>)
    }
    %scan3A_332 = arith.constant 7 : i32
    %dma_wait3A_333 = arith.constant 0 : i32
    %dma_wait3A_334 = arith.constant 0 : i32
    %dma_wait3A_335 = arith.constant 0 : i32
    %dma_wait3A_336 = tpu.memref_slice %arg6[%dma_wait3A_333, %dma_wait3A_334, %dma_wait3A_335] : memref<2x32x64xi32, #tpu.memory_space<vmem>> -> memref<1x32x64xi32, #tpu.memory_space<vmem>>
    %dma_wait3A_337 = tpu.memref_squeeze %dma_wait3A_336 : memref<1x32x64xi32, #tpu.memory_space<vmem>> -> memref<32x64xi32, #tpu.memory_space<vmem>>
    %dma_wait3A_338 = arith.constant 0 : i32
    %dma_wait3A_339 = arith.constant 0 : i32
    %dma_wait3A_340 = tpu.memref_slice %arg3[%dma_wait3A_338, %dma_wait3A_339] : memref<5120x64xi32, #tpu.memory_space<hbm>> -> memref<32x64xi32, #tpu.memory_space<hbm>>
    %dma_wait3A_341 = arith.constant 0 : i32
    %dma_wait3A_342 = arith.constant 0 : i32
    %dma_wait3A_343 = tpu.memref_slice %arg6[%dma_wait3A_333, %dma_wait3A_341, %dma_wait3A_342] : memref<2x32x64xi32, #tpu.memory_space<vmem>> -> memref<1x32x64xi32, #tpu.memory_space<vmem>>
    %dma_wait3A_344 = tpu.memref_squeeze %dma_wait3A_343 : memref<1x32x64xi32, #tpu.memory_space<vmem>> -> memref<32x64xi32, #tpu.memory_space<vmem>>
    %dma_wait3A_345 = arith.constant 0 : i32
    %dma_wait3A_346 = arith.constant 0 : i32
    %dma_wait3A_347 = tpu.memref_slice %arg3[%dma_wait3A_345, %dma_wait3A_346] : memref<5120x64xi32, #tpu.memory_space<hbm>> -> memref<32x64xi32, #tpu.memory_space<hbm>>
    tpu.wait_dma2 semaphore(%arg14 : memref<!tpu.dma_semaphore, #tpu.memory_space<semaphore_mem>>) src(%dma_wait3A_347 : memref<32x64xi32, #tpu.memory_space<hbm>>) dst(%dma_wait3A_344 : memref<32x64xi32, #tpu.memory_space<vmem>>)
    %dma_wait3A_348 = arith.constant 0 : i32
    %dma_wait3A_349 = arith.constant 0 : i32
    %dma_wait3A_350 = arith.constant 0 : i32
    %dma_wait3A_351 = tpu.memref_slice %arg7[%dma_wait3A_348, %dma_wait3A_349, %dma_wait3A_350] : memref<2x32x64xi32, #tpu.memory_space<vmem>> -> memref<1x32x64xi32, #tpu.memory_space<vmem>>
    %dma_wait3A_352 = tpu.memref_squeeze %dma_wait3A_351 : memref<1x32x64xi32, #tpu.memory_space<vmem>> -> memref<32x64xi32, #tpu.memory_space<vmem>>
    %dma_wait3A_353 = arith.constant 0 : i32
    %dma_wait3A_354 = arith.constant 0 : i32
    %dma_wait3A_355 = tpu.memref_slice %arg4[%dma_wait3A_353, %dma_wait3A_354] : memref<5120x64xi32, #tpu.memory_space<hbm>> -> memref<32x64xi32, #tpu.memory_space<hbm>>
    %dma_wait3A_356 = arith.constant 0 : i32
    %dma_wait3A_357 = arith.constant 0 : i32
    %dma_wait3A_358 = tpu.memref_slice %arg7[%dma_wait3A_348, %dma_wait3A_356, %dma_wait3A_357] : memref<2x32x64xi32, #tpu.memory_space<vmem>> -> memref<1x32x64xi32, #tpu.memory_space<vmem>>
    %dma_wait3A_359 = tpu.memref_squeeze %dma_wait3A_358 : memref<1x32x64xi32, #tpu.memory_space<vmem>> -> memref<32x64xi32, #tpu.memory_space<vmem>>
    %dma_wait3A_360 = arith.constant 0 : i32
    %dma_wait3A_361 = arith.constant 0 : i32
    %dma_wait3A_362 = tpu.memref_slice %arg4[%dma_wait3A_360, %dma_wait3A_361] : memref<5120x64xi32, #tpu.memory_space<hbm>> -> memref<32x64xi32, #tpu.memory_space<hbm>>
    tpu.wait_dma2 semaphore(%arg14 : memref<!tpu.dma_semaphore, #tpu.memory_space<semaphore_mem>>) src(%dma_wait3A_362 : memref<32x64xi32, #tpu.memory_space<hbm>>) dst(%dma_wait3A_359 : memref<32x64xi32, #tpu.memory_space<vmem>>)
    %dma_wait3A_363 = arith.constant 0 : i32
    %dma_wait3A_364 = arith.constant 0 : i32
    %dma_wait3A_365 = arith.constant 0 : i32
    %dma_wait3A_366 = tpu.memref_slice %arg8[%dma_wait3A_363, %dma_wait3A_364, %dma_wait3A_365] : memref<4x64x128xf32, #tpu.memory_space<vmem>> -> memref<1x64x128xf32, #tpu.memory_space<vmem>>
    %dma_wait3A_367 = tpu.memref_squeeze %dma_wait3A_366 : memref<1x64x128xf32, #tpu.memory_space<vmem>> -> memref<64x128xf32, #tpu.memory_space<vmem>>
    %dma_wait3A_368 = arith.constant 0 : i32
    %dma_wait3A_369 = arith.constant 0 : i32
    %dma_wait3A_370 = tpu.memref_slice %arg2[%dma_wait3A_368, %dma_wait3A_369] : memref<10240x128xf32, #tpu.memory_space<hbm>> -> memref<64x128xf32, #tpu.memory_space<hbm>>
    %dma_wait3A_371 = arith.constant 0 : i32
    %dma_wait3A_372 = arith.constant 0 : i32
    %dma_wait3A_373 = tpu.memref_slice %arg8[%dma_wait3A_363, %dma_wait3A_371, %dma_wait3A_372] : memref<4x64x128xf32, #tpu.memory_space<vmem>> -> memref<1x64x128xf32, #tpu.memory_space<vmem>>
    %dma_wait3A_374 = tpu.memref_squeeze %dma_wait3A_373 : memref<1x64x128xf32, #tpu.memory_space<vmem>> -> memref<64x128xf32, #tpu.memory_space<vmem>>
    %dma_wait3A_375 = arith.constant 0 : i32
    %dma_wait3A_376 = arith.constant 0 : i32
    %dma_wait3A_377 = tpu.memref_slice %arg2[%dma_wait3A_375, %dma_wait3A_376] : memref<10240x128xf32, #tpu.memory_space<hbm>> -> memref<64x128xf32, #tpu.memory_space<hbm>>
    tpu.wait_dma2 semaphore(%arg10 : memref<!tpu.dma_semaphore, #tpu.memory_space<semaphore_mem>>) src(%dma_wait3A_377 : memref<64x128xf32, #tpu.memory_space<hbm>>) dst(%dma_wait3A_374 : memref<64x128xf32, #tpu.memory_space<vmem>>)
    %run_scoped3A_378 = arith.constant 0 : i32
    %run_scoped3A_379 = arith.constant 1 : i32
    %run_scoped3A_380 = arith.constant 28 : i32
    "tpu.region"() ({
      %run_scoped3A_946 = tpu.sem_alloc : memref<!tpu.dma_semaphore, #tpu.memory_space<semaphore_mem>>
      %dma_start3A_947 = arith.constant 0 : i32
      %dma_start3A_948 = arith.constant 0 : i32
      %dma_start3A_949 = tpu.memref_slice %arg8[%run_scoped3A_378, %dma_start3A_947, %dma_start3A_948] : memref<4x64x128xf32, #tpu.memory_space<vmem>> -> memref<1x64x128xf32, #tpu.memory_space<vmem>>
      %dma_start3A_950 = tpu.memref_squeeze %dma_start3A_949 : memref<1x64x128xf32, #tpu.memory_space<vmem>> -> memref<64x128xf32, #tpu.memory_space<vmem>>
      %dma_start3A_951 = arith.constant 0 : i32
      %dma_start3A_952 = tpu.memref_slice %arg7[%run_scoped3A_379, %run_scoped3A_380, %dma_start3A_951] : memref<2x32x64xi32, #tpu.memory_space<vmem>> -> memref<1x1x64xi32, #tpu.memory_space<vmem>>
      %dma_start3A_953 = tpu.memref_squeeze %dma_start3A_952 : memref<1x1x64xi32, #tpu.memory_space<vmem>> -> memref<64xi32, #tpu.memory_space<vmem>>
      %dma_start3A_954 = arith.constant 0 : i32
      %dma_start3A_955 = arith.constant 0 : i32
      %dma_start3A_956 = tpu.memref_slice %arg9[%dma_start3A_954, %dma_start3A_955] : memref<10240x128xf32, #tpu.memory_space<vmem_shared>> -> memref<10240x128xf32, #tpu.memory_space<vmem_shared>>
      tpu.enqueue_indirect_dma source(%dma_start3A_950 : memref<64x128xf32, #tpu.memory_space<vmem>>) target(%dma_start3A_956 : memref<10240x128xf32, #tpu.memory_space<vmem_shared>>) offsets(%dma_start3A_953 : memref<64xi32, #tpu.memory_space<vmem>>) semaphore(%run_scoped3A_946 : memref<!tpu.dma_semaphore, #tpu.memory_space<semaphore_mem>>) {add = true}
      %dma_wait3A_957 = arith.constant 0 : i32
      %dma_wait3A_958 = arith.constant 0 : i32
      %dma_wait3A_959 = tpu.memref_slice %arg8[%run_scoped3A_378, %dma_wait3A_957, %dma_wait3A_958] : memref<4x64x128xf32, #tpu.memory_space<vmem>> -> memref<1x64x128xf32, #tpu.memory_space<vmem>>
      %dma_wait3A_960 = tpu.memref_squeeze %dma_wait3A_959 : memref<1x64x128xf32, #tpu.memory_space<vmem>> -> memref<64x128xf32, #tpu.memory_space<vmem>>
      %dma_wait3A_961 = arith.constant 0 : i32
      %dma_wait3A_962 = tpu.memref_slice %arg7[%run_scoped3A_379, %run_scoped3A_380, %dma_wait3A_961] : memref<2x32x64xi32, #tpu.memory_space<vmem>> -> memref<1x1x64xi32, #tpu.memory_space<vmem>>
      %dma_wait3A_963 = tpu.memref_squeeze %dma_wait3A_962 : memref<1x1x64xi32, #tpu.memory_space<vmem>> -> memref<64xi32, #tpu.memory_space<vmem>>
      %dma_wait3A_964 = arith.constant 0 : i32
      %dma_wait3A_965 = arith.constant 0 : i32
      %dma_wait3A_966 = tpu.memref_slice %arg9[%dma_wait3A_964, %dma_wait3A_965] : memref<10240x128xf32, #tpu.memory_space<vmem_shared>> -> memref<10240x128xf32, #tpu.memory_space<vmem_shared>>
      tpu.wait_indirect_dma semaphore(%run_scoped3A_946 : memref<!tpu.dma_semaphore, #tpu.memory_space<semaphore_mem>>) src(%dma_wait3A_960 : memref<64x128xf32, #tpu.memory_space<vmem>>) dst(%dma_wait3A_966 : memref<10240x128xf32, #tpu.memory_space<vmem_shared>>)
      tpu.yield
    }) : () -> ()
    %dma_start3A_381 = arith.constant 0 : i32
    %dma_start3A_382 = arith.constant 0 : i32
    %dma_start3A_383 = arith.constant 0 : i32
    %dma_start3A_384 = arith.constant 0 : i32
    %dma_start3A_385 = arith.constant 0 : i32
    %dma_start3A_386 = tpu.memref_slice %arg8[%dma_start3A_383, %dma_start3A_384, %dma_start3A_385] : memref<4x64x128xf32, #tpu.memory_space<vmem>> -> memref<1x64x128xf32, #tpu.memory_space<vmem>>
    %dma_start3A_387 = tpu.memref_squeeze %dma_start3A_386 : memref<1x64x128xf32, #tpu.memory_space<vmem>> -> memref<64x128xf32, #tpu.memory_space<vmem>>
    %dma_start3A_388 = arith.constant 0 : i32
    %dma_start3A_389 = tpu.memref_slice %arg6[%dma_start3A_381, %dma_start3A_382, %dma_start3A_388] : memref<2x32x64xi32, #tpu.memory_space<vmem>> -> memref<1x1x64xi32, #tpu.memory_space<vmem>>
    %dma_start3A_390 = tpu.memref_squeeze %dma_start3A_389 : memref<1x1x64xi32, #tpu.memory_space<vmem>> -> memref<64xi32, #tpu.memory_space<vmem>>
    %dma_start3A_391 = arith.constant 0 : i32
    %dma_start3A_392 = arith.constant 0 : i32
    %dma_start3A_393 = tpu.memref_slice %arg2[%dma_start3A_391, %dma_start3A_392] : memref<10240x128xf32, #tpu.memory_space<hbm>> -> memref<10240x128xf32, #tpu.memory_space<hbm>>
    tpu.enqueue_indirect_dma source(%dma_start3A_393 : memref<10240x128xf32, #tpu.memory_space<hbm>>) target(%dma_start3A_387 : memref<64x128xf32, #tpu.memory_space<vmem>>) offsets(%dma_start3A_390 : memref<64xi32, #tpu.memory_space<vmem>>) semaphore(%arg10 : memref<!tpu.dma_semaphore, #tpu.memory_space<semaphore_mem>>)
    %dma_wait3A_394 = arith.constant 1 : i32
    %dma_wait3A_395 = arith.constant 0 : i32
    %dma_wait3A_396 = arith.constant 0 : i32
    %dma_wait3A_397 = tpu.memref_slice %arg8[%dma_wait3A_394, %dma_wait3A_395, %dma_wait3A_396] : memref<4x64x128xf32, #tpu.memory_space<vmem>> -> memref<1x64x128xf32, #tpu.memory_space<vmem>>
    %dma_wait3A_398 = tpu.memref_squeeze %dma_wait3A_397 : memref<1x64x128xf32, #tpu.memory_space<vmem>> -> memref<64x128xf32, #tpu.memory_space<vmem>>
    %dma_wait3A_399 = arith.constant 0 : i32
    %dma_wait3A_400 = arith.constant 0 : i32
    %dma_wait3A_401 = tpu.memref_slice %arg2[%dma_wait3A_399, %dma_wait3A_400] : memref<10240x128xf32, #tpu.memory_space<hbm>> -> memref<64x128xf32, #tpu.memory_space<hbm>>
    %dma_wait3A_402 = arith.constant 0 : i32
    %dma_wait3A_403 = arith.constant 0 : i32
    %dma_wait3A_404 = tpu.memref_slice %arg8[%dma_wait3A_394, %dma_wait3A_402, %dma_wait3A_403] : memref<4x64x128xf32, #tpu.memory_space<vmem>> -> memref<1x64x128xf32, #tpu.memory_space<vmem>>
    %dma_wait3A_405 = tpu.memref_squeeze %dma_wait3A_404 : memref<1x64x128xf32, #tpu.memory_space<vmem>> -> memref<64x128xf32, #tpu.memory_space<vmem>>
    %dma_wait3A_406 = arith.constant 0 : i32
    %dma_wait3A_407 = arith.constant 0 : i32
    %dma_wait3A_408 = tpu.memref_slice %arg2[%dma_wait3A_406, %dma_wait3A_407] : memref<10240x128xf32, #tpu.memory_space<hbm>> -> memref<64x128xf32, #tpu.memory_space<hbm>>
    tpu.wait_dma2 semaphore(%arg11 : memref<!tpu.dma_semaphore, #tpu.memory_space<semaphore_mem>>) src(%dma_wait3A_408 : memref<64x128xf32, #tpu.memory_space<hbm>>) dst(%dma_wait3A_405 : memref<64x128xf32, #tpu.memory_space<vmem>>)
    %run_scoped3A_409 = arith.constant 1 : i32
    %run_scoped3A_410 = arith.constant 1 : i32
    %run_scoped3A_411 = arith.constant 29 : i32
    "tpu.region"() ({
      %run_scoped3A_946 = tpu.sem_alloc : memref<!tpu.dma_semaphore, #tpu.memory_space<semaphore_mem>>
      %dma_start3A_947 = arith.constant 0 : i32
      %dma_start3A_948 = arith.constant 0 : i32
      %dma_start3A_949 = tpu.memref_slice %arg8[%run_scoped3A_409, %dma_start3A_947, %dma_start3A_948] : memref<4x64x128xf32, #tpu.memory_space<vmem>> -> memref<1x64x128xf32, #tpu.memory_space<vmem>>
      %dma_start3A_950 = tpu.memref_squeeze %dma_start3A_949 : memref<1x64x128xf32, #tpu.memory_space<vmem>> -> memref<64x128xf32, #tpu.memory_space<vmem>>
      %dma_start3A_951 = arith.constant 0 : i32
      %dma_start3A_952 = tpu.memref_slice %arg7[%run_scoped3A_410, %run_scoped3A_411, %dma_start3A_951] : memref<2x32x64xi32, #tpu.memory_space<vmem>> -> memref<1x1x64xi32, #tpu.memory_space<vmem>>
      %dma_start3A_953 = tpu.memref_squeeze %dma_start3A_952 : memref<1x1x64xi32, #tpu.memory_space<vmem>> -> memref<64xi32, #tpu.memory_space<vmem>>
      %dma_start3A_954 = arith.constant 0 : i32
      %dma_start3A_955 = arith.constant 0 : i32
      %dma_start3A_956 = tpu.memref_slice %arg9[%dma_start3A_954, %dma_start3A_955] : memref<10240x128xf32, #tpu.memory_space<vmem_shared>> -> memref<10240x128xf32, #tpu.memory_space<vmem_shared>>
      tpu.enqueue_indirect_dma source(%dma_start3A_950 : memref<64x128xf32, #tpu.memory_space<vmem>>) target(%dma_start3A_956 : memref<10240x128xf32, #tpu.memory_space<vmem_shared>>) offsets(%dma_start3A_953 : memref<64xi32, #tpu.memory_space<vmem>>) semaphore(%run_scoped3A_946 : memref<!tpu.dma_semaphore, #tpu.memory_space<semaphore_mem>>) {add = true}
      %dma_wait3A_957 = arith.constant 0 : i32
      %dma_wait3A_958 = arith.constant 0 : i32
      %dma_wait3A_959 = tpu.memref_slice %arg8[%run_scoped3A_409, %dma_wait3A_957, %dma_wait3A_958] : memref<4x64x128xf32, #tpu.memory_space<vmem>> -> memref<1x64x128xf32, #tpu.memory_space<vmem>>
      %dma_wait3A_960 = tpu.memref_squeeze %dma_wait3A_959 : memref<1x64x128xf32, #tpu.memory_space<vmem>> -> memref<64x128xf32, #tpu.memory_space<vmem>>
      %dma_wait3A_961 = arith.constant 0 : i32
      %dma_wait3A_962 = tpu.memref_slice %arg7[%run_scoped3A_410, %run_scoped3A_411, %dma_wait3A_961] : memref<2x32x64xi32, #tpu.memory_space<vmem>> -> memref<1x1x64xi32, #tpu.memory_space<vmem>>
      %dma_wait3A_963 = tpu.memref_squeeze %dma_wait3A_962 : memref<1x1x64xi32, #tpu.memory_space<vmem>> -> memref<64xi32, #tpu.memory_space<vmem>>
      %dma_wait3A_964 = arith.constant 0 : i32
      %dma_wait3A_965 = arith.constant 0 : i32
      %dma_wait3A_966 = tpu.memref_slice %arg9[%dma_wait3A_964, %dma_wait3A_965] : memref<10240x128xf32, #tpu.memory_space<vmem_shared>> -> memref<10240x128xf32, #tpu.memory_space<vmem_shared>>
      tpu.wait_indirect_dma semaphore(%run_scoped3A_946 : memref<!tpu.dma_semaphore, #tpu.memory_space<semaphore_mem>>) src(%dma_wait3A_960 : memref<64x128xf32, #tpu.memory_space<vmem>>) dst(%dma_wait3A_966 : memref<10240x128xf32, #tpu.memory_space<vmem_shared>>)
      tpu.yield
    }) : () -> ()
    %dma_start3A_412 = arith.constant 0 : i32
    %dma_start3A_413 = arith.constant 1 : i32
    %dma_start3A_414 = arith.constant 1 : i32
    %dma_start3A_415 = arith.constant 0 : i32
    %dma_start3A_416 = arith.constant 0 : i32
    %dma_start3A_417 = tpu.memref_slice %arg8[%dma_start3A_414, %dma_start3A_415, %dma_start3A_416] : memref<4x64x128xf32, #tpu.memory_space<vmem>> -> memref<1x64x128xf32, #tpu.memory_space<vmem>>
    %dma_start3A_418 = tpu.memref_squeeze %dma_start3A_417 : memref<1x64x128xf32, #tpu.memory_space<vmem>> -> memref<64x128xf32, #tpu.memory_space<vmem>>
    %dma_start3A_419 = arith.constant 0 : i32
    %dma_start3A_420 = tpu.memref_slice %arg6[%dma_start3A_412, %dma_start3A_413, %dma_start3A_419] : memref<2x32x64xi32, #tpu.memory_space<vmem>> -> memref<1x1x64xi32, #tpu.memory_space<vmem>>
    %dma_start3A_421 = tpu.memref_squeeze %dma_start3A_420 : memref<1x1x64xi32, #tpu.memory_space<vmem>> -> memref<64xi32, #tpu.memory_space<vmem>>
    %dma_start3A_422 = arith.constant 0 : i32
    %dma_start3A_423 = arith.constant 0 : i32
    %dma_start3A_424 = tpu.memref_slice %arg2[%dma_start3A_422, %dma_start3A_423] : memref<10240x128xf32, #tpu.memory_space<hbm>> -> memref<10240x128xf32, #tpu.memory_space<hbm>>
    tpu.enqueue_indirect_dma source(%dma_start3A_424 : memref<10240x128xf32, #tpu.memory_space<hbm>>) target(%dma_start3A_418 : memref<64x128xf32, #tpu.memory_space<vmem>>) offsets(%dma_start3A_421 : memref<64xi32, #tpu.memory_space<vmem>>) semaphore(%arg11 : memref<!tpu.dma_semaphore, #tpu.memory_space<semaphore_mem>>)
    %dma_wait3A_425 = arith.constant 2 : i32
    %dma_wait3A_426 = arith.constant 0 : i32
    %dma_wait3A_427 = arith.constant 0 : i32
    %dma_wait3A_428 = tpu.memref_slice %arg8[%dma_wait3A_425, %dma_wait3A_426, %dma_wait3A_427] : memref<4x64x128xf32, #tpu.memory_space<vmem>> -> memref<1x64x128xf32, #tpu.memory_space<vmem>>
    %dma_wait3A_429 = tpu.memref_squeeze %dma_wait3A_428 : memref<1x64x128xf32, #tpu.memory_space<vmem>> -> memref<64x128xf32, #tpu.memory_space<vmem>>
    %dma_wait3A_430 = arith.constant 0 : i32
    %dma_wait3A_431 = arith.constant 0 : i32
    %dma_wait3A_432 = tpu.memref_slice %arg2[%dma_wait3A_430, %dma_wait3A_431] : memref<10240x128xf32, #tpu.memory_space<hbm>> -> memref<64x128xf32, #tpu.memory_space<hbm>>
    %dma_wait3A_433 = arith.constant 0 : i32
    %dma_wait3A_434 = arith.constant 0 : i32
    %dma_wait3A_435 = tpu.memref_slice %arg8[%dma_wait3A_425, %dma_wait3A_433, %dma_wait3A_434] : memref<4x64x128xf32, #tpu.memory_space<vmem>> -> memref<1x64x128xf32, #tpu.memory_space<vmem>>
    %dma_wait3A_436 = tpu.memref_squeeze %dma_wait3A_435 : memref<1x64x128xf32, #tpu.memory_space<vmem>> -> memref<64x128xf32, #tpu.memory_space<vmem>>
    %dma_wait3A_437 = arith.constant 0 : i32
    %dma_wait3A_438 = arith.constant 0 : i32
    %dma_wait3A_439 = tpu.memref_slice %arg2[%dma_wait3A_437, %dma_wait3A_438] : memref<10240x128xf32, #tpu.memory_space<hbm>> -> memref<64x128xf32, #tpu.memory_space<hbm>>
    tpu.wait_dma2 semaphore(%arg12 : memref<!tpu.dma_semaphore, #tpu.memory_space<semaphore_mem>>) src(%dma_wait3A_439 : memref<64x128xf32, #tpu.memory_space<hbm>>) dst(%dma_wait3A_436 : memref<64x128xf32, #tpu.memory_space<vmem>>)
    %run_scoped3A_440 = arith.constant 2 : i32
    %run_scoped3A_441 = arith.constant 1 : i32
    %run_scoped3A_442 = arith.constant 30 : i32
    "tpu.region"() ({
      %run_scoped3A_946 = tpu.sem_alloc : memref<!tpu.dma_semaphore, #tpu.memory_space<semaphore_mem>>
      %dma_start3A_947 = arith.constant 0 : i32
      %dma_start3A_948 = arith.constant 0 : i32
      %dma_start3A_949 = tpu.memref_slice %arg8[%run_scoped3A_440, %dma_start3A_947, %dma_start3A_948] : memref<4x64x128xf32, #tpu.memory_space<vmem>> -> memref<1x64x128xf32, #tpu.memory_space<vmem>>
      %dma_start3A_950 = tpu.memref_squeeze %dma_start3A_949 : memref<1x64x128xf32, #tpu.memory_space<vmem>> -> memref<64x128xf32, #tpu.memory_space<vmem>>
      %dma_start3A_951 = arith.constant 0 : i32
      %dma_start3A_952 = tpu.memref_slice %arg7[%run_scoped3A_441, %run_scoped3A_442, %dma_start3A_951] : memref<2x32x64xi32, #tpu.memory_space<vmem>> -> memref<1x1x64xi32, #tpu.memory_space<vmem>>
      %dma_start3A_953 = tpu.memref_squeeze %dma_start3A_952 : memref<1x1x64xi32, #tpu.memory_space<vmem>> -> memref<64xi32, #tpu.memory_space<vmem>>
      %dma_start3A_954 = arith.constant 0 : i32
      %dma_start3A_955 = arith.constant 0 : i32
      %dma_start3A_956 = tpu.memref_slice %arg9[%dma_start3A_954, %dma_start3A_955] : memref<10240x128xf32, #tpu.memory_space<vmem_shared>> -> memref<10240x128xf32, #tpu.memory_space<vmem_shared>>
      tpu.enqueue_indirect_dma source(%dma_start3A_950 : memref<64x128xf32, #tpu.memory_space<vmem>>) target(%dma_start3A_956 : memref<10240x128xf32, #tpu.memory_space<vmem_shared>>) offsets(%dma_start3A_953 : memref<64xi32, #tpu.memory_space<vmem>>) semaphore(%run_scoped3A_946 : memref<!tpu.dma_semaphore, #tpu.memory_space<semaphore_mem>>) {add = true}
      %dma_wait3A_957 = arith.constant 0 : i32
      %dma_wait3A_958 = arith.constant 0 : i32
      %dma_wait3A_959 = tpu.memref_slice %arg8[%run_scoped3A_440, %dma_wait3A_957, %dma_wait3A_958] : memref<4x64x128xf32, #tpu.memory_space<vmem>> -> memref<1x64x128xf32, #tpu.memory_space<vmem>>
      %dma_wait3A_960 = tpu.memref_squeeze %dma_wait3A_959 : memref<1x64x128xf32, #tpu.memory_space<vmem>> -> memref<64x128xf32, #tpu.memory_space<vmem>>
      %dma_wait3A_961 = arith.constant 0 : i32
      %dma_wait3A_962 = tpu.memref_slice %arg7[%run_scoped3A_441, %run_scoped3A_442, %dma_wait3A_961] : memref<2x32x64xi32, #tpu.memory_space<vmem>> -> memref<1x1x64xi32, #tpu.memory_space<vmem>>
      %dma_wait3A_963 = tpu.memref_squeeze %dma_wait3A_962 : memref<1x1x64xi32, #tpu.memory_space<vmem>> -> memref<64xi32, #tpu.memory_space<vmem>>
      %dma_wait3A_964 = arith.constant 0 : i32
      %dma_wait3A_965 = arith.constant 0 : i32
      %dma_wait3A_966 = tpu.memref_slice %arg9[%dma_wait3A_964, %dma_wait3A_965] : memref<10240x128xf32, #tpu.memory_space<vmem_shared>> -> memref<10240x128xf32, #tpu.memory_space<vmem_shared>>
      tpu.wait_indirect_dma semaphore(%run_scoped3A_946 : memref<!tpu.dma_semaphore, #tpu.memory_space<semaphore_mem>>) src(%dma_wait3A_960 : memref<64x128xf32, #tpu.memory_space<vmem>>) dst(%dma_wait3A_966 : memref<10240x128xf32, #tpu.memory_space<vmem_shared>>)
      tpu.yield
    }) : () -> ()
    %dma_start3A_443 = arith.constant 0 : i32
    %dma_start3A_444 = arith.constant 2 : i32
    %dma_start3A_445 = arith.constant 2 : i32
    %dma_start3A_446 = arith.constant 0 : i32
    %dma_start3A_447 = arith.constant 0 : i32
    %dma_start3A_448 = tpu.memref_slice %arg8[%dma_start3A_445, %dma_start3A_446, %dma_start3A_447] : memref<4x64x128xf32, #tpu.memory_space<vmem>> -> memref<1x64x128xf32, #tpu.memory_space<vmem>>
    %dma_start3A_449 = tpu.memref_squeeze %dma_start3A_448 : memref<1x64x128xf32, #tpu.memory_space<vmem>> -> memref<64x128xf32, #tpu.memory_space<vmem>>
    %dma_start3A_450 = arith.constant 0 : i32
    %dma_start3A_451 = tpu.memref_slice %arg6[%dma_start3A_443, %dma_start3A_444, %dma_start3A_450] : memref<2x32x64xi32, #tpu.memory_space<vmem>> -> memref<1x1x64xi32, #tpu.memory_space<vmem>>
    %dma_start3A_452 = tpu.memref_squeeze %dma_start3A_451 : memref<1x1x64xi32, #tpu.memory_space<vmem>> -> memref<64xi32, #tpu.memory_space<vmem>>
    %dma_start3A_453 = arith.constant 0 : i32
    %dma_start3A_454 = arith.constant 0 : i32
    %dma_start3A_455 = tpu.memref_slice %arg2[%dma_start3A_453, %dma_start3A_454] : memref<10240x128xf32, #tpu.memory_space<hbm>> -> memref<10240x128xf32, #tpu.memory_space<hbm>>
    tpu.enqueue_indirect_dma source(%dma_start3A_455 : memref<10240x128xf32, #tpu.memory_space<hbm>>) target(%dma_start3A_449 : memref<64x128xf32, #tpu.memory_space<vmem>>) offsets(%dma_start3A_452 : memref<64xi32, #tpu.memory_space<vmem>>) semaphore(%arg12 : memref<!tpu.dma_semaphore, #tpu.memory_space<semaphore_mem>>)
    %dma_wait3A_456 = arith.constant 3 : i32
    %dma_wait3A_457 = arith.constant 0 : i32
    %dma_wait3A_458 = arith.constant 0 : i32
    %dma_wait3A_459 = tpu.memref_slice %arg8[%dma_wait3A_456, %dma_wait3A_457, %dma_wait3A_458] : memref<4x64x128xf32, #tpu.memory_space<vmem>> -> memref<1x64x128xf32, #tpu.memory_space<vmem>>
    %dma_wait3A_460 = tpu.memref_squeeze %dma_wait3A_459 : memref<1x64x128xf32, #tpu.memory_space<vmem>> -> memref<64x128xf32, #tpu.memory_space<vmem>>
    %dma_wait3A_461 = arith.constant 0 : i32
    %dma_wait3A_462 = arith.constant 0 : i32
    %dma_wait3A_463 = tpu.memref_slice %arg2[%dma_wait3A_461, %dma_wait3A_462] : memref<10240x128xf32, #tpu.memory_space<hbm>> -> memref<64x128xf32, #tpu.memory_space<hbm>>
    %dma_wait3A_464 = arith.constant 0 : i32
    %dma_wait3A_465 = arith.constant 0 : i32
    %dma_wait3A_466 = tpu.memref_slice %arg8[%dma_wait3A_456, %dma_wait3A_464, %dma_wait3A_465] : memref<4x64x128xf32, #tpu.memory_space<vmem>> -> memref<1x64x128xf32, #tpu.memory_space<vmem>>
    %dma_wait3A_467 = tpu.memref_squeeze %dma_wait3A_466 : memref<1x64x128xf32, #tpu.memory_space<vmem>> -> memref<64x128xf32, #tpu.memory_space<vmem>>
    %dma_wait3A_468 = arith.constant 0 : i32
    %dma_wait3A_469 = arith.constant 0 : i32
    %dma_wait3A_470 = tpu.memref_slice %arg2[%dma_wait3A_468, %dma_wait3A_469] : memref<10240x128xf32, #tpu.memory_space<hbm>> -> memref<64x128xf32, #tpu.memory_space<hbm>>
    tpu.wait_dma2 semaphore(%arg13 : memref<!tpu.dma_semaphore, #tpu.memory_space<semaphore_mem>>) src(%dma_wait3A_470 : memref<64x128xf32, #tpu.memory_space<hbm>>) dst(%dma_wait3A_467 : memref<64x128xf32, #tpu.memory_space<vmem>>)
    %run_scoped3A_471 = arith.constant 3 : i32
    %run_scoped3A_472 = arith.constant 1 : i32
    %run_scoped3A_473 = arith.constant 31 : i32
    "tpu.region"() ({
      %run_scoped3A_946 = tpu.sem_alloc : memref<!tpu.dma_semaphore, #tpu.memory_space<semaphore_mem>>
      %dma_start3A_947 = arith.constant 0 : i32
      %dma_start3A_948 = arith.constant 0 : i32
      %dma_start3A_949 = tpu.memref_slice %arg8[%run_scoped3A_471, %dma_start3A_947, %dma_start3A_948] : memref<4x64x128xf32, #tpu.memory_space<vmem>> -> memref<1x64x128xf32, #tpu.memory_space<vmem>>
      %dma_start3A_950 = tpu.memref_squeeze %dma_start3A_949 : memref<1x64x128xf32, #tpu.memory_space<vmem>> -> memref<64x128xf32, #tpu.memory_space<vmem>>
      %dma_start3A_951 = arith.constant 0 : i32
      %dma_start3A_952 = tpu.memref_slice %arg7[%run_scoped3A_472, %run_scoped3A_473, %dma_start3A_951] : memref<2x32x64xi32, #tpu.memory_space<vmem>> -> memref<1x1x64xi32, #tpu.memory_space<vmem>>
      %dma_start3A_953 = tpu.memref_squeeze %dma_start3A_952 : memref<1x1x64xi32, #tpu.memory_space<vmem>> -> memref<64xi32, #tpu.memory_space<vmem>>
      %dma_start3A_954 = arith.constant 0 : i32
      %dma_start3A_955 = arith.constant 0 : i32
      %dma_start3A_956 = tpu.memref_slice %arg9[%dma_start3A_954, %dma_start3A_955] : memref<10240x128xf32, #tpu.memory_space<vmem_shared>> -> memref<10240x128xf32, #tpu.memory_space<vmem_shared>>
      tpu.enqueue_indirect_dma source(%dma_start3A_950 : memref<64x128xf32, #tpu.memory_space<vmem>>) target(%dma_start3A_956 : memref<10240x128xf32, #tpu.memory_space<vmem_shared>>) offsets(%dma_start3A_953 : memref<64xi32, #tpu.memory_space<vmem>>) semaphore(%run_scoped3A_946 : memref<!tpu.dma_semaphore, #tpu.memory_space<semaphore_mem>>) {add = true}
      %dma_wait3A_957 = arith.constant 0 : i32
      %dma_wait3A_958 = arith.constant 0 : i32
      %dma_wait3A_959 = tpu.memref_slice %arg8[%run_scoped3A_471, %dma_wait3A_957, %dma_wait3A_958] : memref<4x64x128xf32, #tpu.memory_space<vmem>> -> memref<1x64x128xf32, #tpu.memory_space<vmem>>
      %dma_wait3A_960 = tpu.memref_squeeze %dma_wait3A_959 : memref<1x64x128xf32, #tpu.memory_space<vmem>> -> memref<64x128xf32, #tpu.memory_space<vmem>>
      %dma_wait3A_961 = arith.constant 0 : i32
      %dma_wait3A_962 = tpu.memref_slice %arg7[%run_scoped3A_472, %run_scoped3A_473, %dma_wait3A_961] : memref<2x32x64xi32, #tpu.memory_space<vmem>> -> memref<1x1x64xi32, #tpu.memory_space<vmem>>
      %dma_wait3A_963 = tpu.memref_squeeze %dma_wait3A_962 : memref<1x1x64xi32, #tpu.memory_space<vmem>> -> memref<64xi32, #tpu.memory_space<vmem>>
      %dma_wait3A_964 = arith.constant 0 : i32
      %dma_wait3A_965 = arith.constant 0 : i32
      %dma_wait3A_966 = tpu.memref_slice %arg9[%dma_wait3A_964, %dma_wait3A_965] : memref<10240x128xf32, #tpu.memory_space<vmem_shared>> -> memref<10240x128xf32, #tpu.memory_space<vmem_shared>>
      tpu.wait_indirect_dma semaphore(%run_scoped3A_946 : memref<!tpu.dma_semaphore, #tpu.memory_space<semaphore_mem>>) src(%dma_wait3A_960 : memref<64x128xf32, #tpu.memory_space<vmem>>) dst(%dma_wait3A_966 : memref<10240x128xf32, #tpu.memory_space<vmem_shared>>)
      tpu.yield
    }) : () -> ()
    %dma_start3A_474 = arith.constant 0 : i32
    %dma_start3A_475 = arith.constant 3 : i32
    %dma_start3A_476 = arith.constant 3 : i32
    %dma_start3A_477 = arith.constant 0 : i32
    %dma_start3A_478 = arith.constant 0 : i32
    %dma_start3A_479 = tpu.memref_slice %arg8[%dma_start3A_476, %dma_start3A_477, %dma_start3A_478] : memref<4x64x128xf32, #tpu.memory_space<vmem>> -> memref<1x64x128xf32, #tpu.memory_space<vmem>>
    %dma_start3A_480 = tpu.memref_squeeze %dma_start3A_479 : memref<1x64x128xf32, #tpu.memory_space<vmem>> -> memref<64x128xf32, #tpu.memory_space<vmem>>
    %dma_start3A_481 = arith.constant 0 : i32
    %dma_start3A_482 = tpu.memref_slice %arg6[%dma_start3A_474, %dma_start3A_475, %dma_start3A_481] : memref<2x32x64xi32, #tpu.memory_space<vmem>> -> memref<1x1x64xi32, #tpu.memory_space<vmem>>
    %dma_start3A_483 = tpu.memref_squeeze %dma_start3A_482 : memref<1x1x64xi32, #tpu.memory_space<vmem>> -> memref<64xi32, #tpu.memory_space<vmem>>
    %dma_start3A_484 = arith.constant 0 : i32
    %dma_start3A_485 = arith.constant 0 : i32
    %dma_start3A_486 = tpu.memref_slice %arg2[%dma_start3A_484, %dma_start3A_485] : memref<10240x128xf32, #tpu.memory_space<hbm>> -> memref<10240x128xf32, #tpu.memory_space<hbm>>
    tpu.enqueue_indirect_dma source(%dma_start3A_486 : memref<10240x128xf32, #tpu.memory_space<hbm>>) target(%dma_start3A_480 : memref<64x128xf32, #tpu.memory_space<vmem>>) offsets(%dma_start3A_483 : memref<64xi32, #tpu.memory_space<vmem>>) semaphore(%arg13 : memref<!tpu.dma_semaphore, #tpu.memory_space<semaphore_mem>>)
    %add3A_487 = arith.constant 96 : i32
    %add3A_488 = arith.addi %mul3A_56, %add3A_487 : i32
    %dma_start3A_489 = arith.constant 1 : i32
    %dma_start3A_490 = arith.constant 0 : i32
    %dma_start3A_491 = arith.constant 0 : i32
    %dma_start3A_492 = tpu.memref_slice %arg6[%dma_start3A_489, %dma_start3A_490, %dma_start3A_491] : memref<2x32x64xi32, #tpu.memory_space<vmem>> -> memref<1x32x64xi32, #tpu.memory_space<vmem>>
    %dma_start3A_493 = tpu.memref_squeeze %dma_start3A_492 : memref<1x32x64xi32, #tpu.memory_space<vmem>> -> memref<32x64xi32, #tpu.memory_space<vmem>>
    %dma_start3A_494 = arith.constant 0 : i32
    %dma_start3A_495 = tpu.memref_slice %arg3[%add3A_488, %dma_start3A_494] : memref<5120x64xi32, #tpu.memory_space<hbm>> -> memref<32x64xi32, #tpu.memory_space<hbm>>
    %dma_start3A_496 = arith.constant 0 : i32
    %dma_start3A_497 = arith.constant 0 : i32
    %dma_start3A_498 = tpu.memref_slice %arg6[%dma_start3A_489, %dma_start3A_496, %dma_start3A_497] : memref<2x32x64xi32, #tpu.memory_space<vmem>> -> memref<1x32x64xi32, #tpu.memory_space<vmem>>
    %dma_start3A_499 = tpu.memref_squeeze %dma_start3A_498 : memref<1x32x64xi32, #tpu.memory_space<vmem>> -> memref<32x64xi32, #tpu.memory_space<vmem>>
    %dma_start3A_500 = arith.constant 0 : i32
    %dma_start3A_501 = tpu.memref_slice %arg3[%add3A_488, %dma_start3A_500] : memref<5120x64xi32, #tpu.memory_space<hbm>> -> memref<32x64xi32, #tpu.memory_space<hbm>>
    tpu.enqueue_dma source(%dma_start3A_501 : memref<32x64xi32, #tpu.memory_space<hbm>>) target(%dma_start3A_499 : memref<32x64xi32, #tpu.memory_space<vmem>>) target_semaphore(%arg14 : memref<!tpu.dma_semaphore, #tpu.memory_space<semaphore_mem>>)
    %dma_start3A_502 = arith.constant 1 : i32
    %dma_start3A_503 = arith.constant 0 : i32
    %dma_start3A_504 = arith.constant 0 : i32
    %dma_start3A_505 = tpu.memref_slice %arg7[%dma_start3A_502, %dma_start3A_503, %dma_start3A_504] : memref<2x32x64xi32, #tpu.memory_space<vmem>> -> memref<1x32x64xi32, #tpu.memory_space<vmem>>
    %dma_start3A_506 = tpu.memref_squeeze %dma_start3A_505 : memref<1x32x64xi32, #tpu.memory_space<vmem>> -> memref<32x64xi32, #tpu.memory_space<vmem>>
    %dma_start3A_507 = arith.constant 0 : i32
    %dma_start3A_508 = tpu.memref_slice %arg4[%add3A_488, %dma_start3A_507] : memref<5120x64xi32, #tpu.memory_space<hbm>> -> memref<32x64xi32, #tpu.memory_space<hbm>>
    %dma_start3A_509 = arith.constant 0 : i32
    %dma_start3A_510 = arith.constant 0 : i32
    %dma_start3A_511 = tpu.memref_slice %arg7[%dma_start3A_502, %dma_start3A_509, %dma_start3A_510] : memref<2x32x64xi32, #tpu.memory_space<vmem>> -> memref<1x32x64xi32, #tpu.memory_space<vmem>>
    %dma_start3A_512 = tpu.memref_squeeze %dma_start3A_511 : memref<1x32x64xi32, #tpu.memory_space<vmem>> -> memref<32x64xi32, #tpu.memory_space<vmem>>
    %dma_start3A_513 = arith.constant 0 : i32
    %dma_start3A_514 = tpu.memref_slice %arg4[%add3A_488, %dma_start3A_513] : memref<5120x64xi32, #tpu.memory_space<hbm>> -> memref<32x64xi32, #tpu.memory_space<hbm>>
    tpu.enqueue_dma source(%dma_start3A_514 : memref<32x64xi32, #tpu.memory_space<hbm>>) target(%dma_start3A_512 : memref<32x64xi32, #tpu.memory_space<vmem>>) target_semaphore(%arg14 : memref<!tpu.dma_semaphore, #tpu.memory_space<semaphore_mem>>)
    %scan3A_515 = arith.constant 0 : i32
    %scan3A_516 = arith.constant 0 : i32
    %scan3A_517 = arith.constant 7 : i32
    %scan3A_518 = arith.addi %scan3A_516, %scan3A_517 : i32
    %scan3A_519 = arith.constant 1 : i32
    scf.for %scan3A_946 = %scan3A_516 to %scan3A_518 step %scan3A_519  : i32 {
      %mul3A_947 = arith.constant 4 : i32
      %mul3A_948 = arith.muli %mul3A_947, %scan3A_946 : i32
      %dma_wait3A_949 = arith.constant 0 : i32
      %dma_wait3A_950 = arith.constant 0 : i32
      %dma_wait3A_951 = arith.constant 0 : i32
      %dma_wait3A_952 = tpu.memref_slice %arg8[%dma_wait3A_949, %dma_wait3A_950, %dma_wait3A_951] : memref<4x64x128xf32, #tpu.memory_space<vmem>> -> memref<1x64x128xf32, #tpu.memory_space<vmem>>
      %dma_wait3A_953 = tpu.memref_squeeze %dma_wait3A_952 : memref<1x64x128xf32, #tpu.memory_space<vmem>> -> memref<64x128xf32, #tpu.memory_space<vmem>>
      %dma_wait3A_954 = arith.constant 0 : i32
      %dma_wait3A_955 = arith.constant 0 : i32
      %dma_wait3A_956 = tpu.memref_slice %arg2[%dma_wait3A_954, %dma_wait3A_955] : memref<10240x128xf32, #tpu.memory_space<hbm>> -> memref<64x128xf32, #tpu.memory_space<hbm>>
      %dma_wait3A_957 = arith.constant 0 : i32
      %dma_wait3A_958 = arith.constant 0 : i32
      %dma_wait3A_959 = tpu.memref_slice %arg8[%dma_wait3A_949, %dma_wait3A_957, %dma_wait3A_958] : memref<4x64x128xf32, #tpu.memory_space<vmem>> -> memref<1x64x128xf32, #tpu.memory_space<vmem>>
      %dma_wait3A_960 = tpu.memref_squeeze %dma_wait3A_959 : memref<1x64x128xf32, #tpu.memory_space<vmem>> -> memref<64x128xf32, #tpu.memory_space<vmem>>
      %dma_wait3A_961 = arith.constant 0 : i32
      %dma_wait3A_962 = arith.constant 0 : i32
      %dma_wait3A_963 = tpu.memref_slice %arg2[%dma_wait3A_961, %dma_wait3A_962] : memref<10240x128xf32, #tpu.memory_space<hbm>> -> memref<64x128xf32, #tpu.memory_space<hbm>>
      tpu.wait_dma2 semaphore(%arg10 : memref<!tpu.dma_semaphore, #tpu.memory_space<semaphore_mem>>) src(%dma_wait3A_963 : memref<64x128xf32, #tpu.memory_space<hbm>>) dst(%dma_wait3A_960 : memref<64x128xf32, #tpu.memory_space<vmem>>)
      %add3A_964 = arith.constant 0 : i32
      %add3A_965 = arith.addi %mul3A_948, %add3A_964 : i32
      %run_scoped3A_966 = arith.constant 0 : i32
      %run_scoped3A_967 = arith.constant 0 : i32
      "tpu.region"() ({
        %run_scoped3A_1089 = tpu.sem_alloc : memref<!tpu.dma_semaphore, #tpu.memory_space<semaphore_mem>>
        %dma_start3A_1090 = arith.constant 0 : i32
        %dma_start3A_1091 = arith.constant 0 : i32
        %dma_start3A_1092 = tpu.memref_slice %arg8[%run_scoped3A_966, %dma_start3A_1090, %dma_start3A_1091] : memref<4x64x128xf32, #tpu.memory_space<vmem>> -> memref<1x64x128xf32, #tpu.memory_space<vmem>>
        %dma_start3A_1093 = tpu.memref_squeeze %dma_start3A_1092 : memref<1x64x128xf32, #tpu.memory_space<vmem>> -> memref<64x128xf32, #tpu.memory_space<vmem>>
        %dma_start3A_1094 = arith.constant 0 : i32
        %dma_start3A_1095 = tpu.memref_slice %arg7[%run_scoped3A_967, %add3A_965, %dma_start3A_1094] : memref<2x32x64xi32, #tpu.memory_space<vmem>> -> memref<1x1x64xi32, #tpu.memory_space<vmem>>
        %dma_start3A_1096 = tpu.memref_squeeze %dma_start3A_1095 : memref<1x1x64xi32, #tpu.memory_space<vmem>> -> memref<64xi32, #tpu.memory_space<vmem>>
        %dma_start3A_1097 = arith.constant 0 : i32
        %dma_start3A_1098 = arith.constant 0 : i32
        %dma_start3A_1099 = tpu.memref_slice %arg9[%dma_start3A_1097, %dma_start3A_1098] : memref<10240x128xf32, #tpu.memory_space<vmem_shared>> -> memref<10240x128xf32, #tpu.memory_space<vmem_shared>>
        tpu.enqueue_indirect_dma source(%dma_start3A_1093 : memref<64x128xf32, #tpu.memory_space<vmem>>) target(%dma_start3A_1099 : memref<10240x128xf32, #tpu.memory_space<vmem_shared>>) offsets(%dma_start3A_1096 : memref<64xi32, #tpu.memory_space<vmem>>) semaphore(%run_scoped3A_1089 : memref<!tpu.dma_semaphore, #tpu.memory_space<semaphore_mem>>) {add = true}
        %dma_wait3A_1100 = arith.constant 0 : i32
        %dma_wait3A_1101 = arith.constant 0 : i32
        %dma_wait3A_1102 = tpu.memref_slice %arg8[%run_scoped3A_966, %dma_wait3A_1100, %dma_wait3A_1101] : memref<4x64x128xf32, #tpu.memory_space<vmem>> -> memref<1x64x128xf32, #tpu.memory_space<vmem>>
        %dma_wait3A_1103 = tpu.memref_squeeze %dma_wait3A_1102 : memref<1x64x128xf32, #tpu.memory_space<vmem>> -> memref<64x128xf32, #tpu.memory_space<vmem>>
        %dma_wait3A_1104 = arith.constant 0 : i32
        %dma_wait3A_1105 = tpu.memref_slice %arg7[%run_scoped3A_967, %add3A_965, %dma_wait3A_1104] : memref<2x32x64xi32, #tpu.memory_space<vmem>> -> memref<1x1x64xi32, #tpu.memory_space<vmem>>
        %dma_wait3A_1106 = tpu.memref_squeeze %dma_wait3A_1105 : memref<1x1x64xi32, #tpu.memory_space<vmem>> -> memref<64xi32, #tpu.memory_space<vmem>>
        %dma_wait3A_1107 = arith.constant 0 : i32
        %dma_wait3A_1108 = arith.constant 0 : i32
        %dma_wait3A_1109 = tpu.memref_slice %arg9[%dma_wait3A_1107, %dma_wait3A_1108] : memref<10240x128xf32, #tpu.memory_space<vmem_shared>> -> memref<10240x128xf32, #tpu.memory_space<vmem_shared>>
        tpu.wait_indirect_dma semaphore(%run_scoped3A_1089 : memref<!tpu.dma_semaphore, #tpu.memory_space<semaphore_mem>>) src(%dma_wait3A_1103 : memref<64x128xf32, #tpu.memory_space<vmem>>) dst(%dma_wait3A_1109 : memref<10240x128xf32, #tpu.memory_space<vmem_shared>>)
        tpu.yield
      }) : () -> ()
      %add3A_968 = arith.constant 4 : i32
      %add3A_969 = arith.addi %mul3A_948, %add3A_968 : i32
      %add3A_970 = arith.constant 0 : i32
      %add3A_971 = arith.addi %add3A_969, %add3A_970 : i32
      %dma_start3A_972 = arith.constant 0 : i32
      %dma_start3A_973 = arith.constant 0 : i32
      %dma_start3A_974 = arith.constant 0 : i32
      %dma_start3A_975 = arith.constant 0 : i32
      %dma_start3A_976 = tpu.memref_slice %arg8[%dma_start3A_973, %dma_start3A_974, %dma_start3A_975] : memref<4x64x128xf32, #tpu.memory_space<vmem>> -> memref<1x64x128xf32, #tpu.memory_space<vmem>>
      %dma_start3A_977 = tpu.memref_squeeze %dma_start3A_976 : memref<1x64x128xf32, #tpu.memory_space<vmem>> -> memref<64x128xf32, #tpu.memory_space<vmem>>
      %dma_start3A_978 = arith.constant 0 : i32
      %dma_start3A_979 = tpu.memref_slice %arg6[%dma_start3A_972, %add3A_971, %dma_start3A_978] : memref<2x32x64xi32, #tpu.memory_space<vmem>> -> memref<1x1x64xi32, #tpu.memory_space<vmem>>
      %dma_start3A_980 = tpu.memref_squeeze %dma_start3A_979 : memref<1x1x64xi32, #tpu.memory_space<vmem>> -> memref<64xi32, #tpu.memory_space<vmem>>
      %dma_start3A_981 = arith.constant 0 : i32
      %dma_start3A_982 = arith.constant 0 : i32
      %dma_start3A_983 = tpu.memref_slice %arg2[%dma_start3A_981, %dma_start3A_982] : memref<10240x128xf32, #tpu.memory_space<hbm>> -> memref<10240x128xf32, #tpu.memory_space<hbm>>
      tpu.enqueue_indirect_dma source(%dma_start3A_983 : memref<10240x128xf32, #tpu.memory_space<hbm>>) target(%dma_start3A_977 : memref<64x128xf32, #tpu.memory_space<vmem>>) offsets(%dma_start3A_980 : memref<64xi32, #tpu.memory_space<vmem>>) semaphore(%arg10 : memref<!tpu.dma_semaphore, #tpu.memory_space<semaphore_mem>>)
      %dma_wait3A_984 = arith.constant 1 : i32
      %dma_wait3A_985 = arith.constant 0 : i32
      %dma_wait3A_986 = arith.constant 0 : i32
      %dma_wait3A_987 = tpu.memref_slice %arg8[%dma_wait3A_984, %dma_wait3A_985, %dma_wait3A_986] : memref<4x64x128xf32, #tpu.memory_space<vmem>> -> memref<1x64x128xf32, #tpu.memory_space<vmem>>
      %dma_wait3A_988 = tpu.memref_squeeze %dma_wait3A_987 : memref<1x64x128xf32, #tpu.memory_space<vmem>> -> memref<64x128xf32, #tpu.memory_space<vmem>>
      %dma_wait3A_989 = arith.constant 0 : i32
      %dma_wait3A_990 = arith.constant 0 : i32
      %dma_wait3A_991 = tpu.memref_slice %arg2[%dma_wait3A_989, %dma_wait3A_990] : memref<10240x128xf32, #tpu.memory_space<hbm>> -> memref<64x128xf32, #tpu.memory_space<hbm>>
      %dma_wait3A_992 = arith.constant 0 : i32
      %dma_wait3A_993 = arith.constant 0 : i32
      %dma_wait3A_994 = tpu.memref_slice %arg8[%dma_wait3A_984, %dma_wait3A_992, %dma_wait3A_993] : memref<4x64x128xf32, #tpu.memory_space<vmem>> -> memref<1x64x128xf32, #tpu.memory_space<vmem>>
      %dma_wait3A_995 = tpu.memref_squeeze %dma_wait3A_994 : memref<1x64x128xf32, #tpu.memory_space<vmem>> -> memref<64x128xf32, #tpu.memory_space<vmem>>
      %dma_wait3A_996 = arith.constant 0 : i32
      %dma_wait3A_997 = arith.constant 0 : i32
      %dma_wait3A_998 = tpu.memref_slice %arg2[%dma_wait3A_996, %dma_wait3A_997] : memref<10240x128xf32, #tpu.memory_space<hbm>> -> memref<64x128xf32, #tpu.memory_space<hbm>>
      tpu.wait_dma2 semaphore(%arg11 : memref<!tpu.dma_semaphore, #tpu.memory_space<semaphore_mem>>) src(%dma_wait3A_998 : memref<64x128xf32, #tpu.memory_space<hbm>>) dst(%dma_wait3A_995 : memref<64x128xf32, #tpu.memory_space<vmem>>)
      %add3A_999 = arith.constant 1 : i32
      %add3A_1000 = arith.addi %mul3A_948, %add3A_999 : i32
      %run_scoped3A_1001 = arith.constant 1 : i32
      %run_scoped3A_1002 = arith.constant 0 : i32
      "tpu.region"() ({
        %run_scoped3A_1089 = tpu.sem_alloc : memref<!tpu.dma_semaphore, #tpu.memory_space<semaphore_mem>>
        %dma_start3A_1090 = arith.constant 0 : i32
        %dma_start3A_1091 = arith.constant 0 : i32
        %dma_start3A_1092 = tpu.memref_slice %arg8[%run_scoped3A_1001, %dma_start3A_1090, %dma_start3A_1091] : memref<4x64x128xf32, #tpu.memory_space<vmem>> -> memref<1x64x128xf32, #tpu.memory_space<vmem>>
        %dma_start3A_1093 = tpu.memref_squeeze %dma_start3A_1092 : memref<1x64x128xf32, #tpu.memory_space<vmem>> -> memref<64x128xf32, #tpu.memory_space<vmem>>
        %dma_start3A_1094 = arith.constant 0 : i32
        %dma_start3A_1095 = tpu.memref_slice %arg7[%run_scoped3A_1002, %add3A_1000, %dma_start3A_1094] : memref<2x32x64xi32, #tpu.memory_space<vmem>> -> memref<1x1x64xi32, #tpu.memory_space<vmem>>
        %dma_start3A_1096 = tpu.memref_squeeze %dma_start3A_1095 : memref<1x1x64xi32, #tpu.memory_space<vmem>> -> memref<64xi32, #tpu.memory_space<vmem>>
        %dma_start3A_1097 = arith.constant 0 : i32
        %dma_start3A_1098 = arith.constant 0 : i32
        %dma_start3A_1099 = tpu.memref_slice %arg9[%dma_start3A_1097, %dma_start3A_1098] : memref<10240x128xf32, #tpu.memory_space<vmem_shared>> -> memref<10240x128xf32, #tpu.memory_space<vmem_shared>>
        tpu.enqueue_indirect_dma source(%dma_start3A_1093 : memref<64x128xf32, #tpu.memory_space<vmem>>) target(%dma_start3A_1099 : memref<10240x128xf32, #tpu.memory_space<vmem_shared>>) offsets(%dma_start3A_1096 : memref<64xi32, #tpu.memory_space<vmem>>) semaphore(%run_scoped3A_1089 : memref<!tpu.dma_semaphore, #tpu.memory_space<semaphore_mem>>) {add = true}
        %dma_wait3A_1100 = arith.constant 0 : i32
        %dma_wait3A_1101 = arith.constant 0 : i32
        %dma_wait3A_1102 = tpu.memref_slice %arg8[%run_scoped3A_1001, %dma_wait3A_1100, %dma_wait3A_1101] : memref<4x64x128xf32, #tpu.memory_space<vmem>> -> memref<1x64x128xf32, #tpu.memory_space<vmem>>
        %dma_wait3A_1103 = tpu.memref_squeeze %dma_wait3A_1102 : memref<1x64x128xf32, #tpu.memory_space<vmem>> -> memref<64x128xf32, #tpu.memory_space<vmem>>
        %dma_wait3A_1104 = arith.constant 0 : i32
        %dma_wait3A_1105 = tpu.memref_slice %arg7[%run_scoped3A_1002, %add3A_1000, %dma_wait3A_1104] : memref<2x32x64xi32, #tpu.memory_space<vmem>> -> memref<1x1x64xi32, #tpu.memory_space<vmem>>
        %dma_wait3A_1106 = tpu.memref_squeeze %dma_wait3A_1105 : memref<1x1x64xi32, #tpu.memory_space<vmem>> -> memref<64xi32, #tpu.memory_space<vmem>>
        %dma_wait3A_1107 = arith.constant 0 : i32
        %dma_wait3A_1108 = arith.constant 0 : i32
        %dma_wait3A_1109 = tpu.memref_slice %arg9[%dma_wait3A_1107, %dma_wait3A_1108] : memref<10240x128xf32, #tpu.memory_space<vmem_shared>> -> memref<10240x128xf32, #tpu.memory_space<vmem_shared>>
        tpu.wait_indirect_dma semaphore(%run_scoped3A_1089 : memref<!tpu.dma_semaphore, #tpu.memory_space<semaphore_mem>>) src(%dma_wait3A_1103 : memref<64x128xf32, #tpu.memory_space<vmem>>) dst(%dma_wait3A_1109 : memref<10240x128xf32, #tpu.memory_space<vmem_shared>>)
        tpu.yield
      }) : () -> ()
      %add3A_1003 = arith.constant 4 : i32
      %add3A_1004 = arith.addi %mul3A_948, %add3A_1003 : i32
      %add3A_1005 = arith.constant 1 : i32
      %add3A_1006 = arith.addi %add3A_1004, %add3A_1005 : i32
      %dma_start3A_1007 = arith.constant 0 : i32
      %dma_start3A_1008 = arith.constant 1 : i32
      %dma_start3A_1009 = arith.constant 0 : i32
      %dma_start3A_1010 = arith.constant 0 : i32
      %dma_start3A_1011 = tpu.memref_slice %arg8[%dma_start3A_1008, %dma_start3A_1009, %dma_start3A_1010] : memref<4x64x128xf32, #tpu.memory_space<vmem>> -> memref<1x64x128xf32, #tpu.memory_space<vmem>>
      %dma_start3A_1012 = tpu.memref_squeeze %dma_start3A_1011 : memref<1x64x128xf32, #tpu.memory_space<vmem>> -> memref<64x128xf32, #tpu.memory_space<vmem>>
      %dma_start3A_1013 = arith.constant 0 : i32
      %dma_start3A_1014 = tpu.memref_slice %arg6[%dma_start3A_1007, %add3A_1006, %dma_start3A_1013] : memref<2x32x64xi32, #tpu.memory_space<vmem>> -> memref<1x1x64xi32, #tpu.memory_space<vmem>>
      %dma_start3A_1015 = tpu.memref_squeeze %dma_start3A_1014 : memref<1x1x64xi32, #tpu.memory_space<vmem>> -> memref<64xi32, #tpu.memory_space<vmem>>
      %dma_start3A_1016 = arith.constant 0 : i32
      %dma_start3A_1017 = arith.constant 0 : i32
      %dma_start3A_1018 = tpu.memref_slice %arg2[%dma_start3A_1016, %dma_start3A_1017] : memref<10240x128xf32, #tpu.memory_space<hbm>> -> memref<10240x128xf32, #tpu.memory_space<hbm>>
      tpu.enqueue_indirect_dma source(%dma_start3A_1018 : memref<10240x128xf32, #tpu.memory_space<hbm>>) target(%dma_start3A_1012 : memref<64x128xf32, #tpu.memory_space<vmem>>) offsets(%dma_start3A_1015 : memref<64xi32, #tpu.memory_space<vmem>>) semaphore(%arg11 : memref<!tpu.dma_semaphore, #tpu.memory_space<semaphore_mem>>)
      %dma_wait3A_1019 = arith.constant 2 : i32
      %dma_wait3A_1020 = arith.constant 0 : i32
      %dma_wait3A_1021 = arith.constant 0 : i32
      %dma_wait3A_1022 = tpu.memref_slice %arg8[%dma_wait3A_1019, %dma_wait3A_1020, %dma_wait3A_1021] : memref<4x64x128xf32, #tpu.memory_space<vmem>> -> memref<1x64x128xf32, #tpu.memory_space<vmem>>
      %dma_wait3A_1023 = tpu.memref_squeeze %dma_wait3A_1022 : memref<1x64x128xf32, #tpu.memory_space<vmem>> -> memref<64x128xf32, #tpu.memory_space<vmem>>
      %dma_wait3A_1024 = arith.constant 0 : i32
      %dma_wait3A_1025 = arith.constant 0 : i32
      %dma_wait3A_1026 = tpu.memref_slice %arg2[%dma_wait3A_1024, %dma_wait3A_1025] : memref<10240x128xf32, #tpu.memory_space<hbm>> -> memref<64x128xf32, #tpu.memory_space<hbm>>
      %dma_wait3A_1027 = arith.constant 0 : i32
      %dma_wait3A_1028 = arith.constant 0 : i32
      %dma_wait3A_1029 = tpu.memref_slice %arg8[%dma_wait3A_1019, %dma_wait3A_1027, %dma_wait3A_1028] : memref<4x64x128xf32, #tpu.memory_space<vmem>> -> memref<1x64x128xf32, #tpu.memory_space<vmem>>
      %dma_wait3A_1030 = tpu.memref_squeeze %dma_wait3A_1029 : memref<1x64x128xf32, #tpu.memory_space<vmem>> -> memref<64x128xf32, #tpu.memory_space<vmem>>
      %dma_wait3A_1031 = arith.constant 0 : i32
      %dma_wait3A_1032 = arith.constant 0 : i32
      %dma_wait3A_1033 = tpu.memref_slice %arg2[%dma_wait3A_1031, %dma_wait3A_1032] : memref<10240x128xf32, #tpu.memory_space<hbm>> -> memref<64x128xf32, #tpu.memory_space<hbm>>
      tpu.wait_dma2 semaphore(%arg12 : memref<!tpu.dma_semaphore, #tpu.memory_space<semaphore_mem>>) src(%dma_wait3A_1033 : memref<64x128xf32, #tpu.memory_space<hbm>>) dst(%dma_wait3A_1030 : memref<64x128xf32, #tpu.memory_space<vmem>>)
      %add3A_1034 = arith.constant 2 : i32
      %add3A_1035 = arith.addi %mul3A_948, %add3A_1034 : i32
      %run_scoped3A_1036 = arith.constant 2 : i32
      %run_scoped3A_1037 = arith.constant 0 : i32
      "tpu.region"() ({
        %run_scoped3A_1089 = tpu.sem_alloc : memref<!tpu.dma_semaphore, #tpu.memory_space<semaphore_mem>>
        %dma_start3A_1090 = arith.constant 0 : i32
        %dma_start3A_1091 = arith.constant 0 : i32
        %dma_start3A_1092 = tpu.memref_slice %arg8[%run_scoped3A_1036, %dma_start3A_1090, %dma_start3A_1091] : memref<4x64x128xf32, #tpu.memory_space<vmem>> -> memref<1x64x128xf32, #tpu.memory_space<vmem>>
        %dma_start3A_1093 = tpu.memref_squeeze %dma_start3A_1092 : memref<1x64x128xf32, #tpu.memory_space<vmem>> -> memref<64x128xf32, #tpu.memory_space<vmem>>
        %dma_start3A_1094 = arith.constant 0 : i32
        %dma_start3A_1095 = tpu.memref_slice %arg7[%run_scoped3A_1037, %add3A_1035, %dma_start3A_1094] : memref<2x32x64xi32, #tpu.memory_space<vmem>> -> memref<1x1x64xi32, #tpu.memory_space<vmem>>
        %dma_start3A_1096 = tpu.memref_squeeze %dma_start3A_1095 : memref<1x1x64xi32, #tpu.memory_space<vmem>> -> memref<64xi32, #tpu.memory_space<vmem>>
        %dma_start3A_1097 = arith.constant 0 : i32
        %dma_start3A_1098 = arith.constant 0 : i32
        %dma_start3A_1099 = tpu.memref_slice %arg9[%dma_start3A_1097, %dma_start3A_1098] : memref<10240x128xf32, #tpu.memory_space<vmem_shared>> -> memref<10240x128xf32, #tpu.memory_space<vmem_shared>>
        tpu.enqueue_indirect_dma source(%dma_start3A_1093 : memref<64x128xf32, #tpu.memory_space<vmem>>) target(%dma_start3A_1099 : memref<10240x128xf32, #tpu.memory_space<vmem_shared>>) offsets(%dma_start3A_1096 : memref<64xi32, #tpu.memory_space<vmem>>) semaphore(%run_scoped3A_1089 : memref<!tpu.dma_semaphore, #tpu.memory_space<semaphore_mem>>) {add = true}
        %dma_wait3A_1100 = arith.constant 0 : i32
        %dma_wait3A_1101 = arith.constant 0 : i32
        %dma_wait3A_1102 = tpu.memref_slice %arg8[%run_scoped3A_1036, %dma_wait3A_1100, %dma_wait3A_1101] : memref<4x64x128xf32, #tpu.memory_space<vmem>> -> memref<1x64x128xf32, #tpu.memory_space<vmem>>
        %dma_wait3A_1103 = tpu.memref_squeeze %dma_wait3A_1102 : memref<1x64x128xf32, #tpu.memory_space<vmem>> -> memref<64x128xf32, #tpu.memory_space<vmem>>
        %dma_wait3A_1104 = arith.constant 0 : i32
        %dma_wait3A_1105 = tpu.memref_slice %arg7[%run_scoped3A_1037, %add3A_1035, %dma_wait3A_1104] : memref<2x32x64xi32, #tpu.memory_space<vmem>> -> memref<1x1x64xi32, #tpu.memory_space<vmem>>
        %dma_wait3A_1106 = tpu.memref_squeeze %dma_wait3A_1105 : memref<1x1x64xi32, #tpu.memory_space<vmem>> -> memref<64xi32, #tpu.memory_space<vmem>>
        %dma_wait3A_1107 = arith.constant 0 : i32
        %dma_wait3A_1108 = arith.constant 0 : i32
        %dma_wait3A_1109 = tpu.memref_slice %arg9[%dma_wait3A_1107, %dma_wait3A_1108] : memref<10240x128xf32, #tpu.memory_space<vmem_shared>> -> memref<10240x128xf32, #tpu.memory_space<vmem_shared>>
        tpu.wait_indirect_dma semaphore(%run_scoped3A_1089 : memref<!tpu.dma_semaphore, #tpu.memory_space<semaphore_mem>>) src(%dma_wait3A_1103 : memref<64x128xf32, #tpu.memory_space<vmem>>) dst(%dma_wait3A_1109 : memref<10240x128xf32, #tpu.memory_space<vmem_shared>>)
        tpu.yield
      }) : () -> ()
      %add3A_1038 = arith.constant 4 : i32
      %add3A_1039 = arith.addi %mul3A_948, %add3A_1038 : i32
      %add3A_1040 = arith.constant 2 : i32
      %add3A_1041 = arith.addi %add3A_1039, %add3A_1040 : i32
      %dma_start3A_1042 = arith.constant 0 : i32
      %dma_start3A_1043 = arith.constant 2 : i32
      %dma_start3A_1044 = arith.constant 0 : i32
      %dma_start3A_1045 = arith.constant 0 : i32
      %dma_start3A_1046 = tpu.memref_slice %arg8[%dma_start3A_1043, %dma_start3A_1044, %dma_start3A_1045] : memref<4x64x128xf32, #tpu.memory_space<vmem>> -> memref<1x64x128xf32, #tpu.memory_space<vmem>>
      %dma_start3A_1047 = tpu.memref_squeeze %dma_start3A_1046 : memref<1x64x128xf32, #tpu.memory_space<vmem>> -> memref<64x128xf32, #tpu.memory_space<vmem>>
      %dma_start3A_1048 = arith.constant 0 : i32
      %dma_start3A_1049 = tpu.memref_slice %arg6[%dma_start3A_1042, %add3A_1041, %dma_start3A_1048] : memref<2x32x64xi32, #tpu.memory_space<vmem>> -> memref<1x1x64xi32, #tpu.memory_space<vmem>>
      %dma_start3A_1050 = tpu.memref_squeeze %dma_start3A_1049 : memref<1x1x64xi32, #tpu.memory_space<vmem>> -> memref<64xi32, #tpu.memory_space<vmem>>
      %dma_start3A_1051 = arith.constant 0 : i32
      %dma_start3A_1052 = arith.constant 0 : i32
      %dma_start3A_1053 = tpu.memref_slice %arg2[%dma_start3A_1051, %dma_start3A_1052] : memref<10240x128xf32, #tpu.memory_space<hbm>> -> memref<10240x128xf32, #tpu.memory_space<hbm>>
      tpu.enqueue_indirect_dma source(%dma_start3A_1053 : memref<10240x128xf32, #tpu.memory_space<hbm>>) target(%dma_start3A_1047 : memref<64x128xf32, #tpu.memory_space<vmem>>) offsets(%dma_start3A_1050 : memref<64xi32, #tpu.memory_space<vmem>>) semaphore(%arg12 : memref<!tpu.dma_semaphore, #tpu.memory_space<semaphore_mem>>)
      %dma_wait3A_1054 = arith.constant 3 : i32
      %dma_wait3A_1055 = arith.constant 0 : i32
      %dma_wait3A_1056 = arith.constant 0 : i32
      %dma_wait3A_1057 = tpu.memref_slice %arg8[%dma_wait3A_1054, %dma_wait3A_1055, %dma_wait3A_1056] : memref<4x64x128xf32, #tpu.memory_space<vmem>> -> memref<1x64x128xf32, #tpu.memory_space<vmem>>
      %dma_wait3A_1058 = tpu.memref_squeeze %dma_wait3A_1057 : memref<1x64x128xf32, #tpu.memory_space<vmem>> -> memref<64x128xf32, #tpu.memory_space<vmem>>
      %dma_wait3A_1059 = arith.constant 0 : i32
      %dma_wait3A_1060 = arith.constant 0 : i32
      %dma_wait3A_1061 = tpu.memref_slice %arg2[%dma_wait3A_1059, %dma_wait3A_1060] : memref<10240x128xf32, #tpu.memory_space<hbm>> -> memref<64x128xf32, #tpu.memory_space<hbm>>
      %dma_wait3A_1062 = arith.constant 0 : i32
      %dma_wait3A_1063 = arith.constant 0 : i32
      %dma_wait3A_1064 = tpu.memref_slice %arg8[%dma_wait3A_1054, %dma_wait3A_1062, %dma_wait3A_1063] : memref<4x64x128xf32, #tpu.memory_space<vmem>> -> memref<1x64x128xf32, #tpu.memory_space<vmem>>
      %dma_wait3A_1065 = tpu.memref_squeeze %dma_wait3A_1064 : memref<1x64x128xf32, #tpu.memory_space<vmem>> -> memref<64x128xf32, #tpu.memory_space<vmem>>
      %dma_wait3A_1066 = arith.constant 0 : i32
      %dma_wait3A_1067 = arith.constant 0 : i32
      %dma_wait3A_1068 = tpu.memref_slice %arg2[%dma_wait3A_1066, %dma_wait3A_1067] : memref<10240x128xf32, #tpu.memory_space<hbm>> -> memref<64x128xf32, #tpu.memory_space<hbm>>
      tpu.wait_dma2 semaphore(%arg13 : memref<!tpu.dma_semaphore, #tpu.memory_space<semaphore_mem>>) src(%dma_wait3A_1068 : memref<64x128xf32, #tpu.memory_space<hbm>>) dst(%dma_wait3A_1065 : memref<64x128xf32, #tpu.memory_space<vmem>>)
      %add3A_1069 = arith.constant 3 : i32
      %add3A_1070 = arith.addi %mul3A_948, %add3A_1069 : i32
      %run_scoped3A_1071 = arith.constant 3 : i32
      %run_scoped3A_1072 = arith.constant 0 : i32
      "tpu.region"() ({
        %run_scoped3A_1089 = tpu.sem_alloc : memref<!tpu.dma_semaphore, #tpu.memory_space<semaphore_mem>>
        %dma_start3A_1090 = arith.constant 0 : i32
        %dma_start3A_1091 = arith.constant 0 : i32
        %dma_start3A_1092 = tpu.memref_slice %arg8[%run_scoped3A_1071, %dma_start3A_1090, %dma_start3A_1091] : memref<4x64x128xf32, #tpu.memory_space<vmem>> -> memref<1x64x128xf32, #tpu.memory_space<vmem>>
        %dma_start3A_1093 = tpu.memref_squeeze %dma_start3A_1092 : memref<1x64x128xf32, #tpu.memory_space<vmem>> -> memref<64x128xf32, #tpu.memory_space<vmem>>
        %dma_start3A_1094 = arith.constant 0 : i32
        %dma_start3A_1095 = tpu.memref_slice %arg7[%run_scoped3A_1072, %add3A_1070, %dma_start3A_1094] : memref<2x32x64xi32, #tpu.memory_space<vmem>> -> memref<1x1x64xi32, #tpu.memory_space<vmem>>
        %dma_start3A_1096 = tpu.memref_squeeze %dma_start3A_1095 : memref<1x1x64xi32, #tpu.memory_space<vmem>> -> memref<64xi32, #tpu.memory_space<vmem>>
        %dma_start3A_1097 = arith.constant 0 : i32
        %dma_start3A_1098 = arith.constant 0 : i32
        %dma_start3A_1099 = tpu.memref_slice %arg9[%dma_start3A_1097, %dma_start3A_1098] : memref<10240x128xf32, #tpu.memory_space<vmem_shared>> -> memref<10240x128xf32, #tpu.memory_space<vmem_shared>>
        tpu.enqueue_indirect_dma source(%dma_start3A_1093 : memref<64x128xf32, #tpu.memory_space<vmem>>) target(%dma_start3A_1099 : memref<10240x128xf32, #tpu.memory_space<vmem_shared>>) offsets(%dma_start3A_1096 : memref<64xi32, #tpu.memory_space<vmem>>) semaphore(%run_scoped3A_1089 : memref<!tpu.dma_semaphore, #tpu.memory_space<semaphore_mem>>) {add = true}
        %dma_wait3A_1100 = arith.constant 0 : i32
        %dma_wait3A_1101 = arith.constant 0 : i32
        %dma_wait3A_1102 = tpu.memref_slice %arg8[%run_scoped3A_1071, %dma_wait3A_1100, %dma_wait3A_1101] : memref<4x64x128xf32, #tpu.memory_space<vmem>> -> memref<1x64x128xf32, #tpu.memory_space<vmem>>
        %dma_wait3A_1103 = tpu.memref_squeeze %dma_wait3A_1102 : memref<1x64x128xf32, #tpu.memory_space<vmem>> -> memref<64x128xf32, #tpu.memory_space<vmem>>
        %dma_wait3A_1104 = arith.constant 0 : i32
        %dma_wait3A_1105 = tpu.memref_slice %arg7[%run_scoped3A_1072, %add3A_1070, %dma_wait3A_1104] : memref<2x32x64xi32, #tpu.memory_space<vmem>> -> memref<1x1x64xi32, #tpu.memory_space<vmem>>
        %dma_wait3A_1106 = tpu.memref_squeeze %dma_wait3A_1105 : memref<1x1x64xi32, #tpu.memory_space<vmem>> -> memref<64xi32, #tpu.memory_space<vmem>>
        %dma_wait3A_1107 = arith.constant 0 : i32
        %dma_wait3A_1108 = arith.constant 0 : i32
        %dma_wait3A_1109 = tpu.memref_slice %arg9[%dma_wait3A_1107, %dma_wait3A_1108] : memref<10240x128xf32, #tpu.memory_space<vmem_shared>> -> memref<10240x128xf32, #tpu.memory_space<vmem_shared>>
        tpu.wait_indirect_dma semaphore(%run_scoped3A_1089 : memref<!tpu.dma_semaphore, #tpu.memory_space<semaphore_mem>>) src(%dma_wait3A_1103 : memref<64x128xf32, #tpu.memory_space<vmem>>) dst(%dma_wait3A_1109 : memref<10240x128xf32, #tpu.memory_space<vmem_shared>>)
        tpu.yield
      }) : () -> ()
      %add3A_1073 = arith.constant 4 : i32
      %add3A_1074 = arith.addi %mul3A_948, %add3A_1073 : i32
      %add3A_1075 = arith.constant 3 : i32
      %add3A_1076 = arith.addi %add3A_1074, %add3A_1075 : i32
      %dma_start3A_1077 = arith.constant 0 : i32
      %dma_start3A_1078 = arith.constant 3 : i32
      %dma_start3A_1079 = arith.constant 0 : i32
      %dma_start3A_1080 = arith.constant 0 : i32
      %dma_start3A_1081 = tpu.memref_slice %arg8[%dma_start3A_1078, %dma_start3A_1079, %dma_start3A_1080] : memref<4x64x128xf32, #tpu.memory_space<vmem>> -> memref<1x64x128xf32, #tpu.memory_space<vmem>>
      %dma_start3A_1082 = tpu.memref_squeeze %dma_start3A_1081 : memref<1x64x128xf32, #tpu.memory_space<vmem>> -> memref<64x128xf32, #tpu.memory_space<vmem>>
      %dma_start3A_1083 = arith.constant 0 : i32
      %dma_start3A_1084 = tpu.memref_slice %arg6[%dma_start3A_1077, %add3A_1076, %dma_start3A_1083] : memref<2x32x64xi32, #tpu.memory_space<vmem>> -> memref<1x1x64xi32, #tpu.memory_space<vmem>>
      %dma_start3A_1085 = tpu.memref_squeeze %dma_start3A_1084 : memref<1x1x64xi32, #tpu.memory_space<vmem>> -> memref<64xi32, #tpu.memory_space<vmem>>
      %dma_start3A_1086 = arith.constant 0 : i32
      %dma_start3A_1087 = arith.constant 0 : i32
      %dma_start3A_1088 = tpu.memref_slice %arg2[%dma_start3A_1086, %dma_start3A_1087] : memref<10240x128xf32, #tpu.memory_space<hbm>> -> memref<10240x128xf32, #tpu.memory_space<hbm>>
      tpu.enqueue_indirect_dma source(%dma_start3A_1088 : memref<10240x128xf32, #tpu.memory_space<hbm>>) target(%dma_start3A_1082 : memref<64x128xf32, #tpu.memory_space<vmem>>) offsets(%dma_start3A_1085 : memref<64xi32, #tpu.memory_space<vmem>>) semaphore(%arg13 : memref<!tpu.dma_semaphore, #tpu.memory_space<semaphore_mem>>)
    }
    %scan3A_520 = arith.constant 7 : i32
    %dma_wait3A_521 = arith.constant 1 : i32
    %dma_wait3A_522 = arith.constant 0 : i32
    %dma_wait3A_523 = arith.constant 0 : i32
    %dma_wait3A_524 = tpu.memref_slice %arg6[%dma_wait3A_521, %dma_wait3A_522, %dma_wait3A_523] : memref<2x32x64xi32, #tpu.memory_space<vmem>> -> memref<1x32x64xi32, #tpu.memory_space<vmem>>
    %dma_wait3A_525 = tpu.memref_squeeze %dma_wait3A_524 : memref<1x32x64xi32, #tpu.memory_space<vmem>> -> memref<32x64xi32, #tpu.memory_space<vmem>>
    %dma_wait3A_526 = arith.constant 0 : i32
    %dma_wait3A_527 = arith.constant 0 : i32
    %dma_wait3A_528 = tpu.memref_slice %arg3[%dma_wait3A_526, %dma_wait3A_527] : memref<5120x64xi32, #tpu.memory_space<hbm>> -> memref<32x64xi32, #tpu.memory_space<hbm>>
    %dma_wait3A_529 = arith.constant 0 : i32
    %dma_wait3A_530 = arith.constant 0 : i32
    %dma_wait3A_531 = tpu.memref_slice %arg6[%dma_wait3A_521, %dma_wait3A_529, %dma_wait3A_530] : memref<2x32x64xi32, #tpu.memory_space<vmem>> -> memref<1x32x64xi32, #tpu.memory_space<vmem>>
    %dma_wait3A_532 = tpu.memref_squeeze %dma_wait3A_531 : memref<1x32x64xi32, #tpu.memory_space<vmem>> -> memref<32x64xi32, #tpu.memory_space<vmem>>
    %dma_wait3A_533 = arith.constant 0 : i32
    %dma_wait3A_534 = arith.constant 0 : i32
    %dma_wait3A_535 = tpu.memref_slice %arg3[%dma_wait3A_533, %dma_wait3A_534] : memref<5120x64xi32, #tpu.memory_space<hbm>> -> memref<32x64xi32, #tpu.memory_space<hbm>>
    tpu.wait_dma2 semaphore(%arg14 : memref<!tpu.dma_semaphore, #tpu.memory_space<semaphore_mem>>) src(%dma_wait3A_535 : memref<32x64xi32, #tpu.memory_space<hbm>>) dst(%dma_wait3A_532 : memref<32x64xi32, #tpu.memory_space<vmem>>)
    %dma_wait3A_536 = arith.constant 1 : i32
    %dma_wait3A_537 = arith.constant 0 : i32
    %dma_wait3A_538 = arith.constant 0 : i32
    %dma_wait3A_539 = tpu.memref_slice %arg7[%dma_wait3A_536, %dma_wait3A_537, %dma_wait3A_538] : memref<2x32x64xi32, #tpu.memory_space<vmem>> -> memref<1x32x64xi32, #tpu.memory_space<vmem>>
    %dma_wait3A_540 = tpu.memref_squeeze %dma_wait3A_539 : memref<1x32x64xi32, #tpu.memory_space<vmem>> -> memref<32x64xi32, #tpu.memory_space<vmem>>
    %dma_wait3A_541 = arith.constant 0 : i32
    %dma_wait3A_542 = arith.constant 0 : i32
    %dma_wait3A_543 = tpu.memref_slice %arg4[%dma_wait3A_541, %dma_wait3A_542] : memref<5120x64xi32, #tpu.memory_space<hbm>> -> memref<32x64xi32, #tpu.memory_space<hbm>>
    %dma_wait3A_544 = arith.constant 0 : i32
    %dma_wait3A_545 = arith.constant 0 : i32
    %dma_wait3A_546 = tpu.memref_slice %arg7[%dma_wait3A_536, %dma_wait3A_544, %dma_wait3A_545] : memref<2x32x64xi32, #tpu.memory_space<vmem>> -> memref<1x32x64xi32, #tpu.memory_space<vmem>>
    %dma_wait3A_547 = tpu.memref_squeeze %dma_wait3A_546 : memref<1x32x64xi32, #tpu.memory_space<vmem>> -> memref<32x64xi32, #tpu.memory_space<vmem>>
    %dma_wait3A_548 = arith.constant 0 : i32
    %dma_wait3A_549 = arith.constant 0 : i32
    %dma_wait3A_550 = tpu.memref_slice %arg4[%dma_wait3A_548, %dma_wait3A_549] : memref<5120x64xi32, #tpu.memory_space<hbm>> -> memref<32x64xi32, #tpu.memory_space<hbm>>
    tpu.wait_dma2 semaphore(%arg14 : memref<!tpu.dma_semaphore, #tpu.memory_space<semaphore_mem>>) src(%dma_wait3A_550 : memref<32x64xi32, #tpu.memory_space<hbm>>) dst(%dma_wait3A_547 : memref<32x64xi32, #tpu.memory_space<vmem>>)
    %dma_wait3A_551 = arith.constant 0 : i32
    %dma_wait3A_552 = arith.constant 0 : i32
    %dma_wait3A_553 = arith.constant 0 : i32
    %dma_wait3A_554 = tpu.memref_slice %arg8[%dma_wait3A_551, %dma_wait3A_552, %dma_wait3A_553] : memref<4x64x128xf32, #tpu.memory_space<vmem>> -> memref<1x64x128xf32, #tpu.memory_space<vmem>>
    %dma_wait3A_555 = tpu.memref_squeeze %dma_wait3A_554 : memref<1x64x128xf32, #tpu.memory_space<vmem>> -> memref<64x128xf32, #tpu.memory_space<vmem>>
    %dma_wait3A_556 = arith.constant 0 : i32
    %dma_wait3A_557 = arith.constant 0 : i32
    %dma_wait3A_558 = tpu.memref_slice %arg2[%dma_wait3A_556, %dma_wait3A_557] : memref<10240x128xf32, #tpu.memory_space<hbm>> -> memref<64x128xf32, #tpu.memory_space<hbm>>
    %dma_wait3A_559 = arith.constant 0 : i32
    %dma_wait3A_560 = arith.constant 0 : i32
    %dma_wait3A_561 = tpu.memref_slice %arg8[%dma_wait3A_551, %dma_wait3A_559, %dma_wait3A_560] : memref<4x64x128xf32, #tpu.memory_space<vmem>> -> memref<1x64x128xf32, #tpu.memory_space<vmem>>
    %dma_wait3A_562 = tpu.memref_squeeze %dma_wait3A_561 : memref<1x64x128xf32, #tpu.memory_space<vmem>> -> memref<64x128xf32, #tpu.memory_space<vmem>>
    %dma_wait3A_563 = arith.constant 0 : i32
    %dma_wait3A_564 = arith.constant 0 : i32
    %dma_wait3A_565 = tpu.memref_slice %arg2[%dma_wait3A_563, %dma_wait3A_564] : memref<10240x128xf32, #tpu.memory_space<hbm>> -> memref<64x128xf32, #tpu.memory_space<hbm>>
    tpu.wait_dma2 semaphore(%arg10 : memref<!tpu.dma_semaphore, #tpu.memory_space<semaphore_mem>>) src(%dma_wait3A_565 : memref<64x128xf32, #tpu.memory_space<hbm>>) dst(%dma_wait3A_562 : memref<64x128xf32, #tpu.memory_space<vmem>>)
    %run_scoped3A_566 = arith.constant 0 : i32
    %run_scoped3A_567 = arith.constant 0 : i32
    %run_scoped3A_568 = arith.constant 28 : i32
    "tpu.region"() ({
      %run_scoped3A_946 = tpu.sem_alloc : memref<!tpu.dma_semaphore, #tpu.memory_space<semaphore_mem>>
      %dma_start3A_947 = arith.constant 0 : i32
      %dma_start3A_948 = arith.constant 0 : i32
      %dma_start3A_949 = tpu.memref_slice %arg8[%run_scoped3A_566, %dma_start3A_947, %dma_start3A_948] : memref<4x64x128xf32, #tpu.memory_space<vmem>> -> memref<1x64x128xf32, #tpu.memory_space<vmem>>
      %dma_start3A_950 = tpu.memref_squeeze %dma_start3A_949 : memref<1x64x128xf32, #tpu.memory_space<vmem>> -> memref<64x128xf32, #tpu.memory_space<vmem>>
      %dma_start3A_951 = arith.constant 0 : i32
      %dma_start3A_952 = tpu.memref_slice %arg7[%run_scoped3A_567, %run_scoped3A_568, %dma_start3A_951] : memref<2x32x64xi32, #tpu.memory_space<vmem>> -> memref<1x1x64xi32, #tpu.memory_space<vmem>>
      %dma_start3A_953 = tpu.memref_squeeze %dma_start3A_952 : memref<1x1x64xi32, #tpu.memory_space<vmem>> -> memref<64xi32, #tpu.memory_space<vmem>>
      %dma_start3A_954 = arith.constant 0 : i32
      %dma_start3A_955 = arith.constant 0 : i32
      %dma_start3A_956 = tpu.memref_slice %arg9[%dma_start3A_954, %dma_start3A_955] : memref<10240x128xf32, #tpu.memory_space<vmem_shared>> -> memref<10240x128xf32, #tpu.memory_space<vmem_shared>>
      tpu.enqueue_indirect_dma source(%dma_start3A_950 : memref<64x128xf32, #tpu.memory_space<vmem>>) target(%dma_start3A_956 : memref<10240x128xf32, #tpu.memory_space<vmem_shared>>) offsets(%dma_start3A_953 : memref<64xi32, #tpu.memory_space<vmem>>) semaphore(%run_scoped3A_946 : memref<!tpu.dma_semaphore, #tpu.memory_space<semaphore_mem>>) {add = true}
      %dma_wait3A_957 = arith.constant 0 : i32
      %dma_wait3A_958 = arith.constant 0 : i32
      %dma_wait3A_959 = tpu.memref_slice %arg8[%run_scoped3A_566, %dma_wait3A_957, %dma_wait3A_958] : memref<4x64x128xf32, #tpu.memory_space<vmem>> -> memref<1x64x128xf32, #tpu.memory_space<vmem>>
      %dma_wait3A_960 = tpu.memref_squeeze %dma_wait3A_959 : memref<1x64x128xf32, #tpu.memory_space<vmem>> -> memref<64x128xf32, #tpu.memory_space<vmem>>
      %dma_wait3A_961 = arith.constant 0 : i32
      %dma_wait3A_962 = tpu.memref_slice %arg7[%run_scoped3A_567, %run_scoped3A_568, %dma_wait3A_961] : memref<2x32x64xi32, #tpu.memory_space<vmem>> -> memref<1x1x64xi32, #tpu.memory_space<vmem>>
      %dma_wait3A_963 = tpu.memref_squeeze %dma_wait3A_962 : memref<1x1x64xi32, #tpu.memory_space<vmem>> -> memref<64xi32, #tpu.memory_space<vmem>>
      %dma_wait3A_964 = arith.constant 0 : i32
      %dma_wait3A_965 = arith.constant 0 : i32
      %dma_wait3A_966 = tpu.memref_slice %arg9[%dma_wait3A_964, %dma_wait3A_965] : memref<10240x128xf32, #tpu.memory_space<vmem_shared>> -> memref<10240x128xf32, #tpu.memory_space<vmem_shared>>
      tpu.wait_indirect_dma semaphore(%run_scoped3A_946 : memref<!tpu.dma_semaphore, #tpu.memory_space<semaphore_mem>>) src(%dma_wait3A_960 : memref<64x128xf32, #tpu.memory_space<vmem>>) dst(%dma_wait3A_966 : memref<10240x128xf32, #tpu.memory_space<vmem_shared>>)
      tpu.yield
    }) : () -> ()
    %dma_start3A_569 = arith.constant 1 : i32
    %dma_start3A_570 = arith.constant 0 : i32
    %dma_start3A_571 = arith.constant 0 : i32
    %dma_start3A_572 = arith.constant 0 : i32
    %dma_start3A_573 = arith.constant 0 : i32
    %dma_start3A_574 = tpu.memref_slice %arg8[%dma_start3A_571, %dma_start3A_572, %dma_start3A_573] : memref<4x64x128xf32, #tpu.memory_space<vmem>> -> memref<1x64x128xf32, #tpu.memory_space<vmem>>
    %dma_start3A_575 = tpu.memref_squeeze %dma_start3A_574 : memref<1x64x128xf32, #tpu.memory_space<vmem>> -> memref<64x128xf32, #tpu.memory_space<vmem>>
    %dma_start3A_576 = arith.constant 0 : i32
    %dma_start3A_577 = tpu.memref_slice %arg6[%dma_start3A_569, %dma_start3A_570, %dma_start3A_576] : memref<2x32x64xi32, #tpu.memory_space<vmem>> -> memref<1x1x64xi32, #tpu.memory_space<vmem>>
    %dma_start3A_578 = tpu.memref_squeeze %dma_start3A_577 : memref<1x1x64xi32, #tpu.memory_space<vmem>> -> memref<64xi32, #tpu.memory_space<vmem>>
    %dma_start3A_579 = arith.constant 0 : i32
    %dma_start3A_580 = arith.constant 0 : i32
    %dma_start3A_581 = tpu.memref_slice %arg2[%dma_start3A_579, %dma_start3A_580] : memref<10240x128xf32, #tpu.memory_space<hbm>> -> memref<10240x128xf32, #tpu.memory_space<hbm>>
    tpu.enqueue_indirect_dma source(%dma_start3A_581 : memref<10240x128xf32, #tpu.memory_space<hbm>>) target(%dma_start3A_575 : memref<64x128xf32, #tpu.memory_space<vmem>>) offsets(%dma_start3A_578 : memref<64xi32, #tpu.memory_space<vmem>>) semaphore(%arg10 : memref<!tpu.dma_semaphore, #tpu.memory_space<semaphore_mem>>)
    %dma_wait3A_582 = arith.constant 1 : i32
    %dma_wait3A_583 = arith.constant 0 : i32
    %dma_wait3A_584 = arith.constant 0 : i32
    %dma_wait3A_585 = tpu.memref_slice %arg8[%dma_wait3A_582, %dma_wait3A_583, %dma_wait3A_584] : memref<4x64x128xf32, #tpu.memory_space<vmem>> -> memref<1x64x128xf32, #tpu.memory_space<vmem>>
    %dma_wait3A_586 = tpu.memref_squeeze %dma_wait3A_585 : memref<1x64x128xf32, #tpu.memory_space<vmem>> -> memref<64x128xf32, #tpu.memory_space<vmem>>
    %dma_wait3A_587 = arith.constant 0 : i32
    %dma_wait3A_588 = arith.constant 0 : i32
    %dma_wait3A_589 = tpu.memref_slice %arg2[%dma_wait3A_587, %dma_wait3A_588] : memref<10240x128xf32, #tpu.memory_space<hbm>> -> memref<64x128xf32, #tpu.memory_space<hbm>>
    %dma_wait3A_590 = arith.constant 0 : i32
    %dma_wait3A_591 = arith.constant 0 : i32
    %dma_wait3A_592 = tpu.memref_slice %arg8[%dma_wait3A_582, %dma_wait3A_590, %dma_wait3A_591] : memref<4x64x128xf32, #tpu.memory_space<vmem>> -> memref<1x64x128xf32, #tpu.memory_space<vmem>>
    %dma_wait3A_593 = tpu.memref_squeeze %dma_wait3A_592 : memref<1x64x128xf32, #tpu.memory_space<vmem>> -> memref<64x128xf32, #tpu.memory_space<vmem>>
    %dma_wait3A_594 = arith.constant 0 : i32
    %dma_wait3A_595 = arith.constant 0 : i32
    %dma_wait3A_596 = tpu.memref_slice %arg2[%dma_wait3A_594, %dma_wait3A_595] : memref<10240x128xf32, #tpu.memory_space<hbm>> -> memref<64x128xf32, #tpu.memory_space<hbm>>
    tpu.wait_dma2 semaphore(%arg11 : memref<!tpu.dma_semaphore, #tpu.memory_space<semaphore_mem>>) src(%dma_wait3A_596 : memref<64x128xf32, #tpu.memory_space<hbm>>) dst(%dma_wait3A_593 : memref<64x128xf32, #tpu.memory_space<vmem>>)
    %run_scoped3A_597 = arith.constant 1 : i32
    %run_scoped3A_598 = arith.constant 0 : i32
    %run_scoped3A_599 = arith.constant 29 : i32
    "tpu.region"() ({
      %run_scoped3A_946 = tpu.sem_alloc : memref<!tpu.dma_semaphore, #tpu.memory_space<semaphore_mem>>
      %dma_start3A_947 = arith.constant 0 : i32
      %dma_start3A_948 = arith.constant 0 : i32
      %dma_start3A_949 = tpu.memref_slice %arg8[%run_scoped3A_597, %dma_start3A_947, %dma_start3A_948] : memref<4x64x128xf32, #tpu.memory_space<vmem>> -> memref<1x64x128xf32, #tpu.memory_space<vmem>>
      %dma_start3A_950 = tpu.memref_squeeze %dma_start3A_949 : memref<1x64x128xf32, #tpu.memory_space<vmem>> -> memref<64x128xf32, #tpu.memory_space<vmem>>
      %dma_start3A_951 = arith.constant 0 : i32
      %dma_start3A_952 = tpu.memref_slice %arg7[%run_scoped3A_598, %run_scoped3A_599, %dma_start3A_951] : memref<2x32x64xi32, #tpu.memory_space<vmem>> -> memref<1x1x64xi32, #tpu.memory_space<vmem>>
      %dma_start3A_953 = tpu.memref_squeeze %dma_start3A_952 : memref<1x1x64xi32, #tpu.memory_space<vmem>> -> memref<64xi32, #tpu.memory_space<vmem>>
      %dma_start3A_954 = arith.constant 0 : i32
      %dma_start3A_955 = arith.constant 0 : i32
      %dma_start3A_956 = tpu.memref_slice %arg9[%dma_start3A_954, %dma_start3A_955] : memref<10240x128xf32, #tpu.memory_space<vmem_shared>> -> memref<10240x128xf32, #tpu.memory_space<vmem_shared>>
      tpu.enqueue_indirect_dma source(%dma_start3A_950 : memref<64x128xf32, #tpu.memory_space<vmem>>) target(%dma_start3A_956 : memref<10240x128xf32, #tpu.memory_space<vmem_shared>>) offsets(%dma_start3A_953 : memref<64xi32, #tpu.memory_space<vmem>>) semaphore(%run_scoped3A_946 : memref<!tpu.dma_semaphore, #tpu.memory_space<semaphore_mem>>) {add = true}
      %dma_wait3A_957 = arith.constant 0 : i32
      %dma_wait3A_958 = arith.constant 0 : i32
      %dma_wait3A_959 = tpu.memref_slice %arg8[%run_scoped3A_597, %dma_wait3A_957, %dma_wait3A_958] : memref<4x64x128xf32, #tpu.memory_space<vmem>> -> memref<1x64x128xf32, #tpu.memory_space<vmem>>
      %dma_wait3A_960 = tpu.memref_squeeze %dma_wait3A_959 : memref<1x64x128xf32, #tpu.memory_space<vmem>> -> memref<64x128xf32, #tpu.memory_space<vmem>>
      %dma_wait3A_961 = arith.constant 0 : i32
      %dma_wait3A_962 = tpu.memref_slice %arg7[%run_scoped3A_598, %run_scoped3A_599, %dma_wait3A_961] : memref<2x32x64xi32, #tpu.memory_space<vmem>> -> memref<1x1x64xi32, #tpu.memory_space<vmem>>
      %dma_wait3A_963 = tpu.memref_squeeze %dma_wait3A_962 : memref<1x1x64xi32, #tpu.memory_space<vmem>> -> memref<64xi32, #tpu.memory_space<vmem>>
      %dma_wait3A_964 = arith.constant 0 : i32
      %dma_wait3A_965 = arith.constant 0 : i32
      %dma_wait3A_966 = tpu.memref_slice %arg9[%dma_wait3A_964, %dma_wait3A_965] : memref<10240x128xf32, #tpu.memory_space<vmem_shared>> -> memref<10240x128xf32, #tpu.memory_space<vmem_shared>>
      tpu.wait_indirect_dma semaphore(%run_scoped3A_946 : memref<!tpu.dma_semaphore, #tpu.memory_space<semaphore_mem>>) src(%dma_wait3A_960 : memref<64x128xf32, #tpu.memory_space<vmem>>) dst(%dma_wait3A_966 : memref<10240x128xf32, #tpu.memory_space<vmem_shared>>)
      tpu.yield
    }) : () -> ()
    %dma_start3A_600 = arith.constant 1 : i32
    %dma_start3A_601 = arith.constant 1 : i32
    %dma_start3A_602 = arith.constant 1 : i32
    %dma_start3A_603 = arith.constant 0 : i32
    %dma_start3A_604 = arith.constant 0 : i32
    %dma_start3A_605 = tpu.memref_slice %arg8[%dma_start3A_602, %dma_start3A_603, %dma_start3A_604] : memref<4x64x128xf32, #tpu.memory_space<vmem>> -> memref<1x64x128xf32, #tpu.memory_space<vmem>>
    %dma_start3A_606 = tpu.memref_squeeze %dma_start3A_605 : memref<1x64x128xf32, #tpu.memory_space<vmem>> -> memref<64x128xf32, #tpu.memory_space<vmem>>
    %dma_start3A_607 = arith.constant 0 : i32
    %dma_start3A_608 = tpu.memref_slice %arg6[%dma_start3A_600, %dma_start3A_601, %dma_start3A_607] : memref<2x32x64xi32, #tpu.memory_space<vmem>> -> memref<1x1x64xi32, #tpu.memory_space<vmem>>
    %dma_start3A_609 = tpu.memref_squeeze %dma_start3A_608 : memref<1x1x64xi32, #tpu.memory_space<vmem>> -> memref<64xi32, #tpu.memory_space<vmem>>
    %dma_start3A_610 = arith.constant 0 : i32
    %dma_start3A_611 = arith.constant 0 : i32
    %dma_start3A_612 = tpu.memref_slice %arg2[%dma_start3A_610, %dma_start3A_611] : memref<10240x128xf32, #tpu.memory_space<hbm>> -> memref<10240x128xf32, #tpu.memory_space<hbm>>
    tpu.enqueue_indirect_dma source(%dma_start3A_612 : memref<10240x128xf32, #tpu.memory_space<hbm>>) target(%dma_start3A_606 : memref<64x128xf32, #tpu.memory_space<vmem>>) offsets(%dma_start3A_609 : memref<64xi32, #tpu.memory_space<vmem>>) semaphore(%arg11 : memref<!tpu.dma_semaphore, #tpu.memory_space<semaphore_mem>>)
    %dma_wait3A_613 = arith.constant 2 : i32
    %dma_wait3A_614 = arith.constant 0 : i32
    %dma_wait3A_615 = arith.constant 0 : i32
    %dma_wait3A_616 = tpu.memref_slice %arg8[%dma_wait3A_613, %dma_wait3A_614, %dma_wait3A_615] : memref<4x64x128xf32, #tpu.memory_space<vmem>> -> memref<1x64x128xf32, #tpu.memory_space<vmem>>
    %dma_wait3A_617 = tpu.memref_squeeze %dma_wait3A_616 : memref<1x64x128xf32, #tpu.memory_space<vmem>> -> memref<64x128xf32, #tpu.memory_space<vmem>>
    %dma_wait3A_618 = arith.constant 0 : i32
    %dma_wait3A_619 = arith.constant 0 : i32
    %dma_wait3A_620 = tpu.memref_slice %arg2[%dma_wait3A_618, %dma_wait3A_619] : memref<10240x128xf32, #tpu.memory_space<hbm>> -> memref<64x128xf32, #tpu.memory_space<hbm>>
    %dma_wait3A_621 = arith.constant 0 : i32
    %dma_wait3A_622 = arith.constant 0 : i32
    %dma_wait3A_623 = tpu.memref_slice %arg8[%dma_wait3A_613, %dma_wait3A_621, %dma_wait3A_622] : memref<4x64x128xf32, #tpu.memory_space<vmem>> -> memref<1x64x128xf32, #tpu.memory_space<vmem>>
    %dma_wait3A_624 = tpu.memref_squeeze %dma_wait3A_623 : memref<1x64x128xf32, #tpu.memory_space<vmem>> -> memref<64x128xf32, #tpu.memory_space<vmem>>
    %dma_wait3A_625 = arith.constant 0 : i32
    %dma_wait3A_626 = arith.constant 0 : i32
    %dma_wait3A_627 = tpu.memref_slice %arg2[%dma_wait3A_625, %dma_wait3A_626] : memref<10240x128xf32, #tpu.memory_space<hbm>> -> memref<64x128xf32, #tpu.memory_space<hbm>>
    tpu.wait_dma2 semaphore(%arg12 : memref<!tpu.dma_semaphore, #tpu.memory_space<semaphore_mem>>) src(%dma_wait3A_627 : memref<64x128xf32, #tpu.memory_space<hbm>>) dst(%dma_wait3A_624 : memref<64x128xf32, #tpu.memory_space<vmem>>)
    %run_scoped3A_628 = arith.constant 2 : i32
    %run_scoped3A_629 = arith.constant 0 : i32
    %run_scoped3A_630 = arith.constant 30 : i32
    "tpu.region"() ({
      %run_scoped3A_946 = tpu.sem_alloc : memref<!tpu.dma_semaphore, #tpu.memory_space<semaphore_mem>>
      %dma_start3A_947 = arith.constant 0 : i32
      %dma_start3A_948 = arith.constant 0 : i32
      %dma_start3A_949 = tpu.memref_slice %arg8[%run_scoped3A_628, %dma_start3A_947, %dma_start3A_948] : memref<4x64x128xf32, #tpu.memory_space<vmem>> -> memref<1x64x128xf32, #tpu.memory_space<vmem>>
      %dma_start3A_950 = tpu.memref_squeeze %dma_start3A_949 : memref<1x64x128xf32, #tpu.memory_space<vmem>> -> memref<64x128xf32, #tpu.memory_space<vmem>>
      %dma_start3A_951 = arith.constant 0 : i32
      %dma_start3A_952 = tpu.memref_slice %arg7[%run_scoped3A_629, %run_scoped3A_630, %dma_start3A_951] : memref<2x32x64xi32, #tpu.memory_space<vmem>> -> memref<1x1x64xi32, #tpu.memory_space<vmem>>
      %dma_start3A_953 = tpu.memref_squeeze %dma_start3A_952 : memref<1x1x64xi32, #tpu.memory_space<vmem>> -> memref<64xi32, #tpu.memory_space<vmem>>
      %dma_start3A_954 = arith.constant 0 : i32
      %dma_start3A_955 = arith.constant 0 : i32
      %dma_start3A_956 = tpu.memref_slice %arg9[%dma_start3A_954, %dma_start3A_955] : memref<10240x128xf32, #tpu.memory_space<vmem_shared>> -> memref<10240x128xf32, #tpu.memory_space<vmem_shared>>
      tpu.enqueue_indirect_dma source(%dma_start3A_950 : memref<64x128xf32, #tpu.memory_space<vmem>>) target(%dma_start3A_956 : memref<10240x128xf32, #tpu.memory_space<vmem_shared>>) offsets(%dma_start3A_953 : memref<64xi32, #tpu.memory_space<vmem>>) semaphore(%run_scoped3A_946 : memref<!tpu.dma_semaphore, #tpu.memory_space<semaphore_mem>>) {add = true}
      %dma_wait3A_957 = arith.constant 0 : i32
      %dma_wait3A_958 = arith.constant 0 : i32
      %dma_wait3A_959 = tpu.memref_slice %arg8[%run_scoped3A_628, %dma_wait3A_957, %dma_wait3A_958] : memref<4x64x128xf32, #tpu.memory_space<vmem>> -> memref<1x64x128xf32, #tpu.memory_space<vmem>>
      %dma_wait3A_960 = tpu.memref_squeeze %dma_wait3A_959 : memref<1x64x128xf32, #tpu.memory_space<vmem>> -> memref<64x128xf32, #tpu.memory_space<vmem>>
      %dma_wait3A_961 = arith.constant 0 : i32
      %dma_wait3A_962 = tpu.memref_slice %arg7[%run_scoped3A_629, %run_scoped3A_630, %dma_wait3A_961] : memref<2x32x64xi32, #tpu.memory_space<vmem>> -> memref<1x1x64xi32, #tpu.memory_space<vmem>>
      %dma_wait3A_963 = tpu.memref_squeeze %dma_wait3A_962 : memref<1x1x64xi32, #tpu.memory_space<vmem>> -> memref<64xi32, #tpu.memory_space<vmem>>
      %dma_wait3A_964 = arith.constant 0 : i32
      %dma_wait3A_965 = arith.constant 0 : i32
      %dma_wait3A_966 = tpu.memref_slice %arg9[%dma_wait3A_964, %dma_wait3A_965] : memref<10240x128xf32, #tpu.memory_space<vmem_shared>> -> memref<10240x128xf32, #tpu.memory_space<vmem_shared>>
      tpu.wait_indirect_dma semaphore(%run_scoped3A_946 : memref<!tpu.dma_semaphore, #tpu.memory_space<semaphore_mem>>) src(%dma_wait3A_960 : memref<64x128xf32, #tpu.memory_space<vmem>>) dst(%dma_wait3A_966 : memref<10240x128xf32, #tpu.memory_space<vmem_shared>>)
      tpu.yield
    }) : () -> ()
    %dma_start3A_631 = arith.constant 1 : i32
    %dma_start3A_632 = arith.constant 2 : i32
    %dma_start3A_633 = arith.constant 2 : i32
    %dma_start3A_634 = arith.constant 0 : i32
    %dma_start3A_635 = arith.constant 0 : i32
    %dma_start3A_636 = tpu.memref_slice %arg8[%dma_start3A_633, %dma_start3A_634, %dma_start3A_635] : memref<4x64x128xf32, #tpu.memory_space<vmem>> -> memref<1x64x128xf32, #tpu.memory_space<vmem>>
    %dma_start3A_637 = tpu.memref_squeeze %dma_start3A_636 : memref<1x64x128xf32, #tpu.memory_space<vmem>> -> memref<64x128xf32, #tpu.memory_space<vmem>>
    %dma_start3A_638 = arith.constant 0 : i32
    %dma_start3A_639 = tpu.memref_slice %arg6[%dma_start3A_631, %dma_start3A_632, %dma_start3A_638] : memref<2x32x64xi32, #tpu.memory_space<vmem>> -> memref<1x1x64xi32, #tpu.memory_space<vmem>>
    %dma_start3A_640 = tpu.memref_squeeze %dma_start3A_639 : memref<1x1x64xi32, #tpu.memory_space<vmem>> -> memref<64xi32, #tpu.memory_space<vmem>>
    %dma_start3A_641 = arith.constant 0 : i32
    %dma_start3A_642 = arith.constant 0 : i32
    %dma_start3A_643 = tpu.memref_slice %arg2[%dma_start3A_641, %dma_start3A_642] : memref<10240x128xf32, #tpu.memory_space<hbm>> -> memref<10240x128xf32, #tpu.memory_space<hbm>>
    tpu.enqueue_indirect_dma source(%dma_start3A_643 : memref<10240x128xf32, #tpu.memory_space<hbm>>) target(%dma_start3A_637 : memref<64x128xf32, #tpu.memory_space<vmem>>) offsets(%dma_start3A_640 : memref<64xi32, #tpu.memory_space<vmem>>) semaphore(%arg12 : memref<!tpu.dma_semaphore, #tpu.memory_space<semaphore_mem>>)
    %dma_wait3A_644 = arith.constant 3 : i32
    %dma_wait3A_645 = arith.constant 0 : i32
    %dma_wait3A_646 = arith.constant 0 : i32
    %dma_wait3A_647 = tpu.memref_slice %arg8[%dma_wait3A_644, %dma_wait3A_645, %dma_wait3A_646] : memref<4x64x128xf32, #tpu.memory_space<vmem>> -> memref<1x64x128xf32, #tpu.memory_space<vmem>>
    %dma_wait3A_648 = tpu.memref_squeeze %dma_wait3A_647 : memref<1x64x128xf32, #tpu.memory_space<vmem>> -> memref<64x128xf32, #tpu.memory_space<vmem>>
    %dma_wait3A_649 = arith.constant 0 : i32
    %dma_wait3A_650 = arith.constant 0 : i32
    %dma_wait3A_651 = tpu.memref_slice %arg2[%dma_wait3A_649, %dma_wait3A_650] : memref<10240x128xf32, #tpu.memory_space<hbm>> -> memref<64x128xf32, #tpu.memory_space<hbm>>
    %dma_wait3A_652 = arith.constant 0 : i32
    %dma_wait3A_653 = arith.constant 0 : i32
    %dma_wait3A_654 = tpu.memref_slice %arg8[%dma_wait3A_644, %dma_wait3A_652, %dma_wait3A_653] : memref<4x64x128xf32, #tpu.memory_space<vmem>> -> memref<1x64x128xf32, #tpu.memory_space<vmem>>
    %dma_wait3A_655 = tpu.memref_squeeze %dma_wait3A_654 : memref<1x64x128xf32, #tpu.memory_space<vmem>> -> memref<64x128xf32, #tpu.memory_space<vmem>>
    %dma_wait3A_656 = arith.constant 0 : i32
    %dma_wait3A_657 = arith.constant 0 : i32
    %dma_wait3A_658 = tpu.memref_slice %arg2[%dma_wait3A_656, %dma_wait3A_657] : memref<10240x128xf32, #tpu.memory_space<hbm>> -> memref<64x128xf32, #tpu.memory_space<hbm>>
    tpu.wait_dma2 semaphore(%arg13 : memref<!tpu.dma_semaphore, #tpu.memory_space<semaphore_mem>>) src(%dma_wait3A_658 : memref<64x128xf32, #tpu.memory_space<hbm>>) dst(%dma_wait3A_655 : memref<64x128xf32, #tpu.memory_space<vmem>>)
    %run_scoped3A_659 = arith.constant 3 : i32
    %run_scoped3A_660 = arith.constant 0 : i32
    %run_scoped3A_661 = arith.constant 31 : i32
    "tpu.region"() ({
      %run_scoped3A_946 = tpu.sem_alloc : memref<!tpu.dma_semaphore, #tpu.memory_space<semaphore_mem>>
      %dma_start3A_947 = arith.constant 0 : i32
      %dma_start3A_948 = arith.constant 0 : i32
      %dma_start3A_949 = tpu.memref_slice %arg8[%run_scoped3A_659, %dma_start3A_947, %dma_start3A_948] : memref<4x64x128xf32, #tpu.memory_space<vmem>> -> memref<1x64x128xf32, #tpu.memory_space<vmem>>
      %dma_start3A_950 = tpu.memref_squeeze %dma_start3A_949 : memref<1x64x128xf32, #tpu.memory_space<vmem>> -> memref<64x128xf32, #tpu.memory_space<vmem>>
      %dma_start3A_951 = arith.constant 0 : i32
      %dma_start3A_952 = tpu.memref_slice %arg7[%run_scoped3A_660, %run_scoped3A_661, %dma_start3A_951] : memref<2x32x64xi32, #tpu.memory_space<vmem>> -> memref<1x1x64xi32, #tpu.memory_space<vmem>>
      %dma_start3A_953 = tpu.memref_squeeze %dma_start3A_952 : memref<1x1x64xi32, #tpu.memory_space<vmem>> -> memref<64xi32, #tpu.memory_space<vmem>>
      %dma_start3A_954 = arith.constant 0 : i32
      %dma_start3A_955 = arith.constant 0 : i32
      %dma_start3A_956 = tpu.memref_slice %arg9[%dma_start3A_954, %dma_start3A_955] : memref<10240x128xf32, #tpu.memory_space<vmem_shared>> -> memref<10240x128xf32, #tpu.memory_space<vmem_shared>>
      tpu.enqueue_indirect_dma source(%dma_start3A_950 : memref<64x128xf32, #tpu.memory_space<vmem>>) target(%dma_start3A_956 : memref<10240x128xf32, #tpu.memory_space<vmem_shared>>) offsets(%dma_start3A_953 : memref<64xi32, #tpu.memory_space<vmem>>) semaphore(%run_scoped3A_946 : memref<!tpu.dma_semaphore, #tpu.memory_space<semaphore_mem>>) {add = true}
      %dma_wait3A_957 = arith.constant 0 : i32
      %dma_wait3A_958 = arith.constant 0 : i32
      %dma_wait3A_959 = tpu.memref_slice %arg8[%run_scoped3A_659, %dma_wait3A_957, %dma_wait3A_958] : memref<4x64x128xf32, #tpu.memory_space<vmem>> -> memref<1x64x128xf32, #tpu.memory_space<vmem>>
      %dma_wait3A_960 = tpu.memref_squeeze %dma_wait3A_959 : memref<1x64x128xf32, #tpu.memory_space<vmem>> -> memref<64x128xf32, #tpu.memory_space<vmem>>
      %dma_wait3A_961 = arith.constant 0 : i32
      %dma_wait3A_962 = tpu.memref_slice %arg7[%run_scoped3A_660, %run_scoped3A_661, %dma_wait3A_961] : memref<2x32x64xi32, #tpu.memory_space<vmem>> -> memref<1x1x64xi32, #tpu.memory_space<vmem>>
      %dma_wait3A_963 = tpu.memref_squeeze %dma_wait3A_962 : memref<1x1x64xi32, #tpu.memory_space<vmem>> -> memref<64xi32, #tpu.memory_space<vmem>>
      %dma_wait3A_964 = arith.constant 0 : i32
      %dma_wait3A_965 = arith.constant 0 : i32
      %dma_wait3A_966 = tpu.memref_slice %arg9[%dma_wait3A_964, %dma_wait3A_965] : memref<10240x128xf32, #tpu.memory_space<vmem_shared>> -> memref<10240x128xf32, #tpu.memory_space<vmem_shared>>
      tpu.wait_indirect_dma semaphore(%run_scoped3A_946 : memref<!tpu.dma_semaphore, #tpu.memory_space<semaphore_mem>>) src(%dma_wait3A_960 : memref<64x128xf32, #tpu.memory_space<vmem>>) dst(%dma_wait3A_966 : memref<10240x128xf32, #tpu.memory_space<vmem_shared>>)
      tpu.yield
    }) : () -> ()
    %dma_start3A_662 = arith.constant 1 : i32
    %dma_start3A_663 = arith.constant 3 : i32
    %dma_start3A_664 = arith.constant 3 : i32
    %dma_start3A_665 = arith.constant 0 : i32
    %dma_start3A_666 = arith.constant 0 : i32
    %dma_start3A_667 = tpu.memref_slice %arg8[%dma_start3A_664, %dma_start3A_665, %dma_start3A_666] : memref<4x64x128xf32, #tpu.memory_space<vmem>> -> memref<1x64x128xf32, #tpu.memory_space<vmem>>
    %dma_start3A_668 = tpu.memref_squeeze %dma_start3A_667 : memref<1x64x128xf32, #tpu.memory_space<vmem>> -> memref<64x128xf32, #tpu.memory_space<vmem>>
    %dma_start3A_669 = arith.constant 0 : i32
    %dma_start3A_670 = tpu.memref_slice %arg6[%dma_start3A_662, %dma_start3A_663, %dma_start3A_669] : memref<2x32x64xi32, #tpu.memory_space<vmem>> -> memref<1x1x64xi32, #tpu.memory_space<vmem>>
    %dma_start3A_671 = tpu.memref_squeeze %dma_start3A_670 : memref<1x1x64xi32, #tpu.memory_space<vmem>> -> memref<64xi32, #tpu.memory_space<vmem>>
    %dma_start3A_672 = arith.constant 0 : i32
    %dma_start3A_673 = arith.constant 0 : i32
    %dma_start3A_674 = tpu.memref_slice %arg2[%dma_start3A_672, %dma_start3A_673] : memref<10240x128xf32, #tpu.memory_space<hbm>> -> memref<10240x128xf32, #tpu.memory_space<hbm>>
    tpu.enqueue_indirect_dma source(%dma_start3A_674 : memref<10240x128xf32, #tpu.memory_space<hbm>>) target(%dma_start3A_668 : memref<64x128xf32, #tpu.memory_space<vmem>>) offsets(%dma_start3A_671 : memref<64xi32, #tpu.memory_space<vmem>>) semaphore(%arg13 : memref<!tpu.dma_semaphore, #tpu.memory_space<semaphore_mem>>)
    %add3A_675 = arith.constant 128 : i32
    %add3A_676 = arith.addi %mul3A_56, %add3A_675 : i32
    %dma_start3A_677 = arith.constant 0 : i32
    %dma_start3A_678 = arith.constant 0 : i32
    %dma_start3A_679 = arith.constant 0 : i32
    %dma_start3A_680 = tpu.memref_slice %arg6[%dma_start3A_677, %dma_start3A_678, %dma_start3A_679] : memref<2x32x64xi32, #tpu.memory_space<vmem>> -> memref<1x32x64xi32, #tpu.memory_space<vmem>>
    %dma_start3A_681 = tpu.memref_squeeze %dma_start3A_680 : memref<1x32x64xi32, #tpu.memory_space<vmem>> -> memref<32x64xi32, #tpu.memory_space<vmem>>
    %dma_start3A_682 = arith.constant 0 : i32
    %dma_start3A_683 = tpu.memref_slice %arg3[%add3A_676, %dma_start3A_682] : memref<5120x64xi32, #tpu.memory_space<hbm>> -> memref<32x64xi32, #tpu.memory_space<hbm>>
    %dma_start3A_684 = arith.constant 0 : i32
    %dma_start3A_685 = arith.constant 0 : i32
    %dma_start3A_686 = tpu.memref_slice %arg6[%dma_start3A_677, %dma_start3A_684, %dma_start3A_685] : memref<2x32x64xi32, #tpu.memory_space<vmem>> -> memref<1x32x64xi32, #tpu.memory_space<vmem>>
    %dma_start3A_687 = tpu.memref_squeeze %dma_start3A_686 : memref<1x32x64xi32, #tpu.memory_space<vmem>> -> memref<32x64xi32, #tpu.memory_space<vmem>>
    %dma_start3A_688 = arith.constant 0 : i32
    %dma_start3A_689 = tpu.memref_slice %arg3[%add3A_676, %dma_start3A_688] : memref<5120x64xi32, #tpu.memory_space<hbm>> -> memref<32x64xi32, #tpu.memory_space<hbm>>
    tpu.enqueue_dma source(%dma_start3A_689 : memref<32x64xi32, #tpu.memory_space<hbm>>) target(%dma_start3A_687 : memref<32x64xi32, #tpu.memory_space<vmem>>) target_semaphore(%arg14 : memref<!tpu.dma_semaphore, #tpu.memory_space<semaphore_mem>>)
    %dma_start3A_690 = arith.constant 0 : i32
    %dma_start3A_691 = arith.constant 0 : i32
    %dma_start3A_692 = arith.constant 0 : i32
    %dma_start3A_693 = tpu.memref_slice %arg7[%dma_start3A_690, %dma_start3A_691, %dma_start3A_692] : memref<2x32x64xi32, #tpu.memory_space<vmem>> -> memref<1x32x64xi32, #tpu.memory_space<vmem>>
    %dma_start3A_694 = tpu.memref_squeeze %dma_start3A_693 : memref<1x32x64xi32, #tpu.memory_space<vmem>> -> memref<32x64xi32, #tpu.memory_space<vmem>>
    %dma_start3A_695 = arith.constant 0 : i32
    %dma_start3A_696 = tpu.memref_slice %arg4[%add3A_676, %dma_start3A_695] : memref<5120x64xi32, #tpu.memory_space<hbm>> -> memref<32x64xi32, #tpu.memory_space<hbm>>
    %dma_start3A_697 = arith.constant 0 : i32
    %dma_start3A_698 = arith.constant 0 : i32
    %dma_start3A_699 = tpu.memref_slice %arg7[%dma_start3A_690, %dma_start3A_697, %dma_start3A_698] : memref<2x32x64xi32, #tpu.memory_space<vmem>> -> memref<1x32x64xi32, #tpu.memory_space<vmem>>
    %dma_start3A_700 = tpu.memref_squeeze %dma_start3A_699 : memref<1x32x64xi32, #tpu.memory_space<vmem>> -> memref<32x64xi32, #tpu.memory_space<vmem>>
    %dma_start3A_701 = arith.constant 0 : i32
    %dma_start3A_702 = tpu.memref_slice %arg4[%add3A_676, %dma_start3A_701] : memref<5120x64xi32, #tpu.memory_space<hbm>> -> memref<32x64xi32, #tpu.memory_space<hbm>>
    tpu.enqueue_dma source(%dma_start3A_702 : memref<32x64xi32, #tpu.memory_space<hbm>>) target(%dma_start3A_700 : memref<32x64xi32, #tpu.memory_space<vmem>>) target_semaphore(%arg14 : memref<!tpu.dma_semaphore, #tpu.memory_space<semaphore_mem>>)
    %scan3A_703 = arith.constant 0 : i32
    %scan3A_704 = arith.constant 0 : i32
    %scan3A_705 = arith.constant 7 : i32
    %scan3A_706 = arith.addi %scan3A_704, %scan3A_705 : i32
    %scan3A_707 = arith.constant 1 : i32
    scf.for %scan3A_946 = %scan3A_704 to %scan3A_706 step %scan3A_707  : i32 {
      %mul3A_947 = arith.constant 4 : i32
      %mul3A_948 = arith.muli %mul3A_947, %scan3A_946 : i32
      %dma_wait3A_949 = arith.constant 0 : i32
      %dma_wait3A_950 = arith.constant 0 : i32
      %dma_wait3A_951 = arith.constant 0 : i32
      %dma_wait3A_952 = tpu.memref_slice %arg8[%dma_wait3A_949, %dma_wait3A_950, %dma_wait3A_951] : memref<4x64x128xf32, #tpu.memory_space<vmem>> -> memref<1x64x128xf32, #tpu.memory_space<vmem>>
      %dma_wait3A_953 = tpu.memref_squeeze %dma_wait3A_952 : memref<1x64x128xf32, #tpu.memory_space<vmem>> -> memref<64x128xf32, #tpu.memory_space<vmem>>
      %dma_wait3A_954 = arith.constant 0 : i32
      %dma_wait3A_955 = arith.constant 0 : i32
      %dma_wait3A_956 = tpu.memref_slice %arg2[%dma_wait3A_954, %dma_wait3A_955] : memref<10240x128xf32, #tpu.memory_space<hbm>> -> memref<64x128xf32, #tpu.memory_space<hbm>>
      %dma_wait3A_957 = arith.constant 0 : i32
      %dma_wait3A_958 = arith.constant 0 : i32
      %dma_wait3A_959 = tpu.memref_slice %arg8[%dma_wait3A_949, %dma_wait3A_957, %dma_wait3A_958] : memref<4x64x128xf32, #tpu.memory_space<vmem>> -> memref<1x64x128xf32, #tpu.memory_space<vmem>>
      %dma_wait3A_960 = tpu.memref_squeeze %dma_wait3A_959 : memref<1x64x128xf32, #tpu.memory_space<vmem>> -> memref<64x128xf32, #tpu.memory_space<vmem>>
      %dma_wait3A_961 = arith.constant 0 : i32
      %dma_wait3A_962 = arith.constant 0 : i32
      %dma_wait3A_963 = tpu.memref_slice %arg2[%dma_wait3A_961, %dma_wait3A_962] : memref<10240x128xf32, #tpu.memory_space<hbm>> -> memref<64x128xf32, #tpu.memory_space<hbm>>
      tpu.wait_dma2 semaphore(%arg10 : memref<!tpu.dma_semaphore, #tpu.memory_space<semaphore_mem>>) src(%dma_wait3A_963 : memref<64x128xf32, #tpu.memory_space<hbm>>) dst(%dma_wait3A_960 : memref<64x128xf32, #tpu.memory_space<vmem>>)
      %add3A_964 = arith.constant 0 : i32
      %add3A_965 = arith.addi %mul3A_948, %add3A_964 : i32
      %run_scoped3A_966 = arith.constant 0 : i32
      %run_scoped3A_967 = arith.constant 1 : i32
      "tpu.region"() ({
        %run_scoped3A_1089 = tpu.sem_alloc : memref<!tpu.dma_semaphore, #tpu.memory_space<semaphore_mem>>
        %dma_start3A_1090 = arith.constant 0 : i32
        %dma_start3A_1091 = arith.constant 0 : i32
        %dma_start3A_1092 = tpu.memref_slice %arg8[%run_scoped3A_966, %dma_start3A_1090, %dma_start3A_1091] : memref<4x64x128xf32, #tpu.memory_space<vmem>> -> memref<1x64x128xf32, #tpu.memory_space<vmem>>
        %dma_start3A_1093 = tpu.memref_squeeze %dma_start3A_1092 : memref<1x64x128xf32, #tpu.memory_space<vmem>> -> memref<64x128xf32, #tpu.memory_space<vmem>>
        %dma_start3A_1094 = arith.constant 0 : i32
        %dma_start3A_1095 = tpu.memref_slice %arg7[%run_scoped3A_967, %add3A_965, %dma_start3A_1094] : memref<2x32x64xi32, #tpu.memory_space<vmem>> -> memref<1x1x64xi32, #tpu.memory_space<vmem>>
        %dma_start3A_1096 = tpu.memref_squeeze %dma_start3A_1095 : memref<1x1x64xi32, #tpu.memory_space<vmem>> -> memref<64xi32, #tpu.memory_space<vmem>>
        %dma_start3A_1097 = arith.constant 0 : i32
        %dma_start3A_1098 = arith.constant 0 : i32
        %dma_start3A_1099 = tpu.memref_slice %arg9[%dma_start3A_1097, %dma_start3A_1098] : memref<10240x128xf32, #tpu.memory_space<vmem_shared>> -> memref<10240x128xf32, #tpu.memory_space<vmem_shared>>
        tpu.enqueue_indirect_dma source(%dma_start3A_1093 : memref<64x128xf32, #tpu.memory_space<vmem>>) target(%dma_start3A_1099 : memref<10240x128xf32, #tpu.memory_space<vmem_shared>>) offsets(%dma_start3A_1096 : memref<64xi32, #tpu.memory_space<vmem>>) semaphore(%run_scoped3A_1089 : memref<!tpu.dma_semaphore, #tpu.memory_space<semaphore_mem>>) {add = true}
        %dma_wait3A_1100 = arith.constant 0 : i32
        %dma_wait3A_1101 = arith.constant 0 : i32
        %dma_wait3A_1102 = tpu.memref_slice %arg8[%run_scoped3A_966, %dma_wait3A_1100, %dma_wait3A_1101] : memref<4x64x128xf32, #tpu.memory_space<vmem>> -> memref<1x64x128xf32, #tpu.memory_space<vmem>>
        %dma_wait3A_1103 = tpu.memref_squeeze %dma_wait3A_1102 : memref<1x64x128xf32, #tpu.memory_space<vmem>> -> memref<64x128xf32, #tpu.memory_space<vmem>>
        %dma_wait3A_1104 = arith.constant 0 : i32
        %dma_wait3A_1105 = tpu.memref_slice %arg7[%run_scoped3A_967, %add3A_965, %dma_wait3A_1104] : memref<2x32x64xi32, #tpu.memory_space<vmem>> -> memref<1x1x64xi32, #tpu.memory_space<vmem>>
        %dma_wait3A_1106 = tpu.memref_squeeze %dma_wait3A_1105 : memref<1x1x64xi32, #tpu.memory_space<vmem>> -> memref<64xi32, #tpu.memory_space<vmem>>
        %dma_wait3A_1107 = arith.constant 0 : i32
        %dma_wait3A_1108 = arith.constant 0 : i32
        %dma_wait3A_1109 = tpu.memref_slice %arg9[%dma_wait3A_1107, %dma_wait3A_1108] : memref<10240x128xf32, #tpu.memory_space<vmem_shared>> -> memref<10240x128xf32, #tpu.memory_space<vmem_shared>>
        tpu.wait_indirect_dma semaphore(%run_scoped3A_1089 : memref<!tpu.dma_semaphore, #tpu.memory_space<semaphore_mem>>) src(%dma_wait3A_1103 : memref<64x128xf32, #tpu.memory_space<vmem>>) dst(%dma_wait3A_1109 : memref<10240x128xf32, #tpu.memory_space<vmem_shared>>)
        tpu.yield
      }) : () -> ()
      %add3A_968 = arith.constant 4 : i32
      %add3A_969 = arith.addi %mul3A_948, %add3A_968 : i32
      %add3A_970 = arith.constant 0 : i32
      %add3A_971 = arith.addi %add3A_969, %add3A_970 : i32
      %dma_start3A_972 = arith.constant 1 : i32
      %dma_start3A_973 = arith.constant 0 : i32
      %dma_start3A_974 = arith.constant 0 : i32
      %dma_start3A_975 = arith.constant 0 : i32
      %dma_start3A_976 = tpu.memref_slice %arg8[%dma_start3A_973, %dma_start3A_974, %dma_start3A_975] : memref<4x64x128xf32, #tpu.memory_space<vmem>> -> memref<1x64x128xf32, #tpu.memory_space<vmem>>
      %dma_start3A_977 = tpu.memref_squeeze %dma_start3A_976 : memref<1x64x128xf32, #tpu.memory_space<vmem>> -> memref<64x128xf32, #tpu.memory_space<vmem>>
      %dma_start3A_978 = arith.constant 0 : i32
      %dma_start3A_979 = tpu.memref_slice %arg6[%dma_start3A_972, %add3A_971, %dma_start3A_978] : memref<2x32x64xi32, #tpu.memory_space<vmem>> -> memref<1x1x64xi32, #tpu.memory_space<vmem>>
      %dma_start3A_980 = tpu.memref_squeeze %dma_start3A_979 : memref<1x1x64xi32, #tpu.memory_space<vmem>> -> memref<64xi32, #tpu.memory_space<vmem>>
      %dma_start3A_981 = arith.constant 0 : i32
      %dma_start3A_982 = arith.constant 0 : i32
      %dma_start3A_983 = tpu.memref_slice %arg2[%dma_start3A_981, %dma_start3A_982] : memref<10240x128xf32, #tpu.memory_space<hbm>> -> memref<10240x128xf32, #tpu.memory_space<hbm>>
      tpu.enqueue_indirect_dma source(%dma_start3A_983 : memref<10240x128xf32, #tpu.memory_space<hbm>>) target(%dma_start3A_977 : memref<64x128xf32, #tpu.memory_space<vmem>>) offsets(%dma_start3A_980 : memref<64xi32, #tpu.memory_space<vmem>>) semaphore(%arg10 : memref<!tpu.dma_semaphore, #tpu.memory_space<semaphore_mem>>)
      %dma_wait3A_984 = arith.constant 1 : i32
      %dma_wait3A_985 = arith.constant 0 : i32
      %dma_wait3A_986 = arith.constant 0 : i32
      %dma_wait3A_987 = tpu.memref_slice %arg8[%dma_wait3A_984, %dma_wait3A_985, %dma_wait3A_986] : memref<4x64x128xf32, #tpu.memory_space<vmem>> -> memref<1x64x128xf32, #tpu.memory_space<vmem>>
      %dma_wait3A_988 = tpu.memref_squeeze %dma_wait3A_987 : memref<1x64x128xf32, #tpu.memory_space<vmem>> -> memref<64x128xf32, #tpu.memory_space<vmem>>
      %dma_wait3A_989 = arith.constant 0 : i32
      %dma_wait3A_990 = arith.constant 0 : i32
      %dma_wait3A_991 = tpu.memref_slice %arg2[%dma_wait3A_989, %dma_wait3A_990] : memref<10240x128xf32, #tpu.memory_space<hbm>> -> memref<64x128xf32, #tpu.memory_space<hbm>>
      %dma_wait3A_992 = arith.constant 0 : i32
      %dma_wait3A_993 = arith.constant 0 : i32
      %dma_wait3A_994 = tpu.memref_slice %arg8[%dma_wait3A_984, %dma_wait3A_992, %dma_wait3A_993] : memref<4x64x128xf32, #tpu.memory_space<vmem>> -> memref<1x64x128xf32, #tpu.memory_space<vmem>>
      %dma_wait3A_995 = tpu.memref_squeeze %dma_wait3A_994 : memref<1x64x128xf32, #tpu.memory_space<vmem>> -> memref<64x128xf32, #tpu.memory_space<vmem>>
      %dma_wait3A_996 = arith.constant 0 : i32
      %dma_wait3A_997 = arith.constant 0 : i32
      %dma_wait3A_998 = tpu.memref_slice %arg2[%dma_wait3A_996, %dma_wait3A_997] : memref<10240x128xf32, #tpu.memory_space<hbm>> -> memref<64x128xf32, #tpu.memory_space<hbm>>
      tpu.wait_dma2 semaphore(%arg11 : memref<!tpu.dma_semaphore, #tpu.memory_space<semaphore_mem>>) src(%dma_wait3A_998 : memref<64x128xf32, #tpu.memory_space<hbm>>) dst(%dma_wait3A_995 : memref<64x128xf32, #tpu.memory_space<vmem>>)
      %add3A_999 = arith.constant 1 : i32
      %add3A_1000 = arith.addi %mul3A_948, %add3A_999 : i32
      %run_scoped3A_1001 = arith.constant 1 : i32
      %run_scoped3A_1002 = arith.constant 1 : i32
      "tpu.region"() ({
        %run_scoped3A_1089 = tpu.sem_alloc : memref<!tpu.dma_semaphore, #tpu.memory_space<semaphore_mem>>
        %dma_start3A_1090 = arith.constant 0 : i32
        %dma_start3A_1091 = arith.constant 0 : i32
        %dma_start3A_1092 = tpu.memref_slice %arg8[%run_scoped3A_1001, %dma_start3A_1090, %dma_start3A_1091] : memref<4x64x128xf32, #tpu.memory_space<vmem>> -> memref<1x64x128xf32, #tpu.memory_space<vmem>>
        %dma_start3A_1093 = tpu.memref_squeeze %dma_start3A_1092 : memref<1x64x128xf32, #tpu.memory_space<vmem>> -> memref<64x128xf32, #tpu.memory_space<vmem>>
        %dma_start3A_1094 = arith.constant 0 : i32
        %dma_start3A_1095 = tpu.memref_slice %arg7[%run_scoped3A_1002, %add3A_1000, %dma_start3A_1094] : memref<2x32x64xi32, #tpu.memory_space<vmem>> -> memref<1x1x64xi32, #tpu.memory_space<vmem>>
        %dma_start3A_1096 = tpu.memref_squeeze %dma_start3A_1095 : memref<1x1x64xi32, #tpu.memory_space<vmem>> -> memref<64xi32, #tpu.memory_space<vmem>>
        %dma_start3A_1097 = arith.constant 0 : i32
        %dma_start3A_1098 = arith.constant 0 : i32
        %dma_start3A_1099 = tpu.memref_slice %arg9[%dma_start3A_1097, %dma_start3A_1098] : memref<10240x128xf32, #tpu.memory_space<vmem_shared>> -> memref<10240x128xf32, #tpu.memory_space<vmem_shared>>
        tpu.enqueue_indirect_dma source(%dma_start3A_1093 : memref<64x128xf32, #tpu.memory_space<vmem>>) target(%dma_start3A_1099 : memref<10240x128xf32, #tpu.memory_space<vmem_shared>>) offsets(%dma_start3A_1096 : memref<64xi32, #tpu.memory_space<vmem>>) semaphore(%run_scoped3A_1089 : memref<!tpu.dma_semaphore, #tpu.memory_space<semaphore_mem>>) {add = true}
        %dma_wait3A_1100 = arith.constant 0 : i32
        %dma_wait3A_1101 = arith.constant 0 : i32
        %dma_wait3A_1102 = tpu.memref_slice %arg8[%run_scoped3A_1001, %dma_wait3A_1100, %dma_wait3A_1101] : memref<4x64x128xf32, #tpu.memory_space<vmem>> -> memref<1x64x128xf32, #tpu.memory_space<vmem>>
        %dma_wait3A_1103 = tpu.memref_squeeze %dma_wait3A_1102 : memref<1x64x128xf32, #tpu.memory_space<vmem>> -> memref<64x128xf32, #tpu.memory_space<vmem>>
        %dma_wait3A_1104 = arith.constant 0 : i32
        %dma_wait3A_1105 = tpu.memref_slice %arg7[%run_scoped3A_1002, %add3A_1000, %dma_wait3A_1104] : memref<2x32x64xi32, #tpu.memory_space<vmem>> -> memref<1x1x64xi32, #tpu.memory_space<vmem>>
        %dma_wait3A_1106 = tpu.memref_squeeze %dma_wait3A_1105 : memref<1x1x64xi32, #tpu.memory_space<vmem>> -> memref<64xi32, #tpu.memory_space<vmem>>
        %dma_wait3A_1107 = arith.constant 0 : i32
        %dma_wait3A_1108 = arith.constant 0 : i32
        %dma_wait3A_1109 = tpu.memref_slice %arg9[%dma_wait3A_1107, %dma_wait3A_1108] : memref<10240x128xf32, #tpu.memory_space<vmem_shared>> -> memref<10240x128xf32, #tpu.memory_space<vmem_shared>>
        tpu.wait_indirect_dma semaphore(%run_scoped3A_1089 : memref<!tpu.dma_semaphore, #tpu.memory_space<semaphore_mem>>) src(%dma_wait3A_1103 : memref<64x128xf32, #tpu.memory_space<vmem>>) dst(%dma_wait3A_1109 : memref<10240x128xf32, #tpu.memory_space<vmem_shared>>)
        tpu.yield
      }) : () -> ()
      %add3A_1003 = arith.constant 4 : i32
      %add3A_1004 = arith.addi %mul3A_948, %add3A_1003 : i32
      %add3A_1005 = arith.constant 1 : i32
      %add3A_1006 = arith.addi %add3A_1004, %add3A_1005 : i32
      %dma_start3A_1007 = arith.constant 1 : i32
      %dma_start3A_1008 = arith.constant 1 : i32
      %dma_start3A_1009 = arith.constant 0 : i32
      %dma_start3A_1010 = arith.constant 0 : i32
      %dma_start3A_1011 = tpu.memref_slice %arg8[%dma_start3A_1008, %dma_start3A_1009, %dma_start3A_1010] : memref<4x64x128xf32, #tpu.memory_space<vmem>> -> memref<1x64x128xf32, #tpu.memory_space<vmem>>
      %dma_start3A_1012 = tpu.memref_squeeze %dma_start3A_1011 : memref<1x64x128xf32, #tpu.memory_space<vmem>> -> memref<64x128xf32, #tpu.memory_space<vmem>>
      %dma_start3A_1013 = arith.constant 0 : i32
      %dma_start3A_1014 = tpu.memref_slice %arg6[%dma_start3A_1007, %add3A_1006, %dma_start3A_1013] : memref<2x32x64xi32, #tpu.memory_space<vmem>> -> memref<1x1x64xi32, #tpu.memory_space<vmem>>
      %dma_start3A_1015 = tpu.memref_squeeze %dma_start3A_1014 : memref<1x1x64xi32, #tpu.memory_space<vmem>> -> memref<64xi32, #tpu.memory_space<vmem>>
      %dma_start3A_1016 = arith.constant 0 : i32
      %dma_start3A_1017 = arith.constant 0 : i32
      %dma_start3A_1018 = tpu.memref_slice %arg2[%dma_start3A_1016, %dma_start3A_1017] : memref<10240x128xf32, #tpu.memory_space<hbm>> -> memref<10240x128xf32, #tpu.memory_space<hbm>>
      tpu.enqueue_indirect_dma source(%dma_start3A_1018 : memref<10240x128xf32, #tpu.memory_space<hbm>>) target(%dma_start3A_1012 : memref<64x128xf32, #tpu.memory_space<vmem>>) offsets(%dma_start3A_1015 : memref<64xi32, #tpu.memory_space<vmem>>) semaphore(%arg11 : memref<!tpu.dma_semaphore, #tpu.memory_space<semaphore_mem>>)
      %dma_wait3A_1019 = arith.constant 2 : i32
      %dma_wait3A_1020 = arith.constant 0 : i32
      %dma_wait3A_1021 = arith.constant 0 : i32
      %dma_wait3A_1022 = tpu.memref_slice %arg8[%dma_wait3A_1019, %dma_wait3A_1020, %dma_wait3A_1021] : memref<4x64x128xf32, #tpu.memory_space<vmem>> -> memref<1x64x128xf32, #tpu.memory_space<vmem>>
      %dma_wait3A_1023 = tpu.memref_squeeze %dma_wait3A_1022 : memref<1x64x128xf32, #tpu.memory_space<vmem>> -> memref<64x128xf32, #tpu.memory_space<vmem>>
      %dma_wait3A_1024 = arith.constant 0 : i32
      %dma_wait3A_1025 = arith.constant 0 : i32
      %dma_wait3A_1026 = tpu.memref_slice %arg2[%dma_wait3A_1024, %dma_wait3A_1025] : memref<10240x128xf32, #tpu.memory_space<hbm>> -> memref<64x128xf32, #tpu.memory_space<hbm>>
      %dma_wait3A_1027 = arith.constant 0 : i32
      %dma_wait3A_1028 = arith.constant 0 : i32
      %dma_wait3A_1029 = tpu.memref_slice %arg8[%dma_wait3A_1019, %dma_wait3A_1027, %dma_wait3A_1028] : memref<4x64x128xf32, #tpu.memory_space<vmem>> -> memref<1x64x128xf32, #tpu.memory_space<vmem>>
      %dma_wait3A_1030 = tpu.memref_squeeze %dma_wait3A_1029 : memref<1x64x128xf32, #tpu.memory_space<vmem>> -> memref<64x128xf32, #tpu.memory_space<vmem>>
      %dma_wait3A_1031 = arith.constant 0 : i32
      %dma_wait3A_1032 = arith.constant 0 : i32
      %dma_wait3A_1033 = tpu.memref_slice %arg2[%dma_wait3A_1031, %dma_wait3A_1032] : memref<10240x128xf32, #tpu.memory_space<hbm>> -> memref<64x128xf32, #tpu.memory_space<hbm>>
      tpu.wait_dma2 semaphore(%arg12 : memref<!tpu.dma_semaphore, #tpu.memory_space<semaphore_mem>>) src(%dma_wait3A_1033 : memref<64x128xf32, #tpu.memory_space<hbm>>) dst(%dma_wait3A_1030 : memref<64x128xf32, #tpu.memory_space<vmem>>)
      %add3A_1034 = arith.constant 2 : i32
      %add3A_1035 = arith.addi %mul3A_948, %add3A_1034 : i32
      %run_scoped3A_1036 = arith.constant 2 : i32
      %run_scoped3A_1037 = arith.constant 1 : i32
      "tpu.region"() ({
        %run_scoped3A_1089 = tpu.sem_alloc : memref<!tpu.dma_semaphore, #tpu.memory_space<semaphore_mem>>
        %dma_start3A_1090 = arith.constant 0 : i32
        %dma_start3A_1091 = arith.constant 0 : i32
        %dma_start3A_1092 = tpu.memref_slice %arg8[%run_scoped3A_1036, %dma_start3A_1090, %dma_start3A_1091] : memref<4x64x128xf32, #tpu.memory_space<vmem>> -> memref<1x64x128xf32, #tpu.memory_space<vmem>>
        %dma_start3A_1093 = tpu.memref_squeeze %dma_start3A_1092 : memref<1x64x128xf32, #tpu.memory_space<vmem>> -> memref<64x128xf32, #tpu.memory_space<vmem>>
        %dma_start3A_1094 = arith.constant 0 : i32
        %dma_start3A_1095 = tpu.memref_slice %arg7[%run_scoped3A_1037, %add3A_1035, %dma_start3A_1094] : memref<2x32x64xi32, #tpu.memory_space<vmem>> -> memref<1x1x64xi32, #tpu.memory_space<vmem>>
        %dma_start3A_1096 = tpu.memref_squeeze %dma_start3A_1095 : memref<1x1x64xi32, #tpu.memory_space<vmem>> -> memref<64xi32, #tpu.memory_space<vmem>>
        %dma_start3A_1097 = arith.constant 0 : i32
        %dma_start3A_1098 = arith.constant 0 : i32
        %dma_start3A_1099 = tpu.memref_slice %arg9[%dma_start3A_1097, %dma_start3A_1098] : memref<10240x128xf32, #tpu.memory_space<vmem_shared>> -> memref<10240x128xf32, #tpu.memory_space<vmem_shared>>
        tpu.enqueue_indirect_dma source(%dma_start3A_1093 : memref<64x128xf32, #tpu.memory_space<vmem>>) target(%dma_start3A_1099 : memref<10240x128xf32, #tpu.memory_space<vmem_shared>>) offsets(%dma_start3A_1096 : memref<64xi32, #tpu.memory_space<vmem>>) semaphore(%run_scoped3A_1089 : memref<!tpu.dma_semaphore, #tpu.memory_space<semaphore_mem>>) {add = true}
        %dma_wait3A_1100 = arith.constant 0 : i32
        %dma_wait3A_1101 = arith.constant 0 : i32
        %dma_wait3A_1102 = tpu.memref_slice %arg8[%run_scoped3A_1036, %dma_wait3A_1100, %dma_wait3A_1101] : memref<4x64x128xf32, #tpu.memory_space<vmem>> -> memref<1x64x128xf32, #tpu.memory_space<vmem>>
        %dma_wait3A_1103 = tpu.memref_squeeze %dma_wait3A_1102 : memref<1x64x128xf32, #tpu.memory_space<vmem>> -> memref<64x128xf32, #tpu.memory_space<vmem>>
        %dma_wait3A_1104 = arith.constant 0 : i32
        %dma_wait3A_1105 = tpu.memref_slice %arg7[%run_scoped3A_1037, %add3A_1035, %dma_wait3A_1104] : memref<2x32x64xi32, #tpu.memory_space<vmem>> -> memref<1x1x64xi32, #tpu.memory_space<vmem>>
        %dma_wait3A_1106 = tpu.memref_squeeze %dma_wait3A_1105 : memref<1x1x64xi32, #tpu.memory_space<vmem>> -> memref<64xi32, #tpu.memory_space<vmem>>
        %dma_wait3A_1107 = arith.constant 0 : i32
        %dma_wait3A_1108 = arith.constant 0 : i32
        %dma_wait3A_1109 = tpu.memref_slice %arg9[%dma_wait3A_1107, %dma_wait3A_1108] : memref<10240x128xf32, #tpu.memory_space<vmem_shared>> -> memref<10240x128xf32, #tpu.memory_space<vmem_shared>>
        tpu.wait_indirect_dma semaphore(%run_scoped3A_1089 : memref<!tpu.dma_semaphore, #tpu.memory_space<semaphore_mem>>) src(%dma_wait3A_1103 : memref<64x128xf32, #tpu.memory_space<vmem>>) dst(%dma_wait3A_1109 : memref<10240x128xf32, #tpu.memory_space<vmem_shared>>)
        tpu.yield
      }) : () -> ()
      %add3A_1038 = arith.constant 4 : i32
      %add3A_1039 = arith.addi %mul3A_948, %add3A_1038 : i32
      %add3A_1040 = arith.constant 2 : i32
      %add3A_1041 = arith.addi %add3A_1039, %add3A_1040 : i32
      %dma_start3A_1042 = arith.constant 1 : i32
      %dma_start3A_1043 = arith.constant 2 : i32
      %dma_start3A_1044 = arith.constant 0 : i32
      %dma_start3A_1045 = arith.constant 0 : i32
      %dma_start3A_1046 = tpu.memref_slice %arg8[%dma_start3A_1043, %dma_start3A_1044, %dma_start3A_1045] : memref<4x64x128xf32, #tpu.memory_space<vmem>> -> memref<1x64x128xf32, #tpu.memory_space<vmem>>
      %dma_start3A_1047 = tpu.memref_squeeze %dma_start3A_1046 : memref<1x64x128xf32, #tpu.memory_space<vmem>> -> memref<64x128xf32, #tpu.memory_space<vmem>>
      %dma_start3A_1048 = arith.constant 0 : i32
      %dma_start3A_1049 = tpu.memref_slice %arg6[%dma_start3A_1042, %add3A_1041, %dma_start3A_1048] : memref<2x32x64xi32, #tpu.memory_space<vmem>> -> memref<1x1x64xi32, #tpu.memory_space<vmem>>
      %dma_start3A_1050 = tpu.memref_squeeze %dma_start3A_1049 : memref<1x1x64xi32, #tpu.memory_space<vmem>> -> memref<64xi32, #tpu.memory_space<vmem>>
      %dma_start3A_1051 = arith.constant 0 : i32
      %dma_start3A_1052 = arith.constant 0 : i32
      %dma_start3A_1053 = tpu.memref_slice %arg2[%dma_start3A_1051, %dma_start3A_1052] : memref<10240x128xf32, #tpu.memory_space<hbm>> -> memref<10240x128xf32, #tpu.memory_space<hbm>>
      tpu.enqueue_indirect_dma source(%dma_start3A_1053 : memref<10240x128xf32, #tpu.memory_space<hbm>>) target(%dma_start3A_1047 : memref<64x128xf32, #tpu.memory_space<vmem>>) offsets(%dma_start3A_1050 : memref<64xi32, #tpu.memory_space<vmem>>) semaphore(%arg12 : memref<!tpu.dma_semaphore, #tpu.memory_space<semaphore_mem>>)
      %dma_wait3A_1054 = arith.constant 3 : i32
      %dma_wait3A_1055 = arith.constant 0 : i32
      %dma_wait3A_1056 = arith.constant 0 : i32
      %dma_wait3A_1057 = tpu.memref_slice %arg8[%dma_wait3A_1054, %dma_wait3A_1055, %dma_wait3A_1056] : memref<4x64x128xf32, #tpu.memory_space<vmem>> -> memref<1x64x128xf32, #tpu.memory_space<vmem>>
      %dma_wait3A_1058 = tpu.memref_squeeze %dma_wait3A_1057 : memref<1x64x128xf32, #tpu.memory_space<vmem>> -> memref<64x128xf32, #tpu.memory_space<vmem>>
      %dma_wait3A_1059 = arith.constant 0 : i32
      %dma_wait3A_1060 = arith.constant 0 : i32
      %dma_wait3A_1061 = tpu.memref_slice %arg2[%dma_wait3A_1059, %dma_wait3A_1060] : memref<10240x128xf32, #tpu.memory_space<hbm>> -> memref<64x128xf32, #tpu.memory_space<hbm>>
      %dma_wait3A_1062 = arith.constant 0 : i32
      %dma_wait3A_1063 = arith.constant 0 : i32
      %dma_wait3A_1064 = tpu.memref_slice %arg8[%dma_wait3A_1054, %dma_wait3A_1062, %dma_wait3A_1063] : memref<4x64x128xf32, #tpu.memory_space<vmem>> -> memref<1x64x128xf32, #tpu.memory_space<vmem>>
      %dma_wait3A_1065 = tpu.memref_squeeze %dma_wait3A_1064 : memref<1x64x128xf32, #tpu.memory_space<vmem>> -> memref<64x128xf32, #tpu.memory_space<vmem>>
      %dma_wait3A_1066 = arith.constant 0 : i32
      %dma_wait3A_1067 = arith.constant 0 : i32
      %dma_wait3A_1068 = tpu.memref_slice %arg2[%dma_wait3A_1066, %dma_wait3A_1067] : memref<10240x128xf32, #tpu.memory_space<hbm>> -> memref<64x128xf32, #tpu.memory_space<hbm>>
      tpu.wait_dma2 semaphore(%arg13 : memref<!tpu.dma_semaphore, #tpu.memory_space<semaphore_mem>>) src(%dma_wait3A_1068 : memref<64x128xf32, #tpu.memory_space<hbm>>) dst(%dma_wait3A_1065 : memref<64x128xf32, #tpu.memory_space<vmem>>)
      %add3A_1069 = arith.constant 3 : i32
      %add3A_1070 = arith.addi %mul3A_948, %add3A_1069 : i32
      %run_scoped3A_1071 = arith.constant 3 : i32
      %run_scoped3A_1072 = arith.constant 1 : i32
      "tpu.region"() ({
        %run_scoped3A_1089 = tpu.sem_alloc : memref<!tpu.dma_semaphore, #tpu.memory_space<semaphore_mem>>
        %dma_start3A_1090 = arith.constant 0 : i32
        %dma_start3A_1091 = arith.constant 0 : i32
        %dma_start3A_1092 = tpu.memref_slice %arg8[%run_scoped3A_1071, %dma_start3A_1090, %dma_start3A_1091] : memref<4x64x128xf32, #tpu.memory_space<vmem>> -> memref<1x64x128xf32, #tpu.memory_space<vmem>>
        %dma_start3A_1093 = tpu.memref_squeeze %dma_start3A_1092 : memref<1x64x128xf32, #tpu.memory_space<vmem>> -> memref<64x128xf32, #tpu.memory_space<vmem>>
        %dma_start3A_1094 = arith.constant 0 : i32
        %dma_start3A_1095 = tpu.memref_slice %arg7[%run_scoped3A_1072, %add3A_1070, %dma_start3A_1094] : memref<2x32x64xi32, #tpu.memory_space<vmem>> -> memref<1x1x64xi32, #tpu.memory_space<vmem>>
        %dma_start3A_1096 = tpu.memref_squeeze %dma_start3A_1095 : memref<1x1x64xi32, #tpu.memory_space<vmem>> -> memref<64xi32, #tpu.memory_space<vmem>>
        %dma_start3A_1097 = arith.constant 0 : i32
        %dma_start3A_1098 = arith.constant 0 : i32
        %dma_start3A_1099 = tpu.memref_slice %arg9[%dma_start3A_1097, %dma_start3A_1098] : memref<10240x128xf32, #tpu.memory_space<vmem_shared>> -> memref<10240x128xf32, #tpu.memory_space<vmem_shared>>
        tpu.enqueue_indirect_dma source(%dma_start3A_1093 : memref<64x128xf32, #tpu.memory_space<vmem>>) target(%dma_start3A_1099 : memref<10240x128xf32, #tpu.memory_space<vmem_shared>>) offsets(%dma_start3A_1096 : memref<64xi32, #tpu.memory_space<vmem>>) semaphore(%run_scoped3A_1089 : memref<!tpu.dma_semaphore, #tpu.memory_space<semaphore_mem>>) {add = true}
        %dma_wait3A_1100 = arith.constant 0 : i32
        %dma_wait3A_1101 = arith.constant 0 : i32
        %dma_wait3A_1102 = tpu.memref_slice %arg8[%run_scoped3A_1071, %dma_wait3A_1100, %dma_wait3A_1101] : memref<4x64x128xf32, #tpu.memory_space<vmem>> -> memref<1x64x128xf32, #tpu.memory_space<vmem>>
        %dma_wait3A_1103 = tpu.memref_squeeze %dma_wait3A_1102 : memref<1x64x128xf32, #tpu.memory_space<vmem>> -> memref<64x128xf32, #tpu.memory_space<vmem>>
        %dma_wait3A_1104 = arith.constant 0 : i32
        %dma_wait3A_1105 = tpu.memref_slice %arg7[%run_scoped3A_1072, %add3A_1070, %dma_wait3A_1104] : memref<2x32x64xi32, #tpu.memory_space<vmem>> -> memref<1x1x64xi32, #tpu.memory_space<vmem>>
        %dma_wait3A_1106 = tpu.memref_squeeze %dma_wait3A_1105 : memref<1x1x64xi32, #tpu.memory_space<vmem>> -> memref<64xi32, #tpu.memory_space<vmem>>
        %dma_wait3A_1107 = arith.constant 0 : i32
        %dma_wait3A_1108 = arith.constant 0 : i32
        %dma_wait3A_1109 = tpu.memref_slice %arg9[%dma_wait3A_1107, %dma_wait3A_1108] : memref<10240x128xf32, #tpu.memory_space<vmem_shared>> -> memref<10240x128xf32, #tpu.memory_space<vmem_shared>>
        tpu.wait_indirect_dma semaphore(%run_scoped3A_1089 : memref<!tpu.dma_semaphore, #tpu.memory_space<semaphore_mem>>) src(%dma_wait3A_1103 : memref<64x128xf32, #tpu.memory_space<vmem>>) dst(%dma_wait3A_1109 : memref<10240x128xf32, #tpu.memory_space<vmem_shared>>)
        tpu.yield
      }) : () -> ()
      %add3A_1073 = arith.constant 4 : i32
      %add3A_1074 = arith.addi %mul3A_948, %add3A_1073 : i32
      %add3A_1075 = arith.constant 3 : i32
      %add3A_1076 = arith.addi %add3A_1074, %add3A_1075 : i32
      %dma_start3A_1077 = arith.constant 1 : i32
      %dma_start3A_1078 = arith.constant 3 : i32
      %dma_start3A_1079 = arith.constant 0 : i32
      %dma_start3A_1080 = arith.constant 0 : i32
      %dma_start3A_1081 = tpu.memref_slice %arg8[%dma_start3A_1078, %dma_start3A_1079, %dma_start3A_1080] : memref<4x64x128xf32, #tpu.memory_space<vmem>> -> memref<1x64x128xf32, #tpu.memory_space<vmem>>
      %dma_start3A_1082 = tpu.memref_squeeze %dma_start3A_1081 : memref<1x64x128xf32, #tpu.memory_space<vmem>> -> memref<64x128xf32, #tpu.memory_space<vmem>>
      %dma_start3A_1083 = arith.constant 0 : i32
      %dma_start3A_1084 = tpu.memref_slice %arg6[%dma_start3A_1077, %add3A_1076, %dma_start3A_1083] : memref<2x32x64xi32, #tpu.memory_space<vmem>> -> memref<1x1x64xi32, #tpu.memory_space<vmem>>
      %dma_start3A_1085 = tpu.memref_squeeze %dma_start3A_1084 : memref<1x1x64xi32, #tpu.memory_space<vmem>> -> memref<64xi32, #tpu.memory_space<vmem>>
      %dma_start3A_1086 = arith.constant 0 : i32
      %dma_start3A_1087 = arith.constant 0 : i32
      %dma_start3A_1088 = tpu.memref_slice %arg2[%dma_start3A_1086, %dma_start3A_1087] : memref<10240x128xf32, #tpu.memory_space<hbm>> -> memref<10240x128xf32, #tpu.memory_space<hbm>>
      tpu.enqueue_indirect_dma source(%dma_start3A_1088 : memref<10240x128xf32, #tpu.memory_space<hbm>>) target(%dma_start3A_1082 : memref<64x128xf32, #tpu.memory_space<vmem>>) offsets(%dma_start3A_1085 : memref<64xi32, #tpu.memory_space<vmem>>) semaphore(%arg13 : memref<!tpu.dma_semaphore, #tpu.memory_space<semaphore_mem>>)
    }
    %scan3A_708 = arith.constant 7 : i32
    %dma_wait3A_709 = arith.constant 0 : i32
    %dma_wait3A_710 = arith.constant 0 : i32
    %dma_wait3A_711 = arith.constant 0 : i32
    %dma_wait3A_712 = tpu.memref_slice %arg6[%dma_wait3A_709, %dma_wait3A_710, %dma_wait3A_711] : memref<2x32x64xi32, #tpu.memory_space<vmem>> -> memref<1x32x64xi32, #tpu.memory_space<vmem>>
    %dma_wait3A_713 = tpu.memref_squeeze %dma_wait3A_712 : memref<1x32x64xi32, #tpu.memory_space<vmem>> -> memref<32x64xi32, #tpu.memory_space<vmem>>
    %dma_wait3A_714 = arith.constant 0 : i32
    %dma_wait3A_715 = arith.constant 0 : i32
    %dma_wait3A_716 = tpu.memref_slice %arg3[%dma_wait3A_714, %dma_wait3A_715] : memref<5120x64xi32, #tpu.memory_space<hbm>> -> memref<32x64xi32, #tpu.memory_space<hbm>>
    %dma_wait3A_717 = arith.constant 0 : i32
    %dma_wait3A_718 = arith.constant 0 : i32
    %dma_wait3A_719 = tpu.memref_slice %arg6[%dma_wait3A_709, %dma_wait3A_717, %dma_wait3A_718] : memref<2x32x64xi32, #tpu.memory_space<vmem>> -> memref<1x32x64xi32, #tpu.memory_space<vmem>>
    %dma_wait3A_720 = tpu.memref_squeeze %dma_wait3A_719 : memref<1x32x64xi32, #tpu.memory_space<vmem>> -> memref<32x64xi32, #tpu.memory_space<vmem>>
    %dma_wait3A_721 = arith.constant 0 : i32
    %dma_wait3A_722 = arith.constant 0 : i32
    %dma_wait3A_723 = tpu.memref_slice %arg3[%dma_wait3A_721, %dma_wait3A_722] : memref<5120x64xi32, #tpu.memory_space<hbm>> -> memref<32x64xi32, #tpu.memory_space<hbm>>
    tpu.wait_dma2 semaphore(%arg14 : memref<!tpu.dma_semaphore, #tpu.memory_space<semaphore_mem>>) src(%dma_wait3A_723 : memref<32x64xi32, #tpu.memory_space<hbm>>) dst(%dma_wait3A_720 : memref<32x64xi32, #tpu.memory_space<vmem>>)
    %dma_wait3A_724 = arith.constant 0 : i32
    %dma_wait3A_725 = arith.constant 0 : i32
    %dma_wait3A_726 = arith.constant 0 : i32
    %dma_wait3A_727 = tpu.memref_slice %arg7[%dma_wait3A_724, %dma_wait3A_725, %dma_wait3A_726] : memref<2x32x64xi32, #tpu.memory_space<vmem>> -> memref<1x32x64xi32, #tpu.memory_space<vmem>>
    %dma_wait3A_728 = tpu.memref_squeeze %dma_wait3A_727 : memref<1x32x64xi32, #tpu.memory_space<vmem>> -> memref<32x64xi32, #tpu.memory_space<vmem>>
    %dma_wait3A_729 = arith.constant 0 : i32
    %dma_wait3A_730 = arith.constant 0 : i32
    %dma_wait3A_731 = tpu.memref_slice %arg4[%dma_wait3A_729, %dma_wait3A_730] : memref<5120x64xi32, #tpu.memory_space<hbm>> -> memref<32x64xi32, #tpu.memory_space<hbm>>
    %dma_wait3A_732 = arith.constant 0 : i32
    %dma_wait3A_733 = arith.constant 0 : i32
    %dma_wait3A_734 = tpu.memref_slice %arg7[%dma_wait3A_724, %dma_wait3A_732, %dma_wait3A_733] : memref<2x32x64xi32, #tpu.memory_space<vmem>> -> memref<1x32x64xi32, #tpu.memory_space<vmem>>
    %dma_wait3A_735 = tpu.memref_squeeze %dma_wait3A_734 : memref<1x32x64xi32, #tpu.memory_space<vmem>> -> memref<32x64xi32, #tpu.memory_space<vmem>>
    %dma_wait3A_736 = arith.constant 0 : i32
    %dma_wait3A_737 = arith.constant 0 : i32
    %dma_wait3A_738 = tpu.memref_slice %arg4[%dma_wait3A_736, %dma_wait3A_737] : memref<5120x64xi32, #tpu.memory_space<hbm>> -> memref<32x64xi32, #tpu.memory_space<hbm>>
    tpu.wait_dma2 semaphore(%arg14 : memref<!tpu.dma_semaphore, #tpu.memory_space<semaphore_mem>>) src(%dma_wait3A_738 : memref<32x64xi32, #tpu.memory_space<hbm>>) dst(%dma_wait3A_735 : memref<32x64xi32, #tpu.memory_space<vmem>>)
    %dma_wait3A_739 = arith.constant 0 : i32
    %dma_wait3A_740 = arith.constant 0 : i32
    %dma_wait3A_741 = arith.constant 0 : i32
    %dma_wait3A_742 = tpu.memref_slice %arg8[%dma_wait3A_739, %dma_wait3A_740, %dma_wait3A_741] : memref<4x64x128xf32, #tpu.memory_space<vmem>> -> memref<1x64x128xf32, #tpu.memory_space<vmem>>
    %dma_wait3A_743 = tpu.memref_squeeze %dma_wait3A_742 : memref<1x64x128xf32, #tpu.memory_space<vmem>> -> memref<64x128xf32, #tpu.memory_space<vmem>>
    %dma_wait3A_744 = arith.constant 0 : i32
    %dma_wait3A_745 = arith.constant 0 : i32
    %dma_wait3A_746 = tpu.memref_slice %arg2[%dma_wait3A_744, %dma_wait3A_745] : memref<10240x128xf32, #tpu.memory_space<hbm>> -> memref<64x128xf32, #tpu.memory_space<hbm>>
    %dma_wait3A_747 = arith.constant 0 : i32
    %dma_wait3A_748 = arith.constant 0 : i32
    %dma_wait3A_749 = tpu.memref_slice %arg8[%dma_wait3A_739, %dma_wait3A_747, %dma_wait3A_748] : memref<4x64x128xf32, #tpu.memory_space<vmem>> -> memref<1x64x128xf32, #tpu.memory_space<vmem>>
    %dma_wait3A_750 = tpu.memref_squeeze %dma_wait3A_749 : memref<1x64x128xf32, #tpu.memory_space<vmem>> -> memref<64x128xf32, #tpu.memory_space<vmem>>
    %dma_wait3A_751 = arith.constant 0 : i32
    %dma_wait3A_752 = arith.constant 0 : i32
    %dma_wait3A_753 = tpu.memref_slice %arg2[%dma_wait3A_751, %dma_wait3A_752] : memref<10240x128xf32, #tpu.memory_space<hbm>> -> memref<64x128xf32, #tpu.memory_space<hbm>>
    tpu.wait_dma2 semaphore(%arg10 : memref<!tpu.dma_semaphore, #tpu.memory_space<semaphore_mem>>) src(%dma_wait3A_753 : memref<64x128xf32, #tpu.memory_space<hbm>>) dst(%dma_wait3A_750 : memref<64x128xf32, #tpu.memory_space<vmem>>)
    %run_scoped3A_754 = arith.constant 0 : i32
    %run_scoped3A_755 = arith.constant 1 : i32
    %run_scoped3A_756 = arith.constant 28 : i32
    "tpu.region"() ({
      %run_scoped3A_946 = tpu.sem_alloc : memref<!tpu.dma_semaphore, #tpu.memory_space<semaphore_mem>>
      %dma_start3A_947 = arith.constant 0 : i32
      %dma_start3A_948 = arith.constant 0 : i32
      %dma_start3A_949 = tpu.memref_slice %arg8[%run_scoped3A_754, %dma_start3A_947, %dma_start3A_948] : memref<4x64x128xf32, #tpu.memory_space<vmem>> -> memref<1x64x128xf32, #tpu.memory_space<vmem>>
      %dma_start3A_950 = tpu.memref_squeeze %dma_start3A_949 : memref<1x64x128xf32, #tpu.memory_space<vmem>> -> memref<64x128xf32, #tpu.memory_space<vmem>>
      %dma_start3A_951 = arith.constant 0 : i32
      %dma_start3A_952 = tpu.memref_slice %arg7[%run_scoped3A_755, %run_scoped3A_756, %dma_start3A_951] : memref<2x32x64xi32, #tpu.memory_space<vmem>> -> memref<1x1x64xi32, #tpu.memory_space<vmem>>
      %dma_start3A_953 = tpu.memref_squeeze %dma_start3A_952 : memref<1x1x64xi32, #tpu.memory_space<vmem>> -> memref<64xi32, #tpu.memory_space<vmem>>
      %dma_start3A_954 = arith.constant 0 : i32
      %dma_start3A_955 = arith.constant 0 : i32
      %dma_start3A_956 = tpu.memref_slice %arg9[%dma_start3A_954, %dma_start3A_955] : memref<10240x128xf32, #tpu.memory_space<vmem_shared>> -> memref<10240x128xf32, #tpu.memory_space<vmem_shared>>
      tpu.enqueue_indirect_dma source(%dma_start3A_950 : memref<64x128xf32, #tpu.memory_space<vmem>>) target(%dma_start3A_956 : memref<10240x128xf32, #tpu.memory_space<vmem_shared>>) offsets(%dma_start3A_953 : memref<64xi32, #tpu.memory_space<vmem>>) semaphore(%run_scoped3A_946 : memref<!tpu.dma_semaphore, #tpu.memory_space<semaphore_mem>>) {add = true}
      %dma_wait3A_957 = arith.constant 0 : i32
      %dma_wait3A_958 = arith.constant 0 : i32
      %dma_wait3A_959 = tpu.memref_slice %arg8[%run_scoped3A_754, %dma_wait3A_957, %dma_wait3A_958] : memref<4x64x128xf32, #tpu.memory_space<vmem>> -> memref<1x64x128xf32, #tpu.memory_space<vmem>>
      %dma_wait3A_960 = tpu.memref_squeeze %dma_wait3A_959 : memref<1x64x128xf32, #tpu.memory_space<vmem>> -> memref<64x128xf32, #tpu.memory_space<vmem>>
      %dma_wait3A_961 = arith.constant 0 : i32
      %dma_wait3A_962 = tpu.memref_slice %arg7[%run_scoped3A_755, %run_scoped3A_756, %dma_wait3A_961] : memref<2x32x64xi32, #tpu.memory_space<vmem>> -> memref<1x1x64xi32, #tpu.memory_space<vmem>>
      %dma_wait3A_963 = tpu.memref_squeeze %dma_wait3A_962 : memref<1x1x64xi32, #tpu.memory_space<vmem>> -> memref<64xi32, #tpu.memory_space<vmem>>
      %dma_wait3A_964 = arith.constant 0 : i32
      %dma_wait3A_965 = arith.constant 0 : i32
      %dma_wait3A_966 = tpu.memref_slice %arg9[%dma_wait3A_964, %dma_wait3A_965] : memref<10240x128xf32, #tpu.memory_space<vmem_shared>> -> memref<10240x128xf32, #tpu.memory_space<vmem_shared>>
      tpu.wait_indirect_dma semaphore(%run_scoped3A_946 : memref<!tpu.dma_semaphore, #tpu.memory_space<semaphore_mem>>) src(%dma_wait3A_960 : memref<64x128xf32, #tpu.memory_space<vmem>>) dst(%dma_wait3A_966 : memref<10240x128xf32, #tpu.memory_space<vmem_shared>>)
      tpu.yield
    }) : () -> ()
    %dma_start3A_757 = arith.constant 0 : i32
    %dma_start3A_758 = arith.constant 0 : i32
    %dma_start3A_759 = arith.constant 0 : i32
    %dma_start3A_760 = arith.constant 0 : i32
    %dma_start3A_761 = arith.constant 0 : i32
    %dma_start3A_762 = tpu.memref_slice %arg8[%dma_start3A_759, %dma_start3A_760, %dma_start3A_761] : memref<4x64x128xf32, #tpu.memory_space<vmem>> -> memref<1x64x128xf32, #tpu.memory_space<vmem>>
    %dma_start3A_763 = tpu.memref_squeeze %dma_start3A_762 : memref<1x64x128xf32, #tpu.memory_space<vmem>> -> memref<64x128xf32, #tpu.memory_space<vmem>>
    %dma_start3A_764 = arith.constant 0 : i32
    %dma_start3A_765 = tpu.memref_slice %arg6[%dma_start3A_757, %dma_start3A_758, %dma_start3A_764] : memref<2x32x64xi32, #tpu.memory_space<vmem>> -> memref<1x1x64xi32, #tpu.memory_space<vmem>>
    %dma_start3A_766 = tpu.memref_squeeze %dma_start3A_765 : memref<1x1x64xi32, #tpu.memory_space<vmem>> -> memref<64xi32, #tpu.memory_space<vmem>>
    %dma_start3A_767 = arith.constant 0 : i32
    %dma_start3A_768 = arith.constant 0 : i32
    %dma_start3A_769 = tpu.memref_slice %arg2[%dma_start3A_767, %dma_start3A_768] : memref<10240x128xf32, #tpu.memory_space<hbm>> -> memref<10240x128xf32, #tpu.memory_space<hbm>>
    tpu.enqueue_indirect_dma source(%dma_start3A_769 : memref<10240x128xf32, #tpu.memory_space<hbm>>) target(%dma_start3A_763 : memref<64x128xf32, #tpu.memory_space<vmem>>) offsets(%dma_start3A_766 : memref<64xi32, #tpu.memory_space<vmem>>) semaphore(%arg10 : memref<!tpu.dma_semaphore, #tpu.memory_space<semaphore_mem>>)
    %dma_wait3A_770 = arith.constant 1 : i32
    %dma_wait3A_771 = arith.constant 0 : i32
    %dma_wait3A_772 = arith.constant 0 : i32
    %dma_wait3A_773 = tpu.memref_slice %arg8[%dma_wait3A_770, %dma_wait3A_771, %dma_wait3A_772] : memref<4x64x128xf32, #tpu.memory_space<vmem>> -> memref<1x64x128xf32, #tpu.memory_space<vmem>>
    %dma_wait3A_774 = tpu.memref_squeeze %dma_wait3A_773 : memref<1x64x128xf32, #tpu.memory_space<vmem>> -> memref<64x128xf32, #tpu.memory_space<vmem>>
    %dma_wait3A_775 = arith.constant 0 : i32
    %dma_wait3A_776 = arith.constant 0 : i32
    %dma_wait3A_777 = tpu.memref_slice %arg2[%dma_wait3A_775, %dma_wait3A_776] : memref<10240x128xf32, #tpu.memory_space<hbm>> -> memref<64x128xf32, #tpu.memory_space<hbm>>
    %dma_wait3A_778 = arith.constant 0 : i32
    %dma_wait3A_779 = arith.constant 0 : i32
    %dma_wait3A_780 = tpu.memref_slice %arg8[%dma_wait3A_770, %dma_wait3A_778, %dma_wait3A_779] : memref<4x64x128xf32, #tpu.memory_space<vmem>> -> memref<1x64x128xf32, #tpu.memory_space<vmem>>
    %dma_wait3A_781 = tpu.memref_squeeze %dma_wait3A_780 : memref<1x64x128xf32, #tpu.memory_space<vmem>> -> memref<64x128xf32, #tpu.memory_space<vmem>>
    %dma_wait3A_782 = arith.constant 0 : i32
    %dma_wait3A_783 = arith.constant 0 : i32
    %dma_wait3A_784 = tpu.memref_slice %arg2[%dma_wait3A_782, %dma_wait3A_783] : memref<10240x128xf32, #tpu.memory_space<hbm>> -> memref<64x128xf32, #tpu.memory_space<hbm>>
    tpu.wait_dma2 semaphore(%arg11 : memref<!tpu.dma_semaphore, #tpu.memory_space<semaphore_mem>>) src(%dma_wait3A_784 : memref<64x128xf32, #tpu.memory_space<hbm>>) dst(%dma_wait3A_781 : memref<64x128xf32, #tpu.memory_space<vmem>>)
    %run_scoped3A_785 = arith.constant 1 : i32
    %run_scoped3A_786 = arith.constant 1 : i32
    %run_scoped3A_787 = arith.constant 29 : i32
    "tpu.region"() ({
      %run_scoped3A_946 = tpu.sem_alloc : memref<!tpu.dma_semaphore, #tpu.memory_space<semaphore_mem>>
      %dma_start3A_947 = arith.constant 0 : i32
      %dma_start3A_948 = arith.constant 0 : i32
      %dma_start3A_949 = tpu.memref_slice %arg8[%run_scoped3A_785, %dma_start3A_947, %dma_start3A_948] : memref<4x64x128xf32, #tpu.memory_space<vmem>> -> memref<1x64x128xf32, #tpu.memory_space<vmem>>
      %dma_start3A_950 = tpu.memref_squeeze %dma_start3A_949 : memref<1x64x128xf32, #tpu.memory_space<vmem>> -> memref<64x128xf32, #tpu.memory_space<vmem>>
      %dma_start3A_951 = arith.constant 0 : i32
      %dma_start3A_952 = tpu.memref_slice %arg7[%run_scoped3A_786, %run_scoped3A_787, %dma_start3A_951] : memref<2x32x64xi32, #tpu.memory_space<vmem>> -> memref<1x1x64xi32, #tpu.memory_space<vmem>>
      %dma_start3A_953 = tpu.memref_squeeze %dma_start3A_952 : memref<1x1x64xi32, #tpu.memory_space<vmem>> -> memref<64xi32, #tpu.memory_space<vmem>>
      %dma_start3A_954 = arith.constant 0 : i32
      %dma_start3A_955 = arith.constant 0 : i32
      %dma_start3A_956 = tpu.memref_slice %arg9[%dma_start3A_954, %dma_start3A_955] : memref<10240x128xf32, #tpu.memory_space<vmem_shared>> -> memref<10240x128xf32, #tpu.memory_space<vmem_shared>>
      tpu.enqueue_indirect_dma source(%dma_start3A_950 : memref<64x128xf32, #tpu.memory_space<vmem>>) target(%dma_start3A_956 : memref<10240x128xf32, #tpu.memory_space<vmem_shared>>) offsets(%dma_start3A_953 : memref<64xi32, #tpu.memory_space<vmem>>) semaphore(%run_scoped3A_946 : memref<!tpu.dma_semaphore, #tpu.memory_space<semaphore_mem>>) {add = true}
      %dma_wait3A_957 = arith.constant 0 : i32
      %dma_wait3A_958 = arith.constant 0 : i32
      %dma_wait3A_959 = tpu.memref_slice %arg8[%run_scoped3A_785, %dma_wait3A_957, %dma_wait3A_958] : memref<4x64x128xf32, #tpu.memory_space<vmem>> -> memref<1x64x128xf32, #tpu.memory_space<vmem>>
      %dma_wait3A_960 = tpu.memref_squeeze %dma_wait3A_959 : memref<1x64x128xf32, #tpu.memory_space<vmem>> -> memref<64x128xf32, #tpu.memory_space<vmem>>
      %dma_wait3A_961 = arith.constant 0 : i32
      %dma_wait3A_962 = tpu.memref_slice %arg7[%run_scoped3A_786, %run_scoped3A_787, %dma_wait3A_961] : memref<2x32x64xi32, #tpu.memory_space<vmem>> -> memref<1x1x64xi32, #tpu.memory_space<vmem>>
      %dma_wait3A_963 = tpu.memref_squeeze %dma_wait3A_962 : memref<1x1x64xi32, #tpu.memory_space<vmem>> -> memref<64xi32, #tpu.memory_space<vmem>>
      %dma_wait3A_964 = arith.constant 0 : i32
      %dma_wait3A_965 = arith.constant 0 : i32
      %dma_wait3A_966 = tpu.memref_slice %arg9[%dma_wait3A_964, %dma_wait3A_965] : memref<10240x128xf32, #tpu.memory_space<vmem_shared>> -> memref<10240x128xf32, #tpu.memory_space<vmem_shared>>
      tpu.wait_indirect_dma semaphore(%run_scoped3A_946 : memref<!tpu.dma_semaphore, #tpu.memory_space<semaphore_mem>>) src(%dma_wait3A_960 : memref<64x128xf32, #tpu.memory_space<vmem>>) dst(%dma_wait3A_966 : memref<10240x128xf32, #tpu.memory_space<vmem_shared>>)
      tpu.yield
    }) : () -> ()
    %dma_start3A_788 = arith.constant 0 : i32
    %dma_start3A_789 = arith.constant 1 : i32
    %dma_start3A_790 = arith.constant 1 : i32
    %dma_start3A_791 = arith.constant 0 : i32
    %dma_start3A_792 = arith.constant 0 : i32
    %dma_start3A_793 = tpu.memref_slice %arg8[%dma_start3A_790, %dma_start3A_791, %dma_start3A_792] : memref<4x64x128xf32, #tpu.memory_space<vmem>> -> memref<1x64x128xf32, #tpu.memory_space<vmem>>
    %dma_start3A_794 = tpu.memref_squeeze %dma_start3A_793 : memref<1x64x128xf32, #tpu.memory_space<vmem>> -> memref<64x128xf32, #tpu.memory_space<vmem>>
    %dma_start3A_795 = arith.constant 0 : i32
    %dma_start3A_796 = tpu.memref_slice %arg6[%dma_start3A_788, %dma_start3A_789, %dma_start3A_795] : memref<2x32x64xi32, #tpu.memory_space<vmem>> -> memref<1x1x64xi32, #tpu.memory_space<vmem>>
    %dma_start3A_797 = tpu.memref_squeeze %dma_start3A_796 : memref<1x1x64xi32, #tpu.memory_space<vmem>> -> memref<64xi32, #tpu.memory_space<vmem>>
    %dma_start3A_798 = arith.constant 0 : i32
    %dma_start3A_799 = arith.constant 0 : i32
    %dma_start3A_800 = tpu.memref_slice %arg2[%dma_start3A_798, %dma_start3A_799] : memref<10240x128xf32, #tpu.memory_space<hbm>> -> memref<10240x128xf32, #tpu.memory_space<hbm>>
    tpu.enqueue_indirect_dma source(%dma_start3A_800 : memref<10240x128xf32, #tpu.memory_space<hbm>>) target(%dma_start3A_794 : memref<64x128xf32, #tpu.memory_space<vmem>>) offsets(%dma_start3A_797 : memref<64xi32, #tpu.memory_space<vmem>>) semaphore(%arg11 : memref<!tpu.dma_semaphore, #tpu.memory_space<semaphore_mem>>)
    %dma_wait3A_801 = arith.constant 2 : i32
    %dma_wait3A_802 = arith.constant 0 : i32
    %dma_wait3A_803 = arith.constant 0 : i32
    %dma_wait3A_804 = tpu.memref_slice %arg8[%dma_wait3A_801, %dma_wait3A_802, %dma_wait3A_803] : memref<4x64x128xf32, #tpu.memory_space<vmem>> -> memref<1x64x128xf32, #tpu.memory_space<vmem>>
    %dma_wait3A_805 = tpu.memref_squeeze %dma_wait3A_804 : memref<1x64x128xf32, #tpu.memory_space<vmem>> -> memref<64x128xf32, #tpu.memory_space<vmem>>
    %dma_wait3A_806 = arith.constant 0 : i32
    %dma_wait3A_807 = arith.constant 0 : i32
    %dma_wait3A_808 = tpu.memref_slice %arg2[%dma_wait3A_806, %dma_wait3A_807] : memref<10240x128xf32, #tpu.memory_space<hbm>> -> memref<64x128xf32, #tpu.memory_space<hbm>>
    %dma_wait3A_809 = arith.constant 0 : i32
    %dma_wait3A_810 = arith.constant 0 : i32
    %dma_wait3A_811 = tpu.memref_slice %arg8[%dma_wait3A_801, %dma_wait3A_809, %dma_wait3A_810] : memref<4x64x128xf32, #tpu.memory_space<vmem>> -> memref<1x64x128xf32, #tpu.memory_space<vmem>>
    %dma_wait3A_812 = tpu.memref_squeeze %dma_wait3A_811 : memref<1x64x128xf32, #tpu.memory_space<vmem>> -> memref<64x128xf32, #tpu.memory_space<vmem>>
    %dma_wait3A_813 = arith.constant 0 : i32
    %dma_wait3A_814 = arith.constant 0 : i32
    %dma_wait3A_815 = tpu.memref_slice %arg2[%dma_wait3A_813, %dma_wait3A_814] : memref<10240x128xf32, #tpu.memory_space<hbm>> -> memref<64x128xf32, #tpu.memory_space<hbm>>
    tpu.wait_dma2 semaphore(%arg12 : memref<!tpu.dma_semaphore, #tpu.memory_space<semaphore_mem>>) src(%dma_wait3A_815 : memref<64x128xf32, #tpu.memory_space<hbm>>) dst(%dma_wait3A_812 : memref<64x128xf32, #tpu.memory_space<vmem>>)
    %run_scoped3A_816 = arith.constant 2 : i32
    %run_scoped3A_817 = arith.constant 1 : i32
    %run_scoped3A_818 = arith.constant 30 : i32
    "tpu.region"() ({
      %run_scoped3A_946 = tpu.sem_alloc : memref<!tpu.dma_semaphore, #tpu.memory_space<semaphore_mem>>
      %dma_start3A_947 = arith.constant 0 : i32
      %dma_start3A_948 = arith.constant 0 : i32
      %dma_start3A_949 = tpu.memref_slice %arg8[%run_scoped3A_816, %dma_start3A_947, %dma_start3A_948] : memref<4x64x128xf32, #tpu.memory_space<vmem>> -> memref<1x64x128xf32, #tpu.memory_space<vmem>>
      %dma_start3A_950 = tpu.memref_squeeze %dma_start3A_949 : memref<1x64x128xf32, #tpu.memory_space<vmem>> -> memref<64x128xf32, #tpu.memory_space<vmem>>
      %dma_start3A_951 = arith.constant 0 : i32
      %dma_start3A_952 = tpu.memref_slice %arg7[%run_scoped3A_817, %run_scoped3A_818, %dma_start3A_951] : memref<2x32x64xi32, #tpu.memory_space<vmem>> -> memref<1x1x64xi32, #tpu.memory_space<vmem>>
      %dma_start3A_953 = tpu.memref_squeeze %dma_start3A_952 : memref<1x1x64xi32, #tpu.memory_space<vmem>> -> memref<64xi32, #tpu.memory_space<vmem>>
      %dma_start3A_954 = arith.constant 0 : i32
      %dma_start3A_955 = arith.constant 0 : i32
      %dma_start3A_956 = tpu.memref_slice %arg9[%dma_start3A_954, %dma_start3A_955] : memref<10240x128xf32, #tpu.memory_space<vmem_shared>> -> memref<10240x128xf32, #tpu.memory_space<vmem_shared>>
      tpu.enqueue_indirect_dma source(%dma_start3A_950 : memref<64x128xf32, #tpu.memory_space<vmem>>) target(%dma_start3A_956 : memref<10240x128xf32, #tpu.memory_space<vmem_shared>>) offsets(%dma_start3A_953 : memref<64xi32, #tpu.memory_space<vmem>>) semaphore(%run_scoped3A_946 : memref<!tpu.dma_semaphore, #tpu.memory_space<semaphore_mem>>) {add = true}
      %dma_wait3A_957 = arith.constant 0 : i32
      %dma_wait3A_958 = arith.constant 0 : i32
      %dma_wait3A_959 = tpu.memref_slice %arg8[%run_scoped3A_816, %dma_wait3A_957, %dma_wait3A_958] : memref<4x64x128xf32, #tpu.memory_space<vmem>> -> memref<1x64x128xf32, #tpu.memory_space<vmem>>
      %dma_wait3A_960 = tpu.memref_squeeze %dma_wait3A_959 : memref<1x64x128xf32, #tpu.memory_space<vmem>> -> memref<64x128xf32, #tpu.memory_space<vmem>>
      %dma_wait3A_961 = arith.constant 0 : i32
      %dma_wait3A_962 = tpu.memref_slice %arg7[%run_scoped3A_817, %run_scoped3A_818, %dma_wait3A_961] : memref<2x32x64xi32, #tpu.memory_space<vmem>> -> memref<1x1x64xi32, #tpu.memory_space<vmem>>
      %dma_wait3A_963 = tpu.memref_squeeze %dma_wait3A_962 : memref<1x1x64xi32, #tpu.memory_space<vmem>> -> memref<64xi32, #tpu.memory_space<vmem>>
      %dma_wait3A_964 = arith.constant 0 : i32
      %dma_wait3A_965 = arith.constant 0 : i32
      %dma_wait3A_966 = tpu.memref_slice %arg9[%dma_wait3A_964, %dma_wait3A_965] : memref<10240x128xf32, #tpu.memory_space<vmem_shared>> -> memref<10240x128xf32, #tpu.memory_space<vmem_shared>>
      tpu.wait_indirect_dma semaphore(%run_scoped3A_946 : memref<!tpu.dma_semaphore, #tpu.memory_space<semaphore_mem>>) src(%dma_wait3A_960 : memref<64x128xf32, #tpu.memory_space<vmem>>) dst(%dma_wait3A_966 : memref<10240x128xf32, #tpu.memory_space<vmem_shared>>)
      tpu.yield
    }) : () -> ()
    %dma_start3A_819 = arith.constant 0 : i32
    %dma_start3A_820 = arith.constant 2 : i32
    %dma_start3A_821 = arith.constant 2 : i32
    %dma_start3A_822 = arith.constant 0 : i32
    %dma_start3A_823 = arith.constant 0 : i32
    %dma_start3A_824 = tpu.memref_slice %arg8[%dma_start3A_821, %dma_start3A_822, %dma_start3A_823] : memref<4x64x128xf32, #tpu.memory_space<vmem>> -> memref<1x64x128xf32, #tpu.memory_space<vmem>>
    %dma_start3A_825 = tpu.memref_squeeze %dma_start3A_824 : memref<1x64x128xf32, #tpu.memory_space<vmem>> -> memref<64x128xf32, #tpu.memory_space<vmem>>
    %dma_start3A_826 = arith.constant 0 : i32
    %dma_start3A_827 = tpu.memref_slice %arg6[%dma_start3A_819, %dma_start3A_820, %dma_start3A_826] : memref<2x32x64xi32, #tpu.memory_space<vmem>> -> memref<1x1x64xi32, #tpu.memory_space<vmem>>
    %dma_start3A_828 = tpu.memref_squeeze %dma_start3A_827 : memref<1x1x64xi32, #tpu.memory_space<vmem>> -> memref<64xi32, #tpu.memory_space<vmem>>
    %dma_start3A_829 = arith.constant 0 : i32
    %dma_start3A_830 = arith.constant 0 : i32
    %dma_start3A_831 = tpu.memref_slice %arg2[%dma_start3A_829, %dma_start3A_830] : memref<10240x128xf32, #tpu.memory_space<hbm>> -> memref<10240x128xf32, #tpu.memory_space<hbm>>
    tpu.enqueue_indirect_dma source(%dma_start3A_831 : memref<10240x128xf32, #tpu.memory_space<hbm>>) target(%dma_start3A_825 : memref<64x128xf32, #tpu.memory_space<vmem>>) offsets(%dma_start3A_828 : memref<64xi32, #tpu.memory_space<vmem>>) semaphore(%arg12 : memref<!tpu.dma_semaphore, #tpu.memory_space<semaphore_mem>>)
    %dma_wait3A_832 = arith.constant 3 : i32
    %dma_wait3A_833 = arith.constant 0 : i32
    %dma_wait3A_834 = arith.constant 0 : i32
    %dma_wait3A_835 = tpu.memref_slice %arg8[%dma_wait3A_832, %dma_wait3A_833, %dma_wait3A_834] : memref<4x64x128xf32, #tpu.memory_space<vmem>> -> memref<1x64x128xf32, #tpu.memory_space<vmem>>
    %dma_wait3A_836 = tpu.memref_squeeze %dma_wait3A_835 : memref<1x64x128xf32, #tpu.memory_space<vmem>> -> memref<64x128xf32, #tpu.memory_space<vmem>>
    %dma_wait3A_837 = arith.constant 0 : i32
    %dma_wait3A_838 = arith.constant 0 : i32
    %dma_wait3A_839 = tpu.memref_slice %arg2[%dma_wait3A_837, %dma_wait3A_838] : memref<10240x128xf32, #tpu.memory_space<hbm>> -> memref<64x128xf32, #tpu.memory_space<hbm>>
    %dma_wait3A_840 = arith.constant 0 : i32
    %dma_wait3A_841 = arith.constant 0 : i32
    %dma_wait3A_842 = tpu.memref_slice %arg8[%dma_wait3A_832, %dma_wait3A_840, %dma_wait3A_841] : memref<4x64x128xf32, #tpu.memory_space<vmem>> -> memref<1x64x128xf32, #tpu.memory_space<vmem>>
    %dma_wait3A_843 = tpu.memref_squeeze %dma_wait3A_842 : memref<1x64x128xf32, #tpu.memory_space<vmem>> -> memref<64x128xf32, #tpu.memory_space<vmem>>
    %dma_wait3A_844 = arith.constant 0 : i32
    %dma_wait3A_845 = arith.constant 0 : i32
    %dma_wait3A_846 = tpu.memref_slice %arg2[%dma_wait3A_844, %dma_wait3A_845] : memref<10240x128xf32, #tpu.memory_space<hbm>> -> memref<64x128xf32, #tpu.memory_space<hbm>>
    tpu.wait_dma2 semaphore(%arg13 : memref<!tpu.dma_semaphore, #tpu.memory_space<semaphore_mem>>) src(%dma_wait3A_846 : memref<64x128xf32, #tpu.memory_space<hbm>>) dst(%dma_wait3A_843 : memref<64x128xf32, #tpu.memory_space<vmem>>)
    %run_scoped3A_847 = arith.constant 3 : i32
    %run_scoped3A_848 = arith.constant 1 : i32
    %run_scoped3A_849 = arith.constant 31 : i32
    "tpu.region"() ({
      %run_scoped3A_946 = tpu.sem_alloc : memref<!tpu.dma_semaphore, #tpu.memory_space<semaphore_mem>>
      %dma_start3A_947 = arith.constant 0 : i32
      %dma_start3A_948 = arith.constant 0 : i32
      %dma_start3A_949 = tpu.memref_slice %arg8[%run_scoped3A_847, %dma_start3A_947, %dma_start3A_948] : memref<4x64x128xf32, #tpu.memory_space<vmem>> -> memref<1x64x128xf32, #tpu.memory_space<vmem>>
      %dma_start3A_950 = tpu.memref_squeeze %dma_start3A_949 : memref<1x64x128xf32, #tpu.memory_space<vmem>> -> memref<64x128xf32, #tpu.memory_space<vmem>>
      %dma_start3A_951 = arith.constant 0 : i32
      %dma_start3A_952 = tpu.memref_slice %arg7[%run_scoped3A_848, %run_scoped3A_849, %dma_start3A_951] : memref<2x32x64xi32, #tpu.memory_space<vmem>> -> memref<1x1x64xi32, #tpu.memory_space<vmem>>
      %dma_start3A_953 = tpu.memref_squeeze %dma_start3A_952 : memref<1x1x64xi32, #tpu.memory_space<vmem>> -> memref<64xi32, #tpu.memory_space<vmem>>
      %dma_start3A_954 = arith.constant 0 : i32
      %dma_start3A_955 = arith.constant 0 : i32
      %dma_start3A_956 = tpu.memref_slice %arg9[%dma_start3A_954, %dma_start3A_955] : memref<10240x128xf32, #tpu.memory_space<vmem_shared>> -> memref<10240x128xf32, #tpu.memory_space<vmem_shared>>
      tpu.enqueue_indirect_dma source(%dma_start3A_950 : memref<64x128xf32, #tpu.memory_space<vmem>>) target(%dma_start3A_956 : memref<10240x128xf32, #tpu.memory_space<vmem_shared>>) offsets(%dma_start3A_953 : memref<64xi32, #tpu.memory_space<vmem>>) semaphore(%run_scoped3A_946 : memref<!tpu.dma_semaphore, #tpu.memory_space<semaphore_mem>>) {add = true}
      %dma_wait3A_957 = arith.constant 0 : i32
      %dma_wait3A_958 = arith.constant 0 : i32
      %dma_wait3A_959 = tpu.memref_slice %arg8[%run_scoped3A_847, %dma_wait3A_957, %dma_wait3A_958] : memref<4x64x128xf32, #tpu.memory_space<vmem>> -> memref<1x64x128xf32, #tpu.memory_space<vmem>>
      %dma_wait3A_960 = tpu.memref_squeeze %dma_wait3A_959 : memref<1x64x128xf32, #tpu.memory_space<vmem>> -> memref<64x128xf32, #tpu.memory_space<vmem>>
      %dma_wait3A_961 = arith.constant 0 : i32
      %dma_wait3A_962 = tpu.memref_slice %arg7[%run_scoped3A_848, %run_scoped3A_849, %dma_wait3A_961] : memref<2x32x64xi32, #tpu.memory_space<vmem>> -> memref<1x1x64xi32, #tpu.memory_space<vmem>>
      %dma_wait3A_963 = tpu.memref_squeeze %dma_wait3A_962 : memref<1x1x64xi32, #tpu.memory_space<vmem>> -> memref<64xi32, #tpu.memory_space<vmem>>
      %dma_wait3A_964 = arith.constant 0 : i32
      %dma_wait3A_965 = arith.constant 0 : i32
      %dma_wait3A_966 = tpu.memref_slice %arg9[%dma_wait3A_964, %dma_wait3A_965] : memref<10240x128xf32, #tpu.memory_space<vmem_shared>> -> memref<10240x128xf32, #tpu.memory_space<vmem_shared>>
      tpu.wait_indirect_dma semaphore(%run_scoped3A_946 : memref<!tpu.dma_semaphore, #tpu.memory_space<semaphore_mem>>) src(%dma_wait3A_960 : memref<64x128xf32, #tpu.memory_space<vmem>>) dst(%dma_wait3A_966 : memref<10240x128xf32, #tpu.memory_space<vmem_shared>>)
      tpu.yield
    }) : () -> ()
    %dma_start3A_850 = arith.constant 0 : i32
    %dma_start3A_851 = arith.constant 3 : i32
    %dma_start3A_852 = arith.constant 3 : i32
    %dma_start3A_853 = arith.constant 0 : i32
    %dma_start3A_854 = arith.constant 0 : i32
    %dma_start3A_855 = tpu.memref_slice %arg8[%dma_start3A_852, %dma_start3A_853, %dma_start3A_854] : memref<4x64x128xf32, #tpu.memory_space<vmem>> -> memref<1x64x128xf32, #tpu.memory_space<vmem>>
    %dma_start3A_856 = tpu.memref_squeeze %dma_start3A_855 : memref<1x64x128xf32, #tpu.memory_space<vmem>> -> memref<64x128xf32, #tpu.memory_space<vmem>>
    %dma_start3A_857 = arith.constant 0 : i32
    %dma_start3A_858 = tpu.memref_slice %arg6[%dma_start3A_850, %dma_start3A_851, %dma_start3A_857] : memref<2x32x64xi32, #tpu.memory_space<vmem>> -> memref<1x1x64xi32, #tpu.memory_space<vmem>>
    %dma_start3A_859 = tpu.memref_squeeze %dma_start3A_858 : memref<1x1x64xi32, #tpu.memory_space<vmem>> -> memref<64xi32, #tpu.memory_space<vmem>>
    %dma_start3A_860 = arith.constant 0 : i32
    %dma_start3A_861 = arith.constant 0 : i32
    %dma_start3A_862 = tpu.memref_slice %arg2[%dma_start3A_860, %dma_start3A_861] : memref<10240x128xf32, #tpu.memory_space<hbm>> -> memref<10240x128xf32, #tpu.memory_space<hbm>>
    tpu.enqueue_indirect_dma source(%dma_start3A_862 : memref<10240x128xf32, #tpu.memory_space<hbm>>) target(%dma_start3A_856 : memref<64x128xf32, #tpu.memory_space<vmem>>) offsets(%dma_start3A_859 : memref<64xi32, #tpu.memory_space<vmem>>) semaphore(%arg13 : memref<!tpu.dma_semaphore, #tpu.memory_space<semaphore_mem>>)
    %scan3A_863 = arith.constant 0 : i32
    %scan3A_864 = arith.constant 0 : i32
    %scan3A_865 = arith.constant 7 : i32
    %scan3A_866 = arith.addi %scan3A_864, %scan3A_865 : i32
    %scan3A_867 = arith.constant 1 : i32
    scf.for %scan3A_946 = %scan3A_864 to %scan3A_866 step %scan3A_867  : i32 {
      %mul3A_947 = arith.constant 4 : i32
      %mul3A_948 = arith.muli %mul3A_947, %scan3A_946 : i32
      %dma_wait3A_949 = arith.constant 0 : i32
      %dma_wait3A_950 = arith.constant 0 : i32
      %dma_wait3A_951 = arith.constant 0 : i32
      %dma_wait3A_952 = tpu.memref_slice %arg8[%dma_wait3A_949, %dma_wait3A_950, %dma_wait3A_951] : memref<4x64x128xf32, #tpu.memory_space<vmem>> -> memref<1x64x128xf32, #tpu.memory_space<vmem>>
      %dma_wait3A_953 = tpu.memref_squeeze %dma_wait3A_952 : memref<1x64x128xf32, #tpu.memory_space<vmem>> -> memref<64x128xf32, #tpu.memory_space<vmem>>
      %dma_wait3A_954 = arith.constant 0 : i32
      %dma_wait3A_955 = arith.constant 0 : i32
      %dma_wait3A_956 = tpu.memref_slice %arg2[%dma_wait3A_954, %dma_wait3A_955] : memref<10240x128xf32, #tpu.memory_space<hbm>> -> memref<64x128xf32, #tpu.memory_space<hbm>>
      %dma_wait3A_957 = arith.constant 0 : i32
      %dma_wait3A_958 = arith.constant 0 : i32
      %dma_wait3A_959 = tpu.memref_slice %arg8[%dma_wait3A_949, %dma_wait3A_957, %dma_wait3A_958] : memref<4x64x128xf32, #tpu.memory_space<vmem>> -> memref<1x64x128xf32, #tpu.memory_space<vmem>>
      %dma_wait3A_960 = tpu.memref_squeeze %dma_wait3A_959 : memref<1x64x128xf32, #tpu.memory_space<vmem>> -> memref<64x128xf32, #tpu.memory_space<vmem>>
      %dma_wait3A_961 = arith.constant 0 : i32
      %dma_wait3A_962 = arith.constant 0 : i32
      %dma_wait3A_963 = tpu.memref_slice %arg2[%dma_wait3A_961, %dma_wait3A_962] : memref<10240x128xf32, #tpu.memory_space<hbm>> -> memref<64x128xf32, #tpu.memory_space<hbm>>
      tpu.wait_dma2 semaphore(%arg10 : memref<!tpu.dma_semaphore, #tpu.memory_space<semaphore_mem>>) src(%dma_wait3A_963 : memref<64x128xf32, #tpu.memory_space<hbm>>) dst(%dma_wait3A_960 : memref<64x128xf32, #tpu.memory_space<vmem>>)
      %add3A_964 = arith.constant 0 : i32
      %add3A_965 = arith.addi %mul3A_948, %add3A_964 : i32
      %run_scoped3A_966 = arith.constant 0 : i32
      %run_scoped3A_967 = arith.constant 0 : i32
      "tpu.region"() ({
        %run_scoped3A_1089 = tpu.sem_alloc : memref<!tpu.dma_semaphore, #tpu.memory_space<semaphore_mem>>
        %dma_start3A_1090 = arith.constant 0 : i32
        %dma_start3A_1091 = arith.constant 0 : i32
        %dma_start3A_1092 = tpu.memref_slice %arg8[%run_scoped3A_966, %dma_start3A_1090, %dma_start3A_1091] : memref<4x64x128xf32, #tpu.memory_space<vmem>> -> memref<1x64x128xf32, #tpu.memory_space<vmem>>
        %dma_start3A_1093 = tpu.memref_squeeze %dma_start3A_1092 : memref<1x64x128xf32, #tpu.memory_space<vmem>> -> memref<64x128xf32, #tpu.memory_space<vmem>>
        %dma_start3A_1094 = arith.constant 0 : i32
        %dma_start3A_1095 = tpu.memref_slice %arg7[%run_scoped3A_967, %add3A_965, %dma_start3A_1094] : memref<2x32x64xi32, #tpu.memory_space<vmem>> -> memref<1x1x64xi32, #tpu.memory_space<vmem>>
        %dma_start3A_1096 = tpu.memref_squeeze %dma_start3A_1095 : memref<1x1x64xi32, #tpu.memory_space<vmem>> -> memref<64xi32, #tpu.memory_space<vmem>>
        %dma_start3A_1097 = arith.constant 0 : i32
        %dma_start3A_1098 = arith.constant 0 : i32
        %dma_start3A_1099 = tpu.memref_slice %arg9[%dma_start3A_1097, %dma_start3A_1098] : memref<10240x128xf32, #tpu.memory_space<vmem_shared>> -> memref<10240x128xf32, #tpu.memory_space<vmem_shared>>
        tpu.enqueue_indirect_dma source(%dma_start3A_1093 : memref<64x128xf32, #tpu.memory_space<vmem>>) target(%dma_start3A_1099 : memref<10240x128xf32, #tpu.memory_space<vmem_shared>>) offsets(%dma_start3A_1096 : memref<64xi32, #tpu.memory_space<vmem>>) semaphore(%run_scoped3A_1089 : memref<!tpu.dma_semaphore, #tpu.memory_space<semaphore_mem>>) {add = true}
        %dma_wait3A_1100 = arith.constant 0 : i32
        %dma_wait3A_1101 = arith.constant 0 : i32
        %dma_wait3A_1102 = tpu.memref_slice %arg8[%run_scoped3A_966, %dma_wait3A_1100, %dma_wait3A_1101] : memref<4x64x128xf32, #tpu.memory_space<vmem>> -> memref<1x64x128xf32, #tpu.memory_space<vmem>>
        %dma_wait3A_1103 = tpu.memref_squeeze %dma_wait3A_1102 : memref<1x64x128xf32, #tpu.memory_space<vmem>> -> memref<64x128xf32, #tpu.memory_space<vmem>>
        %dma_wait3A_1104 = arith.constant 0 : i32
        %dma_wait3A_1105 = tpu.memref_slice %arg7[%run_scoped3A_967, %add3A_965, %dma_wait3A_1104] : memref<2x32x64xi32, #tpu.memory_space<vmem>> -> memref<1x1x64xi32, #tpu.memory_space<vmem>>
        %dma_wait3A_1106 = tpu.memref_squeeze %dma_wait3A_1105 : memref<1x1x64xi32, #tpu.memory_space<vmem>> -> memref<64xi32, #tpu.memory_space<vmem>>
        %dma_wait3A_1107 = arith.constant 0 : i32
        %dma_wait3A_1108 = arith.constant 0 : i32
        %dma_wait3A_1109 = tpu.memref_slice %arg9[%dma_wait3A_1107, %dma_wait3A_1108] : memref<10240x128xf32, #tpu.memory_space<vmem_shared>> -> memref<10240x128xf32, #tpu.memory_space<vmem_shared>>
        tpu.wait_indirect_dma semaphore(%run_scoped3A_1089 : memref<!tpu.dma_semaphore, #tpu.memory_space<semaphore_mem>>) src(%dma_wait3A_1103 : memref<64x128xf32, #tpu.memory_space<vmem>>) dst(%dma_wait3A_1109 : memref<10240x128xf32, #tpu.memory_space<vmem_shared>>)
        tpu.yield
      }) : () -> ()
      %add3A_968 = arith.constant 4 : i32
      %add3A_969 = arith.addi %mul3A_948, %add3A_968 : i32
      %add3A_970 = arith.constant 0 : i32
      %add3A_971 = arith.addi %add3A_969, %add3A_970 : i32
      %dma_start3A_972 = arith.constant 0 : i32
      %dma_start3A_973 = arith.constant 0 : i32
      %dma_start3A_974 = arith.constant 0 : i32
      %dma_start3A_975 = arith.constant 0 : i32
      %dma_start3A_976 = tpu.memref_slice %arg8[%dma_start3A_973, %dma_start3A_974, %dma_start3A_975] : memref<4x64x128xf32, #tpu.memory_space<vmem>> -> memref<1x64x128xf32, #tpu.memory_space<vmem>>
      %dma_start3A_977 = tpu.memref_squeeze %dma_start3A_976 : memref<1x64x128xf32, #tpu.memory_space<vmem>> -> memref<64x128xf32, #tpu.memory_space<vmem>>
      %dma_start3A_978 = arith.constant 0 : i32
      %dma_start3A_979 = tpu.memref_slice %arg6[%dma_start3A_972, %add3A_971, %dma_start3A_978] : memref<2x32x64xi32, #tpu.memory_space<vmem>> -> memref<1x1x64xi32, #tpu.memory_space<vmem>>
      %dma_start3A_980 = tpu.memref_squeeze %dma_start3A_979 : memref<1x1x64xi32, #tpu.memory_space<vmem>> -> memref<64xi32, #tpu.memory_space<vmem>>
      %dma_start3A_981 = arith.constant 0 : i32
      %dma_start3A_982 = arith.constant 0 : i32
      %dma_start3A_983 = tpu.memref_slice %arg2[%dma_start3A_981, %dma_start3A_982] : memref<10240x128xf32, #tpu.memory_space<hbm>> -> memref<10240x128xf32, #tpu.memory_space<hbm>>
      tpu.enqueue_indirect_dma source(%dma_start3A_983 : memref<10240x128xf32, #tpu.memory_space<hbm>>) target(%dma_start3A_977 : memref<64x128xf32, #tpu.memory_space<vmem>>) offsets(%dma_start3A_980 : memref<64xi32, #tpu.memory_space<vmem>>) semaphore(%arg10 : memref<!tpu.dma_semaphore, #tpu.memory_space<semaphore_mem>>)
      %dma_wait3A_984 = arith.constant 1 : i32
      %dma_wait3A_985 = arith.constant 0 : i32
      %dma_wait3A_986 = arith.constant 0 : i32
      %dma_wait3A_987 = tpu.memref_slice %arg8[%dma_wait3A_984, %dma_wait3A_985, %dma_wait3A_986] : memref<4x64x128xf32, #tpu.memory_space<vmem>> -> memref<1x64x128xf32, #tpu.memory_space<vmem>>
      %dma_wait3A_988 = tpu.memref_squeeze %dma_wait3A_987 : memref<1x64x128xf32, #tpu.memory_space<vmem>> -> memref<64x128xf32, #tpu.memory_space<vmem>>
      %dma_wait3A_989 = arith.constant 0 : i32
      %dma_wait3A_990 = arith.constant 0 : i32
      %dma_wait3A_991 = tpu.memref_slice %arg2[%dma_wait3A_989, %dma_wait3A_990] : memref<10240x128xf32, #tpu.memory_space<hbm>> -> memref<64x128xf32, #tpu.memory_space<hbm>>
      %dma_wait3A_992 = arith.constant 0 : i32
      %dma_wait3A_993 = arith.constant 0 : i32
      %dma_wait3A_994 = tpu.memref_slice %arg8[%dma_wait3A_984, %dma_wait3A_992, %dma_wait3A_993] : memref<4x64x128xf32, #tpu.memory_space<vmem>> -> memref<1x64x128xf32, #tpu.memory_space<vmem>>
      %dma_wait3A_995 = tpu.memref_squeeze %dma_wait3A_994 : memref<1x64x128xf32, #tpu.memory_space<vmem>> -> memref<64x128xf32, #tpu.memory_space<vmem>>
      %dma_wait3A_996 = arith.constant 0 : i32
      %dma_wait3A_997 = arith.constant 0 : i32
      %dma_wait3A_998 = tpu.memref_slice %arg2[%dma_wait3A_996, %dma_wait3A_997] : memref<10240x128xf32, #tpu.memory_space<hbm>> -> memref<64x128xf32, #tpu.memory_space<hbm>>
      tpu.wait_dma2 semaphore(%arg11 : memref<!tpu.dma_semaphore, #tpu.memory_space<semaphore_mem>>) src(%dma_wait3A_998 : memref<64x128xf32, #tpu.memory_space<hbm>>) dst(%dma_wait3A_995 : memref<64x128xf32, #tpu.memory_space<vmem>>)
      %add3A_999 = arith.constant 1 : i32
      %add3A_1000 = arith.addi %mul3A_948, %add3A_999 : i32
      %run_scoped3A_1001 = arith.constant 1 : i32
      %run_scoped3A_1002 = arith.constant 0 : i32
      "tpu.region"() ({
        %run_scoped3A_1089 = tpu.sem_alloc : memref<!tpu.dma_semaphore, #tpu.memory_space<semaphore_mem>>
        %dma_start3A_1090 = arith.constant 0 : i32
        %dma_start3A_1091 = arith.constant 0 : i32
        %dma_start3A_1092 = tpu.memref_slice %arg8[%run_scoped3A_1001, %dma_start3A_1090, %dma_start3A_1091] : memref<4x64x128xf32, #tpu.memory_space<vmem>> -> memref<1x64x128xf32, #tpu.memory_space<vmem>>
        %dma_start3A_1093 = tpu.memref_squeeze %dma_start3A_1092 : memref<1x64x128xf32, #tpu.memory_space<vmem>> -> memref<64x128xf32, #tpu.memory_space<vmem>>
        %dma_start3A_1094 = arith.constant 0 : i32
        %dma_start3A_1095 = tpu.memref_slice %arg7[%run_scoped3A_1002, %add3A_1000, %dma_start3A_1094] : memref<2x32x64xi32, #tpu.memory_space<vmem>> -> memref<1x1x64xi32, #tpu.memory_space<vmem>>
        %dma_start3A_1096 = tpu.memref_squeeze %dma_start3A_1095 : memref<1x1x64xi32, #tpu.memory_space<vmem>> -> memref<64xi32, #tpu.memory_space<vmem>>
        %dma_start3A_1097 = arith.constant 0 : i32
        %dma_start3A_1098 = arith.constant 0 : i32
        %dma_start3A_1099 = tpu.memref_slice %arg9[%dma_start3A_1097, %dma_start3A_1098] : memref<10240x128xf32, #tpu.memory_space<vmem_shared>> -> memref<10240x128xf32, #tpu.memory_space<vmem_shared>>
        tpu.enqueue_indirect_dma source(%dma_start3A_1093 : memref<64x128xf32, #tpu.memory_space<vmem>>) target(%dma_start3A_1099 : memref<10240x128xf32, #tpu.memory_space<vmem_shared>>) offsets(%dma_start3A_1096 : memref<64xi32, #tpu.memory_space<vmem>>) semaphore(%run_scoped3A_1089 : memref<!tpu.dma_semaphore, #tpu.memory_space<semaphore_mem>>) {add = true}
        %dma_wait3A_1100 = arith.constant 0 : i32
        %dma_wait3A_1101 = arith.constant 0 : i32
        %dma_wait3A_1102 = tpu.memref_slice %arg8[%run_scoped3A_1001, %dma_wait3A_1100, %dma_wait3A_1101] : memref<4x64x128xf32, #tpu.memory_space<vmem>> -> memref<1x64x128xf32, #tpu.memory_space<vmem>>
        %dma_wait3A_1103 = tpu.memref_squeeze %dma_wait3A_1102 : memref<1x64x128xf32, #tpu.memory_space<vmem>> -> memref<64x128xf32, #tpu.memory_space<vmem>>
        %dma_wait3A_1104 = arith.constant 0 : i32
        %dma_wait3A_1105 = tpu.memref_slice %arg7[%run_scoped3A_1002, %add3A_1000, %dma_wait3A_1104] : memref<2x32x64xi32, #tpu.memory_space<vmem>> -> memref<1x1x64xi32, #tpu.memory_space<vmem>>
        %dma_wait3A_1106 = tpu.memref_squeeze %dma_wait3A_1105 : memref<1x1x64xi32, #tpu.memory_space<vmem>> -> memref<64xi32, #tpu.memory_space<vmem>>
        %dma_wait3A_1107 = arith.constant 0 : i32
        %dma_wait3A_1108 = arith.constant 0 : i32
        %dma_wait3A_1109 = tpu.memref_slice %arg9[%dma_wait3A_1107, %dma_wait3A_1108] : memref<10240x128xf32, #tpu.memory_space<vmem_shared>> -> memref<10240x128xf32, #tpu.memory_space<vmem_shared>>
        tpu.wait_indirect_dma semaphore(%run_scoped3A_1089 : memref<!tpu.dma_semaphore, #tpu.memory_space<semaphore_mem>>) src(%dma_wait3A_1103 : memref<64x128xf32, #tpu.memory_space<vmem>>) dst(%dma_wait3A_1109 : memref<10240x128xf32, #tpu.memory_space<vmem_shared>>)
        tpu.yield
      }) : () -> ()
      %add3A_1003 = arith.constant 4 : i32
      %add3A_1004 = arith.addi %mul3A_948, %add3A_1003 : i32
      %add3A_1005 = arith.constant 1 : i32
      %add3A_1006 = arith.addi %add3A_1004, %add3A_1005 : i32
      %dma_start3A_1007 = arith.constant 0 : i32
      %dma_start3A_1008 = arith.constant 1 : i32
      %dma_start3A_1009 = arith.constant 0 : i32
      %dma_start3A_1010 = arith.constant 0 : i32
      %dma_start3A_1011 = tpu.memref_slice %arg8[%dma_start3A_1008, %dma_start3A_1009, %dma_start3A_1010] : memref<4x64x128xf32, #tpu.memory_space<vmem>> -> memref<1x64x128xf32, #tpu.memory_space<vmem>>
      %dma_start3A_1012 = tpu.memref_squeeze %dma_start3A_1011 : memref<1x64x128xf32, #tpu.memory_space<vmem>> -> memref<64x128xf32, #tpu.memory_space<vmem>>
      %dma_start3A_1013 = arith.constant 0 : i32
      %dma_start3A_1014 = tpu.memref_slice %arg6[%dma_start3A_1007, %add3A_1006, %dma_start3A_1013] : memref<2x32x64xi32, #tpu.memory_space<vmem>> -> memref<1x1x64xi32, #tpu.memory_space<vmem>>
      %dma_start3A_1015 = tpu.memref_squeeze %dma_start3A_1014 : memref<1x1x64xi32, #tpu.memory_space<vmem>> -> memref<64xi32, #tpu.memory_space<vmem>>
      %dma_start3A_1016 = arith.constant 0 : i32
      %dma_start3A_1017 = arith.constant 0 : i32
      %dma_start3A_1018 = tpu.memref_slice %arg2[%dma_start3A_1016, %dma_start3A_1017] : memref<10240x128xf32, #tpu.memory_space<hbm>> -> memref<10240x128xf32, #tpu.memory_space<hbm>>
      tpu.enqueue_indirect_dma source(%dma_start3A_1018 : memref<10240x128xf32, #tpu.memory_space<hbm>>) target(%dma_start3A_1012 : memref<64x128xf32, #tpu.memory_space<vmem>>) offsets(%dma_start3A_1015 : memref<64xi32, #tpu.memory_space<vmem>>) semaphore(%arg11 : memref<!tpu.dma_semaphore, #tpu.memory_space<semaphore_mem>>)
      %dma_wait3A_1019 = arith.constant 2 : i32
      %dma_wait3A_1020 = arith.constant 0 : i32
      %dma_wait3A_1021 = arith.constant 0 : i32
      %dma_wait3A_1022 = tpu.memref_slice %arg8[%dma_wait3A_1019, %dma_wait3A_1020, %dma_wait3A_1021] : memref<4x64x128xf32, #tpu.memory_space<vmem>> -> memref<1x64x128xf32, #tpu.memory_space<vmem>>
      %dma_wait3A_1023 = tpu.memref_squeeze %dma_wait3A_1022 : memref<1x64x128xf32, #tpu.memory_space<vmem>> -> memref<64x128xf32, #tpu.memory_space<vmem>>
      %dma_wait3A_1024 = arith.constant 0 : i32
      %dma_wait3A_1025 = arith.constant 0 : i32
      %dma_wait3A_1026 = tpu.memref_slice %arg2[%dma_wait3A_1024, %dma_wait3A_1025] : memref<10240x128xf32, #tpu.memory_space<hbm>> -> memref<64x128xf32, #tpu.memory_space<hbm>>
      %dma_wait3A_1027 = arith.constant 0 : i32
      %dma_wait3A_1028 = arith.constant 0 : i32
      %dma_wait3A_1029 = tpu.memref_slice %arg8[%dma_wait3A_1019, %dma_wait3A_1027, %dma_wait3A_1028] : memref<4x64x128xf32, #tpu.memory_space<vmem>> -> memref<1x64x128xf32, #tpu.memory_space<vmem>>
      %dma_wait3A_1030 = tpu.memref_squeeze %dma_wait3A_1029 : memref<1x64x128xf32, #tpu.memory_space<vmem>> -> memref<64x128xf32, #tpu.memory_space<vmem>>
      %dma_wait3A_1031 = arith.constant 0 : i32
      %dma_wait3A_1032 = arith.constant 0 : i32
      %dma_wait3A_1033 = tpu.memref_slice %arg2[%dma_wait3A_1031, %dma_wait3A_1032] : memref<10240x128xf32, #tpu.memory_space<hbm>> -> memref<64x128xf32, #tpu.memory_space<hbm>>
      tpu.wait_dma2 semaphore(%arg12 : memref<!tpu.dma_semaphore, #tpu.memory_space<semaphore_mem>>) src(%dma_wait3A_1033 : memref<64x128xf32, #tpu.memory_space<hbm>>) dst(%dma_wait3A_1030 : memref<64x128xf32, #tpu.memory_space<vmem>>)
      %add3A_1034 = arith.constant 2 : i32
      %add3A_1035 = arith.addi %mul3A_948, %add3A_1034 : i32
      %run_scoped3A_1036 = arith.constant 2 : i32
      %run_scoped3A_1037 = arith.constant 0 : i32
      "tpu.region"() ({
        %run_scoped3A_1089 = tpu.sem_alloc : memref<!tpu.dma_semaphore, #tpu.memory_space<semaphore_mem>>
        %dma_start3A_1090 = arith.constant 0 : i32
        %dma_start3A_1091 = arith.constant 0 : i32
        %dma_start3A_1092 = tpu.memref_slice %arg8[%run_scoped3A_1036, %dma_start3A_1090, %dma_start3A_1091] : memref<4x64x128xf32, #tpu.memory_space<vmem>> -> memref<1x64x128xf32, #tpu.memory_space<vmem>>
        %dma_start3A_1093 = tpu.memref_squeeze %dma_start3A_1092 : memref<1x64x128xf32, #tpu.memory_space<vmem>> -> memref<64x128xf32, #tpu.memory_space<vmem>>
        %dma_start3A_1094 = arith.constant 0 : i32
        %dma_start3A_1095 = tpu.memref_slice %arg7[%run_scoped3A_1037, %add3A_1035, %dma_start3A_1094] : memref<2x32x64xi32, #tpu.memory_space<vmem>> -> memref<1x1x64xi32, #tpu.memory_space<vmem>>
        %dma_start3A_1096 = tpu.memref_squeeze %dma_start3A_1095 : memref<1x1x64xi32, #tpu.memory_space<vmem>> -> memref<64xi32, #tpu.memory_space<vmem>>
        %dma_start3A_1097 = arith.constant 0 : i32
        %dma_start3A_1098 = arith.constant 0 : i32
        %dma_start3A_1099 = tpu.memref_slice %arg9[%dma_start3A_1097, %dma_start3A_1098] : memref<10240x128xf32, #tpu.memory_space<vmem_shared>> -> memref<10240x128xf32, #tpu.memory_space<vmem_shared>>
        tpu.enqueue_indirect_dma source(%dma_start3A_1093 : memref<64x128xf32, #tpu.memory_space<vmem>>) target(%dma_start3A_1099 : memref<10240x128xf32, #tpu.memory_space<vmem_shared>>) offsets(%dma_start3A_1096 : memref<64xi32, #tpu.memory_space<vmem>>) semaphore(%run_scoped3A_1089 : memref<!tpu.dma_semaphore, #tpu.memory_space<semaphore_mem>>) {add = true}
        %dma_wait3A_1100 = arith.constant 0 : i32
        %dma_wait3A_1101 = arith.constant 0 : i32
        %dma_wait3A_1102 = tpu.memref_slice %arg8[%run_scoped3A_1036, %dma_wait3A_1100, %dma_wait3A_1101] : memref<4x64x128xf32, #tpu.memory_space<vmem>> -> memref<1x64x128xf32, #tpu.memory_space<vmem>>
        %dma_wait3A_1103 = tpu.memref_squeeze %dma_wait3A_1102 : memref<1x64x128xf32, #tpu.memory_space<vmem>> -> memref<64x128xf32, #tpu.memory_space<vmem>>
        %dma_wait3A_1104 = arith.constant 0 : i32
        %dma_wait3A_1105 = tpu.memref_slice %arg7[%run_scoped3A_1037, %add3A_1035, %dma_wait3A_1104] : memref<2x32x64xi32, #tpu.memory_space<vmem>> -> memref<1x1x64xi32, #tpu.memory_space<vmem>>
        %dma_wait3A_1106 = tpu.memref_squeeze %dma_wait3A_1105 : memref<1x1x64xi32, #tpu.memory_space<vmem>> -> memref<64xi32, #tpu.memory_space<vmem>>
        %dma_wait3A_1107 = arith.constant 0 : i32
        %dma_wait3A_1108 = arith.constant 0 : i32
        %dma_wait3A_1109 = tpu.memref_slice %arg9[%dma_wait3A_1107, %dma_wait3A_1108] : memref<10240x128xf32, #tpu.memory_space<vmem_shared>> -> memref<10240x128xf32, #tpu.memory_space<vmem_shared>>
        tpu.wait_indirect_dma semaphore(%run_scoped3A_1089 : memref<!tpu.dma_semaphore, #tpu.memory_space<semaphore_mem>>) src(%dma_wait3A_1103 : memref<64x128xf32, #tpu.memory_space<vmem>>) dst(%dma_wait3A_1109 : memref<10240x128xf32, #tpu.memory_space<vmem_shared>>)
        tpu.yield
      }) : () -> ()
      %add3A_1038 = arith.constant 4 : i32
      %add3A_1039 = arith.addi %mul3A_948, %add3A_1038 : i32
      %add3A_1040 = arith.constant 2 : i32
      %add3A_1041 = arith.addi %add3A_1039, %add3A_1040 : i32
      %dma_start3A_1042 = arith.constant 0 : i32
      %dma_start3A_1043 = arith.constant 2 : i32
      %dma_start3A_1044 = arith.constant 0 : i32
      %dma_start3A_1045 = arith.constant 0 : i32
      %dma_start3A_1046 = tpu.memref_slice %arg8[%dma_start3A_1043, %dma_start3A_1044, %dma_start3A_1045] : memref<4x64x128xf32, #tpu.memory_space<vmem>> -> memref<1x64x128xf32, #tpu.memory_space<vmem>>
      %dma_start3A_1047 = tpu.memref_squeeze %dma_start3A_1046 : memref<1x64x128xf32, #tpu.memory_space<vmem>> -> memref<64x128xf32, #tpu.memory_space<vmem>>
      %dma_start3A_1048 = arith.constant 0 : i32
      %dma_start3A_1049 = tpu.memref_slice %arg6[%dma_start3A_1042, %add3A_1041, %dma_start3A_1048] : memref<2x32x64xi32, #tpu.memory_space<vmem>> -> memref<1x1x64xi32, #tpu.memory_space<vmem>>
      %dma_start3A_1050 = tpu.memref_squeeze %dma_start3A_1049 : memref<1x1x64xi32, #tpu.memory_space<vmem>> -> memref<64xi32, #tpu.memory_space<vmem>>
      %dma_start3A_1051 = arith.constant 0 : i32
      %dma_start3A_1052 = arith.constant 0 : i32
      %dma_start3A_1053 = tpu.memref_slice %arg2[%dma_start3A_1051, %dma_start3A_1052] : memref<10240x128xf32, #tpu.memory_space<hbm>> -> memref<10240x128xf32, #tpu.memory_space<hbm>>
      tpu.enqueue_indirect_dma source(%dma_start3A_1053 : memref<10240x128xf32, #tpu.memory_space<hbm>>) target(%dma_start3A_1047 : memref<64x128xf32, #tpu.memory_space<vmem>>) offsets(%dma_start3A_1050 : memref<64xi32, #tpu.memory_space<vmem>>) semaphore(%arg12 : memref<!tpu.dma_semaphore, #tpu.memory_space<semaphore_mem>>)
      %dma_wait3A_1054 = arith.constant 3 : i32
      %dma_wait3A_1055 = arith.constant 0 : i32
      %dma_wait3A_1056 = arith.constant 0 : i32
      %dma_wait3A_1057 = tpu.memref_slice %arg8[%dma_wait3A_1054, %dma_wait3A_1055, %dma_wait3A_1056] : memref<4x64x128xf32, #tpu.memory_space<vmem>> -> memref<1x64x128xf32, #tpu.memory_space<vmem>>
      %dma_wait3A_1058 = tpu.memref_squeeze %dma_wait3A_1057 : memref<1x64x128xf32, #tpu.memory_space<vmem>> -> memref<64x128xf32, #tpu.memory_space<vmem>>
      %dma_wait3A_1059 = arith.constant 0 : i32
      %dma_wait3A_1060 = arith.constant 0 : i32
      %dma_wait3A_1061 = tpu.memref_slice %arg2[%dma_wait3A_1059, %dma_wait3A_1060] : memref<10240x128xf32, #tpu.memory_space<hbm>> -> memref<64x128xf32, #tpu.memory_space<hbm>>
      %dma_wait3A_1062 = arith.constant 0 : i32
      %dma_wait3A_1063 = arith.constant 0 : i32
      %dma_wait3A_1064 = tpu.memref_slice %arg8[%dma_wait3A_1054, %dma_wait3A_1062, %dma_wait3A_1063] : memref<4x64x128xf32, #tpu.memory_space<vmem>> -> memref<1x64x128xf32, #tpu.memory_space<vmem>>
      %dma_wait3A_1065 = tpu.memref_squeeze %dma_wait3A_1064 : memref<1x64x128xf32, #tpu.memory_space<vmem>> -> memref<64x128xf32, #tpu.memory_space<vmem>>
      %dma_wait3A_1066 = arith.constant 0 : i32
      %dma_wait3A_1067 = arith.constant 0 : i32
      %dma_wait3A_1068 = tpu.memref_slice %arg2[%dma_wait3A_1066, %dma_wait3A_1067] : memref<10240x128xf32, #tpu.memory_space<hbm>> -> memref<64x128xf32, #tpu.memory_space<hbm>>
      tpu.wait_dma2 semaphore(%arg13 : memref<!tpu.dma_semaphore, #tpu.memory_space<semaphore_mem>>) src(%dma_wait3A_1068 : memref<64x128xf32, #tpu.memory_space<hbm>>) dst(%dma_wait3A_1065 : memref<64x128xf32, #tpu.memory_space<vmem>>)
      %add3A_1069 = arith.constant 3 : i32
      %add3A_1070 = arith.addi %mul3A_948, %add3A_1069 : i32
      %run_scoped3A_1071 = arith.constant 3 : i32
      %run_scoped3A_1072 = arith.constant 0 : i32
      "tpu.region"() ({
        %run_scoped3A_1089 = tpu.sem_alloc : memref<!tpu.dma_semaphore, #tpu.memory_space<semaphore_mem>>
        %dma_start3A_1090 = arith.constant 0 : i32
        %dma_start3A_1091 = arith.constant 0 : i32
        %dma_start3A_1092 = tpu.memref_slice %arg8[%run_scoped3A_1071, %dma_start3A_1090, %dma_start3A_1091] : memref<4x64x128xf32, #tpu.memory_space<vmem>> -> memref<1x64x128xf32, #tpu.memory_space<vmem>>
        %dma_start3A_1093 = tpu.memref_squeeze %dma_start3A_1092 : memref<1x64x128xf32, #tpu.memory_space<vmem>> -> memref<64x128xf32, #tpu.memory_space<vmem>>
        %dma_start3A_1094 = arith.constant 0 : i32
        %dma_start3A_1095 = tpu.memref_slice %arg7[%run_scoped3A_1072, %add3A_1070, %dma_start3A_1094] : memref<2x32x64xi32, #tpu.memory_space<vmem>> -> memref<1x1x64xi32, #tpu.memory_space<vmem>>
        %dma_start3A_1096 = tpu.memref_squeeze %dma_start3A_1095 : memref<1x1x64xi32, #tpu.memory_space<vmem>> -> memref<64xi32, #tpu.memory_space<vmem>>
        %dma_start3A_1097 = arith.constant 0 : i32
        %dma_start3A_1098 = arith.constant 0 : i32
        %dma_start3A_1099 = tpu.memref_slice %arg9[%dma_start3A_1097, %dma_start3A_1098] : memref<10240x128xf32, #tpu.memory_space<vmem_shared>> -> memref<10240x128xf32, #tpu.memory_space<vmem_shared>>
        tpu.enqueue_indirect_dma source(%dma_start3A_1093 : memref<64x128xf32, #tpu.memory_space<vmem>>) target(%dma_start3A_1099 : memref<10240x128xf32, #tpu.memory_space<vmem_shared>>) offsets(%dma_start3A_1096 : memref<64xi32, #tpu.memory_space<vmem>>) semaphore(%run_scoped3A_1089 : memref<!tpu.dma_semaphore, #tpu.memory_space<semaphore_mem>>) {add = true}
        %dma_wait3A_1100 = arith.constant 0 : i32
        %dma_wait3A_1101 = arith.constant 0 : i32
        %dma_wait3A_1102 = tpu.memref_slice %arg8[%run_scoped3A_1071, %dma_wait3A_1100, %dma_wait3A_1101] : memref<4x64x128xf32, #tpu.memory_space<vmem>> -> memref<1x64x128xf32, #tpu.memory_space<vmem>>
        %dma_wait3A_1103 = tpu.memref_squeeze %dma_wait3A_1102 : memref<1x64x128xf32, #tpu.memory_space<vmem>> -> memref<64x128xf32, #tpu.memory_space<vmem>>
        %dma_wait3A_1104 = arith.constant 0 : i32
        %dma_wait3A_1105 = tpu.memref_slice %arg7[%run_scoped3A_1072, %add3A_1070, %dma_wait3A_1104] : memref<2x32x64xi32, #tpu.memory_space<vmem>> -> memref<1x1x64xi32, #tpu.memory_space<vmem>>
        %dma_wait3A_1106 = tpu.memref_squeeze %dma_wait3A_1105 : memref<1x1x64xi32, #tpu.memory_space<vmem>> -> memref<64xi32, #tpu.memory_space<vmem>>
        %dma_wait3A_1107 = arith.constant 0 : i32
        %dma_wait3A_1108 = arith.constant 0 : i32
        %dma_wait3A_1109 = tpu.memref_slice %arg9[%dma_wait3A_1107, %dma_wait3A_1108] : memref<10240x128xf32, #tpu.memory_space<vmem_shared>> -> memref<10240x128xf32, #tpu.memory_space<vmem_shared>>
        tpu.wait_indirect_dma semaphore(%run_scoped3A_1089 : memref<!tpu.dma_semaphore, #tpu.memory_space<semaphore_mem>>) src(%dma_wait3A_1103 : memref<64x128xf32, #tpu.memory_space<vmem>>) dst(%dma_wait3A_1109 : memref<10240x128xf32, #tpu.memory_space<vmem_shared>>)
        tpu.yield
      }) : () -> ()
      %add3A_1073 = arith.constant 4 : i32
      %add3A_1074 = arith.addi %mul3A_948, %add3A_1073 : i32
      %add3A_1075 = arith.constant 3 : i32
      %add3A_1076 = arith.addi %add3A_1074, %add3A_1075 : i32
      %dma_start3A_1077 = arith.constant 0 : i32
      %dma_start3A_1078 = arith.constant 3 : i32
      %dma_start3A_1079 = arith.constant 0 : i32
      %dma_start3A_1080 = arith.constant 0 : i32
      %dma_start3A_1081 = tpu.memref_slice %arg8[%dma_start3A_1078, %dma_start3A_1079, %dma_start3A_1080] : memref<4x64x128xf32, #tpu.memory_space<vmem>> -> memref<1x64x128xf32, #tpu.memory_space<vmem>>
      %dma_start3A_1082 = tpu.memref_squeeze %dma_start3A_1081 : memref<1x64x128xf32, #tpu.memory_space<vmem>> -> memref<64x128xf32, #tpu.memory_space<vmem>>
      %dma_start3A_1083 = arith.constant 0 : i32
      %dma_start3A_1084 = tpu.memref_slice %arg6[%dma_start3A_1077, %add3A_1076, %dma_start3A_1083] : memref<2x32x64xi32, #tpu.memory_space<vmem>> -> memref<1x1x64xi32, #tpu.memory_space<vmem>>
      %dma_start3A_1085 = tpu.memref_squeeze %dma_start3A_1084 : memref<1x1x64xi32, #tpu.memory_space<vmem>> -> memref<64xi32, #tpu.memory_space<vmem>>
      %dma_start3A_1086 = arith.constant 0 : i32
      %dma_start3A_1087 = arith.constant 0 : i32
      %dma_start3A_1088 = tpu.memref_slice %arg2[%dma_start3A_1086, %dma_start3A_1087] : memref<10240x128xf32, #tpu.memory_space<hbm>> -> memref<10240x128xf32, #tpu.memory_space<hbm>>
      tpu.enqueue_indirect_dma source(%dma_start3A_1088 : memref<10240x128xf32, #tpu.memory_space<hbm>>) target(%dma_start3A_1082 : memref<64x128xf32, #tpu.memory_space<vmem>>) offsets(%dma_start3A_1085 : memref<64xi32, #tpu.memory_space<vmem>>) semaphore(%arg13 : memref<!tpu.dma_semaphore, #tpu.memory_space<semaphore_mem>>)
    }
    %scan3A_868 = arith.constant 7 : i32
    %dma_wait3A_869 = arith.constant 0 : i32
    %dma_wait3A_870 = arith.constant 0 : i32
    %dma_wait3A_871 = arith.constant 0 : i32
    %dma_wait3A_872 = tpu.memref_slice %arg8[%dma_wait3A_869, %dma_wait3A_870, %dma_wait3A_871] : memref<4x64x128xf32, #tpu.memory_space<vmem>> -> memref<1x64x128xf32, #tpu.memory_space<vmem>>
    %dma_wait3A_873 = tpu.memref_squeeze %dma_wait3A_872 : memref<1x64x128xf32, #tpu.memory_space<vmem>> -> memref<64x128xf32, #tpu.memory_space<vmem>>
    %dma_wait3A_874 = arith.constant 0 : i32
    %dma_wait3A_875 = arith.constant 0 : i32
    %dma_wait3A_876 = tpu.memref_slice %arg2[%dma_wait3A_874, %dma_wait3A_875] : memref<10240x128xf32, #tpu.memory_space<hbm>> -> memref<64x128xf32, #tpu.memory_space<hbm>>
    %dma_wait3A_877 = arith.constant 0 : i32
    %dma_wait3A_878 = arith.constant 0 : i32
    %dma_wait3A_879 = tpu.memref_slice %arg8[%dma_wait3A_869, %dma_wait3A_877, %dma_wait3A_878] : memref<4x64x128xf32, #tpu.memory_space<vmem>> -> memref<1x64x128xf32, #tpu.memory_space<vmem>>
    %dma_wait3A_880 = tpu.memref_squeeze %dma_wait3A_879 : memref<1x64x128xf32, #tpu.memory_space<vmem>> -> memref<64x128xf32, #tpu.memory_space<vmem>>
    %dma_wait3A_881 = arith.constant 0 : i32
    %dma_wait3A_882 = arith.constant 0 : i32
    %dma_wait3A_883 = tpu.memref_slice %arg2[%dma_wait3A_881, %dma_wait3A_882] : memref<10240x128xf32, #tpu.memory_space<hbm>> -> memref<64x128xf32, #tpu.memory_space<hbm>>
    tpu.wait_dma2 semaphore(%arg10 : memref<!tpu.dma_semaphore, #tpu.memory_space<semaphore_mem>>) src(%dma_wait3A_883 : memref<64x128xf32, #tpu.memory_space<hbm>>) dst(%dma_wait3A_880 : memref<64x128xf32, #tpu.memory_space<vmem>>)
    %run_scoped3A_884 = arith.constant 0 : i32
    %run_scoped3A_885 = arith.constant 0 : i32
    %run_scoped3A_886 = arith.constant 28 : i32
    "tpu.region"() ({
      %run_scoped3A_946 = tpu.sem_alloc : memref<!tpu.dma_semaphore, #tpu.memory_space<semaphore_mem>>
      %dma_start3A_947 = arith.constant 0 : i32
      %dma_start3A_948 = arith.constant 0 : i32
      %dma_start3A_949 = tpu.memref_slice %arg8[%run_scoped3A_884, %dma_start3A_947, %dma_start3A_948] : memref<4x64x128xf32, #tpu.memory_space<vmem>> -> memref<1x64x128xf32, #tpu.memory_space<vmem>>
      %dma_start3A_950 = tpu.memref_squeeze %dma_start3A_949 : memref<1x64x128xf32, #tpu.memory_space<vmem>> -> memref<64x128xf32, #tpu.memory_space<vmem>>
      %dma_start3A_951 = arith.constant 0 : i32
      %dma_start3A_952 = tpu.memref_slice %arg7[%run_scoped3A_885, %run_scoped3A_886, %dma_start3A_951] : memref<2x32x64xi32, #tpu.memory_space<vmem>> -> memref<1x1x64xi32, #tpu.memory_space<vmem>>
      %dma_start3A_953 = tpu.memref_squeeze %dma_start3A_952 : memref<1x1x64xi32, #tpu.memory_space<vmem>> -> memref<64xi32, #tpu.memory_space<vmem>>
      %dma_start3A_954 = arith.constant 0 : i32
      %dma_start3A_955 = arith.constant 0 : i32
      %dma_start3A_956 = tpu.memref_slice %arg9[%dma_start3A_954, %dma_start3A_955] : memref<10240x128xf32, #tpu.memory_space<vmem_shared>> -> memref<10240x128xf32, #tpu.memory_space<vmem_shared>>
      tpu.enqueue_indirect_dma source(%dma_start3A_950 : memref<64x128xf32, #tpu.memory_space<vmem>>) target(%dma_start3A_956 : memref<10240x128xf32, #tpu.memory_space<vmem_shared>>) offsets(%dma_start3A_953 : memref<64xi32, #tpu.memory_space<vmem>>) semaphore(%run_scoped3A_946 : memref<!tpu.dma_semaphore, #tpu.memory_space<semaphore_mem>>) {add = true}
      %dma_wait3A_957 = arith.constant 0 : i32
      %dma_wait3A_958 = arith.constant 0 : i32
      %dma_wait3A_959 = tpu.memref_slice %arg8[%run_scoped3A_884, %dma_wait3A_957, %dma_wait3A_958] : memref<4x64x128xf32, #tpu.memory_space<vmem>> -> memref<1x64x128xf32, #tpu.memory_space<vmem>>
      %dma_wait3A_960 = tpu.memref_squeeze %dma_wait3A_959 : memref<1x64x128xf32, #tpu.memory_space<vmem>> -> memref<64x128xf32, #tpu.memory_space<vmem>>
      %dma_wait3A_961 = arith.constant 0 : i32
      %dma_wait3A_962 = tpu.memref_slice %arg7[%run_scoped3A_885, %run_scoped3A_886, %dma_wait3A_961] : memref<2x32x64xi32, #tpu.memory_space<vmem>> -> memref<1x1x64xi32, #tpu.memory_space<vmem>>
      %dma_wait3A_963 = tpu.memref_squeeze %dma_wait3A_962 : memref<1x1x64xi32, #tpu.memory_space<vmem>> -> memref<64xi32, #tpu.memory_space<vmem>>
      %dma_wait3A_964 = arith.constant 0 : i32
      %dma_wait3A_965 = arith.constant 0 : i32
      %dma_wait3A_966 = tpu.memref_slice %arg9[%dma_wait3A_964, %dma_wait3A_965] : memref<10240x128xf32, #tpu.memory_space<vmem_shared>> -> memref<10240x128xf32, #tpu.memory_space<vmem_shared>>
      tpu.wait_indirect_dma semaphore(%run_scoped3A_946 : memref<!tpu.dma_semaphore, #tpu.memory_space<semaphore_mem>>) src(%dma_wait3A_960 : memref<64x128xf32, #tpu.memory_space<vmem>>) dst(%dma_wait3A_966 : memref<10240x128xf32, #tpu.memory_space<vmem_shared>>)
      tpu.yield
    }) : () -> ()
    %dma_wait3A_887 = arith.constant 1 : i32
    %dma_wait3A_888 = arith.constant 0 : i32
    %dma_wait3A_889 = arith.constant 0 : i32
    %dma_wait3A_890 = tpu.memref_slice %arg8[%dma_wait3A_887, %dma_wait3A_888, %dma_wait3A_889] : memref<4x64x128xf32, #tpu.memory_space<vmem>> -> memref<1x64x128xf32, #tpu.memory_space<vmem>>
    %dma_wait3A_891 = tpu.memref_squeeze %dma_wait3A_890 : memref<1x64x128xf32, #tpu.memory_space<vmem>> -> memref<64x128xf32, #tpu.memory_space<vmem>>
    %dma_wait3A_892 = arith.constant 0 : i32
    %dma_wait3A_893 = arith.constant 0 : i32
    %dma_wait3A_894 = tpu.memref_slice %arg2[%dma_wait3A_892, %dma_wait3A_893] : memref<10240x128xf32, #tpu.memory_space<hbm>> -> memref<64x128xf32, #tpu.memory_space<hbm>>
    %dma_wait3A_895 = arith.constant 0 : i32
    %dma_wait3A_896 = arith.constant 0 : i32
    %dma_wait3A_897 = tpu.memref_slice %arg8[%dma_wait3A_887, %dma_wait3A_895, %dma_wait3A_896] : memref<4x64x128xf32, #tpu.memory_space<vmem>> -> memref<1x64x128xf32, #tpu.memory_space<vmem>>
    %dma_wait3A_898 = tpu.memref_squeeze %dma_wait3A_897 : memref<1x64x128xf32, #tpu.memory_space<vmem>> -> memref<64x128xf32, #tpu.memory_space<vmem>>
    %dma_wait3A_899 = arith.constant 0 : i32
    %dma_wait3A_900 = arith.constant 0 : i32
    %dma_wait3A_901 = tpu.memref_slice %arg2[%dma_wait3A_899, %dma_wait3A_900] : memref<10240x128xf32, #tpu.memory_space<hbm>> -> memref<64x128xf32, #tpu.memory_space<hbm>>
    tpu.wait_dma2 semaphore(%arg11 : memref<!tpu.dma_semaphore, #tpu.memory_space<semaphore_mem>>) src(%dma_wait3A_901 : memref<64x128xf32, #tpu.memory_space<hbm>>) dst(%dma_wait3A_898 : memref<64x128xf32, #tpu.memory_space<vmem>>)
    %run_scoped3A_902 = arith.constant 1 : i32
    %run_scoped3A_903 = arith.constant 0 : i32
    %run_scoped3A_904 = arith.constant 29 : i32
    "tpu.region"() ({
      %run_scoped3A_946 = tpu.sem_alloc : memref<!tpu.dma_semaphore, #tpu.memory_space<semaphore_mem>>
      %dma_start3A_947 = arith.constant 0 : i32
      %dma_start3A_948 = arith.constant 0 : i32
      %dma_start3A_949 = tpu.memref_slice %arg8[%run_scoped3A_902, %dma_start3A_947, %dma_start3A_948] : memref<4x64x128xf32, #tpu.memory_space<vmem>> -> memref<1x64x128xf32, #tpu.memory_space<vmem>>
      %dma_start3A_950 = tpu.memref_squeeze %dma_start3A_949 : memref<1x64x128xf32, #tpu.memory_space<vmem>> -> memref<64x128xf32, #tpu.memory_space<vmem>>
      %dma_start3A_951 = arith.constant 0 : i32
      %dma_start3A_952 = tpu.memref_slice %arg7[%run_scoped3A_903, %run_scoped3A_904, %dma_start3A_951] : memref<2x32x64xi32, #tpu.memory_space<vmem>> -> memref<1x1x64xi32, #tpu.memory_space<vmem>>
      %dma_start3A_953 = tpu.memref_squeeze %dma_start3A_952 : memref<1x1x64xi32, #tpu.memory_space<vmem>> -> memref<64xi32, #tpu.memory_space<vmem>>
      %dma_start3A_954 = arith.constant 0 : i32
      %dma_start3A_955 = arith.constant 0 : i32
      %dma_start3A_956 = tpu.memref_slice %arg9[%dma_start3A_954, %dma_start3A_955] : memref<10240x128xf32, #tpu.memory_space<vmem_shared>> -> memref<10240x128xf32, #tpu.memory_space<vmem_shared>>
      tpu.enqueue_indirect_dma source(%dma_start3A_950 : memref<64x128xf32, #tpu.memory_space<vmem>>) target(%dma_start3A_956 : memref<10240x128xf32, #tpu.memory_space<vmem_shared>>) offsets(%dma_start3A_953 : memref<64xi32, #tpu.memory_space<vmem>>) semaphore(%run_scoped3A_946 : memref<!tpu.dma_semaphore, #tpu.memory_space<semaphore_mem>>) {add = true}
      %dma_wait3A_957 = arith.constant 0 : i32
      %dma_wait3A_958 = arith.constant 0 : i32
      %dma_wait3A_959 = tpu.memref_slice %arg8[%run_scoped3A_902, %dma_wait3A_957, %dma_wait3A_958] : memref<4x64x128xf32, #tpu.memory_space<vmem>> -> memref<1x64x128xf32, #tpu.memory_space<vmem>>
      %dma_wait3A_960 = tpu.memref_squeeze %dma_wait3A_959 : memref<1x64x128xf32, #tpu.memory_space<vmem>> -> memref<64x128xf32, #tpu.memory_space<vmem>>
      %dma_wait3A_961 = arith.constant 0 : i32
      %dma_wait3A_962 = tpu.memref_slice %arg7[%run_scoped3A_903, %run_scoped3A_904, %dma_wait3A_961] : memref<2x32x64xi32, #tpu.memory_space<vmem>> -> memref<1x1x64xi32, #tpu.memory_space<vmem>>
      %dma_wait3A_963 = tpu.memref_squeeze %dma_wait3A_962 : memref<1x1x64xi32, #tpu.memory_space<vmem>> -> memref<64xi32, #tpu.memory_space<vmem>>
      %dma_wait3A_964 = arith.constant 0 : i32
      %dma_wait3A_965 = arith.constant 0 : i32
      %dma_wait3A_966 = tpu.memref_slice %arg9[%dma_wait3A_964, %dma_wait3A_965] : memref<10240x128xf32, #tpu.memory_space<vmem_shared>> -> memref<10240x128xf32, #tpu.memory_space<vmem_shared>>
      tpu.wait_indirect_dma semaphore(%run_scoped3A_946 : memref<!tpu.dma_semaphore, #tpu.memory_space<semaphore_mem>>) src(%dma_wait3A_960 : memref<64x128xf32, #tpu.memory_space<vmem>>) dst(%dma_wait3A_966 : memref<10240x128xf32, #tpu.memory_space<vmem_shared>>)
      tpu.yield
    }) : () -> ()
    %dma_wait3A_905 = arith.constant 2 : i32
    %dma_wait3A_906 = arith.constant 0 : i32
    %dma_wait3A_907 = arith.constant 0 : i32
    %dma_wait3A_908 = tpu.memref_slice %arg8[%dma_wait3A_905, %dma_wait3A_906, %dma_wait3A_907] : memref<4x64x128xf32, #tpu.memory_space<vmem>> -> memref<1x64x128xf32, #tpu.memory_space<vmem>>
    %dma_wait3A_909 = tpu.memref_squeeze %dma_wait3A_908 : memref<1x64x128xf32, #tpu.memory_space<vmem>> -> memref<64x128xf32, #tpu.memory_space<vmem>>
    %dma_wait3A_910 = arith.constant 0 : i32
    %dma_wait3A_911 = arith.constant 0 : i32
    %dma_wait3A_912 = tpu.memref_slice %arg2[%dma_wait3A_910, %dma_wait3A_911] : memref<10240x128xf32, #tpu.memory_space<hbm>> -> memref<64x128xf32, #tpu.memory_space<hbm>>
    %dma_wait3A_913 = arith.constant 0 : i32
    %dma_wait3A_914 = arith.constant 0 : i32
    %dma_wait3A_915 = tpu.memref_slice %arg8[%dma_wait3A_905, %dma_wait3A_913, %dma_wait3A_914] : memref<4x64x128xf32, #tpu.memory_space<vmem>> -> memref<1x64x128xf32, #tpu.memory_space<vmem>>
    %dma_wait3A_916 = tpu.memref_squeeze %dma_wait3A_915 : memref<1x64x128xf32, #tpu.memory_space<vmem>> -> memref<64x128xf32, #tpu.memory_space<vmem>>
    %dma_wait3A_917 = arith.constant 0 : i32
    %dma_wait3A_918 = arith.constant 0 : i32
    %dma_wait3A_919 = tpu.memref_slice %arg2[%dma_wait3A_917, %dma_wait3A_918] : memref<10240x128xf32, #tpu.memory_space<hbm>> -> memref<64x128xf32, #tpu.memory_space<hbm>>
    tpu.wait_dma2 semaphore(%arg12 : memref<!tpu.dma_semaphore, #tpu.memory_space<semaphore_mem>>) src(%dma_wait3A_919 : memref<64x128xf32, #tpu.memory_space<hbm>>) dst(%dma_wait3A_916 : memref<64x128xf32, #tpu.memory_space<vmem>>)
    %run_scoped3A_920 = arith.constant 2 : i32
    %run_scoped3A_921 = arith.constant 0 : i32
    %run_scoped3A_922 = arith.constant 30 : i32
    "tpu.region"() ({
      %run_scoped3A_946 = tpu.sem_alloc : memref<!tpu.dma_semaphore, #tpu.memory_space<semaphore_mem>>
      %dma_start3A_947 = arith.constant 0 : i32
      %dma_start3A_948 = arith.constant 0 : i32
      %dma_start3A_949 = tpu.memref_slice %arg8[%run_scoped3A_920, %dma_start3A_947, %dma_start3A_948] : memref<4x64x128xf32, #tpu.memory_space<vmem>> -> memref<1x64x128xf32, #tpu.memory_space<vmem>>
      %dma_start3A_950 = tpu.memref_squeeze %dma_start3A_949 : memref<1x64x128xf32, #tpu.memory_space<vmem>> -> memref<64x128xf32, #tpu.memory_space<vmem>>
      %dma_start3A_951 = arith.constant 0 : i32
      %dma_start3A_952 = tpu.memref_slice %arg7[%run_scoped3A_921, %run_scoped3A_922, %dma_start3A_951] : memref<2x32x64xi32, #tpu.memory_space<vmem>> -> memref<1x1x64xi32, #tpu.memory_space<vmem>>
      %dma_start3A_953 = tpu.memref_squeeze %dma_start3A_952 : memref<1x1x64xi32, #tpu.memory_space<vmem>> -> memref<64xi32, #tpu.memory_space<vmem>>
      %dma_start3A_954 = arith.constant 0 : i32
      %dma_start3A_955 = arith.constant 0 : i32
      %dma_start3A_956 = tpu.memref_slice %arg9[%dma_start3A_954, %dma_start3A_955] : memref<10240x128xf32, #tpu.memory_space<vmem_shared>> -> memref<10240x128xf32, #tpu.memory_space<vmem_shared>>
      tpu.enqueue_indirect_dma source(%dma_start3A_950 : memref<64x128xf32, #tpu.memory_space<vmem>>) target(%dma_start3A_956 : memref<10240x128xf32, #tpu.memory_space<vmem_shared>>) offsets(%dma_start3A_953 : memref<64xi32, #tpu.memory_space<vmem>>) semaphore(%run_scoped3A_946 : memref<!tpu.dma_semaphore, #tpu.memory_space<semaphore_mem>>) {add = true}
      %dma_wait3A_957 = arith.constant 0 : i32
      %dma_wait3A_958 = arith.constant 0 : i32
      %dma_wait3A_959 = tpu.memref_slice %arg8[%run_scoped3A_920, %dma_wait3A_957, %dma_wait3A_958] : memref<4x64x128xf32, #tpu.memory_space<vmem>> -> memref<1x64x128xf32, #tpu.memory_space<vmem>>
      %dma_wait3A_960 = tpu.memref_squeeze %dma_wait3A_959 : memref<1x64x128xf32, #tpu.memory_space<vmem>> -> memref<64x128xf32, #tpu.memory_space<vmem>>
      %dma_wait3A_961 = arith.constant 0 : i32
      %dma_wait3A_962 = tpu.memref_slice %arg7[%run_scoped3A_921, %run_scoped3A_922, %dma_wait3A_961] : memref<2x32x64xi32, #tpu.memory_space<vmem>> -> memref<1x1x64xi32, #tpu.memory_space<vmem>>
      %dma_wait3A_963 = tpu.memref_squeeze %dma_wait3A_962 : memref<1x1x64xi32, #tpu.memory_space<vmem>> -> memref<64xi32, #tpu.memory_space<vmem>>
      %dma_wait3A_964 = arith.constant 0 : i32
      %dma_wait3A_965 = arith.constant 0 : i32
      %dma_wait3A_966 = tpu.memref_slice %arg9[%dma_wait3A_964, %dma_wait3A_965] : memref<10240x128xf32, #tpu.memory_space<vmem_shared>> -> memref<10240x128xf32, #tpu.memory_space<vmem_shared>>
      tpu.wait_indirect_dma semaphore(%run_scoped3A_946 : memref<!tpu.dma_semaphore, #tpu.memory_space<semaphore_mem>>) src(%dma_wait3A_960 : memref<64x128xf32, #tpu.memory_space<vmem>>) dst(%dma_wait3A_966 : memref<10240x128xf32, #tpu.memory_space<vmem_shared>>)
      tpu.yield
    }) : () -> ()
    %dma_wait3A_923 = arith.constant 3 : i32
    %dma_wait3A_924 = arith.constant 0 : i32
    %dma_wait3A_925 = arith.constant 0 : i32
    %dma_wait3A_926 = tpu.memref_slice %arg8[%dma_wait3A_923, %dma_wait3A_924, %dma_wait3A_925] : memref<4x64x128xf32, #tpu.memory_space<vmem>> -> memref<1x64x128xf32, #tpu.memory_space<vmem>>
    %dma_wait3A_927 = tpu.memref_squeeze %dma_wait3A_926 : memref<1x64x128xf32, #tpu.memory_space<vmem>> -> memref<64x128xf32, #tpu.memory_space<vmem>>
    %dma_wait3A_928 = arith.constant 0 : i32
    %dma_wait3A_929 = arith.constant 0 : i32
    %dma_wait3A_930 = tpu.memref_slice %arg2[%dma_wait3A_928, %dma_wait3A_929] : memref<10240x128xf32, #tpu.memory_space<hbm>> -> memref<64x128xf32, #tpu.memory_space<hbm>>
    %dma_wait3A_931 = arith.constant 0 : i32
    %dma_wait3A_932 = arith.constant 0 : i32
    %dma_wait3A_933 = tpu.memref_slice %arg8[%dma_wait3A_923, %dma_wait3A_931, %dma_wait3A_932] : memref<4x64x128xf32, #tpu.memory_space<vmem>> -> memref<1x64x128xf32, #tpu.memory_space<vmem>>
    %dma_wait3A_934 = tpu.memref_squeeze %dma_wait3A_933 : memref<1x64x128xf32, #tpu.memory_space<vmem>> -> memref<64x128xf32, #tpu.memory_space<vmem>>
    %dma_wait3A_935 = arith.constant 0 : i32
    %dma_wait3A_936 = arith.constant 0 : i32
    %dma_wait3A_937 = tpu.memref_slice %arg2[%dma_wait3A_935, %dma_wait3A_936] : memref<10240x128xf32, #tpu.memory_space<hbm>> -> memref<64x128xf32, #tpu.memory_space<hbm>>
    tpu.wait_dma2 semaphore(%arg13 : memref<!tpu.dma_semaphore, #tpu.memory_space<semaphore_mem>>) src(%dma_wait3A_937 : memref<64x128xf32, #tpu.memory_space<hbm>>) dst(%dma_wait3A_934 : memref<64x128xf32, #tpu.memory_space<vmem>>)
    %run_scoped3A_938 = arith.constant 3 : i32
    %run_scoped3A_939 = arith.constant 0 : i32
    %run_scoped3A_940 = arith.constant 31 : i32
    "tpu.region"() ({
      %run_scoped3A_946 = tpu.sem_alloc : memref<!tpu.dma_semaphore, #tpu.memory_space<semaphore_mem>>
      %dma_start3A_947 = arith.constant 0 : i32
      %dma_start3A_948 = arith.constant 0 : i32
      %dma_start3A_949 = tpu.memref_slice %arg8[%run_scoped3A_938, %dma_start3A_947, %dma_start3A_948] : memref<4x64x128xf32, #tpu.memory_space<vmem>> -> memref<1x64x128xf32, #tpu.memory_space<vmem>>
      %dma_start3A_950 = tpu.memref_squeeze %dma_start3A_949 : memref<1x64x128xf32, #tpu.memory_space<vmem>> -> memref<64x128xf32, #tpu.memory_space<vmem>>
      %dma_start3A_951 = arith.constant 0 : i32
      %dma_start3A_952 = tpu.memref_slice %arg7[%run_scoped3A_939, %run_scoped3A_940, %dma_start3A_951] : memref<2x32x64xi32, #tpu.memory_space<vmem>> -> memref<1x1x64xi32, #tpu.memory_space<vmem>>
      %dma_start3A_953 = tpu.memref_squeeze %dma_start3A_952 : memref<1x1x64xi32, #tpu.memory_space<vmem>> -> memref<64xi32, #tpu.memory_space<vmem>>
      %dma_start3A_954 = arith.constant 0 : i32
      %dma_start3A_955 = arith.constant 0 : i32
      %dma_start3A_956 = tpu.memref_slice %arg9[%dma_start3A_954, %dma_start3A_955] : memref<10240x128xf32, #tpu.memory_space<vmem_shared>> -> memref<10240x128xf32, #tpu.memory_space<vmem_shared>>
      tpu.enqueue_indirect_dma source(%dma_start3A_950 : memref<64x128xf32, #tpu.memory_space<vmem>>) target(%dma_start3A_956 : memref<10240x128xf32, #tpu.memory_space<vmem_shared>>) offsets(%dma_start3A_953 : memref<64xi32, #tpu.memory_space<vmem>>) semaphore(%run_scoped3A_946 : memref<!tpu.dma_semaphore, #tpu.memory_space<semaphore_mem>>) {add = true}
      %dma_wait3A_957 = arith.constant 0 : i32
      %dma_wait3A_958 = arith.constant 0 : i32
      %dma_wait3A_959 = tpu.memref_slice %arg8[%run_scoped3A_938, %dma_wait3A_957, %dma_wait3A_958] : memref<4x64x128xf32, #tpu.memory_space<vmem>> -> memref<1x64x128xf32, #tpu.memory_space<vmem>>
      %dma_wait3A_960 = tpu.memref_squeeze %dma_wait3A_959 : memref<1x64x128xf32, #tpu.memory_space<vmem>> -> memref<64x128xf32, #tpu.memory_space<vmem>>
      %dma_wait3A_961 = arith.constant 0 : i32
      %dma_wait3A_962 = tpu.memref_slice %arg7[%run_scoped3A_939, %run_scoped3A_940, %dma_wait3A_961] : memref<2x32x64xi32, #tpu.memory_space<vmem>> -> memref<1x1x64xi32, #tpu.memory_space<vmem>>
      %dma_wait3A_963 = tpu.memref_squeeze %dma_wait3A_962 : memref<1x1x64xi32, #tpu.memory_space<vmem>> -> memref<64xi32, #tpu.memory_space<vmem>>
      %dma_wait3A_964 = arith.constant 0 : i32
      %dma_wait3A_965 = arith.constant 0 : i32
      %dma_wait3A_966 = tpu.memref_slice %arg9[%dma_wait3A_964, %dma_wait3A_965] : memref<10240x128xf32, #tpu.memory_space<vmem_shared>> -> memref<10240x128xf32, #tpu.memory_space<vmem_shared>>
      tpu.wait_indirect_dma semaphore(%run_scoped3A_946 : memref<!tpu.dma_semaphore, #tpu.memory_space<semaphore_mem>>) src(%dma_wait3A_960 : memref<64x128xf32, #tpu.memory_space<vmem>>) dst(%dma_wait3A_966 : memref<10240x128xf32, #tpu.memory_space<vmem_shared>>)
      tpu.yield
    }) : () -> ()
    %barrier3A_941 = arith.constant 0 : index
    tpu.barrier barrier_id(%barrier3A_941)
    %mul3A_942 = arith.constant 640 : i32
    %mul3A_943 = arith.muli %arg1, %mul3A_942 : i32
    %mul3A_944 = arith.constant 640 : i32
    %mul3A_945 = arith.muli %arg1, %mul3A_944 : i32
    "tpu.region"() ({
      %run_scoped3A_946 = tpu.sem_alloc : memref<!tpu.dma_semaphore, #tpu.memory_space<semaphore_mem>>
      %dma_start3A_947 = arith.constant 0 : i32
      %dma_start3A_948 = tpu.memref_slice %arg5[%arg0, %mul3A_945, %dma_start3A_947] : memref<2x10240x128xf32, #tpu.memory_space<hbm>> -> memref<1x640x128xf32, #tpu.memory_space<hbm>>
      %dma_start3A_949 = tpu.memref_squeeze %dma_start3A_948 : memref<1x640x128xf32, #tpu.memory_space<hbm>> -> memref<640x128xf32, #tpu.memory_space<hbm>>
      %dma_start3A_950 = arith.constant 0 : i32
      %dma_start3A_951 = tpu.memref_slice %arg9[%mul3A_943, %dma_start3A_950] : memref<10240x128xf32, #tpu.memory_space<vmem_shared>> -> memref<640x128xf32, #tpu.memory_space<vmem_shared>>
      tpu.enqueue_dma source(%dma_start3A_951 : memref<640x128xf32, #tpu.memory_space<vmem_shared>>) target(%dma_start3A_949 : memref<640x128xf32, #tpu.memory_space<hbm>>) target_semaphore(%run_scoped3A_946 : memref<!tpu.dma_semaphore, #tpu.memory_space<semaphore_mem>>)
      %dma_wait3A_952 = arith.constant 0 : i32
      %dma_wait3A_953 = tpu.memref_slice %arg5[%arg0, %mul3A_945, %dma_wait3A_952] : memref<2x10240x128xf32, #tpu.memory_space<hbm>> -> memref<1x640x128xf32, #tpu.memory_space<hbm>>
      %dma_wait3A_954 = tpu.memref_squeeze %dma_wait3A_953 : memref<1x640x128xf32, #tpu.memory_space<hbm>> -> memref<640x128xf32, #tpu.memory_space<hbm>>
      %dma_wait3A_955 = arith.constant 0 : i32
      %dma_wait3A_956 = tpu.memref_slice %arg9[%mul3A_943, %dma_wait3A_955] : memref<10240x128xf32, #tpu.memory_space<vmem_shared>> -> memref<640x128xf32, #tpu.memory_space<vmem_shared>>
      tpu.wait_dma2 semaphore(%run_scoped3A_946 : memref<!tpu.dma_semaphore, #tpu.memory_space<semaphore_mem>>) src(%dma_wait3A_956 : memref<640x128xf32, #tpu.memory_space<vmem_shared>>) dst(%dma_wait3A_954 : memref<640x128xf32, #tpu.memory_space<hbm>>)
      tpu.yield
    }) : () -> ()
    return
  }
}

#map = affine_map<(d0, d1) -> (0, 0)>
module attributes {stable_mosaic.version = 14 : i64} {
  func.func @_deg_kernel(%arg0: i32, %arg1: i32, %arg2: memref<2560x128xi32, #tpu.memory_space<hbm>>, %arg3: memref<2x10240xf32, #tpu.memory_space<hbm>>, %arg4: memref<80x128xi32, #tpu.memory_space<vmem>>, %arg5: memref<128xf32, #tpu.memory_space<vmem>>, %arg6: memref<640xf32, #tpu.memory_space<vmem>>, %arg7: memref<10240xf32, #tpu.memory_space<vmem_shared>>) attributes {dimension_semantics = [#tpu.dimension_semantics<core_parallel>, #tpu.dimension_semantics<subcore_parallel>], iteration_bounds = array<i64: 2, 16>, scalar_prefetch = 0 : i64, scratch_operands = 4 : i64, tpu.core_type = #tpu.core_type<sc_vector_subcore>, window_params = [{transform_indices = #map}, {transform_indices = #map}]} {
    %mul3A = arith.constant 16 : i32
    %mul3A_0 = arith.muli %arg0, %mul3A : i32
    %add3A = arith.addi %mul3A_0, %arg1 : i32
    %broadcast_in_dim3A = arith.constant 1.000000e+00 : f32
    %broadcast_in_dim3A_1 = vector.broadcast %broadcast_in_dim3A : f32 to vector<16xf32>
    %swap3A = arith.constant 0 : index
    %swap3A_2 = tpu.vector_load %arg5[%swap3A] {strides = array<i32>} : memref<128xf32, #tpu.memory_space<vmem>>, vector<16xf32>,
    %swap3A_3 = vector.shape_cast %swap3A_2 : vector<16xf32> to vector<16xf32>
    %swap3A_4 = vector.shape_cast %broadcast_in_dim3A_1 : vector<16xf32> to vector<16xf32>
    tpu.vector_store %arg5[%swap3A], %swap3A_4 {strides = array<i32>} : memref<128xf32, #tpu.memory_space<vmem>>, vector<16xf32>,
    %broadcast_in_dim3A_5 = arith.constant 1.000000e+00 : f32
    %broadcast_in_dim3A_6 = vector.broadcast %broadcast_in_dim3A_5 : f32 to vector<16xf32>
    %swap3A_7 = arith.constant 16 : index
    %swap3A_8 = tpu.vector_load %arg5[%swap3A_7] {strides = array<i32>} : memref<128xf32, #tpu.memory_space<vmem>>, vector<16xf32>,
    %swap3A_9 = vector.shape_cast %swap3A_8 : vector<16xf32> to vector<16xf32>
    %swap3A_10 = vector.shape_cast %broadcast_in_dim3A_6 : vector<16xf32> to vector<16xf32>
    tpu.vector_store %arg5[%swap3A_7], %swap3A_10 {strides = array<i32>} : memref<128xf32, #tpu.memory_space<vmem>>, vector<16xf32>,
    %broadcast_in_dim3A_11 = arith.constant 1.000000e+00 : f32
    %broadcast_in_dim3A_12 = vector.broadcast %broadcast_in_dim3A_11 : f32 to vector<16xf32>
    %swap3A_13 = arith.constant 32 : index
    %swap3A_14 = tpu.vector_load %arg5[%swap3A_13] {strides = array<i32>} : memref<128xf32, #tpu.memory_space<vmem>>, vector<16xf32>,
    %swap3A_15 = vector.shape_cast %swap3A_14 : vector<16xf32> to vector<16xf32>
    %swap3A_16 = vector.shape_cast %broadcast_in_dim3A_12 : vector<16xf32> to vector<16xf32>
    tpu.vector_store %arg5[%swap3A_13], %swap3A_16 {strides = array<i32>} : memref<128xf32, #tpu.memory_space<vmem>>, vector<16xf32>,
    %broadcast_in_dim3A_17 = arith.constant 1.000000e+00 : f32
    %broadcast_in_dim3A_18 = vector.broadcast %broadcast_in_dim3A_17 : f32 to vector<16xf32>
    %swap3A_19 = arith.constant 48 : index
    %swap3A_20 = tpu.vector_load %arg5[%swap3A_19] {strides = array<i32>} : memref<128xf32, #tpu.memory_space<vmem>>, vector<16xf32>,
    %swap3A_21 = vector.shape_cast %swap3A_20 : vector<16xf32> to vector<16xf32>
    %swap3A_22 = vector.shape_cast %broadcast_in_dim3A_18 : vector<16xf32> to vector<16xf32>
    tpu.vector_store %arg5[%swap3A_19], %swap3A_22 {strides = array<i32>} : memref<128xf32, #tpu.memory_space<vmem>>, vector<16xf32>,
    %broadcast_in_dim3A_23 = arith.constant 1.000000e+00 : f32
    %broadcast_in_dim3A_24 = vector.broadcast %broadcast_in_dim3A_23 : f32 to vector<16xf32>
    %swap3A_25 = arith.constant 64 : index
    %swap3A_26 = tpu.vector_load %arg5[%swap3A_25] {strides = array<i32>} : memref<128xf32, #tpu.memory_space<vmem>>, vector<16xf32>,
    %swap3A_27 = vector.shape_cast %swap3A_26 : vector<16xf32> to vector<16xf32>
    %swap3A_28 = vector.shape_cast %broadcast_in_dim3A_24 : vector<16xf32> to vector<16xf32>
    tpu.vector_store %arg5[%swap3A_25], %swap3A_28 {strides = array<i32>} : memref<128xf32, #tpu.memory_space<vmem>>, vector<16xf32>,
    %broadcast_in_dim3A_29 = arith.constant 1.000000e+00 : f32
    %broadcast_in_dim3A_30 = vector.broadcast %broadcast_in_dim3A_29 : f32 to vector<16xf32>
    %swap3A_31 = arith.constant 80 : index
    %swap3A_32 = tpu.vector_load %arg5[%swap3A_31] {strides = array<i32>} : memref<128xf32, #tpu.memory_space<vmem>>, vector<16xf32>,
    %swap3A_33 = vector.shape_cast %swap3A_32 : vector<16xf32> to vector<16xf32>
    %swap3A_34 = vector.shape_cast %broadcast_in_dim3A_30 : vector<16xf32> to vector<16xf32>
    tpu.vector_store %arg5[%swap3A_31], %swap3A_34 {strides = array<i32>} : memref<128xf32, #tpu.memory_space<vmem>>, vector<16xf32>,
    %broadcast_in_dim3A_35 = arith.constant 1.000000e+00 : f32
    %broadcast_in_dim3A_36 = vector.broadcast %broadcast_in_dim3A_35 : f32 to vector<16xf32>
    %swap3A_37 = arith.constant 96 : index
    %swap3A_38 = tpu.vector_load %arg5[%swap3A_37] {strides = array<i32>} : memref<128xf32, #tpu.memory_space<vmem>>, vector<16xf32>,
    %swap3A_39 = vector.shape_cast %swap3A_38 : vector<16xf32> to vector<16xf32>
    %swap3A_40 = vector.shape_cast %broadcast_in_dim3A_36 : vector<16xf32> to vector<16xf32>
    tpu.vector_store %arg5[%swap3A_37], %swap3A_40 {strides = array<i32>} : memref<128xf32, #tpu.memory_space<vmem>>, vector<16xf32>,
    %broadcast_in_dim3A_41 = arith.constant 1.000000e+00 : f32
    %broadcast_in_dim3A_42 = vector.broadcast %broadcast_in_dim3A_41 : f32 to vector<16xf32>
    %swap3A_43 = arith.constant 112 : index
    %swap3A_44 = tpu.vector_load %arg5[%swap3A_43] {strides = array<i32>} : memref<128xf32, #tpu.memory_space<vmem>>, vector<16xf32>,
    %swap3A_45 = vector.shape_cast %swap3A_44 : vector<16xf32> to vector<16xf32>
    %swap3A_46 = vector.shape_cast %broadcast_in_dim3A_42 : vector<16xf32> to vector<16xf32>
    tpu.vector_store %arg5[%swap3A_43], %swap3A_46 {strides = array<i32>} : memref<128xf32, #tpu.memory_space<vmem>>, vector<16xf32>,
    %scan3A = arith.constant 0 : i32
    %scan3A_47 = arith.constant 0 : i32
    %scan3A_48 = arith.constant 40 : i32
    %scan3A_49 = arith.addi %scan3A_47, %scan3A_48 : i32
    %scan3A_50 = arith.constant 1 : i32
    scf.for %scan3A_67 = %scan3A_47 to %scan3A_49 step %scan3A_50  : i32 {
      %broadcast_in_dim3A_68 = arith.constant 0.000000e+00 : f32
      %broadcast_in_dim3A_69 = vector.broadcast %broadcast_in_dim3A_68 : f32 to vector<16xf32>
      %mul3A_70 = arith.constant 16 : i32
      %mul3A_71 = arith.muli %scan3A_67, %mul3A_70 : i32
      %swap3A_72 = arith.index_cast %mul3A_71 : i32 to index
      %swap3A_73 = tpu.vector_load %arg6[%swap3A_72] {strides = array<i32>} : memref<640xf32, #tpu.memory_space<vmem>>, vector<16xf32>,
      %swap3A_74 = vector.shape_cast %swap3A_73 : vector<16xf32> to vector<16xf32>
      %swap3A_75 = vector.shape_cast %broadcast_in_dim3A_69 : vector<16xf32> to vector<16xf32>
      tpu.vector_store %arg6[%swap3A_72], %swap3A_75 {strides = array<i32>} : memref<640xf32, #tpu.memory_space<vmem>>, vector<16xf32>,
    }
    %scan3A_51 = arith.constant 40 : i32
    %mul3A_52 = arith.constant 640 : i32
    %mul3A_53 = arith.muli %arg1, %mul3A_52 : i32
    "tpu.region"() ({
      %run_scoped3A = tpu.sem_alloc : memref<!tpu.dma_semaphore, #tpu.memory_space<semaphore_mem>>
      %dma_start3A = tpu.memref_slice %arg7[%mul3A_53] : memref<10240xf32, #tpu.memory_space<vmem_shared>> -> memref<640xf32, #tpu.memory_space<vmem_shared>>
      %dma_start3A_67 = tpu.memref_slice %arg7[%mul3A_53] : memref<10240xf32, #tpu.memory_space<vmem_shared>> -> memref<640xf32, #tpu.memory_space<vmem_shared>>
      tpu.enqueue_dma source(%arg6 : memref<640xf32, #tpu.memory_space<vmem>>) target(%dma_start3A_67 : memref<640xf32, #tpu.memory_space<vmem_shared>>) target_semaphore(%run_scoped3A : memref<!tpu.dma_semaphore, #tpu.memory_space<semaphore_mem>>)
      %dma_wait3A = tpu.memref_slice %arg7[%mul3A_53] : memref<10240xf32, #tpu.memory_space<vmem_shared>> -> memref<640xf32, #tpu.memory_space<vmem_shared>>
      %dma_wait3A_68 = tpu.memref_slice %arg7[%mul3A_53] : memref<10240xf32, #tpu.memory_space<vmem_shared>> -> memref<640xf32, #tpu.memory_space<vmem_shared>>
      tpu.wait_dma2 semaphore(%run_scoped3A : memref<!tpu.dma_semaphore, #tpu.memory_space<semaphore_mem>>) src(%arg6 : memref<640xf32, #tpu.memory_space<vmem>>) dst(%dma_wait3A_68 : memref<640xf32, #tpu.memory_space<vmem_shared>>)
      tpu.yield
    }) : () -> ()
    %mul3A_54 = arith.constant 80 : i32
    %mul3A_55 = arith.muli %add3A, %mul3A_54 : i32
    "tpu.region"() ({
      %run_scoped3A = tpu.sem_alloc : memref<!tpu.dma_semaphore, #tpu.memory_space<semaphore_mem>>
      %dma_start3A = arith.constant 0 : i32
      %dma_start3A_67 = tpu.memref_slice %arg2[%mul3A_55, %dma_start3A] : memref<2560x128xi32, #tpu.memory_space<hbm>> -> memref<80x128xi32, #tpu.memory_space<hbm>>
      %dma_start3A_68 = arith.constant 0 : i32
      %dma_start3A_69 = tpu.memref_slice %arg2[%mul3A_55, %dma_start3A_68] : memref<2560x128xi32, #tpu.memory_space<hbm>> -> memref<80x128xi32, #tpu.memory_space<hbm>>
      tpu.enqueue_dma source(%dma_start3A_69 : memref<80x128xi32, #tpu.memory_space<hbm>>) target(%arg4 : memref<80x128xi32, #tpu.memory_space<vmem>>) target_semaphore(%run_scoped3A : memref<!tpu.dma_semaphore, #tpu.memory_space<semaphore_mem>>)
      %dma_wait3A = arith.constant 0 : i32
      %dma_wait3A_70 = tpu.memref_slice %arg2[%mul3A_55, %dma_wait3A] : memref<2560x128xi32, #tpu.memory_space<hbm>> -> memref<80x128xi32, #tpu.memory_space<hbm>>
      %dma_wait3A_71 = arith.constant 0 : i32
      %dma_wait3A_72 = tpu.memref_slice %arg2[%mul3A_55, %dma_wait3A_71] : memref<2560x128xi32, #tpu.memory_space<hbm>> -> memref<80x128xi32, #tpu.memory_space<hbm>>
      tpu.wait_dma2 semaphore(%run_scoped3A : memref<!tpu.dma_semaphore, #tpu.memory_space<semaphore_mem>>) src(%dma_wait3A_72 : memref<80x128xi32, #tpu.memory_space<hbm>>) dst(%arg4 : memref<80x128xi32, #tpu.memory_space<vmem>>)
      tpu.yield
    }) : () -> ()
    %barrier3A = arith.constant 0 : index
    tpu.barrier barrier_id(%barrier3A)
    %scan3A_56 = arith.constant 0 : i32
    %scan3A_57 = arith.constant 0 : i32
    %scan3A_58 = arith.constant 80 : i32
    %scan3A_59 = arith.addi %scan3A_57, %scan3A_58 : i32
    %scan3A_60 = arith.constant 1 : i32
    scf.for %scan3A_67 = %scan3A_57 to %scan3A_59 step %scan3A_60  : i32 {
      "tpu.region"() ({
        %run_scoped3A = tpu.sem_alloc : memref<!tpu.dma_semaphore, #tpu.memory_space<semaphore_mem>>
        %dma_start3A = arith.constant 0 : i32
        %dma_start3A_68 = tpu.memref_slice %arg4[%scan3A_67, %dma_start3A] : memref<80x128xi32, #tpu.memory_space<vmem>> -> memref<1x128xi32, #tpu.memory_space<vmem>>
        %dma_start3A_69 = tpu.memref_squeeze %dma_start3A_68 : memref<1x128xi32, #tpu.memory_space<vmem>> -> memref<128xi32, #tpu.memory_space<vmem>>
        %dma_start3A_70 = arith.constant 0 : i32
        %dma_start3A_71 = tpu.memref_slice %arg7[%dma_start3A_70] : memref<10240xf32, #tpu.memory_space<vmem_shared>> -> memref<10240xf32, #tpu.memory_space<vmem_shared>>
        tpu.enqueue_indirect_dma source(%arg5 : memref<128xf32, #tpu.memory_space<vmem>>) target(%dma_start3A_71 : memref<10240xf32, #tpu.memory_space<vmem_shared>>) offsets(%dma_start3A_69 : memref<128xi32, #tpu.memory_space<vmem>>) semaphore(%run_scoped3A : memref<!tpu.dma_semaphore, #tpu.memory_space<semaphore_mem>>) {add = true}
        %dma_wait3A = arith.constant 0 : i32
        %dma_wait3A_72 = tpu.memref_slice %arg4[%scan3A_67, %dma_wait3A] : memref<80x128xi32, #tpu.memory_space<vmem>> -> memref<1x128xi32, #tpu.memory_space<vmem>>
        %dma_wait3A_73 = tpu.memref_squeeze %dma_wait3A_72 : memref<1x128xi32, #tpu.memory_space<vmem>> -> memref<128xi32, #tpu.memory_space<vmem>>
        %dma_wait3A_74 = arith.constant 0 : i32
        %dma_wait3A_75 = tpu.memref_slice %arg7[%dma_wait3A_74] : memref<10240xf32, #tpu.memory_space<vmem_shared>> -> memref<10240xf32, #tpu.memory_space<vmem_shared>>
        tpu.wait_indirect_dma semaphore(%run_scoped3A : memref<!tpu.dma_semaphore, #tpu.memory_space<semaphore_mem>>) src(%arg5 : memref<128xf32, #tpu.memory_space<vmem>>) dst(%dma_wait3A_75 : memref<10240xf32, #tpu.memory_space<vmem_shared>>)
        tpu.yield
      }) : () -> ()
    }
    %scan3A_61 = arith.constant 80 : i32
    %barrier3A_62 = arith.constant 0 : index
    tpu.barrier barrier_id(%barrier3A_62)
    %mul3A_63 = arith.constant 640 : i32
    %mul3A_64 = arith.muli %arg1, %mul3A_63 : i32
    %mul3A_65 = arith.constant 640 : i32
    %mul3A_66 = arith.muli %arg1, %mul3A_65 : i32
    "tpu.region"() ({
      %run_scoped3A = tpu.sem_alloc : memref<!tpu.dma_semaphore, #tpu.memory_space<semaphore_mem>>
      %dma_start3A = tpu.memref_slice %arg3[%arg0, %mul3A_66] : memref<2x10240xf32, #tpu.memory_space<hbm>> -> memref<1x640xf32, #tpu.memory_space<hbm>>
      %dma_start3A_67 = tpu.memref_squeeze %dma_start3A : memref<1x640xf32, #tpu.memory_space<hbm>> -> memref<640xf32, #tpu.memory_space<hbm>>
      %dma_start3A_68 = tpu.memref_slice %arg7[%mul3A_64] : memref<10240xf32, #tpu.memory_space<vmem_shared>> -> memref<640xf32, #tpu.memory_space<vmem_shared>>
      tpu.enqueue_dma source(%dma_start3A_68 : memref<640xf32, #tpu.memory_space<vmem_shared>>) target(%dma_start3A_67 : memref<640xf32, #tpu.memory_space<hbm>>) target_semaphore(%run_scoped3A : memref<!tpu.dma_semaphore, #tpu.memory_space<semaphore_mem>>)
      %dma_wait3A = tpu.memref_slice %arg3[%arg0, %mul3A_66] : memref<2x10240xf32, #tpu.memory_space<hbm>> -> memref<1x640xf32, #tpu.memory_space<hbm>>
      %dma_wait3A_69 = tpu.memref_squeeze %dma_wait3A : memref<1x640xf32, #tpu.memory_space<hbm>> -> memref<640xf32, #tpu.memory_space<hbm>>
      %dma_wait3A_70 = tpu.memref_slice %arg7[%mul3A_64] : memref<10240xf32, #tpu.memory_space<vmem_shared>> -> memref<640xf32, #tpu.memory_space<vmem_shared>>
      tpu.wait_dma2 semaphore(%run_scoped3A : memref<!tpu.dma_semaphore, #tpu.memory_space<semaphore_mem>>) src(%dma_wait3A_70 : memref<640xf32, #tpu.memory_space<vmem_shared>>) dst(%dma_wait3A_69 : memref<640xf32, #tpu.memory_space<hbm>>)
      tpu.yield
    }) : () -> ()
    return
  }
}

module attributes {stable_mosaic.version = 14 : i64} {
  func.func @_scale_body(%arg0: i32, %arg1: memref<2x1280xf32, #tpu.memory_space<vmem>>, %arg2: memref<1280x128xf32, #tpu.memory_space<vmem>>, %arg3: memref<1280x1xf32, #tpu.memory_space<vmem>>, %arg4: memref<1280x128xf32, #tpu.memory_space<vmem>>) attributes {dimension_semantics = [#tpu.dimension_semantics<arbitrary>], iteration_bounds = array<i64: 8>, scalar_prefetch = 0 : i64, scratch_operands = 0 : i64, tpu.core_type = #tpu.core_type<tc>, window_params = [{transform_indices = @transform_0, window_bounds = array<i64: 2, 1280>}, {transform_indices = @transform_1, window_bounds = array<i64: 1280, 128>}, {transform_indices = @transform_2, window_bounds = array<i64: 1280, 1>}, {transform_indices = @transform_3, window_bounds = array<i64: 1280, 128>}]} {
    %get3A = arith.constant 0 : index
    %get3A_0 = arith.constant 0 : index
    %get3A_1 = vector.load %arg1[%get3A, %get3A_0] : memref<2x1280xf32, #tpu.memory_space<vmem>>, vector<1x1280xf32>
    %get3A_2 = vector.shape_cast %get3A_1 : vector<1x1280xf32> to vector<1280xf32>
    %get3A_3 = arith.constant 1 : index
    %get3A_4 = arith.constant 0 : index
    %get3A_5 = vector.load %arg1[%get3A_3, %get3A_4] : memref<2x1280xf32, #tpu.memory_space<vmem>>, vector<1x1280xf32>
    %get3A_6 = vector.shape_cast %get3A_5 : vector<1x1280xf32> to vector<1280xf32>
    %add3A = arith.addf %get3A_2, %get3A_6 : vector<1280xf32>
    %add3A_7 = arith.constant 1.000000e+00 : f32
    %add3A_8 = vector.broadcast %add3A_7 : f32 to vector<1280xf32>
    %add3A_9 = arith.addf %add3A, %add3A_8 : vector<1280xf32>
    %rsqrt3A = math.rsqrt %add3A_9 : vector<1280xf32>
    %broadcast_in_dim3A = vector.shape_cast %rsqrt3A : vector<1280xf32> to vector<1280x1xf32>
    %swap3A = arith.constant 0 : index
    %swap3A_10 = arith.constant 0 : index
    %swap3A_11 = vector.load %arg3[%swap3A, %swap3A_10] : memref<1280x1xf32, #tpu.memory_space<vmem>>, vector<1280x1xf32>
    tpu.vector_store %arg3[%swap3A, %swap3A_10], %broadcast_in_dim3A {strides = array<i32>} : memref<1280x1xf32, #tpu.memory_space<vmem>>, vector<1280x1xf32>,
    %get3A_12 = arith.constant 0 : index
    %get3A_13 = arith.constant 0 : index
    %get3A_14 = vector.load %arg2[%get3A_12, %get3A_13] : memref<1280x128xf32, #tpu.memory_space<vmem>>, vector<1280x128xf32>
    %broadcast_in_dim3A_15 = vector.shape_cast %rsqrt3A : vector<1280xf32> to vector<1280x1xf32>
    %mul3A = vector.broadcast %broadcast_in_dim3A_15 : vector<1280x1xf32> to vector<1280x128xf32>
    %mul3A_16 = arith.mulf %get3A_14, %mul3A : vector<1280x128xf32>
    %swap3A_17 = arith.constant 0 : index
    %swap3A_18 = arith.constant 0 : index
    %swap3A_19 = vector.load %arg4[%swap3A_17, %swap3A_18] : memref<1280x128xf32, #tpu.memory_space<vmem>>, vector<1280x128xf32>
    tpu.vector_store %arg4[%swap3A_17, %swap3A_18], %mul3A_16 {strides = array<i32>} : memref<1280x128xf32, #tpu.memory_space<vmem>>, vector<1280x128xf32>,
    return
  }
  func.func @transform_0(%arg0: i32) -> (i32, i32) {
    %c0_i32 = arith.constant 0 : i32
    %c0_i32_0 = arith.constant 0 : i32
    return %c0_i32, %arg0 : i32, i32
  }
  func.func @transform_1(%arg0: i32) -> (i32, i32) {
    %c0_i32 = arith.constant 0 : i32
    %c0_i32_0 = arith.constant 0 : i32
    return %arg0, %c0_i32 : i32, i32
  }
  func.func @transform_2(%arg0: i32) -> (i32, i32) {
    %c0_i32 = arith.constant 0 : i32
    %c0_i32_0 = arith.constant 0 : i32
    return %arg0, %c0_i32 : i32, i32
  }
  func.func @transform_3(%arg0: i32) -> (i32, i32) {
    %c0_i32 = arith.constant 0 : i32
    %c0_i32_0 = arith.constant 0 : i32
    return %arg0, %c0_i32 : i32, i32
  }
}

module attributes {stable_mosaic.version = 14 : i64} {
  func.func @_mm_body(%arg0: i32, %arg1: memref<2x400x128xf32, #tpu.memory_space<vmem>>, %arg2: memref<400x128xf32, #tpu.memory_space<vmem>>, %arg3: memref<400x1xf32, #tpu.memory_space<vmem>>, %arg4: memref<128x512xf32, #tpu.memory_space<vmem>>, %arg5: memref<512xf32, #tpu.memory_space<vmem>>, %arg6: memref<1x1xf32, #tpu.memory_space<vmem>>, %arg7: memref<400x512xf32, #tpu.memory_space<vmem>>) attributes {dimension_semantics = [#tpu.dimension_semantics<arbitrary>], iteration_bounds = array<i64: 25>, scalar_prefetch = 0 : i64, scratch_operands = 0 : i64, tpu.core_type = #tpu.core_type<tc>, window_params = [{transform_indices = @transform_0, window_bounds = array<i64: 2, 400, 128>}, {transform_indices = @transform_1, window_bounds = array<i64: 400, 128>}, {transform_indices = @transform_2, window_bounds = array<i64: 400, 1>}, {pipeline_mode = #tpu.pipeline_mode<synchronous>, transform_indices = @transform_3, window_bounds = array<i64: 128, 512>}, {pipeline_mode = #tpu.pipeline_mode<synchronous>, transform_indices = @transform_4, window_bounds = array<i64: 512>}, {pipeline_mode = #tpu.pipeline_mode<synchronous>, transform_indices = @transform_5, window_bounds = array<i64: 1, 1>}, {transform_indices = @transform_6, window_bounds = array<i64: 400, 512>}]} {
    %get3A = arith.constant 0 : index
    %get3A_0 = arith.constant 0 : index
    %get3A_1 = arith.constant 0 : index
    %get3A_2 = vector.load %arg1[%get3A, %get3A_0, %get3A_1] : memref<2x400x128xf32, #tpu.memory_space<vmem>>, vector<1x400x128xf32>
    %get3A_3 = vector.shape_cast %get3A_2 : vector<1x400x128xf32> to vector<400x128xf32>
    %get3A_4 = arith.constant 1 : index
    %get3A_5 = arith.constant 0 : index
    %get3A_6 = arith.constant 0 : index
    %get3A_7 = vector.load %arg1[%get3A_4, %get3A_5, %get3A_6] : memref<2x400x128xf32, #tpu.memory_space<vmem>>, vector<1x400x128xf32>
    %get3A_8 = vector.shape_cast %get3A_7 : vector<1x400x128xf32> to vector<400x128xf32>
    %add3A = arith.addf %get3A_3, %get3A_8 : vector<400x128xf32>
    %get3A_9 = arith.constant 0 : index
    %get3A_10 = arith.constant 0 : index
    %get3A_11 = vector.load %arg2[%get3A_9, %get3A_10] : memref<400x128xf32, #tpu.memory_space<vmem>>, vector<400x128xf32>
    %add3A_12 = arith.addf %add3A, %get3A_11 : vector<400x128xf32>
    %get3A_13 = arith.constant 0 : index
    %get3A_14 = arith.constant 0 : index
    %get3A_15 = vector.load %arg3[%get3A_13, %get3A_14] : memref<400x1xf32, #tpu.memory_space<vmem>>, vector<400x1xf32>
    %mul3A = vector.broadcast %get3A_15 : vector<400x1xf32> to vector<400x128xf32>
    %mul3A_16 = arith.mulf %add3A_12, %mul3A : vector<400x128xf32>
    %get3A_17 = arith.constant 0 : index
    %get3A_18 = arith.constant 0 : index
    %get3A_19 = vector.load %arg4[%get3A_17, %get3A_18] : memref<128x512xf32, #tpu.memory_space<vmem>>, vector<128x512xf32>
    %dot_general3A = arith.constant dense<0.000000e+00> : vector<400x512xf32>
    %dot_general3A_20 = tpu.matmul %mul3A_16, %get3A_19, %dot_general3A {dimension_numbers = #tpu.dot_dimension_numbers<[1], [0], [0], [1], [0, 0, 1, 1], [], []>, transpose_lhs_hint = false} : vector<400x128xf32>, vector<128x512xf32>, vector<400x512xf32> -> vector<400x512xf32>
    %get3A_21 = arith.constant 0 : index
    %get3A_22 = vector.load %arg5[%get3A_21] : memref<512xf32, #tpu.memory_space<vmem>>, vector<512xf32>
    %broadcast_in_dim3A = vector.shape_cast %get3A_22 : vector<512xf32> to vector<1x512xf32>
    %add3A_23 = vector.broadcast %broadcast_in_dim3A : vector<1x512xf32> to vector<400x512xf32>
    %add3A_24 = arith.addf %dot_general3A_20, %add3A_23 : vector<400x512xf32>
    %get3A_25 = arith.constant 0 : index
    %get3A_26 = arith.constant 0 : index
    %get3A_27 = vector.load %arg6[%get3A_25, %get3A_26] : memref<1x1xf32, #tpu.memory_space<vmem>>, vector<1x1xf32>
    %get3A_28 = vector.extract %get3A_27[0, 0] : f32 from vector<1x1xf32>
    %ge3A = arith.constant 0.000000e+00 : f32
    %ge3A_29 = vector.broadcast %ge3A : f32 to vector<400x512xf32>
    %ge3A_30 = arith.cmpf oge, %add3A_24, %ge3A_29 : vector<400x512xf32>
    %mul3A_31 = vector.broadcast %get3A_28 : f32 to vector<400x512xf32>
    %mul3A_32 = arith.mulf %mul3A_31, %add3A_24 : vector<400x512xf32>
    %select_n3A = arith.select %ge3A_30, %add3A_24, %mul3A_32 : vector<400x512xi1>, vector<400x512xf32>
    %swap3A = arith.constant 0 : index
    %swap3A_33 = arith.constant 0 : index
    %swap3A_34 = vector.load %arg7[%swap3A, %swap3A_33] : memref<400x512xf32, #tpu.memory_space<vmem>>, vector<400x512xf32>
    tpu.vector_store %arg7[%swap3A, %swap3A_33], %select_n3A {strides = array<i32>} : memref<400x512xf32, #tpu.memory_space<vmem>>, vector<400x512xf32>,
    return
  }
  func.func @transform_0(%arg0: i32) -> (i32, i32, i32) {
    %c0_i32 = arith.constant 0 : i32
    %c0_i32_0 = arith.constant 0 : i32
    %c0_i32_1 = arith.constant 0 : i32
    return %c0_i32, %arg0, %c0_i32_0 : i32, i32, i32
  }
  func.func @transform_1(%arg0: i32) -> (i32, i32) {
    %c0_i32 = arith.constant 0 : i32
    %c0_i32_0 = arith.constant 0 : i32
    return %arg0, %c0_i32 : i32, i32
  }
  func.func @transform_2(%arg0: i32) -> (i32, i32) {
    %c0_i32 = arith.constant 0 : i32
    %c0_i32_0 = arith.constant 0 : i32
    return %arg0, %c0_i32 : i32, i32
  }
  func.func @transform_3(%arg0: i32) -> (i32, i32) {
    %c0_i32 = arith.constant 0 : i32
    %c0_i32_0 = arith.constant 0 : i32
    %c0_i32_1 = arith.constant 0 : i32
    return %c0_i32, %c0_i32_0 : i32, i32
  }
  func.func @transform_4(%arg0: i32) -> i32 {
    %c0_i32 = arith.constant 0 : i32
    %c0_i32_0 = arith.constant 0 : i32
    return %c0_i32 : i32
  }
  func.func @transform_5(%arg0: i32) -> (i32, i32) {
    %c0_i32 = arith.constant 0 : i32
    %c0_i32_0 = arith.constant 0 : i32
    %c0_i32_1 = arith.constant 0 : i32
    return %c0_i32, %c0_i32_0 : i32, i32
  }
  func.func @transform_6(%arg0: i32) -> (i32, i32) {
    %c0_i32 = arith.constant 0 : i32
    %c0_i32_0 = arith.constant 0 : i32
    return %arg0, %c0_i32 : i32, i32
  }
}

</mosaic_0001>

<sc_bundles>
// kernel: kernel.6.cloned.1.call-start
scs
__scs_entry_jumppad:
0x0: {  	(pc) =	sbr.rel $0x88, $3  }
0x1: {  	(tag) =	ssettag $0x0;
	lr =	simm.s32 $0x1  }
0x2: {  	[smem:$0x3F9C] =	sst lr;
	_ =	strace $0xD0000000  }
0x3: {  	_ = 	snop  }
0x4: {  	_ = 	snop  }
0x5: {  	_ = 	snop  }
0x6: {  	_ = 	snop  }
0x7: {  	_ = 	snop  }
__scs_overlays_trampoline_lowered:
0x8: {  	[smem:$0x3FAB] =	sst s0  }
0x9: {  	[smem:$0x3FAC] =	sst s1  }
0xa: {  	[smem:$0x3FAD] =	sst s2  }
0xb: {  	[smem:$0x3FAE] =	sst s3  }
0xc: {  	[smem:$0x3FAF] =	sst s4  }
0xd: {  	[smem:$0x3FB0] =	sst s5  }
0xe: {  	[smem:$0x3FB1] =	sst s6  }
0xf: {  	[smem:$0x3FB2] =	sst s7  }
0x10: {  	[smem:$0x3FB3] =	sst s8  }
0x11: {  	[smem:$0x3FB4] =	sst s9;
	s0 =	simm.s32 @!p0 $0x0  }
0x12: {  	s1 =	sld [smem:$0x3F9A];
	s0 =	simm.s32 @p0 $0x1  }
0x13: {  	[smem:$0x3FB5] =	sst s0;
	s0 =	simm.s32 @!p1 $0x0  }
0x14: {  	s2 =	sld [smem:$0x3F99];
	s0 =	simm.s32 @p1 $0x1  }
0x15: {  	[smem:$0x3FB6] =	sst s0;
	s0 =	simm.s32 @!p2 $0x0  }
0x16: {  	s3 =	sld [smem:$0x3FDB];
	s0 =	simm.s32 @p2 $0x1  }
0x17: {  	s4 =	simm.s32 $0x1BF5;
	[smem:$0x3FB8] =	sst s0  }
0x18: {  	s0 =	sld [smem:$0x3F9B];
	_ =	swait.ge [sflag:s4], $0x0  }
0x19: {  	s7 =	sld [smem:$0x3F9C]  }
0x1a: {  	s8 =	sadd.s32 $0xFFFFE003, lr  }
0x1b: {  	s9 =	sadd.s32 $0xFFFFFEF7, lr;
	s5 =	simm.s32 $0xFFFFFFFF;
	p2 =	slt.u32 s8, $0xFFFFF086  }
0x1c: {  	p1 =	slt.u32 s9, $0xF7A;
	s5 =	simm.s32 @!p2 $0x0  }
0x1d: {  	s5 =	simm.s32 @p1 $0x1;
	p0 =	seq.s32 s7, s2  }
0x1e: {  	s7 =	smul.u32 @!p0 $0xF7A, s2;
	p2 =	seq.s32 @!p0 s5, $0x0  }
0x1f: {  	s9 =	smul.u32 $0xF7A, s1;
	s8 =	simm.s32 @!p0 $0x1BF5;
	p2 =	por !p2, p0  }
0x20: {  	[sflag:s8] =	ssyncset.s32 @!p0 $0xFFFFF086;
	s6 =	sadd.s32 @!p0 s3, s7;
	s7 =	simm.s32 @!p0 $0x108  }
0x21: {  	s3 =	sadd.s32 s3, s9;
	s6 =	sadd.s32 @!p0 $0x88, s6;
	s7 =	simm.s32 @p2 $0x1082  }
0x22: {  	[simem:s7], [sflag:s8] =	dma.local @!p0 [hbm:s6], $0xF7A  }
0x23: {  	s9 =	sor.u32 $0xD0000000, s2;
	s6 =	simm.s32 $0x108;
	_ =	swait.ge @!p0 [sflag:s8], $0x0  }
0x24: {  	s3 =	sadd.s32 $0x88, s3;
	s6 =	simm.s32 @!p1 $0x1082;
	[sflag:s4] =	ssyncset.s32 $0xFFFFF086  }
0x25: {  	[simem:s6], [sflag:s4] =	dma.local [hbm:s3], $0xF7A  }
0x26: {  	[smem:$0x3F9C] =	sst s1;
	(tag) =	ssettag s2;
	_ =	strace s9  }
0x27: {  	s1 =	sld [smem:$0x3FAC]  }
0x28: {  	s2 =	sld [smem:$0x3FAD]  }
0x29: {  	s4 =	sld [smem:$0x3FAF]  }
0x2a: {  	p0 =	seq.s32 s5, $0x0;
	s5 =	sld [smem:$0x3FB0]  }
0x2b: {  	s6 =	sld [smem:$0x3FB1]  }
0x2c: {  	s7 =	sld [smem:$0x3FB2]  }
0x2d: {  	s3 =	simm.s32 $0x108;
	s8 =	sld [smem:$0x3FB3]  }
0x2e: {  	s3 =	simm.s32 @!p0 $0x1082;
	s9 =	sld [smem:$0x3FB4]  }
0x2f: {  	lr =	sadd.s32 s0, s3;
	s0 =	sld [smem:$0x3FAB]  }
0x30: {  	s3 =	sld [smem:$0x3FAE]  }
0x31: {  	[smem:$0x3FB7] =	sst s10  }
0x32: {  	s10 =	sld [smem:$0x3FB5];
	_ =	sdelay $0x3  }
0x33: {  	p0 =	seq.s32 s10, $0x1;
	s10 =	sld [smem:$0x3FB7];
	_ =	sdelay $0x3  }
0x34: {  	[smem:$0x3FB7] =	sst s10  }
0x35: {  	s10 =	sld [smem:$0x3FB6];
	_ =	sdelay $0x3  }
0x36: {  	p1 =	seq.s32 s10, $0x1;
	s10 =	sld [smem:$0x3FB7];
	_ =	sdelay $0x3  }
0x37: {  	[smem:$0x3FB7] =	sst s10  }
0x38: {  	s10 =	sld [smem:$0x3FB8]  }
0x39: {  	_ = 	snop;
	(pc) =	sbr.ind lr, $3  }
0x3a: {  	_ = 	snop  }
0x3b: {  	_ = 	snop  }
0x3c: {  	p2 =	seq.s32 s10, $0x1;
	s10 =	sld [smem:$0x3FB7]  }
0x3d: {  	_ =	shalt  }
0x3e: {  	_ =	shalt  }
0x3f: {  	_ =	shalt  }
0x40: {  	_ =	shalt  }
0x41: {  	_ =	shalt  }
0x42: {  	_ =	shalt  }
0x43: {  	_ =	shalt  }
0x44: {  	_ =	shalt  }
0x45: {  	_ =	shalt  }
0x46: {  	_ =	shalt  }
0x47: {  	_ =	shalt  }
0x48: {  	_ =	shalt  }
0x49: {  	_ =	shalt  }
0x4a: {  	_ =	shalt  }
0x4b: {  	_ =	shalt  }
0x4c: {  	_ =	shalt  }
0x4d: {  	_ =	shalt  }
0x4e: {  	_ =	shalt  }
0x4f: {  	_ =	shalt  }
0x50: {  	_ =	shalt  }
0x51: {  	_ =	shalt  }
0x52: {  	_ =	shalt  }
0x53: {  	_ =	shalt  }
0x54: {  	_ =	shalt  }
0x55: {  	_ =	shalt  }
0x56: {  	_ =	shalt  }
0x57: {  	_ =	shalt  }
0x58: {  	_ =	shalt  }
0x59: {  	_ =	shalt  }
0x5a: {  	_ =	shalt  }
0x5b: {  	_ =	shalt  }
0x5c: {  	_ =	shalt  }
0x5d: {  	_ =	shalt  }
0x5e: {  	_ =	shalt  }
0x5f: {  	_ =	shalt  }
0x60: {  	_ =	shalt  }
0x61: {  	_ =	shalt  }
0x62: {  	_ =	shalt  }
0x63: {  	_ =	shalt  }
0x64: {  	_ =	shalt  }
0x65: {  	_ =	shalt  }
0x66: {  	_ =	shalt  }
0x67: {  	_ =	shalt  }
0x68: {  	_ =	shalt  }
0x69: {  	_ =	shalt  }
0x6a: {  	_ =	shalt  }
0x6b: {  	_ =	shalt  }
0x6c: {  	_ =	shalt  }
0x6d: {  	_ =	shalt  }
0x6e: {  	_ =	shalt  }
0x6f: {  	_ =	shalt  }
0x70: {  	_ =	shalt  }
0x71: {  	_ =	shalt  }
0x72: {  	_ =	shalt  }
0x73: {  	_ =	shalt  }
0x74: {  	_ =	shalt  }
0x75: {  	_ =	shalt  }
0x76: {  	_ =	shalt  }
0x77: {  	_ =	shalt  }
0x78: {  	_ =	shalt  }
0x79: {  	_ =	shalt  }
0x7a: {  	_ =	shalt  }
0x7b: {  	_ =	shalt  }
0x7c: {  	_ =	shalt  }
0x7d: {  	_ =	shalt  }
0x7e: {  	_ =	shalt  }
0x7f: {  	_ =	shalt  }
0x80: {  	_ =	shalt  }
0x81: {  	_ =	shalt  }
0x82: {  	_ =	shalt  }
0x83: {  	_ =	shalt  }
0x84: {  	_ =	shalt  }
0x85: {  	_ =	shalt  }
0x86: {  	_ =	shalt  }
0x87: {  	_ =	shalt  }
.Lfunc_end0:
.L_simem_size_0:
called_computation_lowered:
.L_overlay_start_0:
0x88: {  	s2 =	sld [smem:$0x3FD9]  }
0x89: {  	s3 =	sld [smem:$0x3FFE];
	_ =	sdelay $0x1  }
0x8a: {  	s1 =	srdreg.scid  }
0x8b: {  	s0 =	sand.u32 $0x1, s1  }
0x8c: {  	s17 =	sshll.u32 s0, $0xA;
	s2 =	sadd.s32 s3, s2  }
0x8d: {  	s2 =	sadd.s32 s2, s17  }
0x8e: {  	[smem:$0x3FC3] =	sst s2  }
0x8f: {  	_ = 	snop  }
0x90: {  	s2 =	sld [smem:$0x3FD0];
	(tm) =	ssettm $0x1  }
0x91: {  	s18 =	sld [smem:$0x3FFB];
	_ =	sdelay $0x3  }
0x92: {  	_ =	strace s18  }
0x93: {  	s3 =	sld [smem:$0x3FFC];
	_ =	sdelay $0x3  }
0x94: {  	_ =	strace s3  }
0x95: {  	s3 =	sld [smem:$0x3FFD];
	_ =	sdelay $0x3  }
0x96: {  	_ =	strace s3  }
0x97: {  	_ =	strace $0x8FFFFFFF  }
0x98: {  	s19 =	sld [smem:$0x3FDB];
	_ =	sdelay $0x1  }
0x99: {  	s4 =	simm.s32 $_scs_section_size  }
0x9a: {  	s5 =	simm.s32 $_size__tile_overlayer_lowered;
	s6 =	simm.s32 $_tile_overlayer_lowered  }
0x9b: {  	s22 =	simm.s32 $0x1BFF;
	s21 =	sshll.u32 s6, $0x1;
	s3 =	sadd.s32 s4, s19  }
0x9c: {  	s7 =	simm.s32 $0x0;
	s20 =	sshll.u32 s5, $0x1;
	s5 =	sadd.s32 s21, s3  }
0x9d: {  	[timem:s7], [sflag:s22] =	dma.local [hbm:s5], s20  }
0x9e: {  	_ =	swait.ge [sflag:s22], s20  }
0x9f: {  	s4 =	ssub.s32 $0x0, s20;
	[sflag:s22] =	ssyncset.done $0x0  }
0xa0: {  	[sflag:s22] =	ssyncadd.s32 s4;
	_ =	sdelay $0x1  }
0xa1: {  	s23 =	simm.s32 $0x1B8B  }
0xa2: {  	_ =	swait.ge [sflag:s23], $0x1  }
0xa3: {  	[sflag:s23] =	ssyncset.done $0x0  }
0xa4: {  	s25 =	simm.s32 $0x1B8E;
	s24 =	sld [smem:$0x3FFE];
	[sflag:s23] =	ssyncadd.s32 $0xFFFFFFFF  }
0xa5: {  	s26 =	simm.s32 $execute0_lowered;
	[smem:$0x3FD2] =	sst s25  }
0xa6: {  	s5 =	sshll.u32 s26, $0x1;
	_ =	strace $0x80000046;
	[dreg:$0x1] =	wrdreg $0xFFFFFFFF  }
0xa7: {  	s28 =	simm.s32 $_size_execute0_lowered;
	s3 =	sadd.s32 s3, s5;
	[dreg:$0x0] =	wrdreg $0x0  }
0xa8: {  	s5 =	sshll.u32 s28, $0x1;
	[dreg:$0x2] =	wrdreg s3  }
0xa9: {  	[dreg:$0x3] =	wrdreg s5  }
0xaa: {  	[dreg:$0x4] =	wrdreg $0xC0  }
0xab: {  	_ =	task [dreg:s7], $0x5FFFF  }
0xac: {  	[dreg:$0x1] =	wrdreg $0xFFFFFFFF  }
0xad: {  	[dreg:$0x0] =	wrdreg $0x60  }
0xae: {  	[dreg:$0x2] =	wrdreg s2  }
0xaf: {  	[dreg:$0x3] =	wrdreg s24  }
0xb0: {  	[dreg:$0x4] =	wrdreg $0x2B000  }
0xb1: {  	[dreg:$0x5] =	wrdreg $0x9  }
0xb2: {  	_ =	task.clear_ibuf [dreg:s7], $0x6FFFF;
	_ =	strace $0x90000046  }
0xb3: {  	s29 =	simm.s32 $0x9;
	_ =	strace $0x80000048  }
0xb4: {  	_ =	swait.ge [sflag:s29], $0x1  }
0xb5: {  	[sflag:s29] =	ssyncadd.s32 $0xFFFFFFFF  }
0xb6: {  	_ =	strace $0x90000048  }
0xb7: {  	_ =	sfence  }
0xb8: {  	s30 =	sld [smem:$0x0];
	_ =	sdelay $0x2  }
0xb9: {  	s31 =	sshll.u32 s1, $0xD;
	s1 =	sshrl.u32 s1, $0x2  }
0xba: {  	s3 =	sand.u32 $0x4000, s31;
	s1 =	sadd.s32 s1, s30  }
0xbb: {  	s0 =	sor.u32 s3, s0;
	s1 =	sshll.u32 s1, $0x11  }
0xbc: {  	s0 =	sor.u32 s1, s0  }
0xbd: {  	s0 =	sadd.s32 $0x8F2B, s0  }
0xbe: {  	[sflag:s0] =	ssyncadd.remote.s32 $0x1  }
0xbf: {  	_ =	sfence.sel $0xFFFF  }
0xc0: {  	[dreg:$0x0] =	wrdreg $0xFFFFFFFF;
	(pc) =	sbr.abs _section_cstart, $3  }
0xc1: {  	[dreg:$0x1] =	wrdreg $0xFFFFFFFF  }
0xc2: {  	_ =	task.clear_ibuf [dreg:s7], $0x2FFFF;
	_ =	strace $0x9FFFFFFF  }
0xc3: {  	(tm) =	ssettm $0x7FFFFFFF  }
tec
execute0_lowered:
.L_overlay_start_1:
0x0: {  	(tag) =	ssettag $0x1  }
0x1: {  	s5 =	rddreg [dreg:$0x0]  }
0x2: {  	s4 =	rddreg [dreg:$0x1]  }
0x3: {  	s2 =	rddreg [dreg:$0x2]  }
0x4: {  	s0 =	rddreg [dreg:$0x3]  }
0x5: {  	s3 =	simm.s32 $0x0;
	s6 =	srdreg.scid;
	s1 =	stileid.u32  }
0x6: {  	s11 =	simm.s32 $0x2800;
	s14 =	simm.s32 $0x20;
	s15 =	simm.s32 $0x10  }
0x7: {  	s16 =	simm.s32 $0x0;
	[smem:$0x7FF] =	sst s3;
	s7 =	smul.u32 $0x500, s1  }
0x8: {  	s6 =	sand.u32 $0x1, s6;
	s30 =	smul.u32 $0xA00, s1;
	s12 =	sshll.u32 s1, $0x6  }
0x9: {  	_ =	strace $0x80000047;
	s8 =	sshll.u32 s6, $0x7;
	s9 =	sshll.u32 s6, $0x4  }
0xa: {  	s6 =	ssub.s32 $0x2, s6;
	s12 =	sor.u32 $0x1C01, s12;
	s7 =	sor.u32 s8, s7  }
0xb: {  	s29 =	sor.u32 s1, s9;
	s31 =	sshrl.u32 s6, $0x1;
	s9 =	sshrl.u32 s30, $0x2  }
0xc: {  	s7 =	sshrl.u32 s7, $0x3;
	s8 =	smul.u32 $0x500, s29;
	s10 =	ssub.s32 s6, s31  }
0xd: {  	s7 =	sadd.s32 s7, s4;
	s4 =	sadd.s32 s9, s2;
	s9 =	simm.s32 $0x1  }
0xe: {  	s5 =	sadd.s32 s5, s8;
	s6 =	sadd.s32 $0x2000, s7;
	s7 =	smax.u32 s10, $0x1  }
0xf: {  	v0 =	vimm.f32 $1.000000000e+00;
	v1 =	vimm.f32 $0.0e+00;
	s8 =	simm.s32 $0x2880;
	s10 =	simm.s32 $0x80;
	s13 =	sshrl.u32 s4, $0x3  }
.LBB2_1:
0x10: {  	[tilespmem:$0x2800] =	vst v0  }
0x11: {  	[tilespmem:$0x2810] =	vst v0  }
0x12: {  	[tilespmem:$0x2820] =	vst v0  }
0x13: {  	[tilespmem:$0x2830] =	vst v0  }
0x14: {  	[tilespmem:$0x2840] =	vst v0  }
0x15: {  	[tilespmem:$0x2850] =	vst v0  }
0x16: {  	[tilespmem:$0x2860] =	vst v0  }
0x17: {  	[tilespmem:$0x2870] =	vst v0  }
0x18: {  	[tilespmem:$0x2880] =	vst v1  }
0x19: {  	[tilespmem:$0x2890] =	vst v1  }
0x1a: {  	[tilespmem:$0x28A0] =	vst v1  }
0x1b: {  	[tilespmem:$0x28B0] =	vst v1  }
0x1c: {  	[tilespmem:$0x28C0] =	vst v1  }
0x1d: {  	[tilespmem:$0x28D0] =	vst v1  }
0x1e: {  	[tilespmem:$0x28E0] =	vst v1  }
0x1f: {  	[tilespmem:$0x28F0] =	vst v1  }
0x20: {  	[tilespmem:$0x2900] =	vst v1  }
0x21: {  	[tilespmem:$0x2910] =	vst v1  }
0x22: {  	[tilespmem:$0x2920] =	vst v1  }
0x23: {  	[tilespmem:$0x2930] =	vst v1  }
0x24: {  	[tilespmem:$0x2940] =	vst v1  }
0x25: {  	[tilespmem:$0x2950] =	vst v1  }
0x26: {  	[tilespmem:$0x2960] =	vst v1  }
0x27: {  	[tilespmem:$0x2970] =	vst v1  }
0x28: {  	[tilespmem:$0x2980] =	vst v1  }
0x29: {  	[tilespmem:$0x2990] =	vst v1  }
0x2a: {  	[tilespmem:$0x29A0] =	vst v1  }
0x2b: {  	[tilespmem:$0x29B0] =	vst v1  }
0x2c: {  	[tilespmem:$0x29C0] =	vst v1  }
0x2d: {  	[tilespmem:$0x29D0] =	vst v1  }
0x2e: {  	[tilespmem:$0x29E0] =	vst v1  }
0x2f: {  	[tilespmem:$0x29F0] =	vst v1  }
0x30: {  	[tilespmem:$0x2A00] =	vst v1  }
0x31: {  	[tilespmem:$0x2A10] =	vst v1  }
0x32: {  	[tilespmem:$0x2A20] =	vst v1  }
0x33: {  	[tilespmem:$0x2A30] =	vst v1  }
0x34: {  	[tilespmem:$0x2A40] =	vst v1  }
0x35: {  	[tilespmem:$0x2A50] =	vst v1  }
0x36: {  	[tilespmem:$0x2A60] =	vst v1  }
0x37: {  	[tilespmem:$0x2A70] =	vst v1  }
0x38: {  	[tilespmem:$0x2A80] =	vst v1  }
0x39: {  	[tilespmem:$0x2A90] =	vst v1  }
0x3a: {  	[tilespmem:$0x2AA0] =	vst v1  }
0x3b: {  	[tilespmem:$0x2AB0] =	vst v1  }
0x3c: {  	[tilespmem:$0x2AC0] =	vst v1  }
0x3d: {  	[tilespmem:$0x2AD0] =	vst v1  }
0x3e: {  	[tilespmem:$0x2AE0] =	vst v1  }
0x3f: {  	[tilespmem:$0x2AF0] =	vst v1  }
0x40: {  	[spmem:s4] =	stream.linear.scatter [tilespmem:s8], [sflag:$0x1], $0x280, $0x38;
	[tilespmem:$0x2D80] =	vst v63  }
0x41: {  	_ =	swait.ge [sflag:s9], $0x280  }
0x42: {  	[sflag:s9] =	ssyncset.done $0x0  }
0x43: {  	[sflag:s9] =	ssyncadd.s32 $0xFFFFFD80  }
0x44: {  	[tilespmem:s3], [sflag:$0x1] =	stream.linear.gather [hbm4b:s5+s3], $0x2800, $0x38;
	[tilespmem:$0x2D80] =	vst v63  }
0x45: {  	_ =	swait.ge [sflag:s9], $0x2800  }
0x46: {  	[sflag:s9] =	ssyncset.done $0x0  }
0x47: {  	[sflag:s9] =	ssyncadd.s32 $0xFFFFD800  }
0x48: {  	s17 =	simm.s32 $0x0;
	[bflag:$0x0] =	sbarrier.arrive $0xFFFF  }
0x49: {  	[spmem:s2] =	stream.indirect.scatter.add.f32 [tilespmem:s11], [sflag:$0x1], $0x1, s17, s10, $0xb8;
	[tilespmem:$0x2D80] =	vst v63  }
0x4a: {  	_ =	swait.ge [sflag:s9], $0x80  }
0x4b: {  	s17 =	simm.s32 $0x200;
	[sflag:s9] =	ssyncset.done $0x0  }
.LBB2_2:
0x4c: {  	s18 =	sshra.s32 s17, $0x2;
	[sflag:s9] =	ssyncadd.s32 $0xFFFFFF80;
	p0 =	sne.s32 s17, $0x9E00  }
0x4d: {  	[spmem:s2] =	stream.indirect.scatter.add.f32 [tilespmem:s11], [sflag:$0x1], $0x1, s18, s10, $0xb8;
	[tilespmem:$0x2D80] =	vst v63  }
.Ltmp0:
0x4e: {  	_ = 	snop;
	(pc) =	sbr.rel @p0 .LBB2_2-.Ltmp0, $4  }
0x4f: {  	_ = 	snop  }
0x50: {  	s17 =	sadd.s32 $0x200, s17  }
0x51: {  	_ =	swait.ge [sflag:s9], $0x80  }
0x52: {  	[sflag:s9] =	ssyncset.done $0x0  }
0x53: {  	s16 =	sadd.s32 $0x1, s16  }
0x54: {  	[sflag:s9] =	ssyncadd.s32 $0xFFFFFF80;
	p0 =	sne.s32 s16, s7  }
.Ltmp1:
0x55: {  	[bflag:$0x0] =	sbarrier.arrive $0xFFFF;
	(pc) =	sbr.rel @p0 .LBB2_1-.Ltmp1, $4  }
0x56: {  	[hbm:s6@s14], [sflag:s12] =	dma.strided [spmem:s13@s15], $0x50, s9, $0x10   }
0x57: {  	_ =	swait.ge [sflag:s9], $0x50  }
0x58: {  	[sflag:s9] =	ssyncset.done $0x0  }
0x59: {  	[sflag:s9] =	ssyncadd.s32 $0xFFFFFFB0  }
0x5a: {  	_ =	sfence.sel $0x180000  }
0x5b: {  	[bflag:$0x0] =	sbarrier.arrive $0xFFFF  }
0x5c: {  	p0 =	sne.s32 s1, $0x0;
	_ =	strace $0x90000047  }
0x5d: {  	s0 =	sadd.s32 @!p0 $0x100000, s0;
	[bflag:$0x2] =	sbarrier.arrive $0xFFFF  }
0x5e: {  	[sflag:s0] =	ssyncadd.tile.s32 @!p0 $0x1;
	_ =	shalt  }
.Lfunc_end2:
_tile_overlayer_lowered:
.L_overlay_start_2:
0x5f: {  	(tag) =	ssettag $0x2  }
0x60: {  	s0 =	rddreg [dreg:$0x0];
	s2 =	stileid.u32  }
0x61: {  	s1 =	rddreg [dreg:$0x1];
	p0 =	sne.s32 s2, $0x0  }
0x62: {  	s3 =	rddreg [dreg:$0x2];
	[bflag:$0x3] =	sbarrier.arrive $0xFFFF;
	s2 =	simm.s32 @!p0 $0x1C01  }
0x63: {  	[timem:s3], [sflag:s2] =	dma.local @!p0 [hbm:s0], s1  }
0x64: {  	s0 =	simm.s32 @!p0 $0x1  }
0x65: {  	_ =	swait.ge @!p0 [sflag:s0], s1  }
0x66: {  	s1 =	ssub.s32 @!p0 $0x0, s1;
	[sflag:s0] =	ssyncset.done @!p0 $0x0  }
0x67: {  	[sflag:s0] =	ssyncadd.s32 @!p0 s1  }
0x68: {  	[bflag:$0x3] =	sbarrier.arrive $0xFFFF  }
0x69: {  	_ =	shalt  }

// kernel: kernel.9.cloned.1.call-start
scs
__scs_entry_jumppad:
0x0: {  	(pc) =	sbr.rel $0x88, $3  }
0x1: {  	(tag) =	ssettag $0x0;
	lr =	simm.s32 $0x1  }
0x2: {  	[smem:$0x3F9C] =	sst lr;
	_ =	strace $0xD0000000  }
0x3: {  	_ = 	snop  }
0x4: {  	_ = 	snop  }
0x5: {  	_ = 	snop  }
0x6: {  	_ = 	snop  }
0x7: {  	_ = 	snop  }
__scs_overlays_trampoline_lowered:
0x8: {  	[smem:$0x3FAB] =	sst s0  }
0x9: {  	[smem:$0x3FAC] =	sst s1  }
0xa: {  	[smem:$0x3FAD] =	sst s2  }
0xb: {  	[smem:$0x3FAE] =	sst s3  }
0xc: {  	[smem:$0x3FAF] =	sst s4  }
0xd: {  	[smem:$0x3FB0] =	sst s5  }
0xe: {  	[smem:$0x3FB1] =	sst s6  }
0xf: {  	[smem:$0x3FB2] =	sst s7  }
0x10: {  	[smem:$0x3FB3] =	sst s8  }
0x11: {  	[smem:$0x3FB4] =	sst s9;
	s0 =	simm.s32 @!p0 $0x0  }
0x12: {  	s1 =	sld [smem:$0x3F9A];
	s0 =	simm.s32 @p0 $0x1  }
0x13: {  	[smem:$0x3FB5] =	sst s0;
	s0 =	simm.s32 @!p1 $0x0  }
0x14: {  	s2 =	sld [smem:$0x3F99];
	s0 =	simm.s32 @p1 $0x1  }
0x15: {  	[smem:$0x3FB6] =	sst s0;
	s0 =	simm.s32 @!p2 $0x0  }
0x16: {  	s3 =	sld [smem:$0x3FDB];
	s0 =	simm.s32 @p2 $0x1  }
0x17: {  	s4 =	simm.s32 $0x1BF5;
	[smem:$0x3FB8] =	sst s0  }
0x18: {  	s0 =	sld [smem:$0x3F9B];
	_ =	swait.ge [sflag:s4], $0x0  }
0x19: {  	s7 =	sld [smem:$0x3F9C]  }
0x1a: {  	s8 =	sadd.s32 $0xFFFFE003, lr  }
0x1b: {  	s9 =	sadd.s32 $0xFFFFFEF7, lr;
	s5 =	simm.s32 $0xFFFFFFFF;
	p2 =	slt.u32 s8, $0xFFFFF086  }
0x1c: {  	p1 =	slt.u32 s9, $0xF7A;
	s5 =	simm.s32 @!p2 $0x0  }
0x1d: {  	s5 =	simm.s32 @p1 $0x1;
	p0 =	seq.s32 s7, s2  }
0x1e: {  	s7 =	smul.u32 @!p0 $0xF7A, s2;
	p2 =	seq.s32 @!p0 s5, $0x0  }
0x1f: {  	s9 =	smul.u32 $0xF7A, s1;
	s8 =	simm.s32 @!p0 $0x1BF5;
	p2 =	por !p2, p0  }
0x20: {  	[sflag:s8] =	ssyncset.s32 @!p0 $0xFFFFF086;
	s6 =	sadd.s32 @!p0 s3, s7;
	s7 =	simm.s32 @!p0 $0x108  }
0x21: {  	s3 =	sadd.s32 s3, s9;
	s6 =	sadd.s32 @!p0 $0x88, s6;
	s7 =	simm.s32 @p2 $0x1082  }
0x22: {  	[simem:s7], [sflag:s8] =	dma.local @!p0 [hbm:s6], $0xF7A  }
0x23: {  	s9 =	sor.u32 $0xD0000000, s2;
	s6 =	simm.s32 $0x108;
	_ =	swait.ge @!p0 [sflag:s8], $0x0  }
0x24: {  	s3 =	sadd.s32 $0x88, s3;
	s6 =	simm.s32 @!p1 $0x1082;
	[sflag:s4] =	ssyncset.s32 $0xFFFFF086  }
0x25: {  	[simem:s6], [sflag:s4] =	dma.local [hbm:s3], $0xF7A  }
0x26: {  	[smem:$0x3F9C] =	sst s1;
	(tag) =	ssettag s2;
	_ =	strace s9  }
0x27: {  	s1 =	sld [smem:$0x3FAC]  }
0x28: {  	s2 =	sld [smem:$0x3FAD]  }
0x29: {  	s4 =	sld [smem:$0x3FAF]  }
0x2a: {  	p0 =	seq.s32 s5, $0x0;
	s5 =	sld [smem:$0x3FB0]  }
0x2b: {  	s6 =	sld [smem:$0x3FB1]  }
0x2c: {  	s7 =	sld [smem:$0x3FB2]  }
0x2d: {  	s3 =	simm.s32 $0x108;
	s8 =	sld [smem:$0x3FB3]  }
0x2e: {  	s3 =	simm.s32 @!p0 $0x1082;
	s9 =	sld [smem:$0x3FB4]  }
0x2f: {  	lr =	sadd.s32 s0, s3;
	s0 =	sld [smem:$0x3FAB]  }
0x30: {  	s3 =	sld [smem:$0x3FAE]  }
0x31: {  	[smem:$0x3FB7] =	sst s10  }
0x32: {  	s10 =	sld [smem:$0x3FB5];
	_ =	sdelay $0x3  }
0x33: {  	p0 =	seq.s32 s10, $0x1;
	s10 =	sld [smem:$0x3FB7];
	_ =	sdelay $0x3  }
0x34: {  	[smem:$0x3FB7] =	sst s10  }
0x35: {  	s10 =	sld [smem:$0x3FB6];
	_ =	sdelay $0x3  }
0x36: {  	p1 =	seq.s32 s10, $0x1;
	s10 =	sld [smem:$0x3FB7];
	_ =	sdelay $0x3  }
0x37: {  	[smem:$0x3FB7] =	sst s10  }
0x38: {  	s10 =	sld [smem:$0x3FB8]  }
0x39: {  	_ = 	snop;
	(pc) =	sbr.ind lr, $3  }
0x3a: {  	_ = 	snop  }
0x3b: {  	_ = 	snop  }
0x3c: {  	p2 =	seq.s32 s10, $0x1;
	s10 =	sld [smem:$0x3FB7]  }
0x3d: {  	_ =	shalt  }
0x3e: {  	_ =	shalt  }
0x3f: {  	_ =	shalt  }
0x40: {  	_ =	shalt  }
0x41: {  	_ =	shalt  }
0x42: {  	_ =	shalt  }
0x43: {  	_ =	shalt  }
0x44: {  	_ =	shalt  }
0x45: {  	_ =	shalt  }
0x46: {  	_ =	shalt  }
0x47: {  	_ =	shalt  }
0x48: {  	_ =	shalt  }
0x49: {  	_ =	shalt  }
0x4a: {  	_ =	shalt  }
0x4b: {  	_ =	shalt  }
0x4c: {  	_ =	shalt  }
0x4d: {  	_ =	shalt  }
0x4e: {  	_ =	shalt  }
0x4f: {  	_ =	shalt  }
0x50: {  	_ =	shalt  }
0x51: {  	_ =	shalt  }
0x52: {  	_ =	shalt  }
0x53: {  	_ =	shalt  }
0x54: {  	_ =	shalt  }
0x55: {  	_ =	shalt  }
0x56: {  	_ =	shalt  }
0x57: {  	_ =	shalt  }
0x58: {  	_ =	shalt  }
0x59: {  	_ =	shalt  }
0x5a: {  	_ =	shalt  }
0x5b: {  	_ =	shalt  }
0x5c: {  	_ =	shalt  }
0x5d: {  	_ =	shalt  }
0x5e: {  	_ =	shalt  }
0x5f: {  	_ =	shalt  }
0x60: {  	_ =	shalt  }
0x61: {  	_ =	shalt  }
0x62: {  	_ =	shalt  }
0x63: {  	_ =	shalt  }
0x64: {  	_ =	shalt  }
0x65: {  	_ =	shalt  }
0x66: {  	_ =	shalt  }
0x67: {  	_ =	shalt  }
0x68: {  	_ =	shalt  }
0x69: {  	_ =	shalt  }
0x6a: {  	_ =	shalt  }
0x6b: {  	_ =	shalt  }
0x6c: {  	_ =	shalt  }
0x6d: {  	_ =	shalt  }
0x6e: {  	_ =	shalt  }
0x6f: {  	_ =	shalt  }
0x70: {  	_ =	shalt  }
0x71: {  	_ =	shalt  }
0x72: {  	_ =	shalt  }
0x73: {  	_ =	shalt  }
0x74: {  	_ =	shalt  }
0x75: {  	_ =	shalt  }
0x76: {  	_ =	shalt  }
0x77: {  	_ =	shalt  }
0x78: {  	_ =	shalt  }
0x79: {  	_ =	shalt  }
0x7a: {  	_ =	shalt  }
0x7b: {  	_ =	shalt  }
0x7c: {  	_ =	shalt  }
0x7d: {  	_ =	shalt  }
0x7e: {  	_ =	shalt  }
0x7f: {  	_ =	shalt  }
0x80: {  	_ =	shalt  }
0x81: {  	_ =	shalt  }
0x82: {  	_ =	shalt  }
0x83: {  	_ =	shalt  }
0x84: {  	_ =	shalt  }
0x85: {  	_ =	shalt  }
0x86: {  	_ =	shalt  }
0x87: {  	_ =	shalt  }
.Lfunc_end0:
.L_simem_size_0:
called_computation.1_lowered:
.L_overlay_start_0:
0x88: {  	s2 =	sld [smem:$0x3FD9]  }
0x89: {  	s3 =	sld [smem:$0x3FFE];
	_ =	sdelay $0x1  }
0x8a: {  	s1 =	srdreg.scid  }
0x8b: {  	s0 =	sand.u32 $0x1, s1  }
0x8c: {  	s17 =	sshll.u32 s0, $0xA;
	s2 =	sadd.s32 s3, s2  }
0x8d: {  	s2 =	sadd.s32 s2, s17  }
0x8e: {  	[smem:$0x3FC3] =	sst s2  }
0x8f: {  	_ = 	snop  }
0x90: {  	s2 =	sld [smem:$0x3FD0];
	(tm) =	ssettm $0x1  }
0x91: {  	s18 =	sld [smem:$0x3FFB];
	_ =	sdelay $0x3  }
0x92: {  	_ =	strace s18  }
0x93: {  	s3 =	sld [smem:$0x3FFC];
	_ =	sdelay $0x3  }
0x94: {  	_ =	strace s3  }
0x95: {  	s3 =	sld [smem:$0x3FFD];
	_ =	sdelay $0x3  }
0x96: {  	_ =	strace s3  }
0x97: {  	_ =	strace $0x8FFFFFFF  }
0x98: {  	s19 =	sld [smem:$0x3FDB];
	_ =	sdelay $0x1  }
0x99: {  	s4 =	simm.s32 $_scs_section_size  }
0x9a: {  	s5 =	simm.s32 $_size__tile_overlayer_lowered;
	s6 =	simm.s32 $_tile_overlayer_lowered  }
0x9b: {  	s22 =	simm.s32 $0x1BFF;
	s21 =	sshll.u32 s6, $0x1;
	s3 =	sadd.s32 s4, s19  }
0x9c: {  	s7 =	simm.s32 $0x0;
	s20 =	sshll.u32 s5, $0x1;
	s5 =	sadd.s32 s21, s3  }
0x9d: {  	[timem:s7], [sflag:s22] =	dma.local [hbm:s5], s20  }
0x9e: {  	_ =	swait.ge [sflag:s22], s20  }
0x9f: {  	s4 =	ssub.s32 $0x0, s20;
	[sflag:s22] =	ssyncset.done $0x0  }
0xa0: {  	[sflag:s22] =	ssyncadd.s32 s4;
	_ =	sdelay $0x1  }
0xa1: {  	s23 =	simm.s32 $0x1B8B  }
0xa2: {  	_ =	swait.ge [sflag:s23], $0x1  }
0xa3: {  	[sflag:s23] =	ssyncset.done $0x0  }
0xa4: {  	s25 =	simm.s32 $0x1B8E;
	s24 =	sld [smem:$0x3FFE];
	[sflag:s23] =	ssyncadd.s32 $0xFFFFFFFF  }
0xa5: {  	s26 =	simm.s32 $execute0_lowered;
	[smem:$0x3FD2] =	sst s25  }
0xa6: {  	s5 =	sshll.u32 s26, $0x1;
	_ =	strace $0x80000049;
	[dreg:$0x1] =	wrdreg $0xFFFFFFFF  }
0xa7: {  	s28 =	simm.s32 $_size_execute0_lowered;
	s3 =	sadd.s32 s3, s5;
	[dreg:$0x0] =	wrdreg $0x0  }
0xa8: {  	s5 =	sshll.u32 s28, $0x1;
	[dreg:$0x2] =	wrdreg s3  }
0xa9: {  	[dreg:$0x3] =	wrdreg s5  }
0xaa: {  	[dreg:$0x4] =	wrdreg $0xC0  }
0xab: {  	_ =	task [dreg:s7], $0x5FFFF  }
0xac: {  	[dreg:$0x1] =	wrdreg $0xFFFFFFFF  }
0xad: {  	[dreg:$0x0] =	wrdreg $0x60  }
0xae: {  	[dreg:$0x2] =	wrdreg s24  }
0xaf: {  	[dreg:$0x3] =	wrdreg s2  }
0xb0: {  	[dreg:$0x4] =	wrdreg $0xC0000  }
0xb1: {  	[dreg:$0x5] =	wrdreg $0x9  }
0xb2: {  	_ =	task.clear_ibuf [dreg:s7], $0x6FFFF;
	_ =	strace $0x90000049  }
0xb3: {  	s29 =	simm.s32 $0x9;
	_ =	strace $0x8000004B  }
0xb4: {  	_ =	swait.ge [sflag:s29], $0x1  }
0xb5: {  	[sflag:s29] =	ssyncadd.s32 $0xFFFFFFFF  }
0xb6: {  	_ =	strace $0x9000004B  }
0xb7: {  	_ =	sfence  }
0xb8: {  	s30 =	sld [smem:$0x0];
	_ =	sdelay $0x2  }
0xb9: {  	s31 =	sshll.u32 s1, $0xD;
	s1 =	sshrl.u32 s1, $0x2  }
0xba: {  	s3 =	sand.u32 $0x4000, s31;
	s1 =	sadd.s32 s1, s30  }
0xbb: {  	s0 =	sor.u32 s3, s0;
	s1 =	sshll.u32 s1, $0x11  }
0xbc: {  	s0 =	sor.u32 s1, s0  }
0xbd: {  	s0 =	sadd.s32 $0x8F2B, s0  }
0xbe: {  	[sflag:s0] =	ssyncadd.remote.s32 $0x1  }
0xbf: {  	_ =	sfence.sel $0xFFFF  }
0xc0: {  	[dreg:$0x0] =	wrdreg $0xFFFFFFFF;
	(pc) =	sbr.abs _section_cstart, $3  }
0xc1: {  	[dreg:$0x1] =	wrdreg $0xFFFFFFFF  }
0xc2: {  	_ =	task.clear_ibuf [dreg:s7], $0x2FFFF;
	_ =	strace $0x9FFFFFFF  }
0xc3: {  	(tm) =	ssettm $0x7FFFFFFF  }
tec
execute0_lowered:
.L_overlay_start_1:
0x0: {  	(tag) =	ssettag $0x1  }
0x1: {  	s0 =	rddreg [dreg:$0x0]  }
0x2: {  	s2 =	rddreg [dreg:$0x1]  }
0x3: {  	s1 =	rddreg [dreg:$0x2];
	s3 =	simm.s32 $0x0  }
0x4: {  	s22 =	srdreg.scid;
	s11 =	stileid.u32;
	s28 =	simm.s32 $0x4000  }
0x5: {  	s29 =	simm.s32 $0x6;
	s30 =	simm.s32 $0x2000;
	s31 =	simm.s32 $0x1000  }
0x6: {  	[smem:$0x7FF] =	sst s3;
	s4 =	sadd.s32 $0x2AA00, s0;
	s5 =	smul.u32 $0x50000, s11  }
0x7: {  	s6 =	sadd.s32 $0x16A00, s0;
	s3 =	sand.u32 $0x1, s22;
	s0 =	sadd.s32 $0x2A00, s0  }
0x8: {  	_ =	strace $0x8000004A;
	s7 =	ssub.s32 $0x2, s3;
	s5 =	sshrl.u32 s5, $0x2  }
0x9: {  	s8 =	sshll.u32 s3, $0x4;
	s3 =	smul.u32 $0x140000, s3;
	s5 =	sadd.s32 s5, s1  }
0xa: {  	s9 =	sshrl.u32 s7, $0x1;
	s8 =	sor.u32 s11, s8;
	s10 =	sadd.s32 $0x2000, s5  }
0xb: {  	s11 =	smul.u32 $0x14000, s11;
	s24 =	sadd.s32 $0x4000, s5;
	[dreg:$0x4] =	wrdreg s10  }
0xc: {  	s7 =	ssub.s32 s7, s9;
	s25 =	sadd.s32 $0x6000, s5;
	[dreg:$0x5] =	wrdreg s24  }
0xd: {  	s23 =	smul.u32 $0xA00, s8;
	s26 =	sadd.s32 $0x8000, s5;
	[dreg:$0x6] =	wrdreg s25  }
0xe: {  	s8 =	smul.u32 $0x5000, s8;
	s12 =	sadd.s32 $0xA000, s5;
	[dreg:$0x7] =	wrdreg s26  }
0xf: {  	s13 =	sadd.s32 $0xC000, s5;
	s3 =	sadd.s32 s11, s3;
	[dreg:$0x8] =	wrdreg s12  }
0x10: {  	s22 =	sadd.s32 $0xE000, s5;
	s11 =	simm.s32 $0x1;
	[dreg:$0x9] =	wrdreg s13  }
0x11: {  	s14 =	sadd.s32 s6, s23;
	s8 =	sshrl.u32 s8, $0x3;
	s9 =	sadd.s32 s0, s23  }
0x12: {  	[dreg:$0x14] =	wrdreg s22;
	s23 =	sshrl.u32 s3, $0x3;
	s24 =	sadd.s32 $0x10000, s5  }
0x13: {  	s25 =	smax.u32 s7, $0x1;
	s26 =	sadd.s32 $0x12000, s5;
	s3 =	simm.s32 $0x40  }
0x14: {  	s7 =	simm.s32 $0x100;
	s10 =	simm.s32 $0xA000;
	[dreg:$0xa] =	wrdreg s14  }
0x15: {  	s12 =	simm.s32 $0x2;
	s13 =	simm.s32 $0x3;
	[dreg:$0xb] =	wrdreg s9  }
0x16: {  	s15 =	sadd.s32 $0x200, s8;
	s17 =	sadd.s32 $0x400, s8;
	[dreg:$0x16] =	wrdreg s24  }
0x17: {  	s20 =	sadd.s32 $0x600, s8;
	s8 =	sadd.s32 $0x800, s8;
	[dreg:$0x17] =	wrdreg s25  }
0x18: {  	[dreg:$0x18] =	wrdreg s26;
	s14 =	simm.s32 $0x4;
	s16 =	sadd.s32 s6, s15  }
0x19: {  	s24 =	simm.s32 $0x3F00;
	s9 =	sadd.s32 s0, s15;
	[dreg:$0xc] =	wrdreg s16  }
0x1a: {  	s25 =	simm.s32 $0x3F80;
	s18 =	sadd.s32 s6, s17;
	[dreg:$0xd] =	wrdreg s9  }
0x1b: {  	s26 =	simm.s32 $0x0;
	s19 =	sadd.s32 s0, s17;
	[dreg:$0xe] =	wrdreg s18  }
0x1c: {  	s21 =	sadd.s32 s6, s20;
	s6 =	sadd.s32 s6, s8;
	[dreg:$0xf] =	wrdreg s19  }
0x1d: {  	s15 =	simm.s32 $0x5;
	s17 =	simm.s32 $0x2E80;
	[dreg:$0x10] =	wrdreg s21  }
0x1e: {  	s9 =	sadd.s32 s0, s20;
	[dreg:$0x12] =	wrdreg s6;
	s0 =	sadd.s32 s0, s8  }
0x1f: {  	s6 =	simm.s32 $0x6000;
	s8 =	simm.s32 $0x8000;
	s16 =	simm.s32 $0x2E00  }
0x20: {  	s18 =	simm.s32 $0x2F00;
	s20 =	simm.s32 $0x2F80;
	[dreg:$0x11] =	wrdreg s9  }
0x21: {  	[dreg:$0x13] =	wrdreg s0;
	s0 =	sadd.s32 s2, s23;
	s2 =	simm.s32 $0x80  }
0x22: {  	v0 =	vimm.f32 $0.0e+00;
	s9 =	simm.s32 $0x180;
	s23 =	simm.s32 $0x3E80;
	[dreg:$0x15] =	wrdreg s0  }
.LBB2_1:
0x23: {  	s19 =	simm.s32 $0x0  }
0x24: {  	s0 =	sand.u32 $0x7E00, s19  }
0x25: {  	s19 =	sand.u32 $0x70, s19;
	s21 =	sshrl.u32 s0, $0x2  }
0x26: {  	s0 =	simm.s32 $0x40;
	s21 =	sor.u32 s19, s21;
	s19 =	simm.s32 $0x0  }
.LBB2_2:
0x27: {  	p0 =	sne.s32 s0, $0x7FC0  }
0x28: {  	[tilespmem:s21+$0x4000] =	vst v0;
	s19 =	sadd.s32 $0x10, s19;
	s21 =	smov.u32 s0;
	s0 =	sadd.s32 $0x40, s0  }
.Ltmp0:
0x29: {  	(pc) =	sbr.rel @p0 .LBB2_2-.Ltmp0, $4  }
0x2a: {  	_ = 	snop  }
0x2b: {  	s21 =	sand.u32 $0x7E00, s21  }
0x2c: {  	s22 =	sand.u32 $0x70, s19;
	s21 =	sshrl.u32 s21, $0x2  }
0x2d: {  	s21 =	sor.u32 s22, s21  }
0x2e: {  	[tilespmem:s21+$0x4000] =	vst v0  }
0x2f: {  	[spmem:s5] =	stream.linear.scatter [tilespmem:s28], [sflag:$0x6], $0x2000, $0x38;
	v63 =	vld [tilespmem:$0x0]  }
0x30: {  	_ =	swait.ge [sflag:s29], $0x2000  }
0x31: {  	[sflag:s29] =	ssyncset.done $0x0  }
0x32: {  	s0 =	rddreg [dreg:$0x4];
	[sflag:s29] =	ssyncadd.s32 $0xFFFFE000  }
0x33: {  	[spmem:s0] =	stream.linear.scatter [tilespmem:s28], [sflag:$0x6], $0x2000, $0x38;
	v63 =	vld [tilespmem:$0x0]  }
0x34: {  	_ =	swait.ge [sflag:s29], $0x2000  }
0x35: {  	[sflag:s29] =	ssyncset.done $0x0  }
0x36: {  	s22 =	rddreg [dreg:$0x5];
	[sflag:s29] =	ssyncadd.s32 $0xFFFFE000  }
0x37: {  	[spmem:s22] =	stream.linear.scatter [tilespmem:s28], [sflag:$0x6], $0x2000, $0x38;
	v63 =	vld [tilespmem:$0x0]  }
0x38: {  	_ =	swait.ge [sflag:s29], $0x2000  }
0x39: {  	[sflag:s29] =	ssyncset.done $0x0  }
0x3a: {  	s19 =	rddreg [dreg:$0x6];
	[sflag:s29] =	ssyncadd.s32 $0xFFFFE000  }
0x3b: {  	[spmem:s19] =	stream.linear.scatter [tilespmem:s28], [sflag:$0x6], $0x2000, $0x38;
	v63 =	vld [tilespmem:$0x0]  }
0x3c: {  	_ =	swait.ge [sflag:s29], $0x2000  }
0x3d: {  	[sflag:s29] =	ssyncset.done $0x0  }
0x3e: {  	s21 =	rddreg [dreg:$0x7];
	[sflag:s29] =	ssyncadd.s32 $0xFFFFE000  }
0x3f: {  	[spmem:s21] =	stream.linear.scatter [tilespmem:s28], [sflag:$0x6], $0x2000, $0x38;
	v63 =	vld [tilespmem:$0x0]  }
0x40: {  	_ =	swait.ge [sflag:s29], $0x2000  }
0x41: {  	[sflag:s29] =	ssyncset.done $0x0  }
0x42: {  	s22 =	rddreg [dreg:$0x8];
	[sflag:s29] =	ssyncadd.s32 $0xFFFFE000  }
0x43: {  	[spmem:s22] =	stream.linear.scatter [tilespmem:s28], [sflag:$0x6], $0x2000, $0x38;
	v63 =	vld [tilespmem:$0x0]  }
0x44: {  	_ =	swait.ge [sflag:s29], $0x2000  }
0x45: {  	[sflag:s29] =	ssyncset.done $0x0  }
0x46: {  	s19 =	rddreg [dreg:$0x9];
	[sflag:s29] =	ssyncadd.s32 $0xFFFFE000  }
0x47: {  	[spmem:s19] =	stream.linear.scatter [tilespmem:s28], [sflag:$0x6], $0x2000, $0x38;
	v63 =	vld [tilespmem:$0x0]  }
0x48: {  	_ =	swait.ge [sflag:s29], $0x2000  }
0x49: {  	[sflag:s29] =	ssyncset.done $0x0  }
0x4a: {  	s21 =	rddreg [dreg:$0x14];
	[sflag:s29] =	ssyncadd.s32 $0xFFFFE000  }
0x4b: {  	[spmem:s21] =	stream.linear.scatter [tilespmem:s28], [sflag:$0x6], $0x2000, $0x38;
	v63 =	vld [tilespmem:$0x0]  }
0x4c: {  	_ =	swait.ge [sflag:s29], $0x2000  }
0x4d: {  	[sflag:s29] =	ssyncset.done $0x0  }
0x4e: {  	s22 =	rddreg [dreg:$0x16];
	[sflag:s29] =	ssyncadd.s32 $0xFFFFE000  }
0x4f: {  	[spmem:s22] =	stream.linear.scatter [tilespmem:s28], [sflag:$0x6], $0x2000, $0x38;
	v63 =	vld [tilespmem:$0x0]  }
0x50: {  	_ =	swait.ge [sflag:s29], $0x2000  }
0x51: {  	[sflag:s29] =	ssyncset.done $0x0  }
0x52: {  	s19 =	rddreg [dreg:$0x18];
	[sflag:s29] =	ssyncadd.s32 $0xFFFFE000  }
0x53: {  	[spmem:s19] =	stream.linear.scatter [tilespmem:s28], [sflag:$0x6], $0x2000, $0x38;
	v63 =	vld [tilespmem:$0x0]  }
0x54: {  	_ =	swait.ge [sflag:s29], $0x2000  }
0x55: {  	[sflag:s29] =	ssyncset.done $0x0  }
0x56: {  	[sflag:s29] =	ssyncadd.s32 $0xFFFFE000  }
0x57: {  	[bflag:$0x0] =	sbarrier.arrive $0xFFFF  }
0x58: {  	s0 =	simm.s32 $0x0;
	s19 =	rddreg [dreg:$0xa]  }
0x59: {  	[tilespmem:s0], [sflag:$0x6] =	stream.linear.gather [hbm4b:s19+s0], $0x1000, $0x38;
	v63 =	vld [tilespmem:$0x0]  }
0x5a: {  	_ =	swait.ge [sflag:s29], $0x1000  }
0x5b: {  	[sflag:s29] =	ssyncset.done $0x0  }
0x5c: {  	s21 =	rddreg [dreg:$0xb];
	[sflag:s29] =	ssyncadd.s32 $0xFFFFF000  }
0x5d: {  	[tilespmem:s30], [sflag:$0x6] =	stream.linear.gather [hbm4b:s21+s0], $0x1000, $0x38;
	v63 =	vld [tilespmem:$0x0]  }
0x5e: {  	_ =	swait.ge [sflag:s29], $0x1000  }
0x5f: {  	[sflag:s29] =	ssyncset.done $0x0  }
0x60: {  	s22 =	rddreg [dreg:$0xc];
	[sflag:s29] =	ssyncadd.s32 $0xFFFFF000  }
0x61: {  	[tilespmem:s31], [sflag:$0x5] =	stream.linear.gather [hbm4b:s22+s0], $0x1000, $0x38;
	v63 =	vld [tilespmem:$0x0]  }
0x62: {  	s21 =	rddreg [dreg:$0xd];
	s22 =	simm.s32 $0x3000  }
0x63: {  	[tilespmem:s22], [sflag:$0x5] =	stream.linear.gather [hbm4b:s21+s0], $0x1000, $0x38;
	v63 =	vld [tilespmem:$0x0]  }
0x64: {  	_ = 	snop  }
0x65: {  	[tilespmem:s28], [sflag:$0x1] =	stream.indirect.gather [hbm4b:s4+s3], $0x80, s0, s3, $0xb8;
	v63 =	vld [tilespmem:$0x0]  }
0x66: {  	_ = 	snop  }
0x67: {  	[tilespmem:s6], [sflag:$0x2] =	stream.indirect.gather [hbm4b:s4+s3], $0x80, s2, s3, $0xb8;
	v63 =	vld [tilespmem:$0x0]  }
0x68: {  	_ = 	snop  }
0x69: {  	[tilespmem:s8], [sflag:$0x3] =	stream.indirect.gather [hbm4b:s4+s3], $0x80, s7, s3, $0xb8;
	v63 =	vld [tilespmem:$0x0]  }
0x6a: {  	_ = 	snop  }
0x6b: {  	[tilespmem:s10], [sflag:$0x4] =	stream.indirect.gather [hbm4b:s4+s3], $0x80, s9, s3, $0xb8;
	v63 =	vld [tilespmem:$0x0]  }
0x6c: {  	_ =	swait.ge [sflag:s11], $0x2000  }
0x6d: {  	[sflag:s11] =	ssyncset.done $0x0  }
0x6e: {  	s21 =	simm.s32 $0x2000;
	[sflag:s11] =	ssyncadd.s32 $0xFFFFE000  }
0x6f: {  	[spmem:s1] =	stream.indirect.scatter.add.f32 [tilespmem:s28], [sflag:$0x6], $0x80, s21, s3, $0xb8;
	v63 =	vld [tilespmem:$0x0]  }
0x70: {  	_ =	swait.ge [sflag:s29], $0x2000  }
0x71: {  	[sflag:s29] =	ssyncset.done $0x0  }
0x72: {  	s19 =	simm.s32 $0x200;
	[sflag:s29] =	ssyncadd.s32 $0xFFFFE000  }
0x73: {  	[tilespmem:s28], [sflag:$0x1] =	stream.indirect.gather [hbm4b:s4+s3], $0x80, s19, s3, $0xb8;
	v63 =	vld [tilespmem:$0x0]  }
0x74: {  	_ =	swait.ge [sflag:s12], $0x2000  }
0x75: {  	[sflag:s12] =	ssyncset.done $0x0  }
0x76: {  	s21 =	simm.s32 $0x2080;
	[sflag:s12] =	ssyncadd.s32 $0xFFFFE000  }
0x77: {  	[spmem:s1] =	stream.indirect.scatter.add.f32 [tilespmem:s6], [sflag:$0x6], $0x80, s21, s3, $0xb8;
	v63 =	vld [tilespmem:$0x0]  }
0x78: {  	_ =	swait.ge [sflag:s29], $0x2000  }
0x79: {  	[sflag:s29] =	ssyncset.done $0x0  }
0x7a: {  	s19 =	simm.s32 $0x280;
	[sflag:s29] =	ssyncadd.s32 $0xFFFFE000  }
0x7b: {  	[tilespmem:s6], [sflag:$0x2] =	stream.indirect.gather [hbm4b:s4+s3], $0x80, s19, s3, $0xb8;
	v63 =	vld [tilespmem:$0x0]  }
0x7c: {  	_ =	swait.ge [sflag:s13], $0x2000  }
0x7d: {  	[sflag:s13] =	ssyncset.done $0x0  }
0x7e: {  	s21 =	simm.s32 $0x2100;
	[sflag:s13] =	ssyncadd.s32 $0xFFFFE000  }
0x7f: {  	[spmem:s1] =	stream.indirect.scatter.add.f32 [tilespmem:s8], [sflag:$0x6], $0x80, s21, s3, $0xb8;
	v63 =	vld [tilespmem:$0x0]  }
0x80: {  	_ =	swait.ge [sflag:s29], $0x2000  }
0x81: {  	[sflag:s29] =	ssyncset.done $0x0  }
0x82: {  	s19 =	simm.s32 $0x300;
	[sflag:s29] =	ssyncadd.s32 $0xFFFFE000  }
0x83: {  	[tilespmem:s8], [sflag:$0x3] =	stream.indirect.gather [hbm4b:s4+s3], $0x80, s19, s3, $0xb8;
	v63 =	vld [tilespmem:$0x0]  }
0x84: {  	_ =	swait.ge [sflag:s14], $0x2000  }
0x85: {  	[sflag:s14] =	ssyncset.done $0x0  }
0x86: {  	s21 =	simm.s32 $0x2180;
	[sflag:s14] =	ssyncadd.s32 $0xFFFFE000  }
0x87: {  	[spmem:s1] =	stream.indirect.scatter.add.f32 [tilespmem:s10], [sflag:$0x6], $0x80, s21, s3, $0xb8;
	v63 =	vld [tilespmem:$0x0]  }
0x88: {  	_ =	swait.ge [sflag:s29], $0x2000  }
0x89: {  	[sflag:s29] =	ssyncset.done $0x0  }
0x8a: {  	s0 =	simm.s32 $0x800;
	s19 =	simm.s32 $0x380;
	[sflag:s29] =	ssyncadd.s32 $0xFFFFE000  }
.LBB2_4:
0x8b: {  	[tilespmem:s10], [sflag:$0x4] =	stream.indirect.gather [hbm4b:s4+s3], $0x80, s19, s3, $0xb8;
	v63 =	vld [tilespmem:$0x0]  }
0x8c: {  	s19 =	smov.u32 s0  }
0x8d: {  	p0 =	sne.s32 s0, $0x3000;
	s0 =	sadd.s32 $0x800, s0;
	_ =	swait.ge [sflag:s11], $0x2000  }
0x8e: {  	s19 =	sshra.s32 s19, $0x2;
	[sflag:s11] =	ssyncset.done $0x0  }
0x8f: {  	s21 =	sadd.s32 $0x2000, s19;
	[sflag:s11] =	ssyncadd.s32 $0xFFFFE000  }
0x90: {  	[spmem:s1] =	stream.indirect.scatter.add.f32 [tilespmem:s28], [sflag:$0x6], $0x80, s21, s3, $0xb8;
	v63 =	vld [tilespmem:$0x0]  }
0x91: {  	_ =	swait.ge [sflag:s29], $0x2000  }
0x92: {  	[sflag:s29] =	ssyncset.done $0x0  }
0x93: {  	s21 =	sadd.s32 $0x200, s19;
	[sflag:s29] =	ssyncadd.s32 $0xFFFFE000  }
0x94: {  	[tilespmem:s28], [sflag:$0x1] =	stream.indirect.gather [hbm4b:s4+s3], $0x80, s21, s3, $0xb8;
	v63 =	vld [tilespmem:$0x0]  }
0x95: {  	_ =	swait.ge [sflag:s12], $0x2000  }
0x96: {  	[sflag:s12] =	ssyncset.done $0x0  }
0x97: {  	s21 =	sadd.s32 $0x2080, s19;
	[sflag:s12] =	ssyncadd.s32 $0xFFFFE000  }
0x98: {  	[spmem:s1] =	stream.indirect.scatter.add.f32 [tilespmem:s6], [sflag:$0x6], $0x80, s21, s3, $0xb8;
	v63 =	vld [tilespmem:$0x0]  }
0x99: {  	_ =	swait.ge [sflag:s29], $0x2000  }
0x9a: {  	[sflag:s29] =	ssyncset.done $0x0  }
0x9b: {  	s21 =	sadd.s32 $0x280, s19;
	[sflag:s29] =	ssyncadd.s32 $0xFFFFE000  }
0x9c: {  	[tilespmem:s6], [sflag:$0x2] =	stream.indirect.gather [hbm4b:s4+s3], $0x80, s21, s3, $0xb8;
	v63 =	vld [tilespmem:$0x0]  }
0x9d: {  	_ =	swait.ge [sflag:s13], $0x2000  }
0x9e: {  	[sflag:s13] =	ssyncset.done $0x0  }
0x9f: {  	s21 =	sadd.s32 $0x2100, s19;
	[sflag:s13] =	ssyncadd.s32 $0xFFFFE000  }
0xa0: {  	[spmem:s1] =	stream.indirect.scatter.add.f32 [tilespmem:s8], [sflag:$0x6], $0x80, s21, s3, $0xb8;
	v63 =	vld [tilespmem:$0x0]  }
0xa1: {  	_ =	swait.ge [sflag:s29], $0x2000  }
0xa2: {  	[sflag:s29] =	ssyncset.done $0x0  }
0xa3: {  	s21 =	sadd.s32 $0x300, s19;
	[sflag:s29] =	ssyncadd.s32 $0xFFFFE000  }
0xa4: {  	[tilespmem:s8], [sflag:$0x3] =	stream.indirect.gather [hbm4b:s4+s3], $0x80, s21, s3, $0xb8;
	v63 =	vld [tilespmem:$0x0]  }
0xa5: {  	_ =	swait.ge [sflag:s14], $0x2000  }
0xa6: {  	[sflag:s14] =	ssyncset.done $0x0  }
.Ltmp1:
0xa7: {  	s21 =	sadd.s32 $0x2180, s19;
	[sflag:s14] =	ssyncadd.s32 $0xFFFFE000;
	(pc) =	sbr.rel @p0 .LBB2_4-.Ltmp1, $4  }
0xa8: {  	[spmem:s1] =	stream.indirect.scatter.add.f32 [tilespmem:s10], [sflag:$0x6], $0x80, s21, s3, $0xb8;
	v63 =	vld [tilespmem:$0x0]  }
0xa9: {  	_ =	swait.ge [sflag:s29], $0x2000  }
0xaa: {  	[sflag:s29] =	ssyncset.done $0x0  }
0xab: {  	s19 =	sadd.s32 $0x380, s19;
	[sflag:s29] =	ssyncadd.s32 $0xFFFFE000  }
0xac: {  	[tilespmem:s10], [sflag:$0x4] =	stream.indirect.gather [hbm4b:s4+s3], $0x80, s19, s3, $0xb8;
	v63 =	vld [tilespmem:$0x0]  }
0xad: {  	_ =	swait.ge [sflag:s15], $0x1000  }
0xae: {  	[sflag:s15] =	ssyncset.done $0x0  }
0xaf: {  	[sflag:s15] =	ssyncadd.s32 $0xFFFFF000  }
0xb0: {  	_ =	swait.ge [sflag:s15], $0x1000  }
0xb1: {  	[sflag:s15] =	ssyncset.done $0x0  }
0xb2: {  	[sflag:s15] =	ssyncadd.s32 $0xFFFFF000  }
0xb3: {  	_ =	swait.ge [sflag:s11], $0x2000  }
0xb4: {  	[sflag:s11] =	ssyncset.done $0x0  }
0xb5: {  	[sflag:s11] =	ssyncadd.s32 $0xFFFFE000  }
0xb6: {  	[spmem:s1] =	stream.indirect.scatter.add.f32 [tilespmem:s28], [sflag:$0x6], $0x80, s16, s3, $0xb8;
	v63 =	vld [tilespmem:$0x0]  }
0xb7: {  	_ =	swait.ge [sflag:s29], $0x2000  }
0xb8: {  	[sflag:s29] =	ssyncset.done $0x0  }
0xb9: {  	[sflag:s29] =	ssyncadd.s32 $0xFFFFE000  }
0xba: {  	[tilespmem:s28], [sflag:$0x1] =	stream.indirect.gather [hbm4b:s4+s3], $0x80, s31, s3, $0xb8;
	v63 =	vld [tilespmem:$0x0]  }
0xbb: {  	_ =	swait.ge [sflag:s12], $0x2000  }
0xbc: {  	[sflag:s12] =	ssyncset.done $0x0  }
0xbd: {  	[sflag:s12] =	ssyncadd.s32 $0xFFFFE000  }
0xbe: {  	[spmem:s1] =	stream.indirect.scatter.add.f32 [tilespmem:s6], [sflag:$0x6], $0x80, s17, s3, $0xb8;
	v63 =	vld [tilespmem:$0x0]  }
0xbf: {  	_ =	swait.ge [sflag:s29], $0x2000  }
0xc0: {  	[sflag:s29] =	ssyncset.done $0x0  }
0xc1: {  	s0 =	simm.s32 $0x1080;
	[sflag:s29] =	ssyncadd.s32 $0xFFFFE000  }
0xc2: {  	[tilespmem:s6], [sflag:$0x2] =	stream.indirect.gather [hbm4b:s4+s3], $0x80, s0, s3, $0xb8;
	v63 =	vld [tilespmem:$0x0]  }
0xc3: {  	_ =	swait.ge [sflag:s13], $0x2000  }
0xc4: {  	[sflag:s13] =	ssyncset.done $0x0  }
0xc5: {  	[sflag:s13] =	ssyncadd.s32 $0xFFFFE000  }
0xc6: {  	[spmem:s1] =	stream.indirect.scatter.add.f32 [tilespmem:s8], [sflag:$0x6], $0x80, s18, s3, $0xb8;
	v63 =	vld [tilespmem:$0x0]  }
0xc7: {  	_ =	swait.ge [sflag:s29], $0x2000  }
0xc8: {  	[sflag:s29] =	ssyncset.done $0x0  }
0xc9: {  	s21 =	simm.s32 $0x1100;
	[sflag:s29] =	ssyncadd.s32 $0xFFFFE000  }
0xca: {  	[tilespmem:s8], [sflag:$0x3] =	stream.indirect.gather [hbm4b:s4+s3], $0x80, s21, s3, $0xb8;
	v63 =	vld [tilespmem:$0x0]  }
0xcb: {  	_ =	swait.ge [sflag:s14], $0x2000  }
0xcc: {  	[sflag:s14] =	ssyncset.done $0x0  }
0xcd: {  	[sflag:s14] =	ssyncadd.s32 $0xFFFFE000  }
0xce: {  	[spmem:s1] =	stream.indirect.scatter.add.f32 [tilespmem:s10], [sflag:$0x6], $0x80, s20, s3, $0xb8;
	v63 =	vld [tilespmem:$0x0]  }
0xcf: {  	_ =	swait.ge [sflag:s29], $0x2000  }
0xd0: {  	[sflag:s29] =	ssyncset.done $0x0  }
0xd1: {  	s19 =	simm.s32 $0x1180;
	[sflag:s29] =	ssyncadd.s32 $0xFFFFE000  }
0xd2: {  	[tilespmem:s10], [sflag:$0x4] =	stream.indirect.gather [hbm4b:s4+s3], $0x80, s19, s3, $0xb8;
	v63 =	vld [tilespmem:$0x0]  }
0xd3: {  	s0 =	simm.s32 $0x0;
	s21 =	rddreg [dreg:$0xe]  }
0xd4: {  	[tilespmem:s0], [sflag:$0x5] =	stream.linear.gather [hbm4b:s21+s0], $0x1000, $0x38;
	v63 =	vld [tilespmem:$0x0]  }
0xd5: {  	s21 =	rddreg [dreg:$0xf]  }
0xd6: {  	[tilespmem:s30], [sflag:$0x5] =	stream.linear.gather [hbm4b:s21+s0], $0x1000, $0x38;
	v63 =	vld [tilespmem:$0x0]  }
0xd7: {  	_ =	swait.ge [sflag:s11], $0x2000  }
0xd8: {  	[sflag:s11] =	ssyncset.done $0x0  }
0xd9: {  	s21 =	simm.s32 $0x3000;
	[sflag:s11] =	ssyncadd.s32 $0xFFFFE000  }
0xda: {  	[spmem:s1] =	stream.indirect.scatter.add.f32 [tilespmem:s28], [sflag:$0x6], $0x80, s21, s3, $0xb8;
	v63 =	vld [tilespmem:$0x0]  }
0xdb: {  	_ =	swait.ge [sflag:s29], $0x2000  }
0xdc: {  	[sflag:s29] =	ssyncset.done $0x0  }
0xdd: {  	s19 =	simm.s32 $0x1200;
	[sflag:s29] =	ssyncadd.s32 $0xFFFFE000  }
0xde: {  	[tilespmem:s28], [sflag:$0x1] =	stream.indirect.gather [hbm4b:s4+s3], $0x80, s19, s3, $0xb8;
	v63 =	vld [tilespmem:$0x0]  }
0xdf: {  	_ =	swait.ge [sflag:s12], $0x2000  }
0xe0: {  	[sflag:s12] =	ssyncset.done $0x0  }
0xe1: {  	s21 =	simm.s32 $0x3080;
	[sflag:s12] =	ssyncadd.s32 $0xFFFFE000  }
0xe2: {  	[spmem:s1] =	stream.indirect.scatter.add.f32 [tilespmem:s6], [sflag:$0x6], $0x80, s21, s3, $0xb8;
	v63 =	vld [tilespmem:$0x0]  }
0xe3: {  	_ =	swait.ge [sflag:s29], $0x2000  }
0xe4: {  	[sflag:s29] =	ssyncset.done $0x0  }
0xe5: {  	s19 =	simm.s32 $0x1280;
	[sflag:s29] =	ssyncadd.s32 $0xFFFFE000  }
0xe6: {  	[tilespmem:s6], [sflag:$0x2] =	stream.indirect.gather [hbm4b:s4+s3], $0x80, s19, s3, $0xb8;
	v63 =	vld [tilespmem:$0x0]  }
0xe7: {  	_ =	swait.ge [sflag:s13], $0x2000  }
0xe8: {  	[sflag:s13] =	ssyncset.done $0x0  }
0xe9: {  	s21 =	simm.s32 $0x3100;
	[sflag:s13] =	ssyncadd.s32 $0xFFFFE000  }
0xea: {  	[spmem:s1] =	stream.indirect.scatter.add.f32 [tilespmem:s8], [sflag:$0x6], $0x80, s21, s3, $0xb8;
	v63 =	vld [tilespmem:$0x0]  }
0xeb: {  	_ =	swait.ge [sflag:s29], $0x2000  }
0xec: {  	[sflag:s29] =	ssyncset.done $0x0  }
0xed: {  	s19 =	simm.s32 $0x1300;
	[sflag:s29] =	ssyncadd.s32 $0xFFFFE000  }
0xee: {  	[tilespmem:s8], [sflag:$0x3] =	stream.indirect.gather [hbm4b:s4+s3], $0x80, s19, s3, $0xb8;
	v63 =	vld [tilespmem:$0x0]  }
0xef: {  	_ =	swait.ge [sflag:s14], $0x2000  }
0xf0: {  	[sflag:s14] =	ssyncset.done $0x0  }
0xf1: {  	s21 =	simm.s32 $0x3180;
	[sflag:s14] =	ssyncadd.s32 $0xFFFFE000  }
0xf2: {  	[spmem:s1] =	stream.indirect.scatter.add.f32 [tilespmem:s10], [sflag:$0x6], $0x80, s21, s3, $0xb8;
	v63 =	vld [tilespmem:$0x0]  }
0xf3: {  	_ =	swait.ge [sflag:s29], $0x2000  }
0xf4: {  	[sflag:s29] =	ssyncset.done $0x0  }
0xf5: {  	s0 =	simm.s32 $0x800;
	s19 =	simm.s32 $0x1380;
	[sflag:s29] =	ssyncadd.s32 $0xFFFFE000  }
.LBB2_6:
0xf6: {  	[tilespmem:s10], [sflag:$0x4] =	stream.indirect.gather [hbm4b:s4+s3], $0x80, s19, s3, $0xb8;
	v63 =	vld [tilespmem:$0x0]  }
0xf7: {  	s19 =	smov.u32 s0  }
0xf8: {  	p0 =	sne.s32 s0, $0x3000;
	s0 =	sadd.s32 $0x800, s0;
	_ =	swait.ge [sflag:s11], $0x2000  }
0xf9: {  	s19 =	sshra.s32 s19, $0x2;
	[sflag:s11] =	ssyncset.done $0x0  }
0xfa: {  	s21 =	sadd.s32 $0x3000, s19;
	[sflag:s11] =	ssyncadd.s32 $0xFFFFE000  }
0xfb: {  	[spmem:s1] =	stream.indirect.scatter.add.f32 [tilespmem:s28], [sflag:$0x6], $0x80, s21, s3, $0xb8;
	v63 =	vld [tilespmem:$0x0]  }
0xfc: {  	_ =	swait.ge [sflag:s29], $0x2000  }
0xfd: {  	[sflag:s29] =	ssyncset.done $0x0  }
0xfe: {  	s21 =	sadd.s32 $0x1200, s19;
	[sflag:s29] =	ssyncadd.s32 $0xFFFFE000  }
0xff: {  	[tilespmem:s28], [sflag:$0x1] =	stream.indirect.gather [hbm4b:s4+s3], $0x80, s21, s3, $0xb8;
	v63 =	vld [tilespmem:$0x0]  }
0x100: {  	_ =	swait.ge [sflag:s12], $0x2000  }
0x101: {  	[sflag:s12] =	ssyncset.done $0x0  }
0x102: {  	s21 =	sadd.s32 $0x3080, s19;
	[sflag:s12] =	ssyncadd.s32 $0xFFFFE000  }
0x103: {  	[spmem:s1] =	stream.indirect.scatter.add.f32 [tilespmem:s6], [sflag:$0x6], $0x80, s21, s3, $0xb8;
	v63 =	vld [tilespmem:$0x0]  }
0x104: {  	_ =	swait.ge [sflag:s29], $0x2000  }
0x105: {  	[sflag:s29] =	ssyncset.done $0x0  }
0x106: {  	s21 =	sadd.s32 $0x1280, s19;
	[sflag:s29] =	ssyncadd.s32 $0xFFFFE000  }
0x107: {  	[tilespmem:s6], [sflag:$0x2] =	stream.indirect.gather [hbm4b:s4+s3], $0x80, s21, s3, $0xb8;
	v63 =	vld [tilespmem:$0x0]  }
0x108: {  	_ =	swait.ge [sflag:s13], $0x2000  }
0x109: {  	[sflag:s13] =	ssyncset.done $0x0  }
0x10a: {  	s21 =	sadd.s32 $0x3100, s19;
	[sflag:s13] =	ssyncadd.s32 $0xFFFFE000  }
0x10b: {  	[spmem:s1] =	stream.indirect.scatter.add.f32 [tilespmem:s8], [sflag:$0x6], $0x80, s21, s3, $0xb8;
	v63 =	vld [tilespmem:$0x0]  }
0x10c: {  	_ =	swait.ge [sflag:s29], $0x2000  }
0x10d: {  	[sflag:s29] =	ssyncset.done $0x0  }
0x10e: {  	s21 =	sadd.s32 $0x1300, s19;
	[sflag:s29] =	ssyncadd.s32 $0xFFFFE000  }
0x10f: {  	[tilespmem:s8], [sflag:$0x3] =	stream.indirect.gather [hbm4b:s4+s3], $0x80, s21, s3, $0xb8;
	v63 =	vld [tilespmem:$0x0]  }
0x110: {  	_ =	swait.ge [sflag:s14], $0x2000  }
0x111: {  	[sflag:s14] =	ssyncset.done $0x0  }
.Ltmp2:
0x112: {  	s21 =	sadd.s32 $0x3180, s19;
	[sflag:s14] =	ssyncadd.s32 $0xFFFFE000;
	(pc) =	sbr.rel @p0 .LBB2_6-.Ltmp2, $4  }
0x113: {  	[spmem:s1] =	stream.indirect.scatter.add.f32 [tilespmem:s10], [sflag:$0x6], $0x80, s21, s3, $0xb8;
	v63 =	vld [tilespmem:$0x0]  }
0x114: {  	_ =	swait.ge [sflag:s29], $0x2000  }
0x115: {  	[sflag:s29] =	ssyncset.done $0x0  }
0x116: {  	s19 =	sadd.s32 $0x1380, s19;
	[sflag:s29] =	ssyncadd.s32 $0xFFFFE000  }
0x117: {  	[tilespmem:s10], [sflag:$0x4] =	stream.indirect.gather [hbm4b:s4+s3], $0x80, s19, s3, $0xb8;
	v63 =	vld [tilespmem:$0x0]  }
0x118: {  	_ =	swait.ge [sflag:s15], $0x1000  }
0x119: {  	[sflag:s15] =	ssyncset.done $0x0  }
0x11a: {  	[sflag:s15] =	ssyncadd.s32 $0xFFFFF000  }
0x11b: {  	_ =	swait.ge [sflag:s15], $0x1000  }
0x11c: {  	[sflag:s15] =	ssyncset.done $0x0  }
0x11d: {  	[sflag:s15] =	ssyncadd.s32 $0xFFFFF000  }
0x11e: {  	_ =	swait.ge [sflag:s11], $0x2000  }
0x11f: {  	[sflag:s11] =	ssyncset.done $0x0  }
0x120: {  	s0 =	simm.s32 $0x3E00;
	[sflag:s11] =	ssyncadd.s32 $0xFFFFE000  }
0x121: {  	[spmem:s1] =	stream.indirect.scatter.add.f32 [tilespmem:s28], [sflag:$0x6], $0x80, s0, s3, $0xb8;
	v63 =	vld [tilespmem:$0x0]  }
0x122: {  	_ =	swait.ge [sflag:s29], $0x2000  }
0x123: {  	[sflag:s29] =	ssyncset.done $0x0  }
0x124: {  	s0 =	simm.s32 $0x0;
	[sflag:s29] =	ssyncadd.s32 $0xFFFFE000  }
0x125: {  	[tilespmem:s28], [sflag:$0x1] =	stream.indirect.gather [hbm4b:s4+s3], $0x80, s0, s3, $0xb8;
	v63 =	vld [tilespmem:$0x0]  }
0x126: {  	_ =	swait.ge [sflag:s12], $0x2000  }
0x127: {  	[sflag:s12] =	ssyncset.done $0x0  }
0x128: {  	[sflag:s12] =	ssyncadd.s32 $0xFFFFE000  }
0x129: {  	[spmem:s1] =	stream.indirect.scatter.add.f32 [tilespmem:s6], [sflag:$0x6], $0x80, s23, s3, $0xb8;
	v63 =	vld [tilespmem:$0x0]  }
0x12a: {  	_ =	swait.ge [sflag:s29], $0x2000  }
0x12b: {  	[sflag:s29] =	ssyncset.done $0x0  }
0x12c: {  	[sflag:s29] =	ssyncadd.s32 $0xFFFFE000  }
0x12d: {  	[tilespmem:s6], [sflag:$0x2] =	stream.indirect.gather [hbm4b:s4+s3], $0x80, s2, s3, $0xb8;
	v63 =	vld [tilespmem:$0x0]  }
0x12e: {  	_ =	swait.ge [sflag:s13], $0x2000  }
0x12f: {  	[sflag:s13] =	ssyncset.done $0x0  }
0x130: {  	[sflag:s13] =	ssyncadd.s32 $0xFFFFE000  }
0x131: {  	[spmem:s1] =	stream.indirect.scatter.add.f32 [tilespmem:s8], [sflag:$0x6], $0x80, s24, s3, $0xb8;
	v63 =	vld [tilespmem:$0x0]  }
0x132: {  	_ =	swait.ge [sflag:s29], $0x2000  }
0x133: {  	[sflag:s29] =	ssyncset.done $0x0  }
0x134: {  	[sflag:s29] =	ssyncadd.s32 $0xFFFFE000  }
0x135: {  	[tilespmem:s8], [sflag:$0x3] =	stream.indirect.gather [hbm4b:s4+s3], $0x80, s7, s3, $0xb8;
	v63 =	vld [tilespmem:$0x0]  }
0x136: {  	_ =	swait.ge [sflag:s14], $0x2000  }
0x137: {  	[sflag:s14] =	ssyncset.done $0x0  }
0x138: {  	[sflag:s14] =	ssyncadd.s32 $0xFFFFE000  }
0x139: {  	[spmem:s1] =	stream.indirect.scatter.add.f32 [tilespmem:s10], [sflag:$0x6], $0x80, s25, s3, $0xb8;
	v63 =	vld [tilespmem:$0x0]  }
0x13a: {  	_ =	swait.ge [sflag:s29], $0x2000  }
0x13b: {  	[sflag:s29] =	ssyncset.done $0x0  }
0x13c: {  	[sflag:s29] =	ssyncadd.s32 $0xFFFFE000  }
0x13d: {  	[tilespmem:s10], [sflag:$0x4] =	stream.indirect.gather [hbm4b:s4+s3], $0x80, s9, s3, $0xb8;
	v63 =	vld [tilespmem:$0x0]  }
0x13e: {  	s21 =	rddreg [dreg:$0x10]  }
0x13f: {  	[tilespmem:s31], [sflag:$0x5] =	stream.linear.gather [hbm4b:s21+s0], $0x1000, $0x38;
	v63 =	vld [tilespmem:$0x0]  }
0x140: {  	s21 =	rddreg [dreg:$0x11]  }
0x141: {  	[tilespmem:s22], [sflag:$0x5] =	stream.linear.gather [hbm4b:s21+s0], $0x1000, $0x38;
	v63 =	vld [tilespmem:$0x0]  }
0x142: {  	_ =	swait.ge [sflag:s11], $0x2000  }
0x143: {  	[sflag:s11] =	ssyncset.done $0x0  }
0x144: {  	s22 =	simm.s32 $0x2000;
	[sflag:s11] =	ssyncadd.s32 $0xFFFFE000  }
0x145: {  	[spmem:s1] =	stream.indirect.scatter.add.f32 [tilespmem:s28], [sflag:$0x6], $0x80, s22, s3, $0xb8;
	v63 =	vld [tilespmem:$0x0]  }
0x146: {  	_ =	swait.ge [sflag:s29], $0x2000  }
0x147: {  	[sflag:s29] =	ssyncset.done $0x0  }
0x148: {  	s19 =	simm.s32 $0x200;
	[sflag:s29] =	ssyncadd.s32 $0xFFFFE000  }
0x149: {  	[tilespmem:s28], [sflag:$0x1] =	stream.indirect.gather [hbm4b:s4+s3], $0x80, s19, s3, $0xb8;
	v63 =	vld [tilespmem:$0x0]  }
0x14a: {  	_ =	swait.ge [sflag:s12], $0x2000  }
0x14b: {  	[sflag:s12] =	ssyncset.done $0x0  }
0x14c: {  	s21 =	simm.s32 $0x2080;
	[sflag:s12] =	ssyncadd.s32 $0xFFFFE000  }
0x14d: {  	[spmem:s1] =	stream.indirect.scatter.add.f32 [tilespmem:s6], [sflag:$0x6], $0x80, s21, s3, $0xb8;
	v63 =	vld [tilespmem:$0x0]  }
0x14e: {  	_ =	swait.ge [sflag:s29], $0x2000  }
0x14f: {  	[sflag:s29] =	ssyncset.done $0x0  }
0x150: {  	s22 =	simm.s32 $0x280;
	[sflag:s29] =	ssyncadd.s32 $0xFFFFE000  }
0x151: {  	[tilespmem:s6], [sflag:$0x2] =	stream.indirect.gather [hbm4b:s4+s3], $0x80, s22, s3, $0xb8;
	v63 =	vld [tilespmem:$0x0]  }
0x152: {  	_ =	swait.ge [sflag:s13], $0x2000  }
0x153: {  	[sflag:s13] =	ssyncset.done $0x0  }
0x154: {  	s19 =	simm.s32 $0x2100;
	[sflag:s13] =	ssyncadd.s32 $0xFFFFE000  }
0x155: {  	[spmem:s1] =	stream.indirect.scatter.add.f32 [tilespmem:s8], [sflag:$0x6], $0x80, s19, s3, $0xb8;
	v63 =	vld [tilespmem:$0x0]  }
0x156: {  	_ =	swait.ge [sflag:s29], $0x2000  }
0x157: {  	[sflag:s29] =	ssyncset.done $0x0  }
0x158: {  	s21 =	simm.s32 $0x300;
	[sflag:s29] =	ssyncadd.s32 $0xFFFFE000  }
0x159: {  	[tilespmem:s8], [sflag:$0x3] =	stream.indirect.gather [hbm4b:s4+s3], $0x80, s21, s3, $0xb8;
	v63 =	vld [tilespmem:$0x0]  }
0x15a: {  	_ =	swait.ge [sflag:s14], $0x2000  }
0x15b: {  	[sflag:s14] =	ssyncset.done $0x0  }
0x15c: {  	s22 =	simm.s32 $0x2180;
	[sflag:s14] =	ssyncadd.s32 $0xFFFFE000  }
0x15d: {  	[spmem:s1] =	stream.indirect.scatter.add.f32 [tilespmem:s10], [sflag:$0x6], $0x80, s22, s3, $0xb8;
	v63 =	vld [tilespmem:$0x0]  }
0x15e: {  	_ =	swait.ge [sflag:s29], $0x2000  }
0x15f: {  	[sflag:s29] =	ssyncset.done $0x0  }
0x160: {  	s0 =	simm.s32 $0x800;
	s19 =	simm.s32 $0x380;
	[sflag:s29] =	ssyncadd.s32 $0xFFFFE000  }
.LBB2_8:
0x161: {  	[tilespmem:s10], [sflag:$0x4] =	stream.indirect.gather [hbm4b:s4+s3], $0x80, s19, s3, $0xb8;
	v63 =	vld [tilespmem:$0x0]  }
0x162: {  	s19 =	smov.u32 s0  }
0x163: {  	p0 =	sne.s32 s0, $0x3000;
	s0 =	sadd.s32 $0x800, s0;
	_ =	swait.ge [sflag:s11], $0x2000  }
0x164: {  	s19 =	sshra.s32 s19, $0x2;
	[sflag:s11] =	ssyncset.done $0x0  }
0x165: {  	s21 =	sadd.s32 $0x2000, s19;
	[sflag:s11] =	ssyncadd.s32 $0xFFFFE000  }
0x166: {  	[spmem:s1] =	stream.indirect.scatter.add.f32 [tilespmem:s28], [sflag:$0x6], $0x80, s21, s3, $0xb8;
	v63 =	vld [tilespmem:$0x0]  }
0x167: {  	_ =	swait.ge [sflag:s29], $0x2000  }
0x168: {  	[sflag:s29] =	ssyncset.done $0x0  }
0x169: {  	s21 =	sadd.s32 $0x200, s19;
	[sflag:s29] =	ssyncadd.s32 $0xFFFFE000  }
0x16a: {  	[tilespmem:s28], [sflag:$0x1] =	stream.indirect.gather [hbm4b:s4+s3], $0x80, s21, s3, $0xb8;
	v63 =	vld [tilespmem:$0x0]  }
0x16b: {  	_ =	swait.ge [sflag:s12], $0x2000  }
0x16c: {  	[sflag:s12] =	ssyncset.done $0x0  }
0x16d: {  	s21 =	sadd.s32 $0x2080, s19;
	[sflag:s12] =	ssyncadd.s32 $0xFFFFE000  }
0x16e: {  	[spmem:s1] =	stream.indirect.scatter.add.f32 [tilespmem:s6], [sflag:$0x6], $0x80, s21, s3, $0xb8;
	v63 =	vld [tilespmem:$0x0]  }
0x16f: {  	_ =	swait.ge [sflag:s29], $0x2000  }
0x170: {  	[sflag:s29] =	ssyncset.done $0x0  }
0x171: {  	s21 =	sadd.s32 $0x280, s19;
	[sflag:s29] =	ssyncadd.s32 $0xFFFFE000  }
0x172: {  	[tilespmem:s6], [sflag:$0x2] =	stream.indirect.gather [hbm4b:s4+s3], $0x80, s21, s3, $0xb8;
	v63 =	vld [tilespmem:$0x0]  }
0x173: {  	_ =	swait.ge [sflag:s13], $0x2000  }
0x174: {  	[sflag:s13] =	ssyncset.done $0x0  }
0x175: {  	s21 =	sadd.s32 $0x2100, s19;
	[sflag:s13] =	ssyncadd.s32 $0xFFFFE000  }
0x176: {  	[spmem:s1] =	stream.indirect.scatter.add.f32 [tilespmem:s8], [sflag:$0x6], $0x80, s21, s3, $0xb8;
	v63 =	vld [tilespmem:$0x0]  }
0x177: {  	_ =	swait.ge [sflag:s29], $0x2000  }
0x178: {  	[sflag:s29] =	ssyncset.done $0x0  }
0x179: {  	s21 =	sadd.s32 $0x300, s19;
	[sflag:s29] =	ssyncadd.s32 $0xFFFFE000  }
0x17a: {  	[tilespmem:s8], [sflag:$0x3] =	stream.indirect.gather [hbm4b:s4+s3], $0x80, s21, s3, $0xb8;
	v63 =	vld [tilespmem:$0x0]  }
0x17b: {  	_ =	swait.ge [sflag:s14], $0x2000  }
0x17c: {  	[sflag:s14] =	ssyncset.done $0x0  }
.Ltmp3:
0x17d: {  	s21 =	sadd.s32 $0x2180, s19;
	[sflag:s14] =	ssyncadd.s32 $0xFFFFE000;
	(pc) =	sbr.rel @p0 .LBB2_8-.Ltmp3, $4  }
0x17e: {  	[spmem:s1] =	stream.indirect.scatter.add.f32 [tilespmem:s10], [sflag:$0x6], $0x80, s21, s3, $0xb8;
	v63 =	vld [tilespmem:$0x0]  }
0x17f: {  	_ =	swait.ge [sflag:s29], $0x2000  }
0x180: {  	[sflag:s29] =	ssyncset.done $0x0  }
0x181: {  	s19 =	sadd.s32 $0x380, s19;
	[sflag:s29] =	ssyncadd.s32 $0xFFFFE000  }
0x182: {  	[tilespmem:s10], [sflag:$0x4] =	stream.indirect.gather [hbm4b:s4+s3], $0x80, s19, s3, $0xb8;
	v63 =	vld [tilespmem:$0x0]  }
0x183: {  	_ =	swait.ge [sflag:s15], $0x1000  }
0x184: {  	[sflag:s15] =	ssyncset.done $0x0  }
0x185: {  	[sflag:s15] =	ssyncadd.s32 $0xFFFFF000  }
0x186: {  	_ =	swait.ge [sflag:s15], $0x1000  }
0x187: {  	[sflag:s15] =	ssyncset.done $0x0  }
0x188: {  	[sflag:s15] =	ssyncadd.s32 $0xFFFFF000  }
0x189: {  	_ =	swait.ge [sflag:s11], $0x2000  }
0x18a: {  	[sflag:s11] =	ssyncset.done $0x0  }
0x18b: {  	[sflag:s11] =	ssyncadd.s32 $0xFFFFE000  }
0x18c: {  	[spmem:s1] =	stream.indirect.scatter.add.f32 [tilespmem:s28], [sflag:$0x6], $0x80, s16, s3, $0xb8;
	v63 =	vld [tilespmem:$0x0]  }
0x18d: {  	_ =	swait.ge [sflag:s29], $0x2000  }
0x18e: {  	[sflag:s29] =	ssyncset.done $0x0  }
0x18f: {  	[sflag:s29] =	ssyncadd.s32 $0xFFFFE000  }
0x190: {  	[tilespmem:s28], [sflag:$0x1] =	stream.indirect.gather [hbm4b:s4+s3], $0x80, s31, s3, $0xb8;
	v63 =	vld [tilespmem:$0x0]  }
0x191: {  	_ =	swait.ge [sflag:s12], $0x2000  }
0x192: {  	[sflag:s12] =	ssyncset.done $0x0  }
0x193: {  	[sflag:s12] =	ssyncadd.s32 $0xFFFFE000  }
0x194: {  	[spmem:s1] =	stream.indirect.scatter.add.f32 [tilespmem:s6], [sflag:$0x6], $0x80, s17, s3, $0xb8;
	v63 =	vld [tilespmem:$0x0]  }
0x195: {  	_ =	swait.ge [sflag:s29], $0x2000  }
0x196: {  	[sflag:s29] =	ssyncset.done $0x0  }
0x197: {  	s0 =	simm.s32 $0x1080;
	[sflag:s29] =	ssyncadd.s32 $0xFFFFE000  }
0x198: {  	[tilespmem:s6], [sflag:$0x2] =	stream.indirect.gather [hbm4b:s4+s3], $0x80, s0, s3, $0xb8;
	v63 =	vld [tilespmem:$0x0]  }
0x199: {  	_ =	swait.ge [sflag:s13], $0x2000  }
0x19a: {  	[sflag:s13] =	ssyncset.done $0x0  }
0x19b: {  	[sflag:s13] =	ssyncadd.s32 $0xFFFFE000  }
0x19c: {  	[spmem:s1] =	stream.indirect.scatter.add.f32 [tilespmem:s8], [sflag:$0x6], $0x80, s18, s3, $0xb8;
	v63 =	vld [tilespmem:$0x0]  }
0x19d: {  	_ =	swait.ge [sflag:s29], $0x2000  }
0x19e: {  	[sflag:s29] =	ssyncset.done $0x0  }
0x19f: {  	s19 =	simm.s32 $0x1100;
	[sflag:s29] =	ssyncadd.s32 $0xFFFFE000  }
0x1a0: {  	[tilespmem:s8], [sflag:$0x3] =	stream.indirect.gather [hbm4b:s4+s3], $0x80, s19, s3, $0xb8;
	v63 =	vld [tilespmem:$0x0]  }
0x1a1: {  	_ =	swait.ge [sflag:s14], $0x2000  }
0x1a2: {  	[sflag:s14] =	ssyncset.done $0x0  }
0x1a3: {  	[sflag:s14] =	ssyncadd.s32 $0xFFFFE000  }
0x1a4: {  	[spmem:s1] =	stream.indirect.scatter.add.f32 [tilespmem:s10], [sflag:$0x6], $0x80, s20, s3, $0xb8;
	v63 =	vld [tilespmem:$0x0]  }
0x1a5: {  	_ =	swait.ge [sflag:s29], $0x2000  }
0x1a6: {  	[sflag:s29] =	ssyncset.done $0x0  }
0x1a7: {  	s21 =	simm.s32 $0x1180;
	[sflag:s29] =	ssyncadd.s32 $0xFFFFE000  }
0x1a8: {  	[tilespmem:s10], [sflag:$0x4] =	stream.indirect.gather [hbm4b:s4+s3], $0x80, s21, s3, $0xb8;
	v63 =	vld [tilespmem:$0x0]  }
0x1a9: {  	s0 =	simm.s32 $0x0;
	s22 =	rddreg [dreg:$0x12]  }
0x1aa: {  	[tilespmem:s0], [sflag:$0x5] =	stream.linear.gather [hbm4b:s22+s0], $0x1000, $0x38;
	v63 =	vld [tilespmem:$0x0]  }
0x1ab: {  	s21 =	rddreg [dreg:$0x13]  }
0x1ac: {  	[tilespmem:s30], [sflag:$0x5] =	stream.linear.gather [hbm4b:s21+s0], $0x1000, $0x38;
	v63 =	vld [tilespmem:$0x0]  }
0x1ad: {  	_ =	swait.ge [sflag:s11], $0x2000  }
0x1ae: {  	[sflag:s11] =	ssyncset.done $0x0  }
0x1af: {  	s22 =	simm.s32 $0x3000;
	[sflag:s11] =	ssyncadd.s32 $0xFFFFE000  }
0x1b0: {  	[spmem:s1] =	stream.indirect.scatter.add.f32 [tilespmem:s28], [sflag:$0x6], $0x80, s22, s3, $0xb8;
	v63 =	vld [tilespmem:$0x0]  }
0x1b1: {  	_ =	swait.ge [sflag:s29], $0x2000  }
0x1b2: {  	[sflag:s29] =	ssyncset.done $0x0  }
0x1b3: {  	s19 =	simm.s32 $0x1200;
	[sflag:s29] =	ssyncadd.s32 $0xFFFFE000  }
0x1b4: {  	[tilespmem:s28], [sflag:$0x1] =	stream.indirect.gather [hbm4b:s4+s3], $0x80, s19, s3, $0xb8;
	v63 =	vld [tilespmem:$0x0]  }
0x1b5: {  	_ =	swait.ge [sflag:s12], $0x2000  }
0x1b6: {  	[sflag:s12] =	ssyncset.done $0x0  }
0x1b7: {  	s21 =	simm.s32 $0x3080;
	[sflag:s12] =	ssyncadd.s32 $0xFFFFE000  }
0x1b8: {  	[spmem:s1] =	stream.indirect.scatter.add.f32 [tilespmem:s6], [sflag:$0x6], $0x80, s21, s3, $0xb8;
	v63 =	vld [tilespmem:$0x0]  }
0x1b9: {  	_ =	swait.ge [sflag:s29], $0x2000  }
0x1ba: {  	[sflag:s29] =	ssyncset.done $0x0  }
0x1bb: {  	s22 =	simm.s32 $0x1280;
	[sflag:s29] =	ssyncadd.s32 $0xFFFFE000  }
0x1bc: {  	[tilespmem:s6], [sflag:$0x2] =	stream.indirect.gather [hbm4b:s4+s3], $0x80, s22, s3, $0xb8;
	v63 =	vld [tilespmem:$0x0]  }
0x1bd: {  	_ =	swait.ge [sflag:s13], $0x2000  }
0x1be: {  	[sflag:s13] =	ssyncset.done $0x0  }
0x1bf: {  	s19 =	simm.s32 $0x3100;
	[sflag:s13] =	ssyncadd.s32 $0xFFFFE000  }
0x1c0: {  	[spmem:s1] =	stream.indirect.scatter.add.f32 [tilespmem:s8], [sflag:$0x6], $0x80, s19, s3, $0xb8;
	v63 =	vld [tilespmem:$0x0]  }
0x1c1: {  	_ =	swait.ge [sflag:s29], $0x2000  }
0x1c2: {  	[sflag:s29] =	ssyncset.done $0x0  }
0x1c3: {  	s21 =	simm.s32 $0x1300;
	[sflag:s29] =	ssyncadd.s32 $0xFFFFE000  }
0x1c4: {  	[tilespmem:s8], [sflag:$0x3] =	stream.indirect.gather [hbm4b:s4+s3], $0x80, s21, s3, $0xb8;
	v63 =	vld [tilespmem:$0x0]  }
0x1c5: {  	_ =	swait.ge [sflag:s14], $0x2000  }
0x1c6: {  	[sflag:s14] =	ssyncset.done $0x0  }
0x1c7: {  	s22 =	simm.s32 $0x3180;
	[sflag:s14] =	ssyncadd.s32 $0xFFFFE000  }
0x1c8: {  	[spmem:s1] =	stream.indirect.scatter.add.f32 [tilespmem:s10], [sflag:$0x6], $0x80, s22, s3, $0xb8;
	v63 =	vld [tilespmem:$0x0]  }
0x1c9: {  	_ =	swait.ge [sflag:s29], $0x2000  }
0x1ca: {  	[sflag:s29] =	ssyncset.done $0x0  }
0x1cb: {  	s0 =	simm.s32 $0x800;
	s19 =	simm.s32 $0x1380;
	[sflag:s29] =	ssyncadd.s32 $0xFFFFE000  }
.LBB2_10:
0x1cc: {  	[tilespmem:s10], [sflag:$0x4] =	stream.indirect.gather [hbm4b:s4+s3], $0x80, s19, s3, $0xb8;
	v63 =	vld [tilespmem:$0x0]  }
0x1cd: {  	s19 =	smov.u32 s0  }
0x1ce: {  	p0 =	sne.s32 s0, $0x3000;
	s0 =	sadd.s32 $0x800, s0;
	_ =	swait.ge [sflag:s11], $0x2000  }
0x1cf: {  	s19 =	sshra.s32 s19, $0x2;
	[sflag:s11] =	ssyncset.done $0x0  }
0x1d0: {  	s21 =	sadd.s32 $0x3000, s19;
	[sflag:s11] =	ssyncadd.s32 $0xFFFFE000  }
0x1d1: {  	[spmem:s1] =	stream.indirect.scatter.add.f32 [tilespmem:s28], [sflag:$0x6], $0x80, s21, s3, $0xb8;
	v63 =	vld [tilespmem:$0x0]  }
0x1d2: {  	_ =	swait.ge [sflag:s29], $0x2000  }
0x1d3: {  	[sflag:s29] =	ssyncset.done $0x0  }
0x1d4: {  	s21 =	sadd.s32 $0x1200, s19;
	[sflag:s29] =	ssyncadd.s32 $0xFFFFE000  }
0x1d5: {  	[tilespmem:s28], [sflag:$0x1] =	stream.indirect.gather [hbm4b:s4+s3], $0x80, s21, s3, $0xb8;
	v63 =	vld [tilespmem:$0x0]  }
0x1d6: {  	_ =	swait.ge [sflag:s12], $0x2000  }
0x1d7: {  	[sflag:s12] =	ssyncset.done $0x0  }
0x1d8: {  	s21 =	sadd.s32 $0x3080, s19;
	[sflag:s12] =	ssyncadd.s32 $0xFFFFE000  }
0x1d9: {  	[spmem:s1] =	stream.indirect.scatter.add.f32 [tilespmem:s6], [sflag:$0x6], $0x80, s21, s3, $0xb8;
	v63 =	vld [tilespmem:$0x0]  }
0x1da: {  	_ =	swait.ge [sflag:s29], $0x2000  }
0x1db: {  	[sflag:s29] =	ssyncset.done $0x0  }
0x1dc: {  	s21 =	sadd.s32 $0x1280, s19;
	[sflag:s29] =	ssyncadd.s32 $0xFFFFE000  }
0x1dd: {  	[tilespmem:s6], [sflag:$0x2] =	stream.indirect.gather [hbm4b:s4+s3], $0x80, s21, s3, $0xb8;
	v63 =	vld [tilespmem:$0x0]  }
0x1de: {  	_ =	swait.ge [sflag:s13], $0x2000  }
0x1df: {  	[sflag:s13] =	ssyncset.done $0x0  }
0x1e0: {  	s21 =	sadd.s32 $0x3100, s19;
	[sflag:s13] =	ssyncadd.s32 $0xFFFFE000  }
0x1e1: {  	[spmem:s1] =	stream.indirect.scatter.add.f32 [tilespmem:s8], [sflag:$0x6], $0x80, s21, s3, $0xb8;
	v63 =	vld [tilespmem:$0x0]  }
0x1e2: {  	_ =	swait.ge [sflag:s29], $0x2000  }
0x1e3: {  	[sflag:s29] =	ssyncset.done $0x0  }
0x1e4: {  	s21 =	sadd.s32 $0x1300, s19;
	[sflag:s29] =	ssyncadd.s32 $0xFFFFE000  }
0x1e5: {  	[tilespmem:s8], [sflag:$0x3] =	stream.indirect.gather [hbm4b:s4+s3], $0x80, s21, s3, $0xb8;
	v63 =	vld [tilespmem:$0x0]  }
0x1e6: {  	_ =	swait.ge [sflag:s14], $0x2000  }
0x1e7: {  	[sflag:s14] =	ssyncset.done $0x0  }
.Ltmp4:
0x1e8: {  	s21 =	sadd.s32 $0x3180, s19;
	[sflag:s14] =	ssyncadd.s32 $0xFFFFE000;
	(pc) =	sbr.rel @p0 .LBB2_10-.Ltmp4, $4  }
0x1e9: {  	[spmem:s1] =	stream.indirect.scatter.add.f32 [tilespmem:s10], [sflag:$0x6], $0x80, s21, s3, $0xb8;
	v63 =	vld [tilespmem:$0x0]  }
0x1ea: {  	_ =	swait.ge [sflag:s29], $0x2000  }
0x1eb: {  	[sflag:s29] =	ssyncset.done $0x0  }
0x1ec: {  	s19 =	sadd.s32 $0x1380, s19;
	[sflag:s29] =	ssyncadd.s32 $0xFFFFE000  }
0x1ed: {  	[tilespmem:s10], [sflag:$0x4] =	stream.indirect.gather [hbm4b:s4+s3], $0x80, s19, s3, $0xb8;
	v63 =	vld [tilespmem:$0x0]  }
0x1ee: {  	_ =	swait.ge [sflag:s15], $0x1000  }
0x1ef: {  	[sflag:s15] =	ssyncset.done $0x0  }
0x1f0: {  	[sflag:s15] =	ssyncadd.s32 $0xFFFFF000  }
0x1f1: {  	_ =	swait.ge [sflag:s15], $0x1000  }
0x1f2: {  	[sflag:s15] =	ssyncset.done $0x0  }
0x1f3: {  	[sflag:s15] =	ssyncadd.s32 $0xFFFFF000  }
0x1f4: {  	_ =	swait.ge [sflag:s11], $0x2000  }
0x1f5: {  	[sflag:s11] =	ssyncset.done $0x0  }
0x1f6: {  	s0 =	simm.s32 $0x3E00;
	[sflag:s11] =	ssyncadd.s32 $0xFFFFE000  }
0x1f7: {  	[spmem:s1] =	stream.indirect.scatter.add.f32 [tilespmem:s28], [sflag:$0x6], $0x80, s0, s3, $0xb8;
	v63 =	vld [tilespmem:$0x0]  }
0x1f8: {  	_ =	swait.ge [sflag:s29], $0x2000  }
0x1f9: {  	[sflag:s29] =	ssyncset.done $0x0  }
0x1fa: {  	s21 =	simm.s32 $0x0;
	[sflag:s29] =	ssyncadd.s32 $0xFFFFE000  }
0x1fb: {  	[tilespmem:s28], [sflag:$0x1] =	stream.indirect.gather [hbm4b:s4+s3], $0x80, s21, s3, $0xb8;
	v63 =	vld [tilespmem:$0x0]  }
0x1fc: {  	_ =	swait.ge [sflag:s12], $0x2000  }
0x1fd: {  	[sflag:s12] =	ssyncset.done $0x0  }
0x1fe: {  	[sflag:s12] =	ssyncadd.s32 $0xFFFFE000  }
0x1ff: {  	[spmem:s1] =	stream.indirect.scatter.add.f32 [tilespmem:s6], [sflag:$0x6], $0x80, s23, s3, $0xb8;
	v63 =	vld [tilespmem:$0x0]  }
0x200: {  	_ =	swait.ge [sflag:s29], $0x2000  }
0x201: {  	[sflag:s29] =	ssyncset.done $0x0  }
0x202: {  	[sflag:s29] =	ssyncadd.s32 $0xFFFFE000  }
0x203: {  	[tilespmem:s6], [sflag:$0x2] =	stream.indirect.gather [hbm4b:s4+s3], $0x80, s2, s3, $0xb8;
	v63 =	vld [tilespmem:$0x0]  }
0x204: {  	_ =	swait.ge [sflag:s13], $0x2000  }
0x205: {  	[sflag:s13] =	ssyncset.done $0x0  }
0x206: {  	[sflag:s13] =	ssyncadd.s32 $0xFFFFE000  }
0x207: {  	[spmem:s1] =	stream.indirect.scatter.add.f32 [tilespmem:s8], [sflag:$0x6], $0x80, s24, s3, $0xb8;
	v63 =	vld [tilespmem:$0x0]  }
0x208: {  	_ =	swait.ge [sflag:s29], $0x2000  }
0x209: {  	[sflag:s29] =	ssyncset.done $0x0  }
0x20a: {  	[sflag:s29] =	ssyncadd.s32 $0xFFFFE000  }
0x20b: {  	[tilespmem:s8], [sflag:$0x3] =	stream.indirect.gather [hbm4b:s4+s3], $0x80, s7, s3, $0xb8;
	v63 =	vld [tilespmem:$0x0]  }
0x20c: {  	_ =	swait.ge [sflag:s14], $0x2000  }
0x20d: {  	[sflag:s14] =	ssyncset.done $0x0  }
0x20e: {  	[sflag:s14] =	ssyncadd.s32 $0xFFFFE000  }
0x20f: {  	[spmem:s1] =	stream.indirect.scatter.add.f32 [tilespmem:s10], [sflag:$0x6], $0x80, s25, s3, $0xb8;
	v63 =	vld [tilespmem:$0x0]  }
0x210: {  	_ =	swait.ge [sflag:s29], $0x2000  }
0x211: {  	[sflag:s29] =	ssyncset.done $0x0  }
0x212: {  	[sflag:s29] =	ssyncadd.s32 $0xFFFFE000  }
0x213: {  	[tilespmem:s10], [sflag:$0x4] =	stream.indirect.gather [hbm4b:s4+s3], $0x80, s9, s3, $0xb8;
	v63 =	vld [tilespmem:$0x0]  }
0x214: {  	_ =	swait.ge [sflag:s11], $0x2000  }
0x215: {  	[sflag:s11] =	ssyncset.done $0x0  }
0x216: {  	s22 =	simm.s32 $0x2000;
	[sflag:s11] =	ssyncadd.s32 $0xFFFFE000  }
0x217: {  	[spmem:s1] =	stream.indirect.scatter.add.f32 [tilespmem:s28], [sflag:$0x6], $0x80, s22, s3, $0xb8;
	v63 =	vld [tilespmem:$0x0]  }
0x218: {  	_ =	swait.ge [sflag:s29], $0x2000  }
0x219: {  	[sflag:s29] =	ssyncset.done $0x0  }
0x21a: {  	s19 =	simm.s32 $0x200;
	[sflag:s29] =	ssyncadd.s32 $0xFFFFE000  }
0x21b: {  	[tilespmem:s28], [sflag:$0x1] =	stream.indirect.gather [hbm4b:s4+s3], $0x80, s19, s3, $0xb8;
	v63 =	vld [tilespmem:$0x0]  }
0x21c: {  	_ =	swait.ge [sflag:s12], $0x2000  }
0x21d: {  	[sflag:s12] =	ssyncset.done $0x0  }
0x21e: {  	s21 =	simm.s32 $0x2080;
	[sflag:s12] =	ssyncadd.s32 $0xFFFFE000  }
0x21f: {  	[spmem:s1] =	stream.indirect.scatter.add.f32 [tilespmem:s6], [sflag:$0x6], $0x80, s21, s3, $0xb8;
	v63 =	vld [tilespmem:$0x0]  }
0x220: {  	_ =	swait.ge [sflag:s29], $0x2000  }
0x221: {  	[sflag:s29] =	ssyncset.done $0x0  }
0x222: {  	s22 =	simm.s32 $0x280;
	[sflag:s29] =	ssyncadd.s32 $0xFFFFE000  }
0x223: {  	[tilespmem:s6], [sflag:$0x2] =	stream.indirect.gather [hbm4b:s4+s3], $0x80, s22, s3, $0xb8;
	v63 =	vld [tilespmem:$0x0]  }
0x224: {  	_ =	swait.ge [sflag:s13], $0x2000  }
0x225: {  	[sflag:s13] =	ssyncset.done $0x0  }
0x226: {  	s19 =	simm.s32 $0x2100;
	[sflag:s13] =	ssyncadd.s32 $0xFFFFE000  }
0x227: {  	[spmem:s1] =	stream.indirect.scatter.add.f32 [tilespmem:s8], [sflag:$0x6], $0x80, s19, s3, $0xb8;
	v63 =	vld [tilespmem:$0x0]  }
0x228: {  	_ =	swait.ge [sflag:s29], $0x2000  }
0x229: {  	[sflag:s29] =	ssyncset.done $0x0  }
0x22a: {  	s21 =	simm.s32 $0x300;
	[sflag:s29] =	ssyncadd.s32 $0xFFFFE000  }
0x22b: {  	[tilespmem:s8], [sflag:$0x3] =	stream.indirect.gather [hbm4b:s4+s3], $0x80, s21, s3, $0xb8;
	v63 =	vld [tilespmem:$0x0]  }
0x22c: {  	_ =	swait.ge [sflag:s14], $0x2000  }
0x22d: {  	[sflag:s14] =	ssyncset.done $0x0  }
0x22e: {  	s22 =	simm.s32 $0x2180;
	[sflag:s14] =	ssyncadd.s32 $0xFFFFE000  }
0x22f: {  	[spmem:s1] =	stream.indirect.scatter.add.f32 [tilespmem:s10], [sflag:$0x6], $0x80, s22, s3, $0xb8;
	v63 =	vld [tilespmem:$0x0]  }
0x230: {  	_ =	swait.ge [sflag:s29], $0x2000  }
0x231: {  	[sflag:s29] =	ssyncset.done $0x0  }
0x232: {  	s0 =	simm.s32 $0x800;
	s19 =	simm.s32 $0x380;
	[sflag:s29] =	ssyncadd.s32 $0xFFFFE000  }
.LBB2_12:
0x233: {  	[tilespmem:s10], [sflag:$0x4] =	stream.indirect.gather [hbm4b:s4+s3], $0x80, s19, s3, $0xb8;
	v63 =	vld [tilespmem:$0x0]  }
0x234: {  	s19 =	smov.u32 s0  }
0x235: {  	p0 =	sne.s32 s0, $0x3000;
	s0 =	sadd.s32 $0x800, s0;
	_ =	swait.ge [sflag:s11], $0x2000  }
0x236: {  	s19 =	sshra.s32 s19, $0x2;
	[sflag:s11] =	ssyncset.done $0x0  }
0x237: {  	s21 =	sadd.s32 $0x2000, s19;
	[sflag:s11] =	ssyncadd.s32 $0xFFFFE000  }
0x238: {  	[spmem:s1] =	stream.indirect.scatter.add.f32 [tilespmem:s28], [sflag:$0x6], $0x80, s21, s3, $0xb8;
	v63 =	vld [tilespmem:$0x0]  }
0x239: {  	_ =	swait.ge [sflag:s29], $0x2000  }
0x23a: {  	[sflag:s29] =	ssyncset.done $0x0  }
0x23b: {  	s21 =	sadd.s32 $0x200, s19;
	[sflag:s29] =	ssyncadd.s32 $0xFFFFE000  }
0x23c: {  	[tilespmem:s28], [sflag:$0x1] =	stream.indirect.gather [hbm4b:s4+s3], $0x80, s21, s3, $0xb8;
	v63 =	vld [tilespmem:$0x0]  }
0x23d: {  	_ =	swait.ge [sflag:s12], $0x2000  }
0x23e: {  	[sflag:s12] =	ssyncset.done $0x0  }
0x23f: {  	s21 =	sadd.s32 $0x2080, s19;
	[sflag:s12] =	ssyncadd.s32 $0xFFFFE000  }
0x240: {  	[spmem:s1] =	stream.indirect.scatter.add.f32 [tilespmem:s6], [sflag:$0x6], $0x80, s21, s3, $0xb8;
	v63 =	vld [tilespmem:$0x0]  }
0x241: {  	_ =	swait.ge [sflag:s29], $0x2000  }
0x242: {  	[sflag:s29] =	ssyncset.done $0x0  }
0x243: {  	s21 =	sadd.s32 $0x280, s19;
	[sflag:s29] =	ssyncadd.s32 $0xFFFFE000  }
0x244: {  	[tilespmem:s6], [sflag:$0x2] =	stream.indirect.gather [hbm4b:s4+s3], $0x80, s21, s3, $0xb8;
	v63 =	vld [tilespmem:$0x0]  }
0x245: {  	_ =	swait.ge [sflag:s13], $0x2000  }
0x246: {  	[sflag:s13] =	ssyncset.done $0x0  }
0x247: {  	s21 =	sadd.s32 $0x2100, s19;
	[sflag:s13] =	ssyncadd.s32 $0xFFFFE000  }
0x248: {  	[spmem:s1] =	stream.indirect.scatter.add.f32 [tilespmem:s8], [sflag:$0x6], $0x80, s21, s3, $0xb8;
	v63 =	vld [tilespmem:$0x0]  }
0x249: {  	_ =	swait.ge [sflag:s29], $0x2000  }
0x24a: {  	[sflag:s29] =	ssyncset.done $0x0  }
0x24b: {  	s21 =	sadd.s32 $0x300, s19;
	[sflag:s29] =	ssyncadd.s32 $0xFFFFE000  }
0x24c: {  	[tilespmem:s8], [sflag:$0x3] =	stream.indirect.gather [hbm4b:s4+s3], $0x80, s21, s3, $0xb8;
	v63 =	vld [tilespmem:$0x0]  }
0x24d: {  	_ =	swait.ge [sflag:s14], $0x2000  }
0x24e: {  	[sflag:s14] =	ssyncset.done $0x0  }
.Ltmp5:
0x24f: {  	s21 =	sadd.s32 $0x2180, s19;
	[sflag:s14] =	ssyncadd.s32 $0xFFFFE000;
	(pc) =	sbr.rel @p0 .LBB2_12-.Ltmp5, $4  }
0x250: {  	[spmem:s1] =	stream.indirect.scatter.add.f32 [tilespmem:s10], [sflag:$0x6], $0x80, s21, s3, $0xb8;
	v63 =	vld [tilespmem:$0x0]  }
0x251: {  	_ =	swait.ge [sflag:s29], $0x2000  }
0x252: {  	[sflag:s29] =	ssyncset.done $0x0  }
0x253: {  	s19 =	sadd.s32 $0x380, s19;
	[sflag:s29] =	ssyncadd.s32 $0xFFFFE000  }
0x254: {  	[tilespmem:s10], [sflag:$0x4] =	stream.indirect.gather [hbm4b:s4+s3], $0x80, s19, s3, $0xb8;
	v63 =	vld [tilespmem:$0x0]  }
0x255: {  	_ =	swait.ge [sflag:s11], $0x2000  }
0x256: {  	[sflag:s11] =	ssyncset.done $0x0  }
0x257: {  	[sflag:s11] =	ssyncadd.s32 $0xFFFFE000  }
0x258: {  	[spmem:s1] =	stream.indirect.scatter.add.f32 [tilespmem:s28], [sflag:$0x6], $0x80, s16, s3, $0xb8;
	v63 =	vld [tilespmem:$0x0]  }
0x259: {  	_ =	swait.ge [sflag:s29], $0x2000  }
0x25a: {  	[sflag:s29] =	ssyncset.done $0x0  }
0x25b: {  	[sflag:s29] =	ssyncadd.s32 $0xFFFFE000  }
0x25c: {  	_ =	swait.ge [sflag:s12], $0x2000  }
0x25d: {  	[sflag:s12] =	ssyncset.done $0x0  }
0x25e: {  	[sflag:s12] =	ssyncadd.s32 $0xFFFFE000  }
0x25f: {  	[spmem:s1] =	stream.indirect.scatter.add.f32 [tilespmem:s6], [sflag:$0x6], $0x80, s17, s3, $0xb8;
	v63 =	vld [tilespmem:$0x0]  }
0x260: {  	_ =	swait.ge [sflag:s29], $0x2000  }
0x261: {  	[sflag:s29] =	ssyncset.done $0x0  }
0x262: {  	[sflag:s29] =	ssyncadd.s32 $0xFFFFE000  }
0x263: {  	_ =	swait.ge [sflag:s13], $0x2000  }
0x264: {  	[sflag:s13] =	ssyncset.done $0x0  }
0x265: {  	[sflag:s13] =	ssyncadd.s32 $0xFFFFE000  }
0x266: {  	[spmem:s1] =	stream.indirect.scatter.add.f32 [tilespmem:s8], [sflag:$0x6], $0x80, s18, s3, $0xb8;
	v63 =	vld [tilespmem:$0x0]  }
0x267: {  	_ =	swait.ge [sflag:s29], $0x2000  }
0x268: {  	[sflag:s29] =	ssyncset.done $0x0  }
0x269: {  	[sflag:s29] =	ssyncadd.s32 $0xFFFFE000  }
0x26a: {  	_ =	swait.ge [sflag:s14], $0x2000  }
0x26b: {  	[sflag:s14] =	ssyncset.done $0x0  }
0x26c: {  	[sflag:s14] =	ssyncadd.s32 $0xFFFFE000  }
0x26d: {  	[spmem:s1] =	stream.indirect.scatter.add.f32 [tilespmem:s10], [sflag:$0x6], $0x80, s20, s3, $0xb8;
	v63 =	vld [tilespmem:$0x0]  }
0x26e: {  	_ =	swait.ge [sflag:s29], $0x2000  }
0x26f: {  	[sflag:s29] =	ssyncset.done $0x0  }
0x270: {  	s0 =	stileid.u32;
	[sflag:s29] =	ssyncadd.s32 $0xFFFFE000  }
0x271: {  	s0 =	sshll.u32 s0, $0x6;
	[bflag:$0x0] =	sbarrier.arrive $0xFFFF  }
0x272: {  	s22 =	sshrl.u32 s5, $0x3;
	s0 =	sor.u32 $0x1C06, s0;
	s21 =	rddreg [dreg:$0x15]  }
0x273: {  	[hbm:s21], [sflag:s0] =	dma.local [spmem:s22], $0x2800  }
0x274: {  	_ =	swait.ge [sflag:s29], $0x2800  }
0x275: {  	s26 =	sadd.s32 $0x1, s26;
	s22 =	rddreg [dreg:$0x17]  }
0x276: {  	p0 =	sne.s32 s26, s22  }
.Ltmp6:
0x277: {  	_ = 	snop;
	(pc) =	sbr.rel @p0 .LBB2_1-.Ltmp6, $3  }
0x278: {  	_ =	sdelay $0x1  }
0x279: {  	[sflag:s29] =	ssyncset.done $0x0  }
0x27a: {  	[sflag:s29] =	ssyncadd.s32 $0xFFFFD800  }
0x27b: {  	_ =	sfence.sel $0x180000  }
0x27c: {  	[bflag:$0x0] =	sbarrier.arrive $0xFFFF  }
0x27d: {  	_ =	strace $0x9000004A  }
0x27e: {  	s0 =	stileid.u32;
	[bflag:$0x2] =	sbarrier.arrive $0xFFFF  }
0x27f: {  	p0 =	sne.s32 s0, $0x0;
	s0 =	rddreg [dreg:$0x3]  }
0x280: {  	s0 =	sadd.s32 @!p0 $0x100000, s0  }
0x281: {  	[sflag:s0] =	ssyncadd.tile.s32 @!p0 $0x1;
	_ =	shalt  }
.Lfunc_end2:
_tile_overlayer_lowered:
.L_overlay_start_2:
0x282: {  	(tag) =	ssettag $0x2  }
0x283: {  	s0 =	rddreg [dreg:$0x0];
	s2 =	stileid.u32  }
0x284: {  	s1 =	rddreg [dreg:$0x1];
	p0 =	sne.s32 s2, $0x0  }
0x285: {  	s3 =	rddreg [dreg:$0x2];
	[bflag:$0x3] =	sbarrier.arrive $0xFFFF;
	s2 =	simm.s32 @!p0 $0x1C06  }
0x286: {  	[timem:s3], [sflag:s2] =	dma.local @!p0 [hbm:s0], s1  }
0x287: {  	s0 =	simm.s32 @!p0 $0x6  }
0x288: {  	_ =	swait.ge @!p0 [sflag:s0], s1  }
0x289: {  	s1 =	ssub.s32 @!p0 $0x0, s1;
	[sflag:s0] =	ssyncset.done @!p0 $0x0  }
0x28a: {  	[sflag:s0] =	ssyncadd.s32 @!p0 s1  }
0x28b: {  	[bflag:$0x3] =	sbarrier.arrive $0xFFFF  }
0x28c: {  	_ =	shalt  }

</sc_bundles>
